<compile_context>
chip_gen: v7x
topology: tpu7x:2x2x1
jax: 0.10.2.dev20260603
libtpu: 0.0.44.dev20260713+nightly
codegen_flags: <defaults>
</compile_context>

<pallas_src>
import functools

import jax
import jax.numpy as jnp
from jax import lax
from jax.experimental import pallas as pl
from jax.experimental.pallas import tpu as pltpu
from jax.experimental.pallas import tpu_sc as plsc

ID_LEN = 64
DIN = 128
NB = 4
NA = 512
NTOK = NB * NA
NE = 64
TILE = 128
NBLK = NTOK // TILE
NT = NBLK + NE
NPAD = NT * TILE
ACTS = 64
NW = 16
RPW = NTOK // NW


def _routing_body(inp_ref, pos_ref, texp_ref, x_ref):
    row_i = lax.broadcasted_iota(jnp.int32, (TILE, TILE), 0)
    col_i = lax.broadcasted_iota(jnp.int32, (TILE, TILE), 1)
    lstrict = (row_i > col_i).astype(jnp.float32)
    iota_e = lax.broadcasted_iota(jnp.int32, (TILE, ID_LEN), 1)

    onehots = []
    csums = []
    for b in range(NBLK):
        blk = inp_ref[b]
        x_ref[b] = blk[:, :DIN]
        tail = blk[:, DIN:]
        m = jnp.max(tail, axis=1, keepdims=True)
        ids_b = jnp.min(jnp.where(tail == m, iota_e, ID_LEN), axis=1)
        onehot = (iota_e == ids_b[:, None]).astype(jnp.float32)
        onehots.append(onehot)
        csums.append(jnp.sum(onehot, axis=0, keepdims=True))

    O_all = jnp.concatenate(onehots, axis=1)
    R_all = jnp.dot(lstrict, O_all, preferred_element_type=jnp.float32)
    rels = [jnp.sum(R_all[:, b * NE:(b + 1) * NE] * onehots[b], axis=1)
            for b in range(NBLK)]

    C = jnp.concatenate(csums, axis=0)
    b_row = lax.broadcasted_iota(jnp.int32, (NBLK, NBLK), 0)
    b_col = lax.broadcasted_iota(jnp.int32, (NBLK, NBLK), 1)
    lb = (b_row > b_col).astype(jnp.float32)
    P = jnp.dot(lb, C, preferred_element_type=jnp.float32)
    ranks = [rels[b] + jnp.sum(onehots[b] * P[b:b + 1, :], axis=1)
             for b in range(NBLK)]

    cnt = jnp.sum(C, axis=0)
    tiles_e = jnp.floor((cnt + (TILE - 1)) * (1.0 / TILE))
    e_row = lax.broadcasted_iota(jnp.int32, (NE, NE), 0)
    e_col = lax.broadcasted_iota(jnp.int32, (NE, NE), 1)
    l64 = (e_row > e_col).astype(jnp.float32)
    start_t = jnp.dot(l64, tiles_e, preferred_element_type=jnp.float32)
    offsets = start_t * TILE
    for b in range(NBLK):
        pos_b = jnp.sum(onehots[b] * offsets[None, :], axis=1) + ranks[b]
        pos_ref[pl.ds(b, 1), :] = pos_b.astype(jnp.int32)[None, :]
    t_row = lax.broadcasted_iota(jnp.int32, (NT, NE), 0).astype(jnp.float32)
    le = (start_t[None, :] <= t_row).astype(jnp.float32)
    texp_ref[...] = (jnp.sum(le, axis=1) - 1.0).astype(jnp.int32)


def _routing(inp3d):
    return pl.pallas_call(
        _routing_body,
        out_shape=[jax.ShapeDtypeStruct((NBLK, TILE), jnp.int32),
                   jax.ShapeDtypeStruct((NT,), jnp.int32),
                   jax.ShapeDtypeStruct((NBLK, TILE, DIN), jnp.float32)],
    )(inp3d)


@functools.lru_cache(maxsize=None)
def _sc_kernels():
    mesh = plsc.VectorSubcoreMesh(core_axis_name="c", subcore_axis_name="s", num_cores=1)

    @functools.partial(
        pl.kernel,
        out_type=jax.ShapeDtypeStruct((NPAD, DIN), jnp.float32),
        mesh=mesh,
        scratch_types=[pltpu.VMEM((RPW,), jnp.int32),
                       pltpu.VMEM((RPW, DIN), jnp.float32),
                       pltpu.SemaphoreType.DMA],
    )
    def sc_scatter(x_hbm, pos_hbm, xpad_hbm, idx_v, rows_v, sem):
        wid = lax.axis_index("s") * mesh.num_cores + lax.axis_index("c")
        base = wid * RPW
        pltpu.sync_copy(x_hbm.at[pl.ds(base, RPW)], rows_v)
        pltpu.sync_copy(pos_hbm.at[pl.ds(base, RPW)], idx_v)
        pltpu.async_copy(rows_v, xpad_hbm.at[idx_v], sem).wait()

    @functools.partial(
        pl.kernel,
        out_type=jax.ShapeDtypeStruct((NTOK, DIN), jnp.float32),
        mesh=mesh,
        scratch_types=[pltpu.VMEM((RPW,), jnp.int32),
                       pltpu.VMEM((RPW, DIN), jnp.float32),
                       pltpu.SemaphoreType.DMA],
    )
    def sc_gather(ypad_hbm, pos_hbm, out_hbm, idx_v, rows_v, sem):
        wid = lax.axis_index("s") * mesh.num_cores + lax.axis_index("c")
        base = wid * RPW
        pltpu.sync_copy(pos_hbm.at[pl.ds(base, RPW)], idx_v)
        pltpu.async_copy(ypad_hbm.at[idx_v], rows_v, sem).wait()
        pltpu.sync_copy(rows_v, out_hbm.at[pl.ds(base, RPW)])

    return sc_scatter, sc_gather


KT = 20
NSTEP = NT // KT


def _mlp_body(te_ref, x_ref, w1, b1, w2, b2, w3, b3, w4, b4, w5, b5,
              w6, b6, w7, b7, y_ref):
    i = pl.program_id(0)
    tes = [te_ref[KT * i + j] for j in range(KT)]

    def lay(x, wr, br, te_j, relu):
        w = wr[te_j]
        y = lax.dot_general(x, w, (((1,), (1,)), ((), ())),
                            preferred_element_type=jnp.float32) + br[te_j]
        return jnp.maximum(y, 0.0) if relu else y

    hs = [x_ref[pl.ds(j * TILE, TILE), :] for j in range(KT)]
    for (wr, br, relu) in ((w1, b1, True), (w2, b2, True), (w3, b3, False),
                           (w4, b4, True), (w5, b5, True), (w6, b6, False),
                           (w7, b7, False)):
        hs = [lay(hs[j], wr, br, tes[j], relu) for j in range(KT)]
    for j in range(KT):
        y_ref[pl.ds(j * TILE, TILE), :] = jnp.concatenate(
            [hs[j], jnp.zeros((TILE, DIN - ACTS), jnp.float32)], axis=1)


def _mlp(texp, xpad, W1, b1, W2, b2, W3, b3, W4, b4, W5, b5, W6, b6, W7, b7):
    def wspec(out_dim):
        return pl.BlockSpec((NE, out_dim, DIN), lambda i, te: (0, 0, 0))

    def bspec(out_dim):
        return pl.BlockSpec((NE, 1, out_dim), lambda i, te: (0, 0, 0))

    in_specs = [pl.BlockSpec((KT * TILE, DIN), lambda i, te: (i, 0)),
                wspec(128), bspec(128), wspec(128), bspec(128),
                wspec(128), bspec(128), wspec(128), bspec(128),
                wspec(128), bspec(128), wspec(128), bspec(128),
                wspec(ACTS), bspec(ACTS)]

    grid_spec = pltpu.PrefetchScalarGridSpec(
        num_scalar_prefetch=1,
        grid=(NSTEP,),
        in_specs=in_specs,
        out_specs=pl.BlockSpec((KT * TILE, DIN), lambda i, te: (i, 0)),
    )
    return pl.pallas_call(
        _mlp_body,
        grid_spec=grid_spec,
        out_shape=jax.ShapeDtypeStruct((NPAD, DIN), jnp.float32),
    )(texp, xpad,
      W1, b1.reshape(NE, 1, -1), W2, b2.reshape(NE, 1, -1),
      W3, b3.reshape(NE, 1, -1), W4, b4.reshape(NE, 1, -1),
      W5, b5.reshape(NE, 1, -1), W6, b6.reshape(NE, 1, -1),
      W7, b7.reshape(NE, 1, -1))


def kernel(input, W1, b1, W2, b2, W3, b3, W4, b4, W5, b5, W6, b6, W7, b7):
    sc_scatter, sc_gather = _sc_kernels()
    pos2d, texp, x3d = _routing(input.reshape(NBLK, TILE, DIN + ID_LEN))
    pos = pos2d.reshape(NTOK)
    x = x3d.reshape(NTOK, DIN)
    xpad = sc_scatter(x, pos)
    ypad = _mlp(texp, xpad, W1, b1, W2, b2, W3, b3, W4, b4, W5, b5,
                W6, b6, W7, b7)
    out = sc_gather(ypad, pos)
    return out[:, :ACTS].reshape(NB, NA, ACTS)

# --- scband reference (transcript-rebuilt; emitter-appended) ---
"""Pipeline reference for scband-agent-network-separate-67233418051917 (READ-ONLY COPY).

The authoritative reference and input builder live on the scoring server;
editing this copy changes nothing except your own understanding.
"""

import jax, jax.numpy as jnp
import numpy as np

ID_LENGTH = 64
OBS = 96
OBS_U = 96
D = OBS + OBS_U - ID_LENGTH  # 128 state-only feature dim
M1 = 128
M2 = 128
H1 = 128
H2 = 128
GOUT = 128
ACTS = 64
B = 4
A = 512


def setup_inputs(seed: int = 0) -> dict:
    key = jax.random.key(seed)
    ks = jax.random.split(key, 16)
    inp = jax.random.normal(ks[0], (B, A, OBS + OBS_U), dtype=jnp.float32)
    s = 0.05
    W1 = jax.random.normal(ks[1], (ID_LENGTH, M1, D), dtype=jnp.float32) * s
    b1 = jax.random.normal(ks[2], (ID_LENGTH, M1), dtype=jnp.float32) * s
    W2 = jax.random.normal(ks[3], (ID_LENGTH, M2, M1), dtype=jnp.float32) * s
    b2 = jax.random.normal(ks[4], (ID_LENGTH, M2), dtype=jnp.float32) * s
    W3 = jax.random.normal(ks[5], (ID_LENGTH, M2, M2), dtype=jnp.float32) * s
    b3 = jax.random.normal(ks[6], (ID_LENGTH, M2), dtype=jnp.float32) * s
    W4 = jax.random.normal(ks[7], (ID_LENGTH, H1, M2), dtype=jnp.float32) * s
    b4 = jax.random.normal(ks[8], (ID_LENGTH, H1), dtype=jnp.float32) * s
    W5 = jax.random.normal(ks[9], (ID_LENGTH, H2, H1), dtype=jnp.float32) * s
    b5 = jax.random.normal(ks[10], (ID_LENGTH, H2), dtype=jnp.float32) * s
    W6 = jax.random.normal(ks[11], (ID_LENGTH, GOUT, H2), dtype=jnp.float32) * s
    b6 = jax.random.normal(ks[12], (ID_LENGTH, GOUT), dtype=jnp.float32) * s
    W7 = jax.random.normal(ks[13], (ID_LENGTH, ACTS, GOUT), dtype=jnp.float32) * s
    b7 = jax.random.normal(ks[14], (ID_LENGTH, ACTS), dtype=jnp.float32) * s
    return {"input": inp, "W1": W1, "b1": b1, "W2": W2, "b2": b2, "W3": W3, "b3": b3,
            "W4": W4, "b4": b4, "W5": W5, "b5": b5, "W6": W6, "b6": b6, "W7": W7, "b7": b7}


def _layer(x, W, b, ids, relu):
    # gather per-token expert weights/biases (SparseCore-style gather)
    w = jnp.take(W, ids, axis=0)           # [BN, out, in]
    bb = jnp.take(b, ids, axis=0)[:, None, :]  # [BN, 1, out]
    out = jnp.matmul(x, jnp.transpose(w, (0, 2, 1))) + bb
    return jax.nn.relu(out) if relu else out


def reference(input, W1, b1, W2, b2, W3, b3, W4, b4, W5, b5, W6, b6, W7, b7):
    agent_ids = jnp.argmax(input[:, :, -ID_LENGTH:], axis=-1).reshape(-1)  # [B*A]
    x = input[:, :, :-ID_LENGTH].reshape(B * A, 1, D)
    out = _layer(x, W1, b1, agent_ids, True)
    out = _layer(out, W2, b2, agent_ids, True)
    out = _layer(out, W3, b3, agent_ids, False)
    out = _layer(out, W4, b4, agent_ids, True)
    out = _layer(out, W5, b5, agent_ids, True)
    out = _layer(out, W6, b6, agent_ids, False)
    out = _layer(out, W7, b7, agent_ids, False)
    return jnp.squeeze(out, 1).reshape(B, A, ACTS)

if __name__ == "__main__":
    import jax
    _d = setup_inputs()
    print(jax.jit(kernel)(*tuple(_d.values())))

</pallas_src>

<mosaic_0001>
#map = affine_map<(d0, d1) -> (0, 0)>
#map1 = affine_map<(d0, d1) -> (0)>
module attributes {stable_mosaic.version = 14 : i64} {
  func.func @sc_scatter(%arg0: i32, %arg1: i32, %arg2: memref<2048x128xf32, #tpu.memory_space<hbm>>, %arg3: memref<2048xi32, #tpu.memory_space<hbm>>, %arg4: memref<10240x128xf32, #tpu.memory_space<hbm>>, %arg5: memref<128xi32, #tpu.memory_space<vmem>>, %arg6: memref<128x128xf32, #tpu.memory_space<vmem>>, %arg7: memref<!tpu.dma_semaphore, #tpu.memory_space<semaphore_mem>>) attributes {dimension_semantics = [#tpu.dimension_semantics<core_parallel>, #tpu.dimension_semantics<subcore_parallel>], iteration_bounds = array<i64: 1, 16>, scalar_prefetch = 0 : i64, scratch_operands = 3 : i64, tpu.core_type = #tpu.core_type<sc_vector_subcore>, window_params = [{transform_indices = #map}, {transform_indices = #map1}, {transform_indices = #map}]} {
    %mul3A = arith.constant 1 : i32
    %mul3A_0 = arith.muli %arg1, %mul3A : i32
    %add3A = arith.addi %mul3A_0, %arg0 : i32
    %mul3A_1 = arith.constant 128 : i32
    %mul3A_2 = arith.muli %add3A, %mul3A_1 : i32
    "tpu.region"() ({
      %run_scoped3A = tpu.sem_alloc : memref<!tpu.dma_semaphore, #tpu.memory_space<semaphore_mem>>
      %dma_start3A_7 = arith.constant 0 : i32
      %dma_start3A_8 = tpu.memref_slice %arg2[%mul3A_2, %dma_start3A_7] : memref<2048x128xf32, #tpu.memory_space<hbm>> -> memref<128x128xf32, #tpu.memory_space<hbm>>
      %dma_start3A_9 = arith.constant 0 : i32
      %dma_start3A_10 = tpu.memref_slice %arg2[%mul3A_2, %dma_start3A_9] : memref<2048x128xf32, #tpu.memory_space<hbm>> -> memref<128x128xf32, #tpu.memory_space<hbm>>
      tpu.enqueue_dma source(%dma_start3A_10 : memref<128x128xf32, #tpu.memory_space<hbm>>) target(%arg6 : memref<128x128xf32, #tpu.memory_space<vmem>>) target_semaphore(%run_scoped3A : memref<!tpu.dma_semaphore, #tpu.memory_space<semaphore_mem>>)
      %dma_wait3A_11 = arith.constant 0 : i32
      %dma_wait3A_12 = tpu.memref_slice %arg2[%mul3A_2, %dma_wait3A_11] : memref<2048x128xf32, #tpu.memory_space<hbm>> -> memref<128x128xf32, #tpu.memory_space<hbm>>
      %dma_wait3A_13 = arith.constant 0 : i32
      %dma_wait3A_14 = tpu.memref_slice %arg2[%mul3A_2, %dma_wait3A_13] : memref<2048x128xf32, #tpu.memory_space<hbm>> -> memref<128x128xf32, #tpu.memory_space<hbm>>
      tpu.wait_dma2 semaphore(%run_scoped3A : memref<!tpu.dma_semaphore, #tpu.memory_space<semaphore_mem>>) src(%dma_wait3A_14 : memref<128x128xf32, #tpu.memory_space<hbm>>) dst(%arg6 : memref<128x128xf32, #tpu.memory_space<vmem>>)
      tpu.yield
    }) : () -> ()
    "tpu.region"() ({
      %run_scoped3A = tpu.sem_alloc : memref<!tpu.dma_semaphore, #tpu.memory_space<semaphore_mem>>
      %dma_start3A_7 = tpu.memref_slice %arg3[%mul3A_2] : memref<2048xi32, #tpu.memory_space<hbm>> -> memref<128xi32, #tpu.memory_space<hbm>>
      %dma_start3A_8 = tpu.memref_slice %arg3[%mul3A_2] : memref<2048xi32, #tpu.memory_space<hbm>> -> memref<128xi32, #tpu.memory_space<hbm>>
      tpu.enqueue_dma source(%dma_start3A_8 : memref<128xi32, #tpu.memory_space<hbm>>) target(%arg5 : memref<128xi32, #tpu.memory_space<vmem>>) target_semaphore(%run_scoped3A : memref<!tpu.dma_semaphore, #tpu.memory_space<semaphore_mem>>)
      %dma_wait3A_9 = tpu.memref_slice %arg3[%mul3A_2] : memref<2048xi32, #tpu.memory_space<hbm>> -> memref<128xi32, #tpu.memory_space<hbm>>
      %dma_wait3A_10 = tpu.memref_slice %arg3[%mul3A_2] : memref<2048xi32, #tpu.memory_space<hbm>> -> memref<128xi32, #tpu.memory_space<hbm>>
      tpu.wait_dma2 semaphore(%run_scoped3A : memref<!tpu.dma_semaphore, #tpu.memory_space<semaphore_mem>>) src(%dma_wait3A_10 : memref<128xi32, #tpu.memory_space<hbm>>) dst(%arg5 : memref<128xi32, #tpu.memory_space<vmem>>)
      tpu.yield
    }) : () -> ()
    %dma_start3A = arith.constant 0 : i32
    %dma_start3A_3 = arith.constant 0 : i32
    %dma_start3A_4 = tpu.memref_slice %arg4[%dma_start3A, %dma_start3A_3] : memref<10240x128xf32, #tpu.memory_space<hbm>> -> memref<10240x128xf32, #tpu.memory_space<hbm>>
    tpu.enqueue_indirect_dma source(%arg6 : memref<128x128xf32, #tpu.memory_space<vmem>>) target(%dma_start3A_4 : memref<10240x128xf32, #tpu.memory_space<hbm>>) offsets(%arg5 : memref<128xi32, #tpu.memory_space<vmem>>) semaphore(%arg7 : memref<!tpu.dma_semaphore, #tpu.memory_space<semaphore_mem>>)
    %dma_wait3A = arith.constant 0 : i32
    %dma_wait3A_5 = arith.constant 0 : i32
    %dma_wait3A_6 = tpu.memref_slice %arg4[%dma_wait3A, %dma_wait3A_5] : memref<10240x128xf32, #tpu.memory_space<hbm>> -> memref<10240x128xf32, #tpu.memory_space<hbm>>
    tpu.wait_indirect_dma semaphore(%arg7 : memref<!tpu.dma_semaphore, #tpu.memory_space<semaphore_mem>>) src(%arg6 : memref<128x128xf32, #tpu.memory_space<vmem>>) dst(%dma_wait3A_6 : memref<10240x128xf32, #tpu.memory_space<hbm>>)
    return
  }
}

#map = affine_map<(d0, d1) -> (0, 0)>
#map1 = affine_map<(d0, d1) -> (0)>
module attributes {stable_mosaic.version = 14 : i64} {
  func.func @sc_gather(%arg0: i32, %arg1: i32, %arg2: memref<10240x128xf32, #tpu.memory_space<hbm>>, %arg3: memref<2048xi32, #tpu.memory_space<hbm>>, %arg4: memref<2048x128xf32, #tpu.memory_space<hbm>>, %arg5: memref<128xi32, #tpu.memory_space<vmem>>, %arg6: memref<128x128xf32, #tpu.memory_space<vmem>>, %arg7: memref<!tpu.dma_semaphore, #tpu.memory_space<semaphore_mem>>) attributes {dimension_semantics = [#tpu.dimension_semantics<core_parallel>, #tpu.dimension_semantics<subcore_parallel>], iteration_bounds = array<i64: 1, 16>, scalar_prefetch = 0 : i64, scratch_operands = 3 : i64, tpu.core_type = #tpu.core_type<sc_vector_subcore>, window_params = [{transform_indices = #map}, {transform_indices = #map1}, {transform_indices = #map}]} {
    %mul3A = arith.constant 1 : i32
    %mul3A_0 = arith.muli %arg1, %mul3A : i32
    %add3A = arith.addi %mul3A_0, %arg0 : i32
    %mul3A_1 = arith.constant 128 : i32
    %mul3A_2 = arith.muli %add3A, %mul3A_1 : i32
    "tpu.region"() ({
      %run_scoped3A = tpu.sem_alloc : memref<!tpu.dma_semaphore, #tpu.memory_space<semaphore_mem>>
      %dma_start3A_7 = tpu.memref_slice %arg3[%mul3A_2] : memref<2048xi32, #tpu.memory_space<hbm>> -> memref<128xi32, #tpu.memory_space<hbm>>
      %dma_start3A_8 = tpu.memref_slice %arg3[%mul3A_2] : memref<2048xi32, #tpu.memory_space<hbm>> -> memref<128xi32, #tpu.memory_space<hbm>>
      tpu.enqueue_dma source(%dma_start3A_8 : memref<128xi32, #tpu.memory_space<hbm>>) target(%arg5 : memref<128xi32, #tpu.memory_space<vmem>>) target_semaphore(%run_scoped3A : memref<!tpu.dma_semaphore, #tpu.memory_space<semaphore_mem>>)
      %dma_wait3A_9 = tpu.memref_slice %arg3[%mul3A_2] : memref<2048xi32, #tpu.memory_space<hbm>> -> memref<128xi32, #tpu.memory_space<hbm>>
      %dma_wait3A_10 = tpu.memref_slice %arg3[%mul3A_2] : memref<2048xi32, #tpu.memory_space<hbm>> -> memref<128xi32, #tpu.memory_space<hbm>>
      tpu.wait_dma2 semaphore(%run_scoped3A : memref<!tpu.dma_semaphore, #tpu.memory_space<semaphore_mem>>) src(%dma_wait3A_10 : memref<128xi32, #tpu.memory_space<hbm>>) dst(%arg5 : memref<128xi32, #tpu.memory_space<vmem>>)
      tpu.yield
    }) : () -> ()
    %dma_start3A = arith.constant 0 : i32
    %dma_start3A_3 = arith.constant 0 : i32
    %dma_start3A_4 = tpu.memref_slice %arg2[%dma_start3A, %dma_start3A_3] : memref<10240x128xf32, #tpu.memory_space<hbm>> -> memref<10240x128xf32, #tpu.memory_space<hbm>>
    tpu.enqueue_indirect_dma source(%dma_start3A_4 : memref<10240x128xf32, #tpu.memory_space<hbm>>) target(%arg6 : memref<128x128xf32, #tpu.memory_space<vmem>>) offsets(%arg5 : memref<128xi32, #tpu.memory_space<vmem>>) semaphore(%arg7 : memref<!tpu.dma_semaphore, #tpu.memory_space<semaphore_mem>>)
    %dma_wait3A = arith.constant 0 : i32
    %dma_wait3A_5 = arith.constant 0 : i32
    %dma_wait3A_6 = tpu.memref_slice %arg2[%dma_wait3A, %dma_wait3A_5] : memref<10240x128xf32, #tpu.memory_space<hbm>> -> memref<10240x128xf32, #tpu.memory_space<hbm>>
    tpu.wait_indirect_dma semaphore(%arg7 : memref<!tpu.dma_semaphore, #tpu.memory_space<semaphore_mem>>) src(%dma_wait3A_6 : memref<10240x128xf32, #tpu.memory_space<hbm>>) dst(%arg6 : memref<128x128xf32, #tpu.memory_space<vmem>>)
    "tpu.region"() ({
      %run_scoped3A = tpu.sem_alloc : memref<!tpu.dma_semaphore, #tpu.memory_space<semaphore_mem>>
      %dma_start3A_7 = arith.constant 0 : i32
      %dma_start3A_8 = tpu.memref_slice %arg4[%mul3A_2, %dma_start3A_7] : memref<2048x128xf32, #tpu.memory_space<hbm>> -> memref<128x128xf32, #tpu.memory_space<hbm>>
      %dma_start3A_9 = arith.constant 0 : i32
      %dma_start3A_10 = tpu.memref_slice %arg4[%mul3A_2, %dma_start3A_9] : memref<2048x128xf32, #tpu.memory_space<hbm>> -> memref<128x128xf32, #tpu.memory_space<hbm>>
      tpu.enqueue_dma source(%arg6 : memref<128x128xf32, #tpu.memory_space<vmem>>) target(%dma_start3A_10 : memref<128x128xf32, #tpu.memory_space<hbm>>) target_semaphore(%run_scoped3A : memref<!tpu.dma_semaphore, #tpu.memory_space<semaphore_mem>>)
      %dma_wait3A_11 = arith.constant 0 : i32
      %dma_wait3A_12 = tpu.memref_slice %arg4[%mul3A_2, %dma_wait3A_11] : memref<2048x128xf32, #tpu.memory_space<hbm>> -> memref<128x128xf32, #tpu.memory_space<hbm>>
      %dma_wait3A_13 = arith.constant 0 : i32
      %dma_wait3A_14 = tpu.memref_slice %arg4[%mul3A_2, %dma_wait3A_13] : memref<2048x128xf32, #tpu.memory_space<hbm>> -> memref<128x128xf32, #tpu.memory_space<hbm>>
      tpu.wait_dma2 semaphore(%run_scoped3A : memref<!tpu.dma_semaphore, #tpu.memory_space<semaphore_mem>>) src(%arg6 : memref<128x128xf32, #tpu.memory_space<vmem>>) dst(%dma_wait3A_14 : memref<128x128xf32, #tpu.memory_space<hbm>>)
      tpu.yield
    }) : () -> ()
    return
  }
}

module attributes {stable_mosaic.version = 14 : i64} {
  func.func @_routing_body(%arg0: memref<16x128x192xf32, #tpu.memory_space<vmem>>, %arg1: memref<16x128xi32, #tpu.memory_space<vmem>>, %arg2: memref<80xi32, #tpu.memory_space<vmem>>, %arg3: memref<16x128x128xf32, #tpu.memory_space<vmem>>) attributes {dimension_semantics = [], scalar_prefetch = 0 : i64, scratch_operands = 0 : i64, tpu.core_type = #tpu.core_type<tc>} {
    %iota3A = tpu.iota {dimensions = array<i32: 0>} : vector<128x128xi32>
    %iota3A_0 = tpu.iota {dimensions = array<i32: 1>} : vector<128x128xi32>
    %gt3A = arith.cmpi sgt, %iota3A, %iota3A_0 : vector<128x128xi32>
    %convert_element_type3A = arith.extui %gt3A : vector<128x128xi1> to vector<128x128xi32>
    %convert_element_type3A_1 = arith.sitofp %convert_element_type3A : vector<128x128xi32> to vector<128x128xf32>
    %iota3A_2 = tpu.iota {dimensions = array<i32: 1>} : vector<128x64xi32>
    %get3A = arith.constant 0 : index
    %get3A_3 = arith.constant 0 : index
    %get3A_4 = arith.constant 0 : index
    %get3A_5 = vector.load %arg0[%get3A, %get3A_3, %get3A_4] : memref<16x128x192xf32, #tpu.memory_space<vmem>>, vector<1x128x192xf32>
    %get3A_6 = vector.shape_cast %get3A_5 : vector<1x128x192xf32> to vector<128x192xf32>
    %slice3A = vector.extract_strided_slice %get3A_6 {offsets = [0, 0], sizes = [128, 128], strides = [1, 1]} : vector<128x192xf32> to vector<128x128xf32>
    %swap3A = arith.constant 0 : index
    %swap3A_7 = arith.constant 0 : index
    %swap3A_8 = arith.constant 0 : index
    %swap3A_9 = vector.load %arg3[%swap3A, %swap3A_7, %swap3A_8] : memref<16x128x128xf32, #tpu.memory_space<vmem>>, vector<1x128x128xf32>
    %swap3A_10 = vector.shape_cast %swap3A_9 : vector<1x128x128xf32> to vector<128x128xf32>
    %swap3A_11 = vector.shape_cast %slice3A : vector<128x128xf32> to vector<1x128x128xf32>
    tpu.vector_store %arg3[%swap3A, %swap3A_7, %swap3A_8], %swap3A_11 {strides = array<i32>} : memref<16x128x128xf32, #tpu.memory_space<vmem>>, vector<1x128x128xf32>,
    %slice3A_12 = vector.extract_strided_slice %get3A_6 {offsets = [0, 128], sizes = [128, 64], strides = [1, 1]} : vector<128x192xf32> to vector<128x64xf32>
    %reduce_max3A = arith.constant dense<0xFF800000> : vector<128xf32>
    %reduce_max3A_13 = vector.multi_reduction <maximumf>, %slice3A_12, %reduce_max3A [1] : vector<128x64xf32> to vector<128xf32>
    %broadcast_in_dim3A = vector.shape_cast %reduce_max3A_13 : vector<128xf32> to vector<128x1xf32>
    %eq3A = vector.broadcast %broadcast_in_dim3A : vector<128x1xf32> to vector<128x64xf32>
    %eq3A_14 = arith.cmpf oeq, %slice3A_12, %eq3A : vector<128x64xf32>
    %jit3A = arith.constant 64 : i32
    %broadcast_in_dim3A_15 = vector.broadcast %jit3A : i32 to vector<128x64xi32>
    %select_n3A = arith.select %eq3A_14, %iota3A_2, %broadcast_in_dim3A_15 : vector<128x64xi1>, vector<128x64xi32>
    %reduce_min3A = arith.constant dense<2147483647> : vector<128xi32>
    %reduce_min3A_16 = vector.multi_reduction <minsi>, %select_n3A, %reduce_min3A [1] : vector<128x64xi32> to vector<128xi32>
    %broadcast_in_dim3A_17 = vector.shape_cast %reduce_min3A_16 : vector<128xi32> to vector<128x1xi32>
    %eq3A_18 = vector.broadcast %broadcast_in_dim3A_17 : vector<128x1xi32> to vector<128x64xi32>
    %eq3A_19 = arith.cmpi eq, %iota3A_2, %eq3A_18 : vector<128x64xi32>
    %convert_element_type3A_20 = arith.extui %eq3A_19 : vector<128x64xi1> to vector<128x64xi32>
    %convert_element_type3A_21 = arith.sitofp %convert_element_type3A_20 : vector<128x64xi32> to vector<128x64xf32>
    %reduce_sum3A = arith.constant dense<0.000000e+00> : vector<64xf32>
    %reduce_sum3A_22 = vector.multi_reduction <add>, %convert_element_type3A_21, %reduce_sum3A [0] : vector<128x64xf32> to vector<64xf32>
    %broadcast_in_dim3A_23 = vector.shape_cast %reduce_sum3A_22 : vector<64xf32> to vector<1x64xf32>
    %get3A_24 = arith.constant 1 : index
    %get3A_25 = arith.constant 0 : index
    %get3A_26 = arith.constant 0 : index
    %get3A_27 = vector.load %arg0[%get3A_24, %get3A_25, %get3A_26] : memref<16x128x192xf32, #tpu.memory_space<vmem>>, vector<1x128x192xf32>
    %get3A_28 = vector.shape_cast %get3A_27 : vector<1x128x192xf32> to vector<128x192xf32>
    %slice3A_29 = vector.extract_strided_slice %get3A_28 {offsets = [0, 0], sizes = [128, 128], strides = [1, 1]} : vector<128x192xf32> to vector<128x128xf32>
    %swap3A_30 = arith.constant 1 : index
    %swap3A_31 = arith.constant 0 : index
    %swap3A_32 = arith.constant 0 : index
    %swap3A_33 = vector.load %arg3[%swap3A_30, %swap3A_31, %swap3A_32] : memref<16x128x128xf32, #tpu.memory_space<vmem>>, vector<1x128x128xf32>
    %swap3A_34 = vector.shape_cast %swap3A_33 : vector<1x128x128xf32> to vector<128x128xf32>
    %swap3A_35 = vector.shape_cast %slice3A_29 : vector<128x128xf32> to vector<1x128x128xf32>
    tpu.vector_store %arg3[%swap3A_30, %swap3A_31, %swap3A_32], %swap3A_35 {strides = array<i32>} : memref<16x128x128xf32, #tpu.memory_space<vmem>>, vector<1x128x128xf32>,
    %slice3A_36 = vector.extract_strided_slice %get3A_28 {offsets = [0, 128], sizes = [128, 64], strides = [1, 1]} : vector<128x192xf32> to vector<128x64xf32>
    %reduce_max3A_37 = arith.constant dense<0xFF800000> : vector<128xf32>
    %reduce_max3A_38 = vector.multi_reduction <maximumf>, %slice3A_36, %reduce_max3A_37 [1] : vector<128x64xf32> to vector<128xf32>
    %broadcast_in_dim3A_39 = vector.shape_cast %reduce_max3A_38 : vector<128xf32> to vector<128x1xf32>
    %eq3A_40 = vector.broadcast %broadcast_in_dim3A_39 : vector<128x1xf32> to vector<128x64xf32>
    %eq3A_41 = arith.cmpf oeq, %slice3A_36, %eq3A_40 : vector<128x64xf32>
    %jit3A_42 = arith.constant 64 : i32
    %broadcast_in_dim3A_43 = vector.broadcast %jit3A_42 : i32 to vector<128x64xi32>
    %select_n3A_44 = arith.select %eq3A_41, %iota3A_2, %broadcast_in_dim3A_43 : vector<128x64xi1>, vector<128x64xi32>
    %reduce_min3A_45 = arith.constant dense<2147483647> : vector<128xi32>
    %reduce_min3A_46 = vector.multi_reduction <minsi>, %select_n3A_44, %reduce_min3A_45 [1] : vector<128x64xi32> to vector<128xi32>
    %broadcast_in_dim3A_47 = vector.shape_cast %reduce_min3A_46 : vector<128xi32> to vector<128x1xi32>
    %eq3A_48 = vector.broadcast %broadcast_in_dim3A_47 : vector<128x1xi32> to vector<128x64xi32>
    %eq3A_49 = arith.cmpi eq, %iota3A_2, %eq3A_48 : vector<128x64xi32>
    %convert_element_type3A_50 = arith.extui %eq3A_49 : vector<128x64xi1> to vector<128x64xi32>
    %convert_element_type3A_51 = arith.sitofp %convert_element_type3A_50 : vector<128x64xi32> to vector<128x64xf32>
    %reduce_sum3A_52 = arith.constant dense<0.000000e+00> : vector<64xf32>
    %reduce_sum3A_53 = vector.multi_reduction <add>, %convert_element_type3A_51, %reduce_sum3A_52 [0] : vector<128x64xf32> to vector<64xf32>
    %broadcast_in_dim3A_54 = vector.shape_cast %reduce_sum3A_53 : vector<64xf32> to vector<1x64xf32>
    %get3A_55 = arith.constant 2 : index
    %get3A_56 = arith.constant 0 : index
    %get3A_57 = arith.constant 0 : index
    %get3A_58 = vector.load %arg0[%get3A_55, %get3A_56, %get3A_57] : memref<16x128x192xf32, #tpu.memory_space<vmem>>, vector<1x128x192xf32>
    %get3A_59 = vector.shape_cast %get3A_58 : vector<1x128x192xf32> to vector<128x192xf32>
    %slice3A_60 = vector.extract_strided_slice %get3A_59 {offsets = [0, 0], sizes = [128, 128], strides = [1, 1]} : vector<128x192xf32> to vector<128x128xf32>
    %swap3A_61 = arith.constant 2 : index
    %swap3A_62 = arith.constant 0 : index
    %swap3A_63 = arith.constant 0 : index
    %swap3A_64 = vector.load %arg3[%swap3A_61, %swap3A_62, %swap3A_63] : memref<16x128x128xf32, #tpu.memory_space<vmem>>, vector<1x128x128xf32>
    %swap3A_65 = vector.shape_cast %swap3A_64 : vector<1x128x128xf32> to vector<128x128xf32>
    %swap3A_66 = vector.shape_cast %slice3A_60 : vector<128x128xf32> to vector<1x128x128xf32>
    tpu.vector_store %arg3[%swap3A_61, %swap3A_62, %swap3A_63], %swap3A_66 {strides = array<i32>} : memref<16x128x128xf32, #tpu.memory_space<vmem>>, vector<1x128x128xf32>,
    %slice3A_67 = vector.extract_strided_slice %get3A_59 {offsets = [0, 128], sizes = [128, 64], strides = [1, 1]} : vector<128x192xf32> to vector<128x64xf32>
    %reduce_max3A_68 = arith.constant dense<0xFF800000> : vector<128xf32>
    %reduce_max3A_69 = vector.multi_reduction <maximumf>, %slice3A_67, %reduce_max3A_68 [1] : vector<128x64xf32> to vector<128xf32>
    %broadcast_in_dim3A_70 = vector.shape_cast %reduce_max3A_69 : vector<128xf32> to vector<128x1xf32>
    %eq3A_71 = vector.broadcast %broadcast_in_dim3A_70 : vector<128x1xf32> to vector<128x64xf32>
    %eq3A_72 = arith.cmpf oeq, %slice3A_67, %eq3A_71 : vector<128x64xf32>
    %jit3A_73 = arith.constant 64 : i32
    %broadcast_in_dim3A_74 = vector.broadcast %jit3A_73 : i32 to vector<128x64xi32>
    %select_n3A_75 = arith.select %eq3A_72, %iota3A_2, %broadcast_in_dim3A_74 : vector<128x64xi1>, vector<128x64xi32>
    %reduce_min3A_76 = arith.constant dense<2147483647> : vector<128xi32>
    %reduce_min3A_77 = vector.multi_reduction <minsi>, %select_n3A_75, %reduce_min3A_76 [1] : vector<128x64xi32> to vector<128xi32>
    %broadcast_in_dim3A_78 = vector.shape_cast %reduce_min3A_77 : vector<128xi32> to vector<128x1xi32>
    %eq3A_79 = vector.broadcast %broadcast_in_dim3A_78 : vector<128x1xi32> to vector<128x64xi32>
    %eq3A_80 = arith.cmpi eq, %iota3A_2, %eq3A_79 : vector<128x64xi32>
    %convert_element_type3A_81 = arith.extui %eq3A_80 : vector<128x64xi1> to vector<128x64xi32>
    %convert_element_type3A_82 = arith.sitofp %convert_element_type3A_81 : vector<128x64xi32> to vector<128x64xf32>
    %reduce_sum3A_83 = arith.constant dense<0.000000e+00> : vector<64xf32>
    %reduce_sum3A_84 = vector.multi_reduction <add>, %convert_element_type3A_82, %reduce_sum3A_83 [0] : vector<128x64xf32> to vector<64xf32>
    %broadcast_in_dim3A_85 = vector.shape_cast %reduce_sum3A_84 : vector<64xf32> to vector<1x64xf32>
    %get3A_86 = arith.constant 3 : index
    %get3A_87 = arith.constant 0 : index
    %get3A_88 = arith.constant 0 : index
    %get3A_89 = vector.load %arg0[%get3A_86, %get3A_87, %get3A_88] : memref<16x128x192xf32, #tpu.memory_space<vmem>>, vector<1x128x192xf32>
    %get3A_90 = vector.shape_cast %get3A_89 : vector<1x128x192xf32> to vector<128x192xf32>
    %slice3A_91 = vector.extract_strided_slice %get3A_90 {offsets = [0, 0], sizes = [128, 128], strides = [1, 1]} : vector<128x192xf32> to vector<128x128xf32>
    %swap3A_92 = arith.constant 3 : index
    %swap3A_93 = arith.constant 0 : index
    %swap3A_94 = arith.constant 0 : index
    %swap3A_95 = vector.load %arg3[%swap3A_92, %swap3A_93, %swap3A_94] : memref<16x128x128xf32, #tpu.memory_space<vmem>>, vector<1x128x128xf32>
    %swap3A_96 = vector.shape_cast %swap3A_95 : vector<1x128x128xf32> to vector<128x128xf32>
    %swap3A_97 = vector.shape_cast %slice3A_91 : vector<128x128xf32> to vector<1x128x128xf32>
    tpu.vector_store %arg3[%swap3A_92, %swap3A_93, %swap3A_94], %swap3A_97 {strides = array<i32>} : memref<16x128x128xf32, #tpu.memory_space<vmem>>, vector<1x128x128xf32>,
    %slice3A_98 = vector.extract_strided_slice %get3A_90 {offsets = [0, 128], sizes = [128, 64], strides = [1, 1]} : vector<128x192xf32> to vector<128x64xf32>
    %reduce_max3A_99 = arith.constant dense<0xFF800000> : vector<128xf32>
    %reduce_max3A_100 = vector.multi_reduction <maximumf>, %slice3A_98, %reduce_max3A_99 [1] : vector<128x64xf32> to vector<128xf32>
    %broadcast_in_dim3A_101 = vector.shape_cast %reduce_max3A_100 : vector<128xf32> to vector<128x1xf32>
    %eq3A_102 = vector.broadcast %broadcast_in_dim3A_101 : vector<128x1xf32> to vector<128x64xf32>
    %eq3A_103 = arith.cmpf oeq, %slice3A_98, %eq3A_102 : vector<128x64xf32>
    %jit3A_104 = arith.constant 64 : i32
    %broadcast_in_dim3A_105 = vector.broadcast %jit3A_104 : i32 to vector<128x64xi32>
    %select_n3A_106 = arith.select %eq3A_103, %iota3A_2, %broadcast_in_dim3A_105 : vector<128x64xi1>, vector<128x64xi32>
    %reduce_min3A_107 = arith.constant dense<2147483647> : vector<128xi32>
    %reduce_min3A_108 = vector.multi_reduction <minsi>, %select_n3A_106, %reduce_min3A_107 [1] : vector<128x64xi32> to vector<128xi32>
    %broadcast_in_dim3A_109 = vector.shape_cast %reduce_min3A_108 : vector<128xi32> to vector<128x1xi32>
    %eq3A_110 = vector.broadcast %broadcast_in_dim3A_109 : vector<128x1xi32> to vector<128x64xi32>
    %eq3A_111 = arith.cmpi eq, %iota3A_2, %eq3A_110 : vector<128x64xi32>
    %convert_element_type3A_112 = arith.extui %eq3A_111 : vector<128x64xi1> to vector<128x64xi32>
    %convert_element_type3A_113 = arith.sitofp %convert_element_type3A_112 : vector<128x64xi32> to vector<128x64xf32>
    %reduce_sum3A_114 = arith.constant dense<0.000000e+00> : vector<64xf32>
    %reduce_sum3A_115 = vector.multi_reduction <add>, %convert_element_type3A_113, %reduce_sum3A_114 [0] : vector<128x64xf32> to vector<64xf32>
    %broadcast_in_dim3A_116 = vector.shape_cast %reduce_sum3A_115 : vector<64xf32> to vector<1x64xf32>
    %get3A_117 = arith.constant 4 : index
    %get3A_118 = arith.constant 0 : index
    %get3A_119 = arith.constant 0 : index
    %get3A_120 = vector.load %arg0[%get3A_117, %get3A_118, %get3A_119] : memref<16x128x192xf32, #tpu.memory_space<vmem>>, vector<1x128x192xf32>
    %get3A_121 = vector.shape_cast %get3A_120 : vector<1x128x192xf32> to vector<128x192xf32>
    %slice3A_122 = vector.extract_strided_slice %get3A_121 {offsets = [0, 0], sizes = [128, 128], strides = [1, 1]} : vector<128x192xf32> to vector<128x128xf32>
    %swap3A_123 = arith.constant 4 : index
    %swap3A_124 = arith.constant 0 : index
    %swap3A_125 = arith.constant 0 : index
    %swap3A_126 = vector.load %arg3[%swap3A_123, %swap3A_124, %swap3A_125] : memref<16x128x128xf32, #tpu.memory_space<vmem>>, vector<1x128x128xf32>
    %swap3A_127 = vector.shape_cast %swap3A_126 : vector<1x128x128xf32> to vector<128x128xf32>
    %swap3A_128 = vector.shape_cast %slice3A_122 : vector<128x128xf32> to vector<1x128x128xf32>
    tpu.vector_store %arg3[%swap3A_123, %swap3A_124, %swap3A_125], %swap3A_128 {strides = array<i32>} : memref<16x128x128xf32, #tpu.memory_space<vmem>>, vector<1x128x128xf32>,
    %slice3A_129 = vector.extract_strided_slice %get3A_121 {offsets = [0, 128], sizes = [128, 64], strides = [1, 1]} : vector<128x192xf32> to vector<128x64xf32>
    %reduce_max3A_130 = arith.constant dense<0xFF800000> : vector<128xf32>
    %reduce_max3A_131 = vector.multi_reduction <maximumf>, %slice3A_129, %reduce_max3A_130 [1] : vector<128x64xf32> to vector<128xf32>
    %broadcast_in_dim3A_132 = vector.shape_cast %reduce_max3A_131 : vector<128xf32> to vector<128x1xf32>
    %eq3A_133 = vector.broadcast %broadcast_in_dim3A_132 : vector<128x1xf32> to vector<128x64xf32>
    %eq3A_134 = arith.cmpf oeq, %slice3A_129, %eq3A_133 : vector<128x64xf32>
    %jit3A_135 = arith.constant 64 : i32
    %broadcast_in_dim3A_136 = vector.broadcast %jit3A_135 : i32 to vector<128x64xi32>
    %select_n3A_137 = arith.select %eq3A_134, %iota3A_2, %broadcast_in_dim3A_136 : vector<128x64xi1>, vector<128x64xi32>
    %reduce_min3A_138 = arith.constant dense<2147483647> : vector<128xi32>
    %reduce_min3A_139 = vector.multi_reduction <minsi>, %select_n3A_137, %reduce_min3A_138 [1] : vector<128x64xi32> to vector<128xi32>
    %broadcast_in_dim3A_140 = vector.shape_cast %reduce_min3A_139 : vector<128xi32> to vector<128x1xi32>
    %eq3A_141 = vector.broadcast %broadcast_in_dim3A_140 : vector<128x1xi32> to vector<128x64xi32>
    %eq3A_142 = arith.cmpi eq, %iota3A_2, %eq3A_141 : vector<128x64xi32>
    %convert_element_type3A_143 = arith.extui %eq3A_142 : vector<128x64xi1> to vector<128x64xi32>
    %convert_element_type3A_144 = arith.sitofp %convert_element_type3A_143 : vector<128x64xi32> to vector<128x64xf32>
    %reduce_sum3A_145 = arith.constant dense<0.000000e+00> : vector<64xf32>
    %reduce_sum3A_146 = vector.multi_reduction <add>, %convert_element_type3A_144, %reduce_sum3A_145 [0] : vector<128x64xf32> to vector<64xf32>
    %broadcast_in_dim3A_147 = vector.shape_cast %reduce_sum3A_146 : vector<64xf32> to vector<1x64xf32>
    %get3A_148 = arith.constant 5 : index
    %get3A_149 = arith.constant 0 : index
    %get3A_150 = arith.constant 0 : index
    %get3A_151 = vector.load %arg0[%get3A_148, %get3A_149, %get3A_150] : memref<16x128x192xf32, #tpu.memory_space<vmem>>, vector<1x128x192xf32>
    %get3A_152 = vector.shape_cast %get3A_151 : vector<1x128x192xf32> to vector<128x192xf32>
    %slice3A_153 = vector.extract_strided_slice %get3A_152 {offsets = [0, 0], sizes = [128, 128], strides = [1, 1]} : vector<128x192xf32> to vector<128x128xf32>
    %swap3A_154 = arith.constant 5 : index
    %swap3A_155 = arith.constant 0 : index
    %swap3A_156 = arith.constant 0 : index
    %swap3A_157 = vector.load %arg3[%swap3A_154, %swap3A_155, %swap3A_156] : memref<16x128x128xf32, #tpu.memory_space<vmem>>, vector<1x128x128xf32>
    %swap3A_158 = vector.shape_cast %swap3A_157 : vector<1x128x128xf32> to vector<128x128xf32>
    %swap3A_159 = vector.shape_cast %slice3A_153 : vector<128x128xf32> to vector<1x128x128xf32>
    tpu.vector_store %arg3[%swap3A_154, %swap3A_155, %swap3A_156], %swap3A_159 {strides = array<i32>} : memref<16x128x128xf32, #tpu.memory_space<vmem>>, vector<1x128x128xf32>,
    %slice3A_160 = vector.extract_strided_slice %get3A_152 {offsets = [0, 128], sizes = [128, 64], strides = [1, 1]} : vector<128x192xf32> to vector<128x64xf32>
    %reduce_max3A_161 = arith.constant dense<0xFF800000> : vector<128xf32>
    %reduce_max3A_162 = vector.multi_reduction <maximumf>, %slice3A_160, %reduce_max3A_161 [1] : vector<128x64xf32> to vector<128xf32>
    %broadcast_in_dim3A_163 = vector.shape_cast %reduce_max3A_162 : vector<128xf32> to vector<128x1xf32>
    %eq3A_164 = vector.broadcast %broadcast_in_dim3A_163 : vector<128x1xf32> to vector<128x64xf32>
    %eq3A_165 = arith.cmpf oeq, %slice3A_160, %eq3A_164 : vector<128x64xf32>
    %jit3A_166 = arith.constant 64 : i32
    %broadcast_in_dim3A_167 = vector.broadcast %jit3A_166 : i32 to vector<128x64xi32>
    %select_n3A_168 = arith.select %eq3A_165, %iota3A_2, %broadcast_in_dim3A_167 : vector<128x64xi1>, vector<128x64xi32>
    %reduce_min3A_169 = arith.constant dense<2147483647> : vector<128xi32>
    %reduce_min3A_170 = vector.multi_reduction <minsi>, %select_n3A_168, %reduce_min3A_169 [1] : vector<128x64xi32> to vector<128xi32>
    %broadcast_in_dim3A_171 = vector.shape_cast %reduce_min3A_170 : vector<128xi32> to vector<128x1xi32>
    %eq3A_172 = vector.broadcast %broadcast_in_dim3A_171 : vector<128x1xi32> to vector<128x64xi32>
    %eq3A_173 = arith.cmpi eq, %iota3A_2, %eq3A_172 : vector<128x64xi32>
    %convert_element_type3A_174 = arith.extui %eq3A_173 : vector<128x64xi1> to vector<128x64xi32>
    %convert_element_type3A_175 = arith.sitofp %convert_element_type3A_174 : vector<128x64xi32> to vector<128x64xf32>
    %reduce_sum3A_176 = arith.constant dense<0.000000e+00> : vector<64xf32>
    %reduce_sum3A_177 = vector.multi_reduction <add>, %convert_element_type3A_175, %reduce_sum3A_176 [0] : vector<128x64xf32> to vector<64xf32>
    %broadcast_in_dim3A_178 = vector.shape_cast %reduce_sum3A_177 : vector<64xf32> to vector<1x64xf32>
    %get3A_179 = arith.constant 6 : index
    %get3A_180 = arith.constant 0 : index
    %get3A_181 = arith.constant 0 : index
    %get3A_182 = vector.load %arg0[%get3A_179, %get3A_180, %get3A_181] : memref<16x128x192xf32, #tpu.memory_space<vmem>>, vector<1x128x192xf32>
    %get3A_183 = vector.shape_cast %get3A_182 : vector<1x128x192xf32> to vector<128x192xf32>
    %slice3A_184 = vector.extract_strided_slice %get3A_183 {offsets = [0, 0], sizes = [128, 128], strides = [1, 1]} : vector<128x192xf32> to vector<128x128xf32>
    %swap3A_185 = arith.constant 6 : index
    %swap3A_186 = arith.constant 0 : index
    %swap3A_187 = arith.constant 0 : index
    %swap3A_188 = vector.load %arg3[%swap3A_185, %swap3A_186, %swap3A_187] : memref<16x128x128xf32, #tpu.memory_space<vmem>>, vector<1x128x128xf32>
    %swap3A_189 = vector.shape_cast %swap3A_188 : vector<1x128x128xf32> to vector<128x128xf32>
    %swap3A_190 = vector.shape_cast %slice3A_184 : vector<128x128xf32> to vector<1x128x128xf32>
    tpu.vector_store %arg3[%swap3A_185, %swap3A_186, %swap3A_187], %swap3A_190 {strides = array<i32>} : memref<16x128x128xf32, #tpu.memory_space<vmem>>, vector<1x128x128xf32>,
    %slice3A_191 = vector.extract_strided_slice %get3A_183 {offsets = [0, 128], sizes = [128, 64], strides = [1, 1]} : vector<128x192xf32> to vector<128x64xf32>
    %reduce_max3A_192 = arith.constant dense<0xFF800000> : vector<128xf32>
    %reduce_max3A_193 = vector.multi_reduction <maximumf>, %slice3A_191, %reduce_max3A_192 [1] : vector<128x64xf32> to vector<128xf32>
    %broadcast_in_dim3A_194 = vector.shape_cast %reduce_max3A_193 : vector<128xf32> to vector<128x1xf32>
    %eq3A_195 = vector.broadcast %broadcast_in_dim3A_194 : vector<128x1xf32> to vector<128x64xf32>
    %eq3A_196 = arith.cmpf oeq, %slice3A_191, %eq3A_195 : vector<128x64xf32>
    %jit3A_197 = arith.constant 64 : i32
    %broadcast_in_dim3A_198 = vector.broadcast %jit3A_197 : i32 to vector<128x64xi32>
    %select_n3A_199 = arith.select %eq3A_196, %iota3A_2, %broadcast_in_dim3A_198 : vector<128x64xi1>, vector<128x64xi32>
    %reduce_min3A_200 = arith.constant dense<2147483647> : vector<128xi32>
    %reduce_min3A_201 = vector.multi_reduction <minsi>, %select_n3A_199, %reduce_min3A_200 [1] : vector<128x64xi32> to vector<128xi32>
    %broadcast_in_dim3A_202 = vector.shape_cast %reduce_min3A_201 : vector<128xi32> to vector<128x1xi32>
    %eq3A_203 = vector.broadcast %broadcast_in_dim3A_202 : vector<128x1xi32> to vector<128x64xi32>
    %eq3A_204 = arith.cmpi eq, %iota3A_2, %eq3A_203 : vector<128x64xi32>
    %convert_element_type3A_205 = arith.extui %eq3A_204 : vector<128x64xi1> to vector<128x64xi32>
    %convert_element_type3A_206 = arith.sitofp %convert_element_type3A_205 : vector<128x64xi32> to vector<128x64xf32>
    %reduce_sum3A_207 = arith.constant dense<0.000000e+00> : vector<64xf32>
    %reduce_sum3A_208 = vector.multi_reduction <add>, %convert_element_type3A_206, %reduce_sum3A_207 [0] : vector<128x64xf32> to vector<64xf32>
    %broadcast_in_dim3A_209 = vector.shape_cast %reduce_sum3A_208 : vector<64xf32> to vector<1x64xf32>
    %get3A_210 = arith.constant 7 : index
    %get3A_211 = arith.constant 0 : index
    %get3A_212 = arith.constant 0 : index
    %get3A_213 = vector.load %arg0[%get3A_210, %get3A_211, %get3A_212] : memref<16x128x192xf32, #tpu.memory_space<vmem>>, vector<1x128x192xf32>
    %get3A_214 = vector.shape_cast %get3A_213 : vector<1x128x192xf32> to vector<128x192xf32>
    %slice3A_215 = vector.extract_strided_slice %get3A_214 {offsets = [0, 0], sizes = [128, 128], strides = [1, 1]} : vector<128x192xf32> to vector<128x128xf32>
    %swap3A_216 = arith.constant 7 : index
    %swap3A_217 = arith.constant 0 : index
    %swap3A_218 = arith.constant 0 : index
    %swap3A_219 = vector.load %arg3[%swap3A_216, %swap3A_217, %swap3A_218] : memref<16x128x128xf32, #tpu.memory_space<vmem>>, vector<1x128x128xf32>
    %swap3A_220 = vector.shape_cast %swap3A_219 : vector<1x128x128xf32> to vector<128x128xf32>
    %swap3A_221 = vector.shape_cast %slice3A_215 : vector<128x128xf32> to vector<1x128x128xf32>
    tpu.vector_store %arg3[%swap3A_216, %swap3A_217, %swap3A_218], %swap3A_221 {strides = array<i32>} : memref<16x128x128xf32, #tpu.memory_space<vmem>>, vector<1x128x128xf32>,
    %slice3A_222 = vector.extract_strided_slice %get3A_214 {offsets = [0, 128], sizes = [128, 64], strides = [1, 1]} : vector<128x192xf32> to vector<128x64xf32>
    %reduce_max3A_223 = arith.constant dense<0xFF800000> : vector<128xf32>
    %reduce_max3A_224 = vector.multi_reduction <maximumf>, %slice3A_222, %reduce_max3A_223 [1] : vector<128x64xf32> to vector<128xf32>
    %broadcast_in_dim3A_225 = vector.shape_cast %reduce_max3A_224 : vector<128xf32> to vector<128x1xf32>
    %eq3A_226 = vector.broadcast %broadcast_in_dim3A_225 : vector<128x1xf32> to vector<128x64xf32>
    %eq3A_227 = arith.cmpf oeq, %slice3A_222, %eq3A_226 : vector<128x64xf32>
    %jit3A_228 = arith.constant 64 : i32
    %broadcast_in_dim3A_229 = vector.broadcast %jit3A_228 : i32 to vector<128x64xi32>
    %select_n3A_230 = arith.select %eq3A_227, %iota3A_2, %broadcast_in_dim3A_229 : vector<128x64xi1>, vector<128x64xi32>
    %reduce_min3A_231 = arith.constant dense<2147483647> : vector<128xi32>
    %reduce_min3A_232 = vector.multi_reduction <minsi>, %select_n3A_230, %reduce_min3A_231 [1] : vector<128x64xi32> to vector<128xi32>
    %broadcast_in_dim3A_233 = vector.shape_cast %reduce_min3A_232 : vector<128xi32> to vector<128x1xi32>
    %eq3A_234 = vector.broadcast %broadcast_in_dim3A_233 : vector<128x1xi32> to vector<128x64xi32>
    %eq3A_235 = arith.cmpi eq, %iota3A_2, %eq3A_234 : vector<128x64xi32>
    %convert_element_type3A_236 = arith.extui %eq3A_235 : vector<128x64xi1> to vector<128x64xi32>
    %convert_element_type3A_237 = arith.sitofp %convert_element_type3A_236 : vector<128x64xi32> to vector<128x64xf32>
    %reduce_sum3A_238 = arith.constant dense<0.000000e+00> : vector<64xf32>
    %reduce_sum3A_239 = vector.multi_reduction <add>, %convert_element_type3A_237, %reduce_sum3A_238 [0] : vector<128x64xf32> to vector<64xf32>
    %broadcast_in_dim3A_240 = vector.shape_cast %reduce_sum3A_239 : vector<64xf32> to vector<1x64xf32>
    %get3A_241 = arith.constant 8 : index
    %get3A_242 = arith.constant 0 : index
    %get3A_243 = arith.constant 0 : index
    %get3A_244 = vector.load %arg0[%get3A_241, %get3A_242, %get3A_243] : memref<16x128x192xf32, #tpu.memory_space<vmem>>, vector<1x128x192xf32>
    %get3A_245 = vector.shape_cast %get3A_244 : vector<1x128x192xf32> to vector<128x192xf32>
    %slice3A_246 = vector.extract_strided_slice %get3A_245 {offsets = [0, 0], sizes = [128, 128], strides = [1, 1]} : vector<128x192xf32> to vector<128x128xf32>
    %swap3A_247 = arith.constant 8 : index
    %swap3A_248 = arith.constant 0 : index
    %swap3A_249 = arith.constant 0 : index
    %swap3A_250 = vector.load %arg3[%swap3A_247, %swap3A_248, %swap3A_249] : memref<16x128x128xf32, #tpu.memory_space<vmem>>, vector<1x128x128xf32>
    %swap3A_251 = vector.shape_cast %swap3A_250 : vector<1x128x128xf32> to vector<128x128xf32>
    %swap3A_252 = vector.shape_cast %slice3A_246 : vector<128x128xf32> to vector<1x128x128xf32>
    tpu.vector_store %arg3[%swap3A_247, %swap3A_248, %swap3A_249], %swap3A_252 {strides = array<i32>} : memref<16x128x128xf32, #tpu.memory_space<vmem>>, vector<1x128x128xf32>,
    %slice3A_253 = vector.extract_strided_slice %get3A_245 {offsets = [0, 128], sizes = [128, 64], strides = [1, 1]} : vector<128x192xf32> to vector<128x64xf32>
    %reduce_max3A_254 = arith.constant dense<0xFF800000> : vector<128xf32>
    %reduce_max3A_255 = vector.multi_reduction <maximumf>, %slice3A_253, %reduce_max3A_254 [1] : vector<128x64xf32> to vector<128xf32>
    %broadcast_in_dim3A_256 = vector.shape_cast %reduce_max3A_255 : vector<128xf32> to vector<128x1xf32>
    %eq3A_257 = vector.broadcast %broadcast_in_dim3A_256 : vector<128x1xf32> to vector<128x64xf32>
    %eq3A_258 = arith.cmpf oeq, %slice3A_253, %eq3A_257 : vector<128x64xf32>
    %jit3A_259 = arith.constant 64 : i32
    %broadcast_in_dim3A_260 = vector.broadcast %jit3A_259 : i32 to vector<128x64xi32>
    %select_n3A_261 = arith.select %eq3A_258, %iota3A_2, %broadcast_in_dim3A_260 : vector<128x64xi1>, vector<128x64xi32>
    %reduce_min3A_262 = arith.constant dense<2147483647> : vector<128xi32>
    %reduce_min3A_263 = vector.multi_reduction <minsi>, %select_n3A_261, %reduce_min3A_262 [1] : vector<128x64xi32> to vector<128xi32>
    %broadcast_in_dim3A_264 = vector.shape_cast %reduce_min3A_263 : vector<128xi32> to vector<128x1xi32>
    %eq3A_265 = vector.broadcast %broadcast_in_dim3A_264 : vector<128x1xi32> to vector<128x64xi32>
    %eq3A_266 = arith.cmpi eq, %iota3A_2, %eq3A_265 : vector<128x64xi32>
    %convert_element_type3A_267 = arith.extui %eq3A_266 : vector<128x64xi1> to vector<128x64xi32>
    %convert_element_type3A_268 = arith.sitofp %convert_element_type3A_267 : vector<128x64xi32> to vector<128x64xf32>
    %reduce_sum3A_269 = arith.constant dense<0.000000e+00> : vector<64xf32>
    %reduce_sum3A_270 = vector.multi_reduction <add>, %convert_element_type3A_268, %reduce_sum3A_269 [0] : vector<128x64xf32> to vector<64xf32>
    %broadcast_in_dim3A_271 = vector.shape_cast %reduce_sum3A_270 : vector<64xf32> to vector<1x64xf32>
    %get3A_272 = arith.constant 9 : index
    %get3A_273 = arith.constant 0 : index
    %get3A_274 = arith.constant 0 : index
    %get3A_275 = vector.load %arg0[%get3A_272, %get3A_273, %get3A_274] : memref<16x128x192xf32, #tpu.memory_space<vmem>>, vector<1x128x192xf32>
    %get3A_276 = vector.shape_cast %get3A_275 : vector<1x128x192xf32> to vector<128x192xf32>
    %slice3A_277 = vector.extract_strided_slice %get3A_276 {offsets = [0, 0], sizes = [128, 128], strides = [1, 1]} : vector<128x192xf32> to vector<128x128xf32>
    %swap3A_278 = arith.constant 9 : index
    %swap3A_279 = arith.constant 0 : index
    %swap3A_280 = arith.constant 0 : index
    %swap3A_281 = vector.load %arg3[%swap3A_278, %swap3A_279, %swap3A_280] : memref<16x128x128xf32, #tpu.memory_space<vmem>>, vector<1x128x128xf32>
    %swap3A_282 = vector.shape_cast %swap3A_281 : vector<1x128x128xf32> to vector<128x128xf32>
    %swap3A_283 = vector.shape_cast %slice3A_277 : vector<128x128xf32> to vector<1x128x128xf32>
    tpu.vector_store %arg3[%swap3A_278, %swap3A_279, %swap3A_280], %swap3A_283 {strides = array<i32>} : memref<16x128x128xf32, #tpu.memory_space<vmem>>, vector<1x128x128xf32>,
    %slice3A_284 = vector.extract_strided_slice %get3A_276 {offsets = [0, 128], sizes = [128, 64], strides = [1, 1]} : vector<128x192xf32> to vector<128x64xf32>
    %reduce_max3A_285 = arith.constant dense<0xFF800000> : vector<128xf32>
    %reduce_max3A_286 = vector.multi_reduction <maximumf>, %slice3A_284, %reduce_max3A_285 [1] : vector<128x64xf32> to vector<128xf32>
    %broadcast_in_dim3A_287 = vector.shape_cast %reduce_max3A_286 : vector<128xf32> to vector<128x1xf32>
    %eq3A_288 = vector.broadcast %broadcast_in_dim3A_287 : vector<128x1xf32> to vector<128x64xf32>
    %eq3A_289 = arith.cmpf oeq, %slice3A_284, %eq3A_288 : vector<128x64xf32>
    %jit3A_290 = arith.constant 64 : i32
    %broadcast_in_dim3A_291 = vector.broadcast %jit3A_290 : i32 to vector<128x64xi32>
    %select_n3A_292 = arith.select %eq3A_289, %iota3A_2, %broadcast_in_dim3A_291 : vector<128x64xi1>, vector<128x64xi32>
    %reduce_min3A_293 = arith.constant dense<2147483647> : vector<128xi32>
    %reduce_min3A_294 = vector.multi_reduction <minsi>, %select_n3A_292, %reduce_min3A_293 [1] : vector<128x64xi32> to vector<128xi32>
    %broadcast_in_dim3A_295 = vector.shape_cast %reduce_min3A_294 : vector<128xi32> to vector<128x1xi32>
    %eq3A_296 = vector.broadcast %broadcast_in_dim3A_295 : vector<128x1xi32> to vector<128x64xi32>
    %eq3A_297 = arith.cmpi eq, %iota3A_2, %eq3A_296 : vector<128x64xi32>
    %convert_element_type3A_298 = arith.extui %eq3A_297 : vector<128x64xi1> to vector<128x64xi32>
    %convert_element_type3A_299 = arith.sitofp %convert_element_type3A_298 : vector<128x64xi32> to vector<128x64xf32>
    %reduce_sum3A_300 = arith.constant dense<0.000000e+00> : vector<64xf32>
    %reduce_sum3A_301 = vector.multi_reduction <add>, %convert_element_type3A_299, %reduce_sum3A_300 [0] : vector<128x64xf32> to vector<64xf32>
    %broadcast_in_dim3A_302 = vector.shape_cast %reduce_sum3A_301 : vector<64xf32> to vector<1x64xf32>
    %get3A_303 = arith.constant 10 : index
    %get3A_304 = arith.constant 0 : index
    %get3A_305 = arith.constant 0 : index
    %get3A_306 = vector.load %arg0[%get3A_303, %get3A_304, %get3A_305] : memref<16x128x192xf32, #tpu.memory_space<vmem>>, vector<1x128x192xf32>
    %get3A_307 = vector.shape_cast %get3A_306 : vector<1x128x192xf32> to vector<128x192xf32>
    %slice3A_308 = vector.extract_strided_slice %get3A_307 {offsets = [0, 0], sizes = [128, 128], strides = [1, 1]} : vector<128x192xf32> to vector<128x128xf32>
    %swap3A_309 = arith.constant 10 : index
    %swap3A_310 = arith.constant 0 : index
    %swap3A_311 = arith.constant 0 : index
    %swap3A_312 = vector.load %arg3[%swap3A_309, %swap3A_310, %swap3A_311] : memref<16x128x128xf32, #tpu.memory_space<vmem>>, vector<1x128x128xf32>
    %swap3A_313 = vector.shape_cast %swap3A_312 : vector<1x128x128xf32> to vector<128x128xf32>
    %swap3A_314 = vector.shape_cast %slice3A_308 : vector<128x128xf32> to vector<1x128x128xf32>
    tpu.vector_store %arg3[%swap3A_309, %swap3A_310, %swap3A_311], %swap3A_314 {strides = array<i32>} : memref<16x128x128xf32, #tpu.memory_space<vmem>>, vector<1x128x128xf32>,
    %slice3A_315 = vector.extract_strided_slice %get3A_307 {offsets = [0, 128], sizes = [128, 64], strides = [1, 1]} : vector<128x192xf32> to vector<128x64xf32>
    %reduce_max3A_316 = arith.constant dense<0xFF800000> : vector<128xf32>
    %reduce_max3A_317 = vector.multi_reduction <maximumf>, %slice3A_315, %reduce_max3A_316 [1] : vector<128x64xf32> to vector<128xf32>
    %broadcast_in_dim3A_318 = vector.shape_cast %reduce_max3A_317 : vector<128xf32> to vector<128x1xf32>
    %eq3A_319 = vector.broadcast %broadcast_in_dim3A_318 : vector<128x1xf32> to vector<128x64xf32>
    %eq3A_320 = arith.cmpf oeq, %slice3A_315, %eq3A_319 : vector<128x64xf32>
    %jit3A_321 = arith.constant 64 : i32
    %broadcast_in_dim3A_322 = vector.broadcast %jit3A_321 : i32 to vector<128x64xi32>
    %select_n3A_323 = arith.select %eq3A_320, %iota3A_2, %broadcast_in_dim3A_322 : vector<128x64xi1>, vector<128x64xi32>
    %reduce_min3A_324 = arith.constant dense<2147483647> : vector<128xi32>
    %reduce_min3A_325 = vector.multi_reduction <minsi>, %select_n3A_323, %reduce_min3A_324 [1] : vector<128x64xi32> to vector<128xi32>
    %broadcast_in_dim3A_326 = vector.shape_cast %reduce_min3A_325 : vector<128xi32> to vector<128x1xi32>
    %eq3A_327 = vector.broadcast %broadcast_in_dim3A_326 : vector<128x1xi32> to vector<128x64xi32>
    %eq3A_328 = arith.cmpi eq, %iota3A_2, %eq3A_327 : vector<128x64xi32>
    %convert_element_type3A_329 = arith.extui %eq3A_328 : vector<128x64xi1> to vector<128x64xi32>
    %convert_element_type3A_330 = arith.sitofp %convert_element_type3A_329 : vector<128x64xi32> to vector<128x64xf32>
    %reduce_sum3A_331 = arith.constant dense<0.000000e+00> : vector<64xf32>
    %reduce_sum3A_332 = vector.multi_reduction <add>, %convert_element_type3A_330, %reduce_sum3A_331 [0] : vector<128x64xf32> to vector<64xf32>
    %broadcast_in_dim3A_333 = vector.shape_cast %reduce_sum3A_332 : vector<64xf32> to vector<1x64xf32>
    %get3A_334 = arith.constant 11 : index
    %get3A_335 = arith.constant 0 : index
    %get3A_336 = arith.constant 0 : index
    %get3A_337 = vector.load %arg0[%get3A_334, %get3A_335, %get3A_336] : memref<16x128x192xf32, #tpu.memory_space<vmem>>, vector<1x128x192xf32>
    %get3A_338 = vector.shape_cast %get3A_337 : vector<1x128x192xf32> to vector<128x192xf32>
    %slice3A_339 = vector.extract_strided_slice %get3A_338 {offsets = [0, 0], sizes = [128, 128], strides = [1, 1]} : vector<128x192xf32> to vector<128x128xf32>
    %swap3A_340 = arith.constant 11 : index
    %swap3A_341 = arith.constant 0 : index
    %swap3A_342 = arith.constant 0 : index
    %swap3A_343 = vector.load %arg3[%swap3A_340, %swap3A_341, %swap3A_342] : memref<16x128x128xf32, #tpu.memory_space<vmem>>, vector<1x128x128xf32>
    %swap3A_344 = vector.shape_cast %swap3A_343 : vector<1x128x128xf32> to vector<128x128xf32>
    %swap3A_345 = vector.shape_cast %slice3A_339 : vector<128x128xf32> to vector<1x128x128xf32>
    tpu.vector_store %arg3[%swap3A_340, %swap3A_341, %swap3A_342], %swap3A_345 {strides = array<i32>} : memref<16x128x128xf32, #tpu.memory_space<vmem>>, vector<1x128x128xf32>,
    %slice3A_346 = vector.extract_strided_slice %get3A_338 {offsets = [0, 128], sizes = [128, 64], strides = [1, 1]} : vector<128x192xf32> to vector<128x64xf32>
    %reduce_max3A_347 = arith.constant dense<0xFF800000> : vector<128xf32>
    %reduce_max3A_348 = vector.multi_reduction <maximumf>, %slice3A_346, %reduce_max3A_347 [1] : vector<128x64xf32> to vector<128xf32>
    %broadcast_in_dim3A_349 = vector.shape_cast %reduce_max3A_348 : vector<128xf32> to vector<128x1xf32>
    %eq3A_350 = vector.broadcast %broadcast_in_dim3A_349 : vector<128x1xf32> to vector<128x64xf32>
    %eq3A_351 = arith.cmpf oeq, %slice3A_346, %eq3A_350 : vector<128x64xf32>
    %jit3A_352 = arith.constant 64 : i32
    %broadcast_in_dim3A_353 = vector.broadcast %jit3A_352 : i32 to vector<128x64xi32>
    %select_n3A_354 = arith.select %eq3A_351, %iota3A_2, %broadcast_in_dim3A_353 : vector<128x64xi1>, vector<128x64xi32>
    %reduce_min3A_355 = arith.constant dense<2147483647> : vector<128xi32>
    %reduce_min3A_356 = vector.multi_reduction <minsi>, %select_n3A_354, %reduce_min3A_355 [1] : vector<128x64xi32> to vector<128xi32>
    %broadcast_in_dim3A_357 = vector.shape_cast %reduce_min3A_356 : vector<128xi32> to vector<128x1xi32>
    %eq3A_358 = vector.broadcast %broadcast_in_dim3A_357 : vector<128x1xi32> to vector<128x64xi32>
    %eq3A_359 = arith.cmpi eq, %iota3A_2, %eq3A_358 : vector<128x64xi32>
    %convert_element_type3A_360 = arith.extui %eq3A_359 : vector<128x64xi1> to vector<128x64xi32>
    %convert_element_type3A_361 = arith.sitofp %convert_element_type3A_360 : vector<128x64xi32> to vector<128x64xf32>
    %reduce_sum3A_362 = arith.constant dense<0.000000e+00> : vector<64xf32>
    %reduce_sum3A_363 = vector.multi_reduction <add>, %convert_element_type3A_361, %reduce_sum3A_362 [0] : vector<128x64xf32> to vector<64xf32>
    %broadcast_in_dim3A_364 = vector.shape_cast %reduce_sum3A_363 : vector<64xf32> to vector<1x64xf32>
    %get3A_365 = arith.constant 12 : index
    %get3A_366 = arith.constant 0 : index
    %get3A_367 = arith.constant 0 : index
    %get3A_368 = vector.load %arg0[%get3A_365, %get3A_366, %get3A_367] : memref<16x128x192xf32, #tpu.memory_space<vmem>>, vector<1x128x192xf32>
    %get3A_369 = vector.shape_cast %get3A_368 : vector<1x128x192xf32> to vector<128x192xf32>
    %slice3A_370 = vector.extract_strided_slice %get3A_369 {offsets = [0, 0], sizes = [128, 128], strides = [1, 1]} : vector<128x192xf32> to vector<128x128xf32>
    %swap3A_371 = arith.constant 12 : index
    %swap3A_372 = arith.constant 0 : index
    %swap3A_373 = arith.constant 0 : index
    %swap3A_374 = vector.load %arg3[%swap3A_371, %swap3A_372, %swap3A_373] : memref<16x128x128xf32, #tpu.memory_space<vmem>>, vector<1x128x128xf32>
    %swap3A_375 = vector.shape_cast %swap3A_374 : vector<1x128x128xf32> to vector<128x128xf32>
    %swap3A_376 = vector.shape_cast %slice3A_370 : vector<128x128xf32> to vector<1x128x128xf32>
    tpu.vector_store %arg3[%swap3A_371, %swap3A_372, %swap3A_373], %swap3A_376 {strides = array<i32>} : memref<16x128x128xf32, #tpu.memory_space<vmem>>, vector<1x128x128xf32>,
    %slice3A_377 = vector.extract_strided_slice %get3A_369 {offsets = [0, 128], sizes = [128, 64], strides = [1, 1]} : vector<128x192xf32> to vector<128x64xf32>
    %reduce_max3A_378 = arith.constant dense<0xFF800000> : vector<128xf32>
    %reduce_max3A_379 = vector.multi_reduction <maximumf>, %slice3A_377, %reduce_max3A_378 [1] : vector<128x64xf32> to vector<128xf32>
    %broadcast_in_dim3A_380 = vector.shape_cast %reduce_max3A_379 : vector<128xf32> to vector<128x1xf32>
    %eq3A_381 = vector.broadcast %broadcast_in_dim3A_380 : vector<128x1xf32> to vector<128x64xf32>
    %eq3A_382 = arith.cmpf oeq, %slice3A_377, %eq3A_381 : vector<128x64xf32>
    %jit3A_383 = arith.constant 64 : i32
    %broadcast_in_dim3A_384 = vector.broadcast %jit3A_383 : i32 to vector<128x64xi32>
    %select_n3A_385 = arith.select %eq3A_382, %iota3A_2, %broadcast_in_dim3A_384 : vector<128x64xi1>, vector<128x64xi32>
    %reduce_min3A_386 = arith.constant dense<2147483647> : vector<128xi32>
    %reduce_min3A_387 = vector.multi_reduction <minsi>, %select_n3A_385, %reduce_min3A_386 [1] : vector<128x64xi32> to vector<128xi32>
    %broadcast_in_dim3A_388 = vector.shape_cast %reduce_min3A_387 : vector<128xi32> to vector<128x1xi32>
    %eq3A_389 = vector.broadcast %broadcast_in_dim3A_388 : vector<128x1xi32> to vector<128x64xi32>
    %eq3A_390 = arith.cmpi eq, %iota3A_2, %eq3A_389 : vector<128x64xi32>
    %convert_element_type3A_391 = arith.extui %eq3A_390 : vector<128x64xi1> to vector<128x64xi32>
    %convert_element_type3A_392 = arith.sitofp %convert_element_type3A_391 : vector<128x64xi32> to vector<128x64xf32>
    %reduce_sum3A_393 = arith.constant dense<0.000000e+00> : vector<64xf32>
    %reduce_sum3A_394 = vector.multi_reduction <add>, %convert_element_type3A_392, %reduce_sum3A_393 [0] : vector<128x64xf32> to vector<64xf32>
    %broadcast_in_dim3A_395 = vector.shape_cast %reduce_sum3A_394 : vector<64xf32> to vector<1x64xf32>
    %get3A_396 = arith.constant 13 : index
    %get3A_397 = arith.constant 0 : index
    %get3A_398 = arith.constant 0 : index
    %get3A_399 = vector.load %arg0[%get3A_396, %get3A_397, %get3A_398] : memref<16x128x192xf32, #tpu.memory_space<vmem>>, vector<1x128x192xf32>
    %get3A_400 = vector.shape_cast %get3A_399 : vector<1x128x192xf32> to vector<128x192xf32>
    %slice3A_401 = vector.extract_strided_slice %get3A_400 {offsets = [0, 0], sizes = [128, 128], strides = [1, 1]} : vector<128x192xf32> to vector<128x128xf32>
    %swap3A_402 = arith.constant 13 : index
    %swap3A_403 = arith.constant 0 : index
    %swap3A_404 = arith.constant 0 : index
    %swap3A_405 = vector.load %arg3[%swap3A_402, %swap3A_403, %swap3A_404] : memref<16x128x128xf32, #tpu.memory_space<vmem>>, vector<1x128x128xf32>
    %swap3A_406 = vector.shape_cast %swap3A_405 : vector<1x128x128xf32> to vector<128x128xf32>
    %swap3A_407 = vector.shape_cast %slice3A_401 : vector<128x128xf32> to vector<1x128x128xf32>
    tpu.vector_store %arg3[%swap3A_402, %swap3A_403, %swap3A_404], %swap3A_407 {strides = array<i32>} : memref<16x128x128xf32, #tpu.memory_space<vmem>>, vector<1x128x128xf32>,
    %slice3A_408 = vector.extract_strided_slice %get3A_400 {offsets = [0, 128], sizes = [128, 64], strides = [1, 1]} : vector<128x192xf32> to vector<128x64xf32>
    %reduce_max3A_409 = arith.constant dense<0xFF800000> : vector<128xf32>
    %reduce_max3A_410 = vector.multi_reduction <maximumf>, %slice3A_408, %reduce_max3A_409 [1] : vector<128x64xf32> to vector<128xf32>
    %broadcast_in_dim3A_411 = vector.shape_cast %reduce_max3A_410 : vector<128xf32> to vector<128x1xf32>
    %eq3A_412 = vector.broadcast %broadcast_in_dim3A_411 : vector<128x1xf32> to vector<128x64xf32>
    %eq3A_413 = arith.cmpf oeq, %slice3A_408, %eq3A_412 : vector<128x64xf32>
    %jit3A_414 = arith.constant 64 : i32
    %broadcast_in_dim3A_415 = vector.broadcast %jit3A_414 : i32 to vector<128x64xi32>
    %select_n3A_416 = arith.select %eq3A_413, %iota3A_2, %broadcast_in_dim3A_415 : vector<128x64xi1>, vector<128x64xi32>
    %reduce_min3A_417 = arith.constant dense<2147483647> : vector<128xi32>
    %reduce_min3A_418 = vector.multi_reduction <minsi>, %select_n3A_416, %reduce_min3A_417 [1] : vector<128x64xi32> to vector<128xi32>
    %broadcast_in_dim3A_419 = vector.shape_cast %reduce_min3A_418 : vector<128xi32> to vector<128x1xi32>
    %eq3A_420 = vector.broadcast %broadcast_in_dim3A_419 : vector<128x1xi32> to vector<128x64xi32>
    %eq3A_421 = arith.cmpi eq, %iota3A_2, %eq3A_420 : vector<128x64xi32>
    %convert_element_type3A_422 = arith.extui %eq3A_421 : vector<128x64xi1> to vector<128x64xi32>
    %convert_element_type3A_423 = arith.sitofp %convert_element_type3A_422 : vector<128x64xi32> to vector<128x64xf32>
    %reduce_sum3A_424 = arith.constant dense<0.000000e+00> : vector<64xf32>
    %reduce_sum3A_425 = vector.multi_reduction <add>, %convert_element_type3A_423, %reduce_sum3A_424 [0] : vector<128x64xf32> to vector<64xf32>
    %broadcast_in_dim3A_426 = vector.shape_cast %reduce_sum3A_425 : vector<64xf32> to vector<1x64xf32>
    %get3A_427 = arith.constant 14 : index
    %get3A_428 = arith.constant 0 : index
    %get3A_429 = arith.constant 0 : index
    %get3A_430 = vector.load %arg0[%get3A_427, %get3A_428, %get3A_429] : memref<16x128x192xf32, #tpu.memory_space<vmem>>, vector<1x128x192xf32>
    %get3A_431 = vector.shape_cast %get3A_430 : vector<1x128x192xf32> to vector<128x192xf32>
    %slice3A_432 = vector.extract_strided_slice %get3A_431 {offsets = [0, 0], sizes = [128, 128], strides = [1, 1]} : vector<128x192xf32> to vector<128x128xf32>
    %swap3A_433 = arith.constant 14 : index
    %swap3A_434 = arith.constant 0 : index
    %swap3A_435 = arith.constant 0 : index
    %swap3A_436 = vector.load %arg3[%swap3A_433, %swap3A_434, %swap3A_435] : memref<16x128x128xf32, #tpu.memory_space<vmem>>, vector<1x128x128xf32>
    %swap3A_437 = vector.shape_cast %swap3A_436 : vector<1x128x128xf32> to vector<128x128xf32>
    %swap3A_438 = vector.shape_cast %slice3A_432 : vector<128x128xf32> to vector<1x128x128xf32>
    tpu.vector_store %arg3[%swap3A_433, %swap3A_434, %swap3A_435], %swap3A_438 {strides = array<i32>} : memref<16x128x128xf32, #tpu.memory_space<vmem>>, vector<1x128x128xf32>,
    %slice3A_439 = vector.extract_strided_slice %get3A_431 {offsets = [0, 128], sizes = [128, 64], strides = [1, 1]} : vector<128x192xf32> to vector<128x64xf32>
    %reduce_max3A_440 = arith.constant dense<0xFF800000> : vector<128xf32>
    %reduce_max3A_441 = vector.multi_reduction <maximumf>, %slice3A_439, %reduce_max3A_440 [1] : vector<128x64xf32> to vector<128xf32>
    %broadcast_in_dim3A_442 = vector.shape_cast %reduce_max3A_441 : vector<128xf32> to vector<128x1xf32>
    %eq3A_443 = vector.broadcast %broadcast_in_dim3A_442 : vector<128x1xf32> to vector<128x64xf32>
    %eq3A_444 = arith.cmpf oeq, %slice3A_439, %eq3A_443 : vector<128x64xf32>
    %jit3A_445 = arith.constant 64 : i32
    %broadcast_in_dim3A_446 = vector.broadcast %jit3A_445 : i32 to vector<128x64xi32>
    %select_n3A_447 = arith.select %eq3A_444, %iota3A_2, %broadcast_in_dim3A_446 : vector<128x64xi1>, vector<128x64xi32>
    %reduce_min3A_448 = arith.constant dense<2147483647> : vector<128xi32>
    %reduce_min3A_449 = vector.multi_reduction <minsi>, %select_n3A_447, %reduce_min3A_448 [1] : vector<128x64xi32> to vector<128xi32>
    %broadcast_in_dim3A_450 = vector.shape_cast %reduce_min3A_449 : vector<128xi32> to vector<128x1xi32>
    %eq3A_451 = vector.broadcast %broadcast_in_dim3A_450 : vector<128x1xi32> to vector<128x64xi32>
    %eq3A_452 = arith.cmpi eq, %iota3A_2, %eq3A_451 : vector<128x64xi32>
    %convert_element_type3A_453 = arith.extui %eq3A_452 : vector<128x64xi1> to vector<128x64xi32>
    %convert_element_type3A_454 = arith.sitofp %convert_element_type3A_453 : vector<128x64xi32> to vector<128x64xf32>
    %reduce_sum3A_455 = arith.constant dense<0.000000e+00> : vector<64xf32>
    %reduce_sum3A_456 = vector.multi_reduction <add>, %convert_element_type3A_454, %reduce_sum3A_455 [0] : vector<128x64xf32> to vector<64xf32>
    %broadcast_in_dim3A_457 = vector.shape_cast %reduce_sum3A_456 : vector<64xf32> to vector<1x64xf32>
    %get3A_458 = arith.constant 15 : index
    %get3A_459 = arith.constant 0 : index
    %get3A_460 = arith.constant 0 : index
    %get3A_461 = vector.load %arg0[%get3A_458, %get3A_459, %get3A_460] : memref<16x128x192xf32, #tpu.memory_space<vmem>>, vector<1x128x192xf32>
    %get3A_462 = vector.shape_cast %get3A_461 : vector<1x128x192xf32> to vector<128x192xf32>
    %slice3A_463 = vector.extract_strided_slice %get3A_462 {offsets = [0, 0], sizes = [128, 128], strides = [1, 1]} : vector<128x192xf32> to vector<128x128xf32>
    %swap3A_464 = arith.constant 15 : index
    %swap3A_465 = arith.constant 0 : index
    %swap3A_466 = arith.constant 0 : index
    %swap3A_467 = vector.load %arg3[%swap3A_464, %swap3A_465, %swap3A_466] : memref<16x128x128xf32, #tpu.memory_space<vmem>>, vector<1x128x128xf32>
    %swap3A_468 = vector.shape_cast %swap3A_467 : vector<1x128x128xf32> to vector<128x128xf32>
    %swap3A_469 = vector.shape_cast %slice3A_463 : vector<128x128xf32> to vector<1x128x128xf32>
    tpu.vector_store %arg3[%swap3A_464, %swap3A_465, %swap3A_466], %swap3A_469 {strides = array<i32>} : memref<16x128x128xf32, #tpu.memory_space<vmem>>, vector<1x128x128xf32>,
    %slice3A_470 = vector.extract_strided_slice %get3A_462 {offsets = [0, 128], sizes = [128, 64], strides = [1, 1]} : vector<128x192xf32> to vector<128x64xf32>
    %reduce_max3A_471 = arith.constant dense<0xFF800000> : vector<128xf32>
    %reduce_max3A_472 = vector.multi_reduction <maximumf>, %slice3A_470, %reduce_max3A_471 [1] : vector<128x64xf32> to vector<128xf32>
    %broadcast_in_dim3A_473 = vector.shape_cast %reduce_max3A_472 : vector<128xf32> to vector<128x1xf32>
    %eq3A_474 = vector.broadcast %broadcast_in_dim3A_473 : vector<128x1xf32> to vector<128x64xf32>
    %eq3A_475 = arith.cmpf oeq, %slice3A_470, %eq3A_474 : vector<128x64xf32>
    %jit3A_476 = arith.constant 64 : i32
    %broadcast_in_dim3A_477 = vector.broadcast %jit3A_476 : i32 to vector<128x64xi32>
    %select_n3A_478 = arith.select %eq3A_475, %iota3A_2, %broadcast_in_dim3A_477 : vector<128x64xi1>, vector<128x64xi32>
    %reduce_min3A_479 = arith.constant dense<2147483647> : vector<128xi32>
    %reduce_min3A_480 = vector.multi_reduction <minsi>, %select_n3A_478, %reduce_min3A_479 [1] : vector<128x64xi32> to vector<128xi32>
    %broadcast_in_dim3A_481 = vector.shape_cast %reduce_min3A_480 : vector<128xi32> to vector<128x1xi32>
    %eq3A_482 = vector.broadcast %broadcast_in_dim3A_481 : vector<128x1xi32> to vector<128x64xi32>
    %eq3A_483 = arith.cmpi eq, %iota3A_2, %eq3A_482 : vector<128x64xi32>
    %convert_element_type3A_484 = arith.extui %eq3A_483 : vector<128x64xi1> to vector<128x64xi32>
    %convert_element_type3A_485 = arith.sitofp %convert_element_type3A_484 : vector<128x64xi32> to vector<128x64xf32>
    %reduce_sum3A_486 = arith.constant dense<0.000000e+00> : vector<64xf32>
    %reduce_sum3A_487 = vector.multi_reduction <add>, %convert_element_type3A_485, %reduce_sum3A_486 [0] : vector<128x64xf32> to vector<64xf32>
    %broadcast_in_dim3A_488 = vector.shape_cast %reduce_sum3A_487 : vector<64xf32> to vector<1x64xf32>
    %concatenate3A = tpu.concatenate %convert_element_type3A_21, %convert_element_type3A_51, %convert_element_type3A_82, %convert_element_type3A_113, %convert_element_type3A_144, %convert_element_type3A_175, %convert_element_type3A_206, %convert_element_type3A_237, %convert_element_type3A_268, %convert_element_type3A_299, %convert_element_type3A_330, %convert_element_type3A_361, %convert_element_type3A_392, %convert_element_type3A_423, %convert_element_type3A_454, %convert_element_type3A_485 in 1 : vector<128x64xf32>, vector<128x64xf32>, vector<128x64xf32>, vector<128x64xf32>, vector<128x64xf32>, vector<128x64xf32>, vector<128x64xf32>, vector<128x64xf32>, vector<128x64xf32>, vector<128x64xf32>, vector<128x64xf32>, vector<128x64xf32>, vector<128x64xf32>, vector<128x64xf32>, vector<128x64xf32>, vector<128x64xf32> -> vector<128x1024xf32>
    %dot_general3A = arith.constant dense<0.000000e+00> : vector<128x1024xf32>
    %dot_general3A_489 = tpu.matmul %convert_element_type3A_1, %concatenate3A, %dot_general3A {dimension_numbers = #tpu.dot_dimension_numbers<[1], [0], [0], [1], [0, 0, 1, 1], [], []>, transpose_lhs_hint = false} : vector<128x128xf32>, vector<128x1024xf32>, vector<128x1024xf32> -> vector<128x1024xf32>
    %slice3A_490 = vector.extract_strided_slice %dot_general3A_489 {offsets = [0, 0], sizes = [128, 64], strides = [1, 1]} : vector<128x1024xf32> to vector<128x64xf32>
    %mul3A = arith.mulf %slice3A_490, %convert_element_type3A_21 : vector<128x64xf32>
    %reduce_sum3A_491 = arith.constant dense<0.000000e+00> : vector<128xf32>
    %reduce_sum3A_492 = vector.multi_reduction <add>, %mul3A, %reduce_sum3A_491 [1] : vector<128x64xf32> to vector<128xf32>
    %slice3A_493 = vector.extract_strided_slice %dot_general3A_489 {offsets = [0, 64], sizes = [128, 64], strides = [1, 1]} : vector<128x1024xf32> to vector<128x64xf32>
    %mul3A_494 = arith.mulf %slice3A_493, %convert_element_type3A_51 : vector<128x64xf32>
    %reduce_sum3A_495 = arith.constant dense<0.000000e+00> : vector<128xf32>
    %reduce_sum3A_496 = vector.multi_reduction <add>, %mul3A_494, %reduce_sum3A_495 [1] : vector<128x64xf32> to vector<128xf32>
    %slice3A_497 = vector.extract_strided_slice %dot_general3A_489 {offsets = [0, 128], sizes = [128, 64], strides = [1, 1]} : vector<128x1024xf32> to vector<128x64xf32>
    %mul3A_498 = arith.mulf %slice3A_497, %convert_element_type3A_82 : vector<128x64xf32>
    %reduce_sum3A_499 = arith.constant dense<0.000000e+00> : vector<128xf32>
    %reduce_sum3A_500 = vector.multi_reduction <add>, %mul3A_498, %reduce_sum3A_499 [1] : vector<128x64xf32> to vector<128xf32>
    %slice3A_501 = vector.extract_strided_slice %dot_general3A_489 {offsets = [0, 192], sizes = [128, 64], strides = [1, 1]} : vector<128x1024xf32> to vector<128x64xf32>
    %mul3A_502 = arith.mulf %slice3A_501, %convert_element_type3A_113 : vector<128x64xf32>
    %reduce_sum3A_503 = arith.constant dense<0.000000e+00> : vector<128xf32>
    %reduce_sum3A_504 = vector.multi_reduction <add>, %mul3A_502, %reduce_sum3A_503 [1] : vector<128x64xf32> to vector<128xf32>
    %slice3A_505 = vector.extract_strided_slice %dot_general3A_489 {offsets = [0, 256], sizes = [128, 64], strides = [1, 1]} : vector<128x1024xf32> to vector<128x64xf32>
    %mul3A_506 = arith.mulf %slice3A_505, %convert_element_type3A_144 : vector<128x64xf32>
    %reduce_sum3A_507 = arith.constant dense<0.000000e+00> : vector<128xf32>
    %reduce_sum3A_508 = vector.multi_reduction <add>, %mul3A_506, %reduce_sum3A_507 [1] : vector<128x64xf32> to vector<128xf32>
    %slice3A_509 = vector.extract_strided_slice %dot_general3A_489 {offsets = [0, 320], sizes = [128, 64], strides = [1, 1]} : vector<128x1024xf32> to vector<128x64xf32>
    %mul3A_510 = arith.mulf %slice3A_509, %convert_element_type3A_175 : vector<128x64xf32>
    %reduce_sum3A_511 = arith.constant dense<0.000000e+00> : vector<128xf32>
    %reduce_sum3A_512 = vector.multi_reduction <add>, %mul3A_510, %reduce_sum3A_511 [1] : vector<128x64xf32> to vector<128xf32>
    %slice3A_513 = vector.extract_strided_slice %dot_general3A_489 {offsets = [0, 384], sizes = [128, 64], strides = [1, 1]} : vector<128x1024xf32> to vector<128x64xf32>
    %mul3A_514 = arith.mulf %slice3A_513, %convert_element_type3A_206 : vector<128x64xf32>
    %reduce_sum3A_515 = arith.constant dense<0.000000e+00> : vector<128xf32>
    %reduce_sum3A_516 = vector.multi_reduction <add>, %mul3A_514, %reduce_sum3A_515 [1] : vector<128x64xf32> to vector<128xf32>
    %slice3A_517 = vector.extract_strided_slice %dot_general3A_489 {offsets = [0, 448], sizes = [128, 64], strides = [1, 1]} : vector<128x1024xf32> to vector<128x64xf32>
    %mul3A_518 = arith.mulf %slice3A_517, %convert_element_type3A_237 : vector<128x64xf32>
    %reduce_sum3A_519 = arith.constant dense<0.000000e+00> : vector<128xf32>
    %reduce_sum3A_520 = vector.multi_reduction <add>, %mul3A_518, %reduce_sum3A_519 [1] : vector<128x64xf32> to vector<128xf32>
    %slice3A_521 = vector.extract_strided_slice %dot_general3A_489 {offsets = [0, 512], sizes = [128, 64], strides = [1, 1]} : vector<128x1024xf32> to vector<128x64xf32>
    %mul3A_522 = arith.mulf %slice3A_521, %convert_element_type3A_268 : vector<128x64xf32>
    %reduce_sum3A_523 = arith.constant dense<0.000000e+00> : vector<128xf32>
    %reduce_sum3A_524 = vector.multi_reduction <add>, %mul3A_522, %reduce_sum3A_523 [1] : vector<128x64xf32> to vector<128xf32>
    %slice3A_525 = vector.extract_strided_slice %dot_general3A_489 {offsets = [0, 576], sizes = [128, 64], strides = [1, 1]} : vector<128x1024xf32> to vector<128x64xf32>
    %mul3A_526 = arith.mulf %slice3A_525, %convert_element_type3A_299 : vector<128x64xf32>
    %reduce_sum3A_527 = arith.constant dense<0.000000e+00> : vector<128xf32>
    %reduce_sum3A_528 = vector.multi_reduction <add>, %mul3A_526, %reduce_sum3A_527 [1] : vector<128x64xf32> to vector<128xf32>
    %slice3A_529 = vector.extract_strided_slice %dot_general3A_489 {offsets = [0, 640], sizes = [128, 64], strides = [1, 1]} : vector<128x1024xf32> to vector<128x64xf32>
    %mul3A_530 = arith.mulf %slice3A_529, %convert_element_type3A_330 : vector<128x64xf32>
    %reduce_sum3A_531 = arith.constant dense<0.000000e+00> : vector<128xf32>
    %reduce_sum3A_532 = vector.multi_reduction <add>, %mul3A_530, %reduce_sum3A_531 [1] : vector<128x64xf32> to vector<128xf32>
    %slice3A_533 = vector.extract_strided_slice %dot_general3A_489 {offsets = [0, 704], sizes = [128, 64], strides = [1, 1]} : vector<128x1024xf32> to vector<128x64xf32>
    %mul3A_534 = arith.mulf %slice3A_533, %convert_element_type3A_361 : vector<128x64xf32>
    %reduce_sum3A_535 = arith.constant dense<0.000000e+00> : vector<128xf32>
    %reduce_sum3A_536 = vector.multi_reduction <add>, %mul3A_534, %reduce_sum3A_535 [1] : vector<128x64xf32> to vector<128xf32>
    %slice3A_537 = vector.extract_strided_slice %dot_general3A_489 {offsets = [0, 768], sizes = [128, 64], strides = [1, 1]} : vector<128x1024xf32> to vector<128x64xf32>
    %mul3A_538 = arith.mulf %slice3A_537, %convert_element_type3A_392 : vector<128x64xf32>
    %reduce_sum3A_539 = arith.constant dense<0.000000e+00> : vector<128xf32>
    %reduce_sum3A_540 = vector.multi_reduction <add>, %mul3A_538, %reduce_sum3A_539 [1] : vector<128x64xf32> to vector<128xf32>
    %slice3A_541 = vector.extract_strided_slice %dot_general3A_489 {offsets = [0, 832], sizes = [128, 64], strides = [1, 1]} : vector<128x1024xf32> to vector<128x64xf32>
    %mul3A_542 = arith.mulf %slice3A_541, %convert_element_type3A_423 : vector<128x64xf32>
    %reduce_sum3A_543 = arith.constant dense<0.000000e+00> : vector<128xf32>
    %reduce_sum3A_544 = vector.multi_reduction <add>, %mul3A_542, %reduce_sum3A_543 [1] : vector<128x64xf32> to vector<128xf32>
    %slice3A_545 = vector.extract_strided_slice %dot_general3A_489 {offsets = [0, 896], sizes = [128, 64], strides = [1, 1]} : vector<128x1024xf32> to vector<128x64xf32>
    %mul3A_546 = arith.mulf %slice3A_545, %convert_element_type3A_454 : vector<128x64xf32>
    %reduce_sum3A_547 = arith.constant dense<0.000000e+00> : vector<128xf32>
    %reduce_sum3A_548 = vector.multi_reduction <add>, %mul3A_546, %reduce_sum3A_547 [1] : vector<128x64xf32> to vector<128xf32>
    %slice3A_549 = vector.extract_strided_slice %dot_general3A_489 {offsets = [0, 960], sizes = [128, 64], strides = [1, 1]} : vector<128x1024xf32> to vector<128x64xf32>
    %mul3A_550 = arith.mulf %slice3A_549, %convert_element_type3A_485 : vector<128x64xf32>
    %reduce_sum3A_551 = arith.constant dense<0.000000e+00> : vector<128xf32>
    %reduce_sum3A_552 = vector.multi_reduction <add>, %mul3A_550, %reduce_sum3A_551 [1] : vector<128x64xf32> to vector<128xf32>
    %concatenate3A_553 = tpu.concatenate %broadcast_in_dim3A_23, %broadcast_in_dim3A_54, %broadcast_in_dim3A_85, %broadcast_in_dim3A_116, %broadcast_in_dim3A_147, %broadcast_in_dim3A_178, %broadcast_in_dim3A_209, %broadcast_in_dim3A_240, %broadcast_in_dim3A_271, %broadcast_in_dim3A_302, %broadcast_in_dim3A_333, %broadcast_in_dim3A_364, %broadcast_in_dim3A_395, %broadcast_in_dim3A_426, %broadcast_in_dim3A_457, %broadcast_in_dim3A_488 in 0 : vector<1x64xf32>, vector<1x64xf32>, vector<1x64xf32>, vector<1x64xf32>, vector<1x64xf32>, vector<1x64xf32>, vector<1x64xf32>, vector<1x64xf32>, vector<1x64xf32>, vector<1x64xf32>, vector<1x64xf32>, vector<1x64xf32>, vector<1x64xf32>, vector<1x64xf32>, vector<1x64xf32>, vector<1x64xf32> -> vector<16x64xf32>
    %iota3A_554 = tpu.iota {dimensions = array<i32: 0>} : vector<16x16xi32>
    %iota3A_555 = tpu.iota {dimensions = array<i32: 1>} : vector<16x16xi32>
    %gt3A_556 = arith.cmpi sgt, %iota3A_554, %iota3A_555 : vector<16x16xi32>
    %convert_element_type3A_557 = arith.extui %gt3A_556 : vector<16x16xi1> to vector<16x16xi32>
    %convert_element_type3A_558 = arith.sitofp %convert_element_type3A_557 : vector<16x16xi32> to vector<16x16xf32>
    %dot_general3A_559 = arith.constant dense<0.000000e+00> : vector<16x64xf32>
    %dot_general3A_560 = tpu.matmul %convert_element_type3A_558, %concatenate3A_553, %dot_general3A_559 {dimension_numbers = #tpu.dot_dimension_numbers<[1], [0], [0], [1], [0, 0, 1, 1], [], []>, transpose_lhs_hint = false} : vector<16x16xf32>, vector<16x64xf32>, vector<16x64xf32> -> vector<16x64xf32>
    %slice3A_561 = vector.extract_strided_slice %dot_general3A_560 {offsets = [0, 0], sizes = [1, 64], strides = [1, 1]} : vector<16x64xf32> to vector<1x64xf32>
    %mul3A_562 = vector.broadcast %slice3A_561 : vector<1x64xf32> to vector<128x64xf32>
    %mul3A_563 = arith.mulf %convert_element_type3A_21, %mul3A_562 : vector<128x64xf32>
    %reduce_sum3A_564 = arith.constant dense<0.000000e+00> : vector<128xf32>
    %reduce_sum3A_565 = vector.multi_reduction <add>, %mul3A_563, %reduce_sum3A_564 [1] : vector<128x64xf32> to vector<128xf32>
    %add3A = arith.addf %reduce_sum3A_492, %reduce_sum3A_565 : vector<128xf32>
    %slice3A_566 = vector.extract_strided_slice %dot_general3A_560 {offsets = [1, 0], sizes = [1, 64], strides = [1, 1]} : vector<16x64xf32> to vector<1x64xf32>
    %mul3A_567 = vector.broadcast %slice3A_566 : vector<1x64xf32> to vector<128x64xf32>
    %mul3A_568 = arith.mulf %convert_element_type3A_51, %mul3A_567 : vector<128x64xf32>
    %reduce_sum3A_569 = arith.constant dense<0.000000e+00> : vector<128xf32>
    %reduce_sum3A_570 = vector.multi_reduction <add>, %mul3A_568, %reduce_sum3A_569 [1] : vector<128x64xf32> to vector<128xf32>
    %add3A_571 = arith.addf %reduce_sum3A_496, %reduce_sum3A_570 : vector<128xf32>
    %slice3A_572 = vector.extract_strided_slice %dot_general3A_560 {offsets = [2, 0], sizes = [1, 64], strides = [1, 1]} : vector<16x64xf32> to vector<1x64xf32>
    %mul3A_573 = vector.broadcast %slice3A_572 : vector<1x64xf32> to vector<128x64xf32>
    %mul3A_574 = arith.mulf %convert_element_type3A_82, %mul3A_573 : vector<128x64xf32>
    %reduce_sum3A_575 = arith.constant dense<0.000000e+00> : vector<128xf32>
    %reduce_sum3A_576 = vector.multi_reduction <add>, %mul3A_574, %reduce_sum3A_575 [1] : vector<128x64xf32> to vector<128xf32>
    %add3A_577 = arith.addf %reduce_sum3A_500, %reduce_sum3A_576 : vector<128xf32>
    %slice3A_578 = vector.extract_strided_slice %dot_general3A_560 {offsets = [3, 0], sizes = [1, 64], strides = [1, 1]} : vector<16x64xf32> to vector<1x64xf32>
    %mul3A_579 = vector.broadcast %slice3A_578 : vector<1x64xf32> to vector<128x64xf32>
    %mul3A_580 = arith.mulf %convert_element_type3A_113, %mul3A_579 : vector<128x64xf32>
    %reduce_sum3A_581 = arith.constant dense<0.000000e+00> : vector<128xf32>
    %reduce_sum3A_582 = vector.multi_reduction <add>, %mul3A_580, %reduce_sum3A_581 [1] : vector<128x64xf32> to vector<128xf32>
    %add3A_583 = arith.addf %reduce_sum3A_504, %reduce_sum3A_582 : vector<128xf32>
    %slice3A_584 = vector.extract_strided_slice %dot_general3A_560 {offsets = [4, 0], sizes = [1, 64], strides = [1, 1]} : vector<16x64xf32> to vector<1x64xf32>
    %mul3A_585 = vector.broadcast %slice3A_584 : vector<1x64xf32> to vector<128x64xf32>
    %mul3A_586 = arith.mulf %convert_element_type3A_144, %mul3A_585 : vector<128x64xf32>
    %reduce_sum3A_587 = arith.constant dense<0.000000e+00> : vector<128xf32>
    %reduce_sum3A_588 = vector.multi_reduction <add>, %mul3A_586, %reduce_sum3A_587 [1] : vector<128x64xf32> to vector<128xf32>
    %add3A_589 = arith.addf %reduce_sum3A_508, %reduce_sum3A_588 : vector<128xf32>
    %slice3A_590 = vector.extract_strided_slice %dot_general3A_560 {offsets = [5, 0], sizes = [1, 64], strides = [1, 1]} : vector<16x64xf32> to vector<1x64xf32>
    %mul3A_591 = vector.broadcast %slice3A_590 : vector<1x64xf32> to vector<128x64xf32>
    %mul3A_592 = arith.mulf %convert_element_type3A_175, %mul3A_591 : vector<128x64xf32>
    %reduce_sum3A_593 = arith.constant dense<0.000000e+00> : vector<128xf32>
    %reduce_sum3A_594 = vector.multi_reduction <add>, %mul3A_592, %reduce_sum3A_593 [1] : vector<128x64xf32> to vector<128xf32>
    %add3A_595 = arith.addf %reduce_sum3A_512, %reduce_sum3A_594 : vector<128xf32>
    %slice3A_596 = vector.extract_strided_slice %dot_general3A_560 {offsets = [6, 0], sizes = [1, 64], strides = [1, 1]} : vector<16x64xf32> to vector<1x64xf32>
    %mul3A_597 = vector.broadcast %slice3A_596 : vector<1x64xf32> to vector<128x64xf32>
    %mul3A_598 = arith.mulf %convert_element_type3A_206, %mul3A_597 : vector<128x64xf32>
    %reduce_sum3A_599 = arith.constant dense<0.000000e+00> : vector<128xf32>
    %reduce_sum3A_600 = vector.multi_reduction <add>, %mul3A_598, %reduce_sum3A_599 [1] : vector<128x64xf32> to vector<128xf32>
    %add3A_601 = arith.addf %reduce_sum3A_516, %reduce_sum3A_600 : vector<128xf32>
    %slice3A_602 = vector.extract_strided_slice %dot_general3A_560 {offsets = [7, 0], sizes = [1, 64], strides = [1, 1]} : vector<16x64xf32> to vector<1x64xf32>
    %mul3A_603 = vector.broadcast %slice3A_602 : vector<1x64xf32> to vector<128x64xf32>
    %mul3A_604 = arith.mulf %convert_element_type3A_237, %mul3A_603 : vector<128x64xf32>
    %reduce_sum3A_605 = arith.constant dense<0.000000e+00> : vector<128xf32>
    %reduce_sum3A_606 = vector.multi_reduction <add>, %mul3A_604, %reduce_sum3A_605 [1] : vector<128x64xf32> to vector<128xf32>
    %add3A_607 = arith.addf %reduce_sum3A_520, %reduce_sum3A_606 : vector<128xf32>
    %slice3A_608 = vector.extract_strided_slice %dot_general3A_560 {offsets = [8, 0], sizes = [1, 64], strides = [1, 1]} : vector<16x64xf32> to vector<1x64xf32>
    %mul3A_609 = vector.broadcast %slice3A_608 : vector<1x64xf32> to vector<128x64xf32>
    %mul3A_610 = arith.mulf %convert_element_type3A_268, %mul3A_609 : vector<128x64xf32>
    %reduce_sum3A_611 = arith.constant dense<0.000000e+00> : vector<128xf32>
    %reduce_sum3A_612 = vector.multi_reduction <add>, %mul3A_610, %reduce_sum3A_611 [1] : vector<128x64xf32> to vector<128xf32>
    %add3A_613 = arith.addf %reduce_sum3A_524, %reduce_sum3A_612 : vector<128xf32>
    %slice3A_614 = vector.extract_strided_slice %dot_general3A_560 {offsets = [9, 0], sizes = [1, 64], strides = [1, 1]} : vector<16x64xf32> to vector<1x64xf32>
    %mul3A_615 = vector.broadcast %slice3A_614 : vector<1x64xf32> to vector<128x64xf32>
    %mul3A_616 = arith.mulf %convert_element_type3A_299, %mul3A_615 : vector<128x64xf32>
    %reduce_sum3A_617 = arith.constant dense<0.000000e+00> : vector<128xf32>
    %reduce_sum3A_618 = vector.multi_reduction <add>, %mul3A_616, %reduce_sum3A_617 [1] : vector<128x64xf32> to vector<128xf32>
    %add3A_619 = arith.addf %reduce_sum3A_528, %reduce_sum3A_618 : vector<128xf32>
    %slice3A_620 = vector.extract_strided_slice %dot_general3A_560 {offsets = [10, 0], sizes = [1, 64], strides = [1, 1]} : vector<16x64xf32> to vector<1x64xf32>
    %mul3A_621 = vector.broadcast %slice3A_620 : vector<1x64xf32> to vector<128x64xf32>
    %mul3A_622 = arith.mulf %convert_element_type3A_330, %mul3A_621 : vector<128x64xf32>
    %reduce_sum3A_623 = arith.constant dense<0.000000e+00> : vector<128xf32>
    %reduce_sum3A_624 = vector.multi_reduction <add>, %mul3A_622, %reduce_sum3A_623 [1] : vector<128x64xf32> to vector<128xf32>
    %add3A_625 = arith.addf %reduce_sum3A_532, %reduce_sum3A_624 : vector<128xf32>
    %slice3A_626 = vector.extract_strided_slice %dot_general3A_560 {offsets = [11, 0], sizes = [1, 64], strides = [1, 1]} : vector<16x64xf32> to vector<1x64xf32>
    %mul3A_627 = vector.broadcast %slice3A_626 : vector<1x64xf32> to vector<128x64xf32>
    %mul3A_628 = arith.mulf %convert_element_type3A_361, %mul3A_627 : vector<128x64xf32>
    %reduce_sum3A_629 = arith.constant dense<0.000000e+00> : vector<128xf32>
    %reduce_sum3A_630 = vector.multi_reduction <add>, %mul3A_628, %reduce_sum3A_629 [1] : vector<128x64xf32> to vector<128xf32>
    %add3A_631 = arith.addf %reduce_sum3A_536, %reduce_sum3A_630 : vector<128xf32>
    %slice3A_632 = vector.extract_strided_slice %dot_general3A_560 {offsets = [12, 0], sizes = [1, 64], strides = [1, 1]} : vector<16x64xf32> to vector<1x64xf32>
    %mul3A_633 = vector.broadcast %slice3A_632 : vector<1x64xf32> to vector<128x64xf32>
    %mul3A_634 = arith.mulf %convert_element_type3A_392, %mul3A_633 : vector<128x64xf32>
    %reduce_sum3A_635 = arith.constant dense<0.000000e+00> : vector<128xf32>
    %reduce_sum3A_636 = vector.multi_reduction <add>, %mul3A_634, %reduce_sum3A_635 [1] : vector<128x64xf32> to vector<128xf32>
    %add3A_637 = arith.addf %reduce_sum3A_540, %reduce_sum3A_636 : vector<128xf32>
    %slice3A_638 = vector.extract_strided_slice %dot_general3A_560 {offsets = [13, 0], sizes = [1, 64], strides = [1, 1]} : vector<16x64xf32> to vector<1x64xf32>
    %mul3A_639 = vector.broadcast %slice3A_638 : vector<1x64xf32> to vector<128x64xf32>
    %mul3A_640 = arith.mulf %convert_element_type3A_423, %mul3A_639 : vector<128x64xf32>
    %reduce_sum3A_641 = arith.constant dense<0.000000e+00> : vector<128xf32>
    %reduce_sum3A_642 = vector.multi_reduction <add>, %mul3A_640, %reduce_sum3A_641 [1] : vector<128x64xf32> to vector<128xf32>
    %add3A_643 = arith.addf %reduce_sum3A_544, %reduce_sum3A_642 : vector<128xf32>
    %slice3A_644 = vector.extract_strided_slice %dot_general3A_560 {offsets = [14, 0], sizes = [1, 64], strides = [1, 1]} : vector<16x64xf32> to vector<1x64xf32>
    %mul3A_645 = vector.broadcast %slice3A_644 : vector<1x64xf32> to vector<128x64xf32>
    %mul3A_646 = arith.mulf %convert_element_type3A_454, %mul3A_645 : vector<128x64xf32>
    %reduce_sum3A_647 = arith.constant dense<0.000000e+00> : vector<128xf32>
    %reduce_sum3A_648 = vector.multi_reduction <add>, %mul3A_646, %reduce_sum3A_647 [1] : vector<128x64xf32> to vector<128xf32>
    %add3A_649 = arith.addf %reduce_sum3A_548, %reduce_sum3A_648 : vector<128xf32>
    %slice3A_650 = vector.extract_strided_slice %dot_general3A_560 {offsets = [15, 0], sizes = [1, 64], strides = [1, 1]} : vector<16x64xf32> to vector<1x64xf32>
    %mul3A_651 = vector.broadcast %slice3A_650 : vector<1x64xf32> to vector<128x64xf32>
    %mul3A_652 = arith.mulf %convert_element_type3A_485, %mul3A_651 : vector<128x64xf32>
    %reduce_sum3A_653 = arith.constant dense<0.000000e+00> : vector<128xf32>
    %reduce_sum3A_654 = vector.multi_reduction <add>, %mul3A_652, %reduce_sum3A_653 [1] : vector<128x64xf32> to vector<128xf32>
    %add3A_655 = arith.addf %reduce_sum3A_552, %reduce_sum3A_654 : vector<128xf32>
    %reduce_sum3A_656 = arith.constant dense<0.000000e+00> : vector<64xf32>
    %reduce_sum3A_657 = vector.multi_reduction <add>, %concatenate3A_553, %reduce_sum3A_656 [0] : vector<16x64xf32> to vector<64xf32>
    %add3A_658 = arith.constant 1.270000e+02 : f32
    %add3A_659 = vector.broadcast %add3A_658 : f32 to vector<64xf32>
    %add3A_660 = arith.addf %reduce_sum3A_657, %add3A_659 : vector<64xf32>
    %mul3A_661 = arith.constant 7.812500e-03 : f32
    %mul3A_662 = vector.broadcast %mul3A_661 : f32 to vector<64xf32>
    %mul3A_663 = arith.mulf %add3A_660, %mul3A_662 : vector<64xf32>
    %floor3A = math.floor %mul3A_663 : vector<64xf32>
    %iota3A_664 = tpu.iota {dimensions = array<i32: 0>} : vector<64x64xi32>
    %iota3A_665 = tpu.iota {dimensions = array<i32: 1>} : vector<64x64xi32>
    %gt3A_666 = arith.cmpi sgt, %iota3A_664, %iota3A_665 : vector<64x64xi32>
    %convert_element_type3A_667 = arith.extui %gt3A_666 : vector<64x64xi1> to vector<64x64xi32>
    %convert_element_type3A_668 = arith.sitofp %convert_element_type3A_667 : vector<64x64xi32> to vector<64x64xf32>
    %dot_general3A_669 = arith.constant dense<0.000000e+00> : vector<64xf32>
    %dot_general3A_670 = tpu.matmul %convert_element_type3A_668, %floor3A, %dot_general3A_669 {dimension_numbers = #tpu.dot_dimension_numbers<[1], [0], [0], [], [0, 0], [], []>, transpose_lhs_hint = false} : vector<64x64xf32>, vector<64xf32>, vector<64xf32> -> vector<64xf32>
    %mul3A_671 = arith.constant 1.280000e+02 : f32
    %mul3A_672 = vector.broadcast %mul3A_671 : f32 to vector<64xf32>
    %mul3A_673 = arith.mulf %dot_general3A_670, %mul3A_672 : vector<64xf32>
    %broadcast_in_dim3A_674 = vector.shape_cast %mul3A_673 : vector<64xf32> to vector<1x64xf32>
    %mul3A_675 = vector.broadcast %broadcast_in_dim3A_674 : vector<1x64xf32> to vector<128x64xf32>
    %mul3A_676 = arith.mulf %convert_element_type3A_21, %mul3A_675 : vector<128x64xf32>
    %reduce_sum3A_677 = arith.constant dense<0.000000e+00> : vector<128xf32>
    %reduce_sum3A_678 = vector.multi_reduction <add>, %mul3A_676, %reduce_sum3A_677 [1] : vector<128x64xf32> to vector<128xf32>
    %add3A_679 = arith.addf %reduce_sum3A_678, %add3A : vector<128xf32>
    %convert_element_type3A_680 = arith.fptosi %add3A_679 : vector<128xf32> to vector<128xi32>
    %broadcast_in_dim3A_681 = vector.shape_cast %convert_element_type3A_680 : vector<128xi32> to vector<1x128xi32>
    %swap3A_682 = arith.constant 0 : index
    %swap3A_683 = arith.constant 0 : index
    %swap3A_684 = vector.load %arg1[%swap3A_682, %swap3A_683] : memref<16x128xi32, #tpu.memory_space<vmem>>, vector<1x128xi32>
    tpu.vector_store %arg1[%swap3A_682, %swap3A_683], %broadcast_in_dim3A_681 {strides = array<i32>} : memref<16x128xi32, #tpu.memory_space<vmem>>, vector<1x128xi32>,
    %broadcast_in_dim3A_685 = vector.shape_cast %mul3A_673 : vector<64xf32> to vector<1x64xf32>
    %mul3A_686 = vector.broadcast %broadcast_in_dim3A_685 : vector<1x64xf32> to vector<128x64xf32>
    %mul3A_687 = arith.mulf %convert_element_type3A_51, %mul3A_686 : vector<128x64xf32>
    %reduce_sum3A_688 = arith.constant dense<0.000000e+00> : vector<128xf32>
    %reduce_sum3A_689 = vector.multi_reduction <add>, %mul3A_687, %reduce_sum3A_688 [1] : vector<128x64xf32> to vector<128xf32>
    %add3A_690 = arith.addf %reduce_sum3A_689, %add3A_571 : vector<128xf32>
    %convert_element_type3A_691 = arith.fptosi %add3A_690 : vector<128xf32> to vector<128xi32>
    %broadcast_in_dim3A_692 = vector.shape_cast %convert_element_type3A_691 : vector<128xi32> to vector<1x128xi32>
    %swap3A_693 = arith.constant 1 : index
    %swap3A_694 = arith.constant 0 : index
    %swap3A_695 = vector.load %arg1[%swap3A_693, %swap3A_694] : memref<16x128xi32, #tpu.memory_space<vmem>>, vector<1x128xi32>
    tpu.vector_store %arg1[%swap3A_693, %swap3A_694], %broadcast_in_dim3A_692 {strides = array<i32>} : memref<16x128xi32, #tpu.memory_space<vmem>>, vector<1x128xi32>,
    %broadcast_in_dim3A_696 = vector.shape_cast %mul3A_673 : vector<64xf32> to vector<1x64xf32>
    %mul3A_697 = vector.broadcast %broadcast_in_dim3A_696 : vector<1x64xf32> to vector<128x64xf32>
    %mul3A_698 = arith.mulf %convert_element_type3A_82, %mul3A_697 : vector<128x64xf32>
    %reduce_sum3A_699 = arith.constant dense<0.000000e+00> : vector<128xf32>
    %reduce_sum3A_700 = vector.multi_reduction <add>, %mul3A_698, %reduce_sum3A_699 [1] : vector<128x64xf32> to vector<128xf32>
    %add3A_701 = arith.addf %reduce_sum3A_700, %add3A_577 : vector<128xf32>
    %convert_element_type3A_702 = arith.fptosi %add3A_701 : vector<128xf32> to vector<128xi32>
    %broadcast_in_dim3A_703 = vector.shape_cast %convert_element_type3A_702 : vector<128xi32> to vector<1x128xi32>
    %swap3A_704 = arith.constant 2 : index
    %swap3A_705 = arith.constant 0 : index
    %swap3A_706 = vector.load %arg1[%swap3A_704, %swap3A_705] : memref<16x128xi32, #tpu.memory_space<vmem>>, vector<1x128xi32>
    tpu.vector_store %arg1[%swap3A_704, %swap3A_705], %broadcast_in_dim3A_703 {strides = array<i32>} : memref<16x128xi32, #tpu.memory_space<vmem>>, vector<1x128xi32>,
    %broadcast_in_dim3A_707 = vector.shape_cast %mul3A_673 : vector<64xf32> to vector<1x64xf32>
    %mul3A_708 = vector.broadcast %broadcast_in_dim3A_707 : vector<1x64xf32> to vector<128x64xf32>
    %mul3A_709 = arith.mulf %convert_element_type3A_113, %mul3A_708 : vector<128x64xf32>
    %reduce_sum3A_710 = arith.constant dense<0.000000e+00> : vector<128xf32>
    %reduce_sum3A_711 = vector.multi_reduction <add>, %mul3A_709, %reduce_sum3A_710 [1] : vector<128x64xf32> to vector<128xf32>
    %add3A_712 = arith.addf %reduce_sum3A_711, %add3A_583 : vector<128xf32>
    %convert_element_type3A_713 = arith.fptosi %add3A_712 : vector<128xf32> to vector<128xi32>
    %broadcast_in_dim3A_714 = vector.shape_cast %convert_element_type3A_713 : vector<128xi32> to vector<1x128xi32>
    %swap3A_715 = arith.constant 3 : index
    %swap3A_716 = arith.constant 0 : index
    %swap3A_717 = vector.load %arg1[%swap3A_715, %swap3A_716] : memref<16x128xi32, #tpu.memory_space<vmem>>, vector<1x128xi32>
    tpu.vector_store %arg1[%swap3A_715, %swap3A_716], %broadcast_in_dim3A_714 {strides = array<i32>} : memref<16x128xi32, #tpu.memory_space<vmem>>, vector<1x128xi32>,
    %broadcast_in_dim3A_718 = vector.shape_cast %mul3A_673 : vector<64xf32> to vector<1x64xf32>
    %mul3A_719 = vector.broadcast %broadcast_in_dim3A_718 : vector<1x64xf32> to vector<128x64xf32>
    %mul3A_720 = arith.mulf %convert_element_type3A_144, %mul3A_719 : vector<128x64xf32>
    %reduce_sum3A_721 = arith.constant dense<0.000000e+00> : vector<128xf32>
    %reduce_sum3A_722 = vector.multi_reduction <add>, %mul3A_720, %reduce_sum3A_721 [1] : vector<128x64xf32> to vector<128xf32>
    %add3A_723 = arith.addf %reduce_sum3A_722, %add3A_589 : vector<128xf32>
    %convert_element_type3A_724 = arith.fptosi %add3A_723 : vector<128xf32> to vector<128xi32>
    %broadcast_in_dim3A_725 = vector.shape_cast %convert_element_type3A_724 : vector<128xi32> to vector<1x128xi32>
    %swap3A_726 = arith.constant 4 : index
    %swap3A_727 = arith.constant 0 : index
    %swap3A_728 = vector.load %arg1[%swap3A_726, %swap3A_727] : memref<16x128xi32, #tpu.memory_space<vmem>>, vector<1x128xi32>
    tpu.vector_store %arg1[%swap3A_726, %swap3A_727], %broadcast_in_dim3A_725 {strides = array<i32>} : memref<16x128xi32, #tpu.memory_space<vmem>>, vector<1x128xi32>,
    %broadcast_in_dim3A_729 = vector.shape_cast %mul3A_673 : vector<64xf32> to vector<1x64xf32>
    %mul3A_730 = vector.broadcast %broadcast_in_dim3A_729 : vector<1x64xf32> to vector<128x64xf32>
    %mul3A_731 = arith.mulf %convert_element_type3A_175, %mul3A_730 : vector<128x64xf32>
    %reduce_sum3A_732 = arith.constant dense<0.000000e+00> : vector<128xf32>
    %reduce_sum3A_733 = vector.multi_reduction <add>, %mul3A_731, %reduce_sum3A_732 [1] : vector<128x64xf32> to vector<128xf32>
    %add3A_734 = arith.addf %reduce_sum3A_733, %add3A_595 : vector<128xf32>
    %convert_element_type3A_735 = arith.fptosi %add3A_734 : vector<128xf32> to vector<128xi32>
    %broadcast_in_dim3A_736 = vector.shape_cast %convert_element_type3A_735 : vector<128xi32> to vector<1x128xi32>
    %swap3A_737 = arith.constant 5 : index
    %swap3A_738 = arith.constant 0 : index
    %swap3A_739 = vector.load %arg1[%swap3A_737, %swap3A_738] : memref<16x128xi32, #tpu.memory_space<vmem>>, vector<1x128xi32>
    tpu.vector_store %arg1[%swap3A_737, %swap3A_738], %broadcast_in_dim3A_736 {strides = array<i32>} : memref<16x128xi32, #tpu.memory_space<vmem>>, vector<1x128xi32>,
    %broadcast_in_dim3A_740 = vector.shape_cast %mul3A_673 : vector<64xf32> to vector<1x64xf32>
    %mul3A_741 = vector.broadcast %broadcast_in_dim3A_740 : vector<1x64xf32> to vector<128x64xf32>
    %mul3A_742 = arith.mulf %convert_element_type3A_206, %mul3A_741 : vector<128x64xf32>
    %reduce_sum3A_743 = arith.constant dense<0.000000e+00> : vector<128xf32>
    %reduce_sum3A_744 = vector.multi_reduction <add>, %mul3A_742, %reduce_sum3A_743 [1] : vector<128x64xf32> to vector<128xf32>
    %add3A_745 = arith.addf %reduce_sum3A_744, %add3A_601 : vector<128xf32>
    %convert_element_type3A_746 = arith.fptosi %add3A_745 : vector<128xf32> to vector<128xi32>
    %broadcast_in_dim3A_747 = vector.shape_cast %convert_element_type3A_746 : vector<128xi32> to vector<1x128xi32>
    %swap3A_748 = arith.constant 6 : index
    %swap3A_749 = arith.constant 0 : index
    %swap3A_750 = vector.load %arg1[%swap3A_748, %swap3A_749] : memref<16x128xi32, #tpu.memory_space<vmem>>, vector<1x128xi32>
    tpu.vector_store %arg1[%swap3A_748, %swap3A_749], %broadcast_in_dim3A_747 {strides = array<i32>} : memref<16x128xi32, #tpu.memory_space<vmem>>, vector<1x128xi32>,
    %broadcast_in_dim3A_751 = vector.shape_cast %mul3A_673 : vector<64xf32> to vector<1x64xf32>
    %mul3A_752 = vector.broadcast %broadcast_in_dim3A_751 : vector<1x64xf32> to vector<128x64xf32>
    %mul3A_753 = arith.mulf %convert_element_type3A_237, %mul3A_752 : vector<128x64xf32>
    %reduce_sum3A_754 = arith.constant dense<0.000000e+00> : vector<128xf32>
    %reduce_sum3A_755 = vector.multi_reduction <add>, %mul3A_753, %reduce_sum3A_754 [1] : vector<128x64xf32> to vector<128xf32>
    %add3A_756 = arith.addf %reduce_sum3A_755, %add3A_607 : vector<128xf32>
    %convert_element_type3A_757 = arith.fptosi %add3A_756 : vector<128xf32> to vector<128xi32>
    %broadcast_in_dim3A_758 = vector.shape_cast %convert_element_type3A_757 : vector<128xi32> to vector<1x128xi32>
    %swap3A_759 = arith.constant 7 : index
    %swap3A_760 = arith.constant 0 : index
    %swap3A_761 = vector.load %arg1[%swap3A_759, %swap3A_760] : memref<16x128xi32, #tpu.memory_space<vmem>>, vector<1x128xi32>
    tpu.vector_store %arg1[%swap3A_759, %swap3A_760], %broadcast_in_dim3A_758 {strides = array<i32>} : memref<16x128xi32, #tpu.memory_space<vmem>>, vector<1x128xi32>,
    %broadcast_in_dim3A_762 = vector.shape_cast %mul3A_673 : vector<64xf32> to vector<1x64xf32>
    %mul3A_763 = vector.broadcast %broadcast_in_dim3A_762 : vector<1x64xf32> to vector<128x64xf32>
    %mul3A_764 = arith.mulf %convert_element_type3A_268, %mul3A_763 : vector<128x64xf32>
    %reduce_sum3A_765 = arith.constant dense<0.000000e+00> : vector<128xf32>
    %reduce_sum3A_766 = vector.multi_reduction <add>, %mul3A_764, %reduce_sum3A_765 [1] : vector<128x64xf32> to vector<128xf32>
    %add3A_767 = arith.addf %reduce_sum3A_766, %add3A_613 : vector<128xf32>
    %convert_element_type3A_768 = arith.fptosi %add3A_767 : vector<128xf32> to vector<128xi32>
    %broadcast_in_dim3A_769 = vector.shape_cast %convert_element_type3A_768 : vector<128xi32> to vector<1x128xi32>
    %swap3A_770 = arith.constant 8 : index
    %swap3A_771 = arith.constant 0 : index
    %swap3A_772 = vector.load %arg1[%swap3A_770, %swap3A_771] : memref<16x128xi32, #tpu.memory_space<vmem>>, vector<1x128xi32>
    tpu.vector_store %arg1[%swap3A_770, %swap3A_771], %broadcast_in_dim3A_769 {strides = array<i32>} : memref<16x128xi32, #tpu.memory_space<vmem>>, vector<1x128xi32>,
    %broadcast_in_dim3A_773 = vector.shape_cast %mul3A_673 : vector<64xf32> to vector<1x64xf32>
    %mul3A_774 = vector.broadcast %broadcast_in_dim3A_773 : vector<1x64xf32> to vector<128x64xf32>
    %mul3A_775 = arith.mulf %convert_element_type3A_299, %mul3A_774 : vector<128x64xf32>
    %reduce_sum3A_776 = arith.constant dense<0.000000e+00> : vector<128xf32>
    %reduce_sum3A_777 = vector.multi_reduction <add>, %mul3A_775, %reduce_sum3A_776 [1] : vector<128x64xf32> to vector<128xf32>
    %add3A_778 = arith.addf %reduce_sum3A_777, %add3A_619 : vector<128xf32>
    %convert_element_type3A_779 = arith.fptosi %add3A_778 : vector<128xf32> to vector<128xi32>
    %broadcast_in_dim3A_780 = vector.shape_cast %convert_element_type3A_779 : vector<128xi32> to vector<1x128xi32>
    %swap3A_781 = arith.constant 9 : index
    %swap3A_782 = arith.constant 0 : index
    %swap3A_783 = vector.load %arg1[%swap3A_781, %swap3A_782] : memref<16x128xi32, #tpu.memory_space<vmem>>, vector<1x128xi32>
    tpu.vector_store %arg1[%swap3A_781, %swap3A_782], %broadcast_in_dim3A_780 {strides = array<i32>} : memref<16x128xi32, #tpu.memory_space<vmem>>, vector<1x128xi32>,
    %broadcast_in_dim3A_784 = vector.shape_cast %mul3A_673 : vector<64xf32> to vector<1x64xf32>
    %mul3A_785 = vector.broadcast %broadcast_in_dim3A_784 : vector<1x64xf32> to vector<128x64xf32>
    %mul3A_786 = arith.mulf %convert_element_type3A_330, %mul3A_785 : vector<128x64xf32>
    %reduce_sum3A_787 = arith.constant dense<0.000000e+00> : vector<128xf32>
    %reduce_sum3A_788 = vector.multi_reduction <add>, %mul3A_786, %reduce_sum3A_787 [1] : vector<128x64xf32> to vector<128xf32>
    %add3A_789 = arith.addf %reduce_sum3A_788, %add3A_625 : vector<128xf32>
    %convert_element_type3A_790 = arith.fptosi %add3A_789 : vector<128xf32> to vector<128xi32>
    %broadcast_in_dim3A_791 = vector.shape_cast %convert_element_type3A_790 : vector<128xi32> to vector<1x128xi32>
    %swap3A_792 = arith.constant 10 : index
    %swap3A_793 = arith.constant 0 : index
    %swap3A_794 = vector.load %arg1[%swap3A_792, %swap3A_793] : memref<16x128xi32, #tpu.memory_space<vmem>>, vector<1x128xi32>
    tpu.vector_store %arg1[%swap3A_792, %swap3A_793], %broadcast_in_dim3A_791 {strides = array<i32>} : memref<16x128xi32, #tpu.memory_space<vmem>>, vector<1x128xi32>,
    %broadcast_in_dim3A_795 = vector.shape_cast %mul3A_673 : vector<64xf32> to vector<1x64xf32>
    %mul3A_796 = vector.broadcast %broadcast_in_dim3A_795 : vector<1x64xf32> to vector<128x64xf32>
    %mul3A_797 = arith.mulf %convert_element_type3A_361, %mul3A_796 : vector<128x64xf32>
    %reduce_sum3A_798 = arith.constant dense<0.000000e+00> : vector<128xf32>
    %reduce_sum3A_799 = vector.multi_reduction <add>, %mul3A_797, %reduce_sum3A_798 [1] : vector<128x64xf32> to vector<128xf32>
    %add3A_800 = arith.addf %reduce_sum3A_799, %add3A_631 : vector<128xf32>
    %convert_element_type3A_801 = arith.fptosi %add3A_800 : vector<128xf32> to vector<128xi32>
    %broadcast_in_dim3A_802 = vector.shape_cast %convert_element_type3A_801 : vector<128xi32> to vector<1x128xi32>
    %swap3A_803 = arith.constant 11 : index
    %swap3A_804 = arith.constant 0 : index
    %swap3A_805 = vector.load %arg1[%swap3A_803, %swap3A_804] : memref<16x128xi32, #tpu.memory_space<vmem>>, vector<1x128xi32>
    tpu.vector_store %arg1[%swap3A_803, %swap3A_804], %broadcast_in_dim3A_802 {strides = array<i32>} : memref<16x128xi32, #tpu.memory_space<vmem>>, vector<1x128xi32>,
    %broadcast_in_dim3A_806 = vector.shape_cast %mul3A_673 : vector<64xf32> to vector<1x64xf32>
    %mul3A_807 = vector.broadcast %broadcast_in_dim3A_806 : vector<1x64xf32> to vector<128x64xf32>
    %mul3A_808 = arith.mulf %convert_element_type3A_392, %mul3A_807 : vector<128x64xf32>
    %reduce_sum3A_809 = arith.constant dense<0.000000e+00> : vector<128xf32>
    %reduce_sum3A_810 = vector.multi_reduction <add>, %mul3A_808, %reduce_sum3A_809 [1] : vector<128x64xf32> to vector<128xf32>
    %add3A_811 = arith.addf %reduce_sum3A_810, %add3A_637 : vector<128xf32>
    %convert_element_type3A_812 = arith.fptosi %add3A_811 : vector<128xf32> to vector<128xi32>
    %broadcast_in_dim3A_813 = vector.shape_cast %convert_element_type3A_812 : vector<128xi32> to vector<1x128xi32>
    %swap3A_814 = arith.constant 12 : index
    %swap3A_815 = arith.constant 0 : index
    %swap3A_816 = vector.load %arg1[%swap3A_814, %swap3A_815] : memref<16x128xi32, #tpu.memory_space<vmem>>, vector<1x128xi32>
    tpu.vector_store %arg1[%swap3A_814, %swap3A_815], %broadcast_in_dim3A_813 {strides = array<i32>} : memref<16x128xi32, #tpu.memory_space<vmem>>, vector<1x128xi32>,
    %broadcast_in_dim3A_817 = vector.shape_cast %mul3A_673 : vector<64xf32> to vector<1x64xf32>
    %mul3A_818 = vector.broadcast %broadcast_in_dim3A_817 : vector<1x64xf32> to vector<128x64xf32>
    %mul3A_819 = arith.mulf %convert_element_type3A_423, %mul3A_818 : vector<128x64xf32>
    %reduce_sum3A_820 = arith.constant dense<0.000000e+00> : vector<128xf32>
    %reduce_sum3A_821 = vector.multi_reduction <add>, %mul3A_819, %reduce_sum3A_820 [1] : vector<128x64xf32> to vector<128xf32>
    %add3A_822 = arith.addf %reduce_sum3A_821, %add3A_643 : vector<128xf32>
    %convert_element_type3A_823 = arith.fptosi %add3A_822 : vector<128xf32> to vector<128xi32>
    %broadcast_in_dim3A_824 = vector.shape_cast %convert_element_type3A_823 : vector<128xi32> to vector<1x128xi32>
    %swap3A_825 = arith.constant 13 : index
    %swap3A_826 = arith.constant 0 : index
    %swap3A_827 = vector.load %arg1[%swap3A_825, %swap3A_826] : memref<16x128xi32, #tpu.memory_space<vmem>>, vector<1x128xi32>
    tpu.vector_store %arg1[%swap3A_825, %swap3A_826], %broadcast_in_dim3A_824 {strides = array<i32>} : memref<16x128xi32, #tpu.memory_space<vmem>>, vector<1x128xi32>,
    %broadcast_in_dim3A_828 = vector.shape_cast %mul3A_673 : vector<64xf32> to vector<1x64xf32>
    %mul3A_829 = vector.broadcast %broadcast_in_dim3A_828 : vector<1x64xf32> to vector<128x64xf32>
    %mul3A_830 = arith.mulf %convert_element_type3A_454, %mul3A_829 : vector<128x64xf32>
    %reduce_sum3A_831 = arith.constant dense<0.000000e+00> : vector<128xf32>
    %reduce_sum3A_832 = vector.multi_reduction <add>, %mul3A_830, %reduce_sum3A_831 [1] : vector<128x64xf32> to vector<128xf32>
    %add3A_833 = arith.addf %reduce_sum3A_832, %add3A_649 : vector<128xf32>
    %convert_element_type3A_834 = arith.fptosi %add3A_833 : vector<128xf32> to vector<128xi32>
    %broadcast_in_dim3A_835 = vector.shape_cast %convert_element_type3A_834 : vector<128xi32> to vector<1x128xi32>
    %swap3A_836 = arith.constant 14 : index
    %swap3A_837 = arith.constant 0 : index
    %swap3A_838 = vector.load %arg1[%swap3A_836, %swap3A_837] : memref<16x128xi32, #tpu.memory_space<vmem>>, vector<1x128xi32>
    tpu.vector_store %arg1[%swap3A_836, %swap3A_837], %broadcast_in_dim3A_835 {strides = array<i32>} : memref<16x128xi32, #tpu.memory_space<vmem>>, vector<1x128xi32>,
    %broadcast_in_dim3A_839 = vector.shape_cast %mul3A_673 : vector<64xf32> to vector<1x64xf32>
    %mul3A_840 = vector.broadcast %broadcast_in_dim3A_839 : vector<1x64xf32> to vector<128x64xf32>
    %mul3A_841 = arith.mulf %convert_element_type3A_485, %mul3A_840 : vector<128x64xf32>
    %reduce_sum3A_842 = arith.constant dense<0.000000e+00> : vector<128xf32>
    %reduce_sum3A_843 = vector.multi_reduction <add>, %mul3A_841, %reduce_sum3A_842 [1] : vector<128x64xf32> to vector<128xf32>
    %add3A_844 = arith.addf %reduce_sum3A_843, %add3A_655 : vector<128xf32>
    %convert_element_type3A_845 = arith.fptosi %add3A_844 : vector<128xf32> to vector<128xi32>
    %broadcast_in_dim3A_846 = vector.shape_cast %convert_element_type3A_845 : vector<128xi32> to vector<1x128xi32>
    %swap3A_847 = arith.constant 15 : index
    %swap3A_848 = arith.constant 0 : index
    %swap3A_849 = vector.load %arg1[%swap3A_847, %swap3A_848] : memref<16x128xi32, #tpu.memory_space<vmem>>, vector<1x128xi32>
    tpu.vector_store %arg1[%swap3A_847, %swap3A_848], %broadcast_in_dim3A_846 {strides = array<i32>} : memref<16x128xi32, #tpu.memory_space<vmem>>, vector<1x128xi32>,
    %iota3A_850 = tpu.iota {dimensions = array<i32: 0>} : vector<80x64xi32>
    %convert_element_type3A_851 = arith.sitofp %iota3A_850 : vector<80x64xi32> to vector<80x64xf32>
    %broadcast_in_dim3A_852 = vector.shape_cast %dot_general3A_670 : vector<64xf32> to vector<1x64xf32>
    %le3A = vector.broadcast %broadcast_in_dim3A_852 : vector<1x64xf32> to vector<80x64xf32>
    %le3A_853 = arith.cmpf ole, %le3A, %convert_element_type3A_851 : vector<80x64xf32>
    %convert_element_type3A_854 = arith.extui %le3A_853 : vector<80x64xi1> to vector<80x64xi32>
    %convert_element_type3A_855 = arith.sitofp %convert_element_type3A_854 : vector<80x64xi32> to vector<80x64xf32>
    %reduce_sum3A_856 = arith.constant dense<0.000000e+00> : vector<80xf32>
    %reduce_sum3A_857 = vector.multi_reduction <add>, %convert_element_type3A_855, %reduce_sum3A_856 [1] : vector<80x64xf32> to vector<80xf32>
    %sub3A = arith.constant 1.000000e+00 : f32
    %sub3A_858 = vector.broadcast %sub3A : f32 to vector<80xf32>
    %sub3A_859 = arith.subf %reduce_sum3A_857, %sub3A_858 : vector<80xf32>
    %convert_element_type3A_860 = arith.fptosi %sub3A_859 : vector<80xf32> to vector<80xi32>
    %swap3A_861 = arith.constant 0 : index
    %swap3A_862 = vector.load %arg2[%swap3A_861] : memref<80xi32, #tpu.memory_space<vmem>>, vector<80xi32>
    tpu.vector_store %arg2[%swap3A_861], %convert_element_type3A_860 {strides = array<i32>} : memref<80xi32, #tpu.memory_space<vmem>>, vector<80xi32>,
    return
  }
}

module attributes {stable_mosaic.version = 14 : i64} {
  func.func @_mlp_body(%arg0: i32, %arg1: memref<80xi32, #tpu.memory_space<smem>>, %arg2: memref<2560x128xf32, #tpu.memory_space<vmem>>, %arg3: memref<64x128x128xf32, #tpu.memory_space<vmem>>, %arg4: memref<64x1x128xf32, #tpu.memory_space<vmem>>, %arg5: memref<64x128x128xf32, #tpu.memory_space<vmem>>, %arg6: memref<64x1x128xf32, #tpu.memory_space<vmem>>, %arg7: memref<64x128x128xf32, #tpu.memory_space<vmem>>, %arg8: memref<64x1x128xf32, #tpu.memory_space<vmem>>, %arg9: memref<64x128x128xf32, #tpu.memory_space<vmem>>, %arg10: memref<64x1x128xf32, #tpu.memory_space<vmem>>, %arg11: memref<64x128x128xf32, #tpu.memory_space<vmem>>, %arg12: memref<64x1x128xf32, #tpu.memory_space<vmem>>, %arg13: memref<64x128x128xf32, #tpu.memory_space<vmem>>, %arg14: memref<64x1x128xf32, #tpu.memory_space<vmem>>, %arg15: memref<64x64x128xf32, #tpu.memory_space<vmem>>, %arg16: memref<64x1x64xf32, #tpu.memory_space<vmem>>, %arg17: memref<2560x128xf32, #tpu.memory_space<vmem>>) attributes {dimension_semantics = [#tpu.dimension_semantics<arbitrary>], iteration_bounds = array<i64: 4>, scalar_prefetch = 1 : i64, scratch_operands = 0 : i64, tpu.core_type = #tpu.core_type<tc>, window_params = [{transform_indices = @transform_0, window_bounds = array<i64: 2560, 128>}, {pipeline_mode = #tpu.pipeline_mode<synchronous>, transform_indices = @transform_1, window_bounds = array<i64: 64, 128, 128>}, {pipeline_mode = #tpu.pipeline_mode<synchronous>, transform_indices = @transform_2, window_bounds = array<i64: 64, 1, 128>}, {pipeline_mode = #tpu.pipeline_mode<synchronous>, transform_indices = @transform_3, window_bounds = array<i64: 64, 128, 128>}, {pipeline_mode = #tpu.pipeline_mode<synchronous>, transform_indices = @transform_4, window_bounds = array<i64: 64, 1, 128>}, {pipeline_mode = #tpu.pipeline_mode<synchronous>, transform_indices = @transform_5, window_bounds = array<i64: 64, 128, 128>}, {pipeline_mode = #tpu.pipeline_mode<synchronous>, transform_indices = @transform_6, window_bounds = array<i64: 64, 1, 128>}, {pipeline_mode = #tpu.pipeline_mode<synchronous>, transform_indices = @transform_7, window_bounds = array<i64: 64, 128, 128>}, {pipeline_mode = #tpu.pipeline_mode<synchronous>, transform_indices = @transform_8, window_bounds = array<i64: 64, 1, 128>}, {pipeline_mode = #tpu.pipeline_mode<synchronous>, transform_indices = @transform_9, window_bounds = array<i64: 64, 128, 128>}, {pipeline_mode = #tpu.pipeline_mode<synchronous>, transform_indices = @transform_10, window_bounds = array<i64: 64, 1, 128>}, {pipeline_mode = #tpu.pipeline_mode<synchronous>, transform_indices = @transform_11, window_bounds = array<i64: 64, 128, 128>}, {pipeline_mode = #tpu.pipeline_mode<synchronous>, transform_indices = @transform_12, window_bounds = array<i64: 64, 1, 128>}, {pipeline_mode = #tpu.pipeline_mode<synchronous>, transform_indices = @transform_13, window_bounds = array<i64: 64, 64, 128>}, {pipeline_mode = #tpu.pipeline_mode<synchronous>, transform_indices = @transform_14, window_bounds = array<i64: 64, 1, 64>}, {transform_indices = @transform_15, window_bounds = array<i64: 2560, 128>}]} {
    %mul3A = arith.constant 20 : i32
    %mul3A_0 = arith.muli %mul3A, %arg0 : i32
    %add3A = arith.constant 0 : i32
    %add3A_1 = arith.addi %mul3A_0, %add3A : i32
    %get3A = arith.index_cast %add3A_1 : i32 to index
    %get3A_2 = memref.load %arg1[%get3A] : memref<80xi32, #tpu.memory_space<smem>>
    %mul3A_3 = arith.constant 20 : i32
    %mul3A_4 = arith.muli %mul3A_3, %arg0 : i32
    %add3A_5 = arith.constant 1 : i32
    %add3A_6 = arith.addi %mul3A_4, %add3A_5 : i32
    %get3A_7 = arith.index_cast %add3A_6 : i32 to index
    %get3A_8 = memref.load %arg1[%get3A_7] : memref<80xi32, #tpu.memory_space<smem>>
    %mul3A_9 = arith.constant 20 : i32
    %mul3A_10 = arith.muli %mul3A_9, %arg0 : i32
    %add3A_11 = arith.constant 2 : i32
    %add3A_12 = arith.addi %mul3A_10, %add3A_11 : i32
    %get3A_13 = arith.index_cast %add3A_12 : i32 to index
    %get3A_14 = memref.load %arg1[%get3A_13] : memref<80xi32, #tpu.memory_space<smem>>
    %mul3A_15 = arith.constant 20 : i32
    %mul3A_16 = arith.muli %mul3A_15, %arg0 : i32
    %add3A_17 = arith.constant 3 : i32
    %add3A_18 = arith.addi %mul3A_16, %add3A_17 : i32
    %get3A_19 = arith.index_cast %add3A_18 : i32 to index
    %get3A_20 = memref.load %arg1[%get3A_19] : memref<80xi32, #tpu.memory_space<smem>>
    %mul3A_21 = arith.constant 20 : i32
    %mul3A_22 = arith.muli %mul3A_21, %arg0 : i32
    %add3A_23 = arith.constant 4 : i32
    %add3A_24 = arith.addi %mul3A_22, %add3A_23 : i32
    %get3A_25 = arith.index_cast %add3A_24 : i32 to index
    %get3A_26 = memref.load %arg1[%get3A_25] : memref<80xi32, #tpu.memory_space<smem>>
    %mul3A_27 = arith.constant 20 : i32
    %mul3A_28 = arith.muli %mul3A_27, %arg0 : i32
    %add3A_29 = arith.constant 5 : i32
    %add3A_30 = arith.addi %mul3A_28, %add3A_29 : i32
    %get3A_31 = arith.index_cast %add3A_30 : i32 to index
    %get3A_32 = memref.load %arg1[%get3A_31] : memref<80xi32, #tpu.memory_space<smem>>
    %mul3A_33 = arith.constant 20 : i32
    %mul3A_34 = arith.muli %mul3A_33, %arg0 : i32
    %add3A_35 = arith.constant 6 : i32
    %add3A_36 = arith.addi %mul3A_34, %add3A_35 : i32
    %get3A_37 = arith.index_cast %add3A_36 : i32 to index
    %get3A_38 = memref.load %arg1[%get3A_37] : memref<80xi32, #tpu.memory_space<smem>>
    %mul3A_39 = arith.constant 20 : i32
    %mul3A_40 = arith.muli %mul3A_39, %arg0 : i32
    %add3A_41 = arith.constant 7 : i32
    %add3A_42 = arith.addi %mul3A_40, %add3A_41 : i32
    %get3A_43 = arith.index_cast %add3A_42 : i32 to index
    %get3A_44 = memref.load %arg1[%get3A_43] : memref<80xi32, #tpu.memory_space<smem>>
    %mul3A_45 = arith.constant 20 : i32
    %mul3A_46 = arith.muli %mul3A_45, %arg0 : i32
    %add3A_47 = arith.constant 8 : i32
    %add3A_48 = arith.addi %mul3A_46, %add3A_47 : i32
    %get3A_49 = arith.index_cast %add3A_48 : i32 to index
    %get3A_50 = memref.load %arg1[%get3A_49] : memref<80xi32, #tpu.memory_space<smem>>
    %mul3A_51 = arith.constant 20 : i32
    %mul3A_52 = arith.muli %mul3A_51, %arg0 : i32
    %add3A_53 = arith.constant 9 : i32
    %add3A_54 = arith.addi %mul3A_52, %add3A_53 : i32
    %get3A_55 = arith.index_cast %add3A_54 : i32 to index
    %get3A_56 = memref.load %arg1[%get3A_55] : memref<80xi32, #tpu.memory_space<smem>>
    %mul3A_57 = arith.constant 20 : i32
    %mul3A_58 = arith.muli %mul3A_57, %arg0 : i32
    %add3A_59 = arith.constant 10 : i32
    %add3A_60 = arith.addi %mul3A_58, %add3A_59 : i32
    %get3A_61 = arith.index_cast %add3A_60 : i32 to index
    %get3A_62 = memref.load %arg1[%get3A_61] : memref<80xi32, #tpu.memory_space<smem>>
    %mul3A_63 = arith.constant 20 : i32
    %mul3A_64 = arith.muli %mul3A_63, %arg0 : i32
    %add3A_65 = arith.constant 11 : i32
    %add3A_66 = arith.addi %mul3A_64, %add3A_65 : i32
    %get3A_67 = arith.index_cast %add3A_66 : i32 to index
    %get3A_68 = memref.load %arg1[%get3A_67] : memref<80xi32, #tpu.memory_space<smem>>
    %mul3A_69 = arith.constant 20 : i32
    %mul3A_70 = arith.muli %mul3A_69, %arg0 : i32
    %add3A_71 = arith.constant 12 : i32
    %add3A_72 = arith.addi %mul3A_70, %add3A_71 : i32
    %get3A_73 = arith.index_cast %add3A_72 : i32 to index
    %get3A_74 = memref.load %arg1[%get3A_73] : memref<80xi32, #tpu.memory_space<smem>>
    %mul3A_75 = arith.constant 20 : i32
    %mul3A_76 = arith.muli %mul3A_75, %arg0 : i32
    %add3A_77 = arith.constant 13 : i32
    %add3A_78 = arith.addi %mul3A_76, %add3A_77 : i32
    %get3A_79 = arith.index_cast %add3A_78 : i32 to index
    %get3A_80 = memref.load %arg1[%get3A_79] : memref<80xi32, #tpu.memory_space<smem>>
    %mul3A_81 = arith.constant 20 : i32
    %mul3A_82 = arith.muli %mul3A_81, %arg0 : i32
    %add3A_83 = arith.constant 14 : i32
    %add3A_84 = arith.addi %mul3A_82, %add3A_83 : i32
    %get3A_85 = arith.index_cast %add3A_84 : i32 to index
    %get3A_86 = memref.load %arg1[%get3A_85] : memref<80xi32, #tpu.memory_space<smem>>
    %mul3A_87 = arith.constant 20 : i32
    %mul3A_88 = arith.muli %mul3A_87, %arg0 : i32
    %add3A_89 = arith.constant 15 : i32
    %add3A_90 = arith.addi %mul3A_88, %add3A_89 : i32
    %get3A_91 = arith.index_cast %add3A_90 : i32 to index
    %get3A_92 = memref.load %arg1[%get3A_91] : memref<80xi32, #tpu.memory_space<smem>>
    %mul3A_93 = arith.constant 20 : i32
    %mul3A_94 = arith.muli %mul3A_93, %arg0 : i32
    %add3A_95 = arith.constant 16 : i32
    %add3A_96 = arith.addi %mul3A_94, %add3A_95 : i32
    %get3A_97 = arith.index_cast %add3A_96 : i32 to index
    %get3A_98 = memref.load %arg1[%get3A_97] : memref<80xi32, #tpu.memory_space<smem>>
    %mul3A_99 = arith.constant 20 : i32
    %mul3A_100 = arith.muli %mul3A_99, %arg0 : i32
    %add3A_101 = arith.constant 17 : i32
    %add3A_102 = arith.addi %mul3A_100, %add3A_101 : i32
    %get3A_103 = arith.index_cast %add3A_102 : i32 to index
    %get3A_104 = memref.load %arg1[%get3A_103] : memref<80xi32, #tpu.memory_space<smem>>
    %mul3A_105 = arith.constant 20 : i32
    %mul3A_106 = arith.muli %mul3A_105, %arg0 : i32
    %add3A_107 = arith.constant 18 : i32
    %add3A_108 = arith.addi %mul3A_106, %add3A_107 : i32
    %get3A_109 = arith.index_cast %add3A_108 : i32 to index
    %get3A_110 = memref.load %arg1[%get3A_109] : memref<80xi32, #tpu.memory_space<smem>>
    %mul3A_111 = arith.constant 20 : i32
    %mul3A_112 = arith.muli %mul3A_111, %arg0 : i32
    %add3A_113 = arith.constant 19 : i32
    %add3A_114 = arith.addi %mul3A_112, %add3A_113 : i32
    %get3A_115 = arith.index_cast %add3A_114 : i32 to index
    %get3A_116 = memref.load %arg1[%get3A_115] : memref<80xi32, #tpu.memory_space<smem>>
    %get3A_117 = arith.constant 0 : index
    %get3A_118 = arith.constant 0 : index
    %get3A_119 = vector.load %arg2[%get3A_117, %get3A_118] : memref<2560x128xf32, #tpu.memory_space<vmem>>, vector<128x128xf32>
    %get3A_120 = arith.constant 128 : index
    %get3A_121 = arith.constant 0 : index
    %get3A_122 = vector.load %arg2[%get3A_120, %get3A_121] : memref<2560x128xf32, #tpu.memory_space<vmem>>, vector<128x128xf32>
    %get3A_123 = arith.constant 256 : index
    %get3A_124 = arith.constant 0 : index
    %get3A_125 = vector.load %arg2[%get3A_123, %get3A_124] : memref<2560x128xf32, #tpu.memory_space<vmem>>, vector<128x128xf32>
    %get3A_126 = arith.constant 384 : index
    %get3A_127 = arith.constant 0 : index
    %get3A_128 = vector.load %arg2[%get3A_126, %get3A_127] : memref<2560x128xf32, #tpu.memory_space<vmem>>, vector<128x128xf32>
    %get3A_129 = arith.constant 512 : index
    %get3A_130 = arith.constant 0 : index
    %get3A_131 = vector.load %arg2[%get3A_129, %get3A_130] : memref<2560x128xf32, #tpu.memory_space<vmem>>, vector<128x128xf32>
    %get3A_132 = arith.constant 640 : index
    %get3A_133 = arith.constant 0 : index
    %get3A_134 = vector.load %arg2[%get3A_132, %get3A_133] : memref<2560x128xf32, #tpu.memory_space<vmem>>, vector<128x128xf32>
    %get3A_135 = arith.constant 768 : index
    %get3A_136 = arith.constant 0 : index
    %get3A_137 = vector.load %arg2[%get3A_135, %get3A_136] : memref<2560x128xf32, #tpu.memory_space<vmem>>, vector<128x128xf32>
    %get3A_138 = arith.constant 896 : index
    %get3A_139 = arith.constant 0 : index
    %get3A_140 = vector.load %arg2[%get3A_138, %get3A_139] : memref<2560x128xf32, #tpu.memory_space<vmem>>, vector<128x128xf32>
    %get3A_141 = arith.constant 1024 : index
    %get3A_142 = arith.constant 0 : index
    %get3A_143 = vector.load %arg2[%get3A_141, %get3A_142] : memref<2560x128xf32, #tpu.memory_space<vmem>>, vector<128x128xf32>
    %get3A_144 = arith.constant 1152 : index
    %get3A_145 = arith.constant 0 : index
    %get3A_146 = vector.load %arg2[%get3A_144, %get3A_145] : memref<2560x128xf32, #tpu.memory_space<vmem>>, vector<128x128xf32>
    %get3A_147 = arith.constant 1280 : index
    %get3A_148 = arith.constant 0 : index
    %get3A_149 = vector.load %arg2[%get3A_147, %get3A_148] : memref<2560x128xf32, #tpu.memory_space<vmem>>, vector<128x128xf32>
    %get3A_150 = arith.constant 1408 : index
    %get3A_151 = arith.constant 0 : index
    %get3A_152 = vector.load %arg2[%get3A_150, %get3A_151] : memref<2560x128xf32, #tpu.memory_space<vmem>>, vector<128x128xf32>
    %get3A_153 = arith.constant 1536 : index
    %get3A_154 = arith.constant 0 : index
    %get3A_155 = vector.load %arg2[%get3A_153, %get3A_154] : memref<2560x128xf32, #tpu.memory_space<vmem>>, vector<128x128xf32>
    %get3A_156 = arith.constant 1664 : index
    %get3A_157 = arith.constant 0 : index
    %get3A_158 = vector.load %arg2[%get3A_156, %get3A_157] : memref<2560x128xf32, #tpu.memory_space<vmem>>, vector<128x128xf32>
    %get3A_159 = arith.constant 1792 : index
    %get3A_160 = arith.constant 0 : index
    %get3A_161 = vector.load %arg2[%get3A_159, %get3A_160] : memref<2560x128xf32, #tpu.memory_space<vmem>>, vector<128x128xf32>
    %get3A_162 = arith.constant 1920 : index
    %get3A_163 = arith.constant 0 : index
    %get3A_164 = vector.load %arg2[%get3A_162, %get3A_163] : memref<2560x128xf32, #tpu.memory_space<vmem>>, vector<128x128xf32>
    %get3A_165 = arith.constant 2048 : index
    %get3A_166 = arith.constant 0 : index
    %get3A_167 = vector.load %arg2[%get3A_165, %get3A_166] : memref<2560x128xf32, #tpu.memory_space<vmem>>, vector<128x128xf32>
    %get3A_168 = arith.constant 2176 : index
    %get3A_169 = arith.constant 0 : index
    %get3A_170 = vector.load %arg2[%get3A_168, %get3A_169] : memref<2560x128xf32, #tpu.memory_space<vmem>>, vector<128x128xf32>
    %get3A_171 = arith.constant 2304 : index
    %get3A_172 = arith.constant 0 : index
    %get3A_173 = vector.load %arg2[%get3A_171, %get3A_172] : memref<2560x128xf32, #tpu.memory_space<vmem>>, vector<128x128xf32>
    %get3A_174 = arith.constant 2432 : index
    %get3A_175 = arith.constant 0 : index
    %get3A_176 = vector.load %arg2[%get3A_174, %get3A_175] : memref<2560x128xf32, #tpu.memory_space<vmem>>, vector<128x128xf32>
    %get3A_177 = arith.index_cast %get3A_2 : i32 to index
    %get3A_178 = arith.constant 0 : index
    %get3A_179 = arith.constant 0 : index
    %get3A_180 = vector.load %arg3[%get3A_177, %get3A_178, %get3A_179] : memref<64x128x128xf32, #tpu.memory_space<vmem>>, vector<1x128x128xf32>
    %get3A_181 = vector.shape_cast %get3A_180 : vector<1x128x128xf32> to vector<128x128xf32>
    %dot_general3A = arith.constant dense<0.000000e+00> : vector<128x128xf32>
    %dot_general3A_182 = tpu.matmul %get3A_119, %get3A_181, %dot_general3A {dimension_numbers = #tpu.dot_dimension_numbers<[1], [1], [0], [0], [0, 0, 1, 0], [], []>, transpose_lhs_hint = false} : vector<128x128xf32>, vector<128x128xf32>, vector<128x128xf32> -> vector<128x128xf32>
    %get3A_183 = arith.index_cast %get3A_2 : i32 to index
    %get3A_184 = arith.constant 0 : index
    %get3A_185 = arith.constant 0 : index
    %get3A_186 = vector.load %arg4[%get3A_183, %get3A_184, %get3A_185] : memref<64x1x128xf32, #tpu.memory_space<vmem>>, vector<1x1x128xf32>
    %get3A_187 = vector.shape_cast %get3A_186 : vector<1x1x128xf32> to vector<1x128xf32>
    %add3A_188 = vector.broadcast %get3A_187 : vector<1x128xf32> to vector<128x128xf32>
    %add3A_189 = arith.addf %dot_general3A_182, %add3A_188 : vector<128x128xf32>
    %max3A = arith.constant 0.000000e+00 : f32
    %max3A_190 = vector.broadcast %max3A : f32 to vector<128x128xf32>
    %max3A_191 = arith.maximumf %add3A_189, %max3A_190 : vector<128x128xf32>
    %get3A_192 = arith.index_cast %get3A_8 : i32 to index
    %get3A_193 = arith.constant 0 : index
    %get3A_194 = arith.constant 0 : index
    %get3A_195 = vector.load %arg3[%get3A_192, %get3A_193, %get3A_194] : memref<64x128x128xf32, #tpu.memory_space<vmem>>, vector<1x128x128xf32>
    %get3A_196 = vector.shape_cast %get3A_195 : vector<1x128x128xf32> to vector<128x128xf32>
    %dot_general3A_197 = arith.constant dense<0.000000e+00> : vector<128x128xf32>
    %dot_general3A_198 = tpu.matmul %get3A_122, %get3A_196, %dot_general3A_197 {dimension_numbers = #tpu.dot_dimension_numbers<[1], [1], [0], [0], [0, 0, 1, 0], [], []>, transpose_lhs_hint = false} : vector<128x128xf32>, vector<128x128xf32>, vector<128x128xf32> -> vector<128x128xf32>
    %get3A_199 = arith.index_cast %get3A_8 : i32 to index
    %get3A_200 = arith.constant 0 : index
    %get3A_201 = arith.constant 0 : index
    %get3A_202 = vector.load %arg4[%get3A_199, %get3A_200, %get3A_201] : memref<64x1x128xf32, #tpu.memory_space<vmem>>, vector<1x1x128xf32>
    %get3A_203 = vector.shape_cast %get3A_202 : vector<1x1x128xf32> to vector<1x128xf32>
    %add3A_204 = vector.broadcast %get3A_203 : vector<1x128xf32> to vector<128x128xf32>
    %add3A_205 = arith.addf %dot_general3A_198, %add3A_204 : vector<128x128xf32>
    %max3A_206 = arith.constant 0.000000e+00 : f32
    %max3A_207 = vector.broadcast %max3A_206 : f32 to vector<128x128xf32>
    %max3A_208 = arith.maximumf %add3A_205, %max3A_207 : vector<128x128xf32>
    %get3A_209 = arith.index_cast %get3A_14 : i32 to index
    %get3A_210 = arith.constant 0 : index
    %get3A_211 = arith.constant 0 : index
    %get3A_212 = vector.load %arg3[%get3A_209, %get3A_210, %get3A_211] : memref<64x128x128xf32, #tpu.memory_space<vmem>>, vector<1x128x128xf32>
    %get3A_213 = vector.shape_cast %get3A_212 : vector<1x128x128xf32> to vector<128x128xf32>
    %dot_general3A_214 = arith.constant dense<0.000000e+00> : vector<128x128xf32>
    %dot_general3A_215 = tpu.matmul %get3A_125, %get3A_213, %dot_general3A_214 {dimension_numbers = #tpu.dot_dimension_numbers<[1], [1], [0], [0], [0, 0, 1, 0], [], []>, transpose_lhs_hint = false} : vector<128x128xf32>, vector<128x128xf32>, vector<128x128xf32> -> vector<128x128xf32>
    %get3A_216 = arith.index_cast %get3A_14 : i32 to index
    %get3A_217 = arith.constant 0 : index
    %get3A_218 = arith.constant 0 : index
    %get3A_219 = vector.load %arg4[%get3A_216, %get3A_217, %get3A_218] : memref<64x1x128xf32, #tpu.memory_space<vmem>>, vector<1x1x128xf32>
    %get3A_220 = vector.shape_cast %get3A_219 : vector<1x1x128xf32> to vector<1x128xf32>
    %add3A_221 = vector.broadcast %get3A_220 : vector<1x128xf32> to vector<128x128xf32>
    %add3A_222 = arith.addf %dot_general3A_215, %add3A_221 : vector<128x128xf32>
    %max3A_223 = arith.constant 0.000000e+00 : f32
    %max3A_224 = vector.broadcast %max3A_223 : f32 to vector<128x128xf32>
    %max3A_225 = arith.maximumf %add3A_222, %max3A_224 : vector<128x128xf32>
    %get3A_226 = arith.index_cast %get3A_20 : i32 to index
    %get3A_227 = arith.constant 0 : index
    %get3A_228 = arith.constant 0 : index
    %get3A_229 = vector.load %arg3[%get3A_226, %get3A_227, %get3A_228] : memref<64x128x128xf32, #tpu.memory_space<vmem>>, vector<1x128x128xf32>
    %get3A_230 = vector.shape_cast %get3A_229 : vector<1x128x128xf32> to vector<128x128xf32>
    %dot_general3A_231 = arith.constant dense<0.000000e+00> : vector<128x128xf32>
    %dot_general3A_232 = tpu.matmul %get3A_128, %get3A_230, %dot_general3A_231 {dimension_numbers = #tpu.dot_dimension_numbers<[1], [1], [0], [0], [0, 0, 1, 0], [], []>, transpose_lhs_hint = false} : vector<128x128xf32>, vector<128x128xf32>, vector<128x128xf32> -> vector<128x128xf32>
    %get3A_233 = arith.index_cast %get3A_20 : i32 to index
    %get3A_234 = arith.constant 0 : index
    %get3A_235 = arith.constant 0 : index
    %get3A_236 = vector.load %arg4[%get3A_233, %get3A_234, %get3A_235] : memref<64x1x128xf32, #tpu.memory_space<vmem>>, vector<1x1x128xf32>
    %get3A_237 = vector.shape_cast %get3A_236 : vector<1x1x128xf32> to vector<1x128xf32>
    %add3A_238 = vector.broadcast %get3A_237 : vector<1x128xf32> to vector<128x128xf32>
    %add3A_239 = arith.addf %dot_general3A_232, %add3A_238 : vector<128x128xf32>
    %max3A_240 = arith.constant 0.000000e+00 : f32
    %max3A_241 = vector.broadcast %max3A_240 : f32 to vector<128x128xf32>
    %max3A_242 = arith.maximumf %add3A_239, %max3A_241 : vector<128x128xf32>
    %get3A_243 = arith.index_cast %get3A_26 : i32 to index
    %get3A_244 = arith.constant 0 : index
    %get3A_245 = arith.constant 0 : index
    %get3A_246 = vector.load %arg3[%get3A_243, %get3A_244, %get3A_245] : memref<64x128x128xf32, #tpu.memory_space<vmem>>, vector<1x128x128xf32>
    %get3A_247 = vector.shape_cast %get3A_246 : vector<1x128x128xf32> to vector<128x128xf32>
    %dot_general3A_248 = arith.constant dense<0.000000e+00> : vector<128x128xf32>
    %dot_general3A_249 = tpu.matmul %get3A_131, %get3A_247, %dot_general3A_248 {dimension_numbers = #tpu.dot_dimension_numbers<[1], [1], [0], [0], [0, 0, 1, 0], [], []>, transpose_lhs_hint = false} : vector<128x128xf32>, vector<128x128xf32>, vector<128x128xf32> -> vector<128x128xf32>
    %get3A_250 = arith.index_cast %get3A_26 : i32 to index
    %get3A_251 = arith.constant 0 : index
    %get3A_252 = arith.constant 0 : index
    %get3A_253 = vector.load %arg4[%get3A_250, %get3A_251, %get3A_252] : memref<64x1x128xf32, #tpu.memory_space<vmem>>, vector<1x1x128xf32>
    %get3A_254 = vector.shape_cast %get3A_253 : vector<1x1x128xf32> to vector<1x128xf32>
    %add3A_255 = vector.broadcast %get3A_254 : vector<1x128xf32> to vector<128x128xf32>
    %add3A_256 = arith.addf %dot_general3A_249, %add3A_255 : vector<128x128xf32>
    %max3A_257 = arith.constant 0.000000e+00 : f32
    %max3A_258 = vector.broadcast %max3A_257 : f32 to vector<128x128xf32>
    %max3A_259 = arith.maximumf %add3A_256, %max3A_258 : vector<128x128xf32>
    %get3A_260 = arith.index_cast %get3A_32 : i32 to index
    %get3A_261 = arith.constant 0 : index
    %get3A_262 = arith.constant 0 : index
    %get3A_263 = vector.load %arg3[%get3A_260, %get3A_261, %get3A_262] : memref<64x128x128xf32, #tpu.memory_space<vmem>>, vector<1x128x128xf32>
    %get3A_264 = vector.shape_cast %get3A_263 : vector<1x128x128xf32> to vector<128x128xf32>
    %dot_general3A_265 = arith.constant dense<0.000000e+00> : vector<128x128xf32>
    %dot_general3A_266 = tpu.matmul %get3A_134, %get3A_264, %dot_general3A_265 {dimension_numbers = #tpu.dot_dimension_numbers<[1], [1], [0], [0], [0, 0, 1, 0], [], []>, transpose_lhs_hint = false} : vector<128x128xf32>, vector<128x128xf32>, vector<128x128xf32> -> vector<128x128xf32>
    %get3A_267 = arith.index_cast %get3A_32 : i32 to index
    %get3A_268 = arith.constant 0 : index
    %get3A_269 = arith.constant 0 : index
    %get3A_270 = vector.load %arg4[%get3A_267, %get3A_268, %get3A_269] : memref<64x1x128xf32, #tpu.memory_space<vmem>>, vector<1x1x128xf32>
    %get3A_271 = vector.shape_cast %get3A_270 : vector<1x1x128xf32> to vector<1x128xf32>
    %add3A_272 = vector.broadcast %get3A_271 : vector<1x128xf32> to vector<128x128xf32>
    %add3A_273 = arith.addf %dot_general3A_266, %add3A_272 : vector<128x128xf32>
    %max3A_274 = arith.constant 0.000000e+00 : f32
    %max3A_275 = vector.broadcast %max3A_274 : f32 to vector<128x128xf32>
    %max3A_276 = arith.maximumf %add3A_273, %max3A_275 : vector<128x128xf32>
    %get3A_277 = arith.index_cast %get3A_38 : i32 to index
    %get3A_278 = arith.constant 0 : index
    %get3A_279 = arith.constant 0 : index
    %get3A_280 = vector.load %arg3[%get3A_277, %get3A_278, %get3A_279] : memref<64x128x128xf32, #tpu.memory_space<vmem>>, vector<1x128x128xf32>
    %get3A_281 = vector.shape_cast %get3A_280 : vector<1x128x128xf32> to vector<128x128xf32>
    %dot_general3A_282 = arith.constant dense<0.000000e+00> : vector<128x128xf32>
    %dot_general3A_283 = tpu.matmul %get3A_137, %get3A_281, %dot_general3A_282 {dimension_numbers = #tpu.dot_dimension_numbers<[1], [1], [0], [0], [0, 0, 1, 0], [], []>, transpose_lhs_hint = false} : vector<128x128xf32>, vector<128x128xf32>, vector<128x128xf32> -> vector<128x128xf32>
    %get3A_284 = arith.index_cast %get3A_38 : i32 to index
    %get3A_285 = arith.constant 0 : index
    %get3A_286 = arith.constant 0 : index
    %get3A_287 = vector.load %arg4[%get3A_284, %get3A_285, %get3A_286] : memref<64x1x128xf32, #tpu.memory_space<vmem>>, vector<1x1x128xf32>
    %get3A_288 = vector.shape_cast %get3A_287 : vector<1x1x128xf32> to vector<1x128xf32>
    %add3A_289 = vector.broadcast %get3A_288 : vector<1x128xf32> to vector<128x128xf32>
    %add3A_290 = arith.addf %dot_general3A_283, %add3A_289 : vector<128x128xf32>
    %max3A_291 = arith.constant 0.000000e+00 : f32
    %max3A_292 = vector.broadcast %max3A_291 : f32 to vector<128x128xf32>
    %max3A_293 = arith.maximumf %add3A_290, %max3A_292 : vector<128x128xf32>
    %get3A_294 = arith.index_cast %get3A_44 : i32 to index
    %get3A_295 = arith.constant 0 : index
    %get3A_296 = arith.constant 0 : index
    %get3A_297 = vector.load %arg3[%get3A_294, %get3A_295, %get3A_296] : memref<64x128x128xf32, #tpu.memory_space<vmem>>, vector<1x128x128xf32>
    %get3A_298 = vector.shape_cast %get3A_297 : vector<1x128x128xf32> to vector<128x128xf32>
    %dot_general3A_299 = arith.constant dense<0.000000e+00> : vector<128x128xf32>
    %dot_general3A_300 = tpu.matmul %get3A_140, %get3A_298, %dot_general3A_299 {dimension_numbers = #tpu.dot_dimension_numbers<[1], [1], [0], [0], [0, 0, 1, 0], [], []>, transpose_lhs_hint = false} : vector<128x128xf32>, vector<128x128xf32>, vector<128x128xf32> -> vector<128x128xf32>
    %get3A_301 = arith.index_cast %get3A_44 : i32 to index
    %get3A_302 = arith.constant 0 : index
    %get3A_303 = arith.constant 0 : index
    %get3A_304 = vector.load %arg4[%get3A_301, %get3A_302, %get3A_303] : memref<64x1x128xf32, #tpu.memory_space<vmem>>, vector<1x1x128xf32>
    %get3A_305 = vector.shape_cast %get3A_304 : vector<1x1x128xf32> to vector<1x128xf32>
    %add3A_306 = vector.broadcast %get3A_305 : vector<1x128xf32> to vector<128x128xf32>
    %add3A_307 = arith.addf %dot_general3A_300, %add3A_306 : vector<128x128xf32>
    %max3A_308 = arith.constant 0.000000e+00 : f32
    %max3A_309 = vector.broadcast %max3A_308 : f32 to vector<128x128xf32>
    %max3A_310 = arith.maximumf %add3A_307, %max3A_309 : vector<128x128xf32>
    %get3A_311 = arith.index_cast %get3A_50 : i32 to index
    %get3A_312 = arith.constant 0 : index
    %get3A_313 = arith.constant 0 : index
    %get3A_314 = vector.load %arg3[%get3A_311, %get3A_312, %get3A_313] : memref<64x128x128xf32, #tpu.memory_space<vmem>>, vector<1x128x128xf32>
    %get3A_315 = vector.shape_cast %get3A_314 : vector<1x128x128xf32> to vector<128x128xf32>
    %dot_general3A_316 = arith.constant dense<0.000000e+00> : vector<128x128xf32>
    %dot_general3A_317 = tpu.matmul %get3A_143, %get3A_315, %dot_general3A_316 {dimension_numbers = #tpu.dot_dimension_numbers<[1], [1], [0], [0], [0, 0, 1, 0], [], []>, transpose_lhs_hint = false} : vector<128x128xf32>, vector<128x128xf32>, vector<128x128xf32> -> vector<128x128xf32>
    %get3A_318 = arith.index_cast %get3A_50 : i32 to index
    %get3A_319 = arith.constant 0 : index
    %get3A_320 = arith.constant 0 : index
    %get3A_321 = vector.load %arg4[%get3A_318, %get3A_319, %get3A_320] : memref<64x1x128xf32, #tpu.memory_space<vmem>>, vector<1x1x128xf32>
    %get3A_322 = vector.shape_cast %get3A_321 : vector<1x1x128xf32> to vector<1x128xf32>
    %add3A_323 = vector.broadcast %get3A_322 : vector<1x128xf32> to vector<128x128xf32>
    %add3A_324 = arith.addf %dot_general3A_317, %add3A_323 : vector<128x128xf32>
    %max3A_325 = arith.constant 0.000000e+00 : f32
    %max3A_326 = vector.broadcast %max3A_325 : f32 to vector<128x128xf32>
    %max3A_327 = arith.maximumf %add3A_324, %max3A_326 : vector<128x128xf32>
    %get3A_328 = arith.index_cast %get3A_56 : i32 to index
    %get3A_329 = arith.constant 0 : index
    %get3A_330 = arith.constant 0 : index
    %get3A_331 = vector.load %arg3[%get3A_328, %get3A_329, %get3A_330] : memref<64x128x128xf32, #tpu.memory_space<vmem>>, vector<1x128x128xf32>
    %get3A_332 = vector.shape_cast %get3A_331 : vector<1x128x128xf32> to vector<128x128xf32>
    %dot_general3A_333 = arith.constant dense<0.000000e+00> : vector<128x128xf32>
    %dot_general3A_334 = tpu.matmul %get3A_146, %get3A_332, %dot_general3A_333 {dimension_numbers = #tpu.dot_dimension_numbers<[1], [1], [0], [0], [0, 0, 1, 0], [], []>, transpose_lhs_hint = false} : vector<128x128xf32>, vector<128x128xf32>, vector<128x128xf32> -> vector<128x128xf32>
    %get3A_335 = arith.index_cast %get3A_56 : i32 to index
    %get3A_336 = arith.constant 0 : index
    %get3A_337 = arith.constant 0 : index
    %get3A_338 = vector.load %arg4[%get3A_335, %get3A_336, %get3A_337] : memref<64x1x128xf32, #tpu.memory_space<vmem>>, vector<1x1x128xf32>
    %get3A_339 = vector.shape_cast %get3A_338 : vector<1x1x128xf32> to vector<1x128xf32>
    %add3A_340 = vector.broadcast %get3A_339 : vector<1x128xf32> to vector<128x128xf32>
    %add3A_341 = arith.addf %dot_general3A_334, %add3A_340 : vector<128x128xf32>
    %max3A_342 = arith.constant 0.000000e+00 : f32
    %max3A_343 = vector.broadcast %max3A_342 : f32 to vector<128x128xf32>
    %max3A_344 = arith.maximumf %add3A_341, %max3A_343 : vector<128x128xf32>
    %get3A_345 = arith.index_cast %get3A_62 : i32 to index
    %get3A_346 = arith.constant 0 : index
    %get3A_347 = arith.constant 0 : index
    %get3A_348 = vector.load %arg3[%get3A_345, %get3A_346, %get3A_347] : memref<64x128x128xf32, #tpu.memory_space<vmem>>, vector<1x128x128xf32>
    %get3A_349 = vector.shape_cast %get3A_348 : vector<1x128x128xf32> to vector<128x128xf32>
    %dot_general3A_350 = arith.constant dense<0.000000e+00> : vector<128x128xf32>
    %dot_general3A_351 = tpu.matmul %get3A_149, %get3A_349, %dot_general3A_350 {dimension_numbers = #tpu.dot_dimension_numbers<[1], [1], [0], [0], [0, 0, 1, 0], [], []>, transpose_lhs_hint = false} : vector<128x128xf32>, vector<128x128xf32>, vector<128x128xf32> -> vector<128x128xf32>
    %get3A_352 = arith.index_cast %get3A_62 : i32 to index
    %get3A_353 = arith.constant 0 : index
    %get3A_354 = arith.constant 0 : index
    %get3A_355 = vector.load %arg4[%get3A_352, %get3A_353, %get3A_354] : memref<64x1x128xf32, #tpu.memory_space<vmem>>, vector<1x1x128xf32>
    %get3A_356 = vector.shape_cast %get3A_355 : vector<1x1x128xf32> to vector<1x128xf32>
    %add3A_357 = vector.broadcast %get3A_356 : vector<1x128xf32> to vector<128x128xf32>
    %add3A_358 = arith.addf %dot_general3A_351, %add3A_357 : vector<128x128xf32>
    %max3A_359 = arith.constant 0.000000e+00 : f32
    %max3A_360 = vector.broadcast %max3A_359 : f32 to vector<128x128xf32>
    %max3A_361 = arith.maximumf %add3A_358, %max3A_360 : vector<128x128xf32>
    %get3A_362 = arith.index_cast %get3A_68 : i32 to index
    %get3A_363 = arith.constant 0 : index
    %get3A_364 = arith.constant 0 : index
    %get3A_365 = vector.load %arg3[%get3A_362, %get3A_363, %get3A_364] : memref<64x128x128xf32, #tpu.memory_space<vmem>>, vector<1x128x128xf32>
    %get3A_366 = vector.shape_cast %get3A_365 : vector<1x128x128xf32> to vector<128x128xf32>
    %dot_general3A_367 = arith.constant dense<0.000000e+00> : vector<128x128xf32>
    %dot_general3A_368 = tpu.matmul %get3A_152, %get3A_366, %dot_general3A_367 {dimension_numbers = #tpu.dot_dimension_numbers<[1], [1], [0], [0], [0, 0, 1, 0], [], []>, transpose_lhs_hint = false} : vector<128x128xf32>, vector<128x128xf32>, vector<128x128xf32> -> vector<128x128xf32>
    %get3A_369 = arith.index_cast %get3A_68 : i32 to index
    %get3A_370 = arith.constant 0 : index
    %get3A_371 = arith.constant 0 : index
    %get3A_372 = vector.load %arg4[%get3A_369, %get3A_370, %get3A_371] : memref<64x1x128xf32, #tpu.memory_space<vmem>>, vector<1x1x128xf32>
    %get3A_373 = vector.shape_cast %get3A_372 : vector<1x1x128xf32> to vector<1x128xf32>
    %add3A_374 = vector.broadcast %get3A_373 : vector<1x128xf32> to vector<128x128xf32>
    %add3A_375 = arith.addf %dot_general3A_368, %add3A_374 : vector<128x128xf32>
    %max3A_376 = arith.constant 0.000000e+00 : f32
    %max3A_377 = vector.broadcast %max3A_376 : f32 to vector<128x128xf32>
    %max3A_378 = arith.maximumf %add3A_375, %max3A_377 : vector<128x128xf32>
    %get3A_379 = arith.index_cast %get3A_74 : i32 to index
    %get3A_380 = arith.constant 0 : index
    %get3A_381 = arith.constant 0 : index
    %get3A_382 = vector.load %arg3[%get3A_379, %get3A_380, %get3A_381] : memref<64x128x128xf32, #tpu.memory_space<vmem>>, vector<1x128x128xf32>
    %get3A_383 = vector.shape_cast %get3A_382 : vector<1x128x128xf32> to vector<128x128xf32>
    %dot_general3A_384 = arith.constant dense<0.000000e+00> : vector<128x128xf32>
    %dot_general3A_385 = tpu.matmul %get3A_155, %get3A_383, %dot_general3A_384 {dimension_numbers = #tpu.dot_dimension_numbers<[1], [1], [0], [0], [0, 0, 1, 0], [], []>, transpose_lhs_hint = false} : vector<128x128xf32>, vector<128x128xf32>, vector<128x128xf32> -> vector<128x128xf32>
    %get3A_386 = arith.index_cast %get3A_74 : i32 to index
    %get3A_387 = arith.constant 0 : index
    %get3A_388 = arith.constant 0 : index
    %get3A_389 = vector.load %arg4[%get3A_386, %get3A_387, %get3A_388] : memref<64x1x128xf32, #tpu.memory_space<vmem>>, vector<1x1x128xf32>
    %get3A_390 = vector.shape_cast %get3A_389 : vector<1x1x128xf32> to vector<1x128xf32>
    %add3A_391 = vector.broadcast %get3A_390 : vector<1x128xf32> to vector<128x128xf32>
    %add3A_392 = arith.addf %dot_general3A_385, %add3A_391 : vector<128x128xf32>
    %max3A_393 = arith.constant 0.000000e+00 : f32
    %max3A_394 = vector.broadcast %max3A_393 : f32 to vector<128x128xf32>
    %max3A_395 = arith.maximumf %add3A_392, %max3A_394 : vector<128x128xf32>
    %get3A_396 = arith.index_cast %get3A_80 : i32 to index
    %get3A_397 = arith.constant 0 : index
    %get3A_398 = arith.constant 0 : index
    %get3A_399 = vector.load %arg3[%get3A_396, %get3A_397, %get3A_398] : memref<64x128x128xf32, #tpu.memory_space<vmem>>, vector<1x128x128xf32>
    %get3A_400 = vector.shape_cast %get3A_399 : vector<1x128x128xf32> to vector<128x128xf32>
    %dot_general3A_401 = arith.constant dense<0.000000e+00> : vector<128x128xf32>
    %dot_general3A_402 = tpu.matmul %get3A_158, %get3A_400, %dot_general3A_401 {dimension_numbers = #tpu.dot_dimension_numbers<[1], [1], [0], [0], [0, 0, 1, 0], [], []>, transpose_lhs_hint = false} : vector<128x128xf32>, vector<128x128xf32>, vector<128x128xf32> -> vector<128x128xf32>
    %get3A_403 = arith.index_cast %get3A_80 : i32 to index
    %get3A_404 = arith.constant 0 : index
    %get3A_405 = arith.constant 0 : index
    %get3A_406 = vector.load %arg4[%get3A_403, %get3A_404, %get3A_405] : memref<64x1x128xf32, #tpu.memory_space<vmem>>, vector<1x1x128xf32>
    %get3A_407 = vector.shape_cast %get3A_406 : vector<1x1x128xf32> to vector<1x128xf32>
    %add3A_408 = vector.broadcast %get3A_407 : vector<1x128xf32> to vector<128x128xf32>
    %add3A_409 = arith.addf %dot_general3A_402, %add3A_408 : vector<128x128xf32>
    %max3A_410 = arith.constant 0.000000e+00 : f32
    %max3A_411 = vector.broadcast %max3A_410 : f32 to vector<128x128xf32>
    %max3A_412 = arith.maximumf %add3A_409, %max3A_411 : vector<128x128xf32>
    %get3A_413 = arith.index_cast %get3A_86 : i32 to index
    %get3A_414 = arith.constant 0 : index
    %get3A_415 = arith.constant 0 : index
    %get3A_416 = vector.load %arg3[%get3A_413, %get3A_414, %get3A_415] : memref<64x128x128xf32, #tpu.memory_space<vmem>>, vector<1x128x128xf32>
    %get3A_417 = vector.shape_cast %get3A_416 : vector<1x128x128xf32> to vector<128x128xf32>
    %dot_general3A_418 = arith.constant dense<0.000000e+00> : vector<128x128xf32>
    %dot_general3A_419 = tpu.matmul %get3A_161, %get3A_417, %dot_general3A_418 {dimension_numbers = #tpu.dot_dimension_numbers<[1], [1], [0], [0], [0, 0, 1, 0], [], []>, transpose_lhs_hint = false} : vector<128x128xf32>, vector<128x128xf32>, vector<128x128xf32> -> vector<128x128xf32>
    %get3A_420 = arith.index_cast %get3A_86 : i32 to index
    %get3A_421 = arith.constant 0 : index
    %get3A_422 = arith.constant 0 : index
    %get3A_423 = vector.load %arg4[%get3A_420, %get3A_421, %get3A_422] : memref<64x1x128xf32, #tpu.memory_space<vmem>>, vector<1x1x128xf32>
    %get3A_424 = vector.shape_cast %get3A_423 : vector<1x1x128xf32> to vector<1x128xf32>
    %add3A_425 = vector.broadcast %get3A_424 : vector<1x128xf32> to vector<128x128xf32>
    %add3A_426 = arith.addf %dot_general3A_419, %add3A_425 : vector<128x128xf32>
    %max3A_427 = arith.constant 0.000000e+00 : f32
    %max3A_428 = vector.broadcast %max3A_427 : f32 to vector<128x128xf32>
    %max3A_429 = arith.maximumf %add3A_426, %max3A_428 : vector<128x128xf32>
    %get3A_430 = arith.index_cast %get3A_92 : i32 to index
    %get3A_431 = arith.constant 0 : index
    %get3A_432 = arith.constant 0 : index
    %get3A_433 = vector.load %arg3[%get3A_430, %get3A_431, %get3A_432] : memref<64x128x128xf32, #tpu.memory_space<vmem>>, vector<1x128x128xf32>
    %get3A_434 = vector.shape_cast %get3A_433 : vector<1x128x128xf32> to vector<128x128xf32>
    %dot_general3A_435 = arith.constant dense<0.000000e+00> : vector<128x128xf32>
    %dot_general3A_436 = tpu.matmul %get3A_164, %get3A_434, %dot_general3A_435 {dimension_numbers = #tpu.dot_dimension_numbers<[1], [1], [0], [0], [0, 0, 1, 0], [], []>, transpose_lhs_hint = false} : vector<128x128xf32>, vector<128x128xf32>, vector<128x128xf32> -> vector<128x128xf32>
    %get3A_437 = arith.index_cast %get3A_92 : i32 to index
    %get3A_438 = arith.constant 0 : index
    %get3A_439 = arith.constant 0 : index
    %get3A_440 = vector.load %arg4[%get3A_437, %get3A_438, %get3A_439] : memref<64x1x128xf32, #tpu.memory_space<vmem>>, vector<1x1x128xf32>
    %get3A_441 = vector.shape_cast %get3A_440 : vector<1x1x128xf32> to vector<1x128xf32>
    %add3A_442 = vector.broadcast %get3A_441 : vector<1x128xf32> to vector<128x128xf32>
    %add3A_443 = arith.addf %dot_general3A_436, %add3A_442 : vector<128x128xf32>
    %max3A_444 = arith.constant 0.000000e+00 : f32
    %max3A_445 = vector.broadcast %max3A_444 : f32 to vector<128x128xf32>
    %max3A_446 = arith.maximumf %add3A_443, %max3A_445 : vector<128x128xf32>
    %get3A_447 = arith.index_cast %get3A_98 : i32 to index
    %get3A_448 = arith.constant 0 : index
    %get3A_449 = arith.constant 0 : index
    %get3A_450 = vector.load %arg3[%get3A_447, %get3A_448, %get3A_449] : memref<64x128x128xf32, #tpu.memory_space<vmem>>, vector<1x128x128xf32>
    %get3A_451 = vector.shape_cast %get3A_450 : vector<1x128x128xf32> to vector<128x128xf32>
    %dot_general3A_452 = arith.constant dense<0.000000e+00> : vector<128x128xf32>
    %dot_general3A_453 = tpu.matmul %get3A_167, %get3A_451, %dot_general3A_452 {dimension_numbers = #tpu.dot_dimension_numbers<[1], [1], [0], [0], [0, 0, 1, 0], [], []>, transpose_lhs_hint = false} : vector<128x128xf32>, vector<128x128xf32>, vector<128x128xf32> -> vector<128x128xf32>
    %get3A_454 = arith.index_cast %get3A_98 : i32 to index
    %get3A_455 = arith.constant 0 : index
    %get3A_456 = arith.constant 0 : index
    %get3A_457 = vector.load %arg4[%get3A_454, %get3A_455, %get3A_456] : memref<64x1x128xf32, #tpu.memory_space<vmem>>, vector<1x1x128xf32>
    %get3A_458 = vector.shape_cast %get3A_457 : vector<1x1x128xf32> to vector<1x128xf32>
    %add3A_459 = vector.broadcast %get3A_458 : vector<1x128xf32> to vector<128x128xf32>
    %add3A_460 = arith.addf %dot_general3A_453, %add3A_459 : vector<128x128xf32>
    %max3A_461 = arith.constant 0.000000e+00 : f32
    %max3A_462 = vector.broadcast %max3A_461 : f32 to vector<128x128xf32>
    %max3A_463 = arith.maximumf %add3A_460, %max3A_462 : vector<128x128xf32>
    %get3A_464 = arith.index_cast %get3A_104 : i32 to index
    %get3A_465 = arith.constant 0 : index
    %get3A_466 = arith.constant 0 : index
    %get3A_467 = vector.load %arg3[%get3A_464, %get3A_465, %get3A_466] : memref<64x128x128xf32, #tpu.memory_space<vmem>>, vector<1x128x128xf32>
    %get3A_468 = vector.shape_cast %get3A_467 : vector<1x128x128xf32> to vector<128x128xf32>
    %dot_general3A_469 = arith.constant dense<0.000000e+00> : vector<128x128xf32>
    %dot_general3A_470 = tpu.matmul %get3A_170, %get3A_468, %dot_general3A_469 {dimension_numbers = #tpu.dot_dimension_numbers<[1], [1], [0], [0], [0, 0, 1, 0], [], []>, transpose_lhs_hint = false} : vector<128x128xf32>, vector<128x128xf32>, vector<128x128xf32> -> vector<128x128xf32>
    %get3A_471 = arith.index_cast %get3A_104 : i32 to index
    %get3A_472 = arith.constant 0 : index
    %get3A_473 = arith.constant 0 : index
    %get3A_474 = vector.load %arg4[%get3A_471, %get3A_472, %get3A_473] : memref<64x1x128xf32, #tpu.memory_space<vmem>>, vector<1x1x128xf32>
    %get3A_475 = vector.shape_cast %get3A_474 : vector<1x1x128xf32> to vector<1x128xf32>
    %add3A_476 = vector.broadcast %get3A_475 : vector<1x128xf32> to vector<128x128xf32>
    %add3A_477 = arith.addf %dot_general3A_470, %add3A_476 : vector<128x128xf32>
    %max3A_478 = arith.constant 0.000000e+00 : f32
    %max3A_479 = vector.broadcast %max3A_478 : f32 to vector<128x128xf32>
    %max3A_480 = arith.maximumf %add3A_477, %max3A_479 : vector<128x128xf32>
    %get3A_481 = arith.index_cast %get3A_110 : i32 to index
    %get3A_482 = arith.constant 0 : index
    %get3A_483 = arith.constant 0 : index
    %get3A_484 = vector.load %arg3[%get3A_481, %get3A_482, %get3A_483] : memref<64x128x128xf32, #tpu.memory_space<vmem>>, vector<1x128x128xf32>
    %get3A_485 = vector.shape_cast %get3A_484 : vector<1x128x128xf32> to vector<128x128xf32>
    %dot_general3A_486 = arith.constant dense<0.000000e+00> : vector<128x128xf32>
    %dot_general3A_487 = tpu.matmul %get3A_173, %get3A_485, %dot_general3A_486 {dimension_numbers = #tpu.dot_dimension_numbers<[1], [1], [0], [0], [0, 0, 1, 0], [], []>, transpose_lhs_hint = false} : vector<128x128xf32>, vector<128x128xf32>, vector<128x128xf32> -> vector<128x128xf32>
    %get3A_488 = arith.index_cast %get3A_110 : i32 to index
    %get3A_489 = arith.constant 0 : index
    %get3A_490 = arith.constant 0 : index
    %get3A_491 = vector.load %arg4[%get3A_488, %get3A_489, %get3A_490] : memref<64x1x128xf32, #tpu.memory_space<vmem>>, vector<1x1x128xf32>
    %get3A_492 = vector.shape_cast %get3A_491 : vector<1x1x128xf32> to vector<1x128xf32>
    %add3A_493 = vector.broadcast %get3A_492 : vector<1x128xf32> to vector<128x128xf32>
    %add3A_494 = arith.addf %dot_general3A_487, %add3A_493 : vector<128x128xf32>
    %max3A_495 = arith.constant 0.000000e+00 : f32
    %max3A_496 = vector.broadcast %max3A_495 : f32 to vector<128x128xf32>
    %max3A_497 = arith.maximumf %add3A_494, %max3A_496 : vector<128x128xf32>
    %get3A_498 = arith.index_cast %get3A_116 : i32 to index
    %get3A_499 = arith.constant 0 : index
    %get3A_500 = arith.constant 0 : index
    %get3A_501 = vector.load %arg3[%get3A_498, %get3A_499, %get3A_500] : memref<64x128x128xf32, #tpu.memory_space<vmem>>, vector<1x128x128xf32>
    %get3A_502 = vector.shape_cast %get3A_501 : vector<1x128x128xf32> to vector<128x128xf32>
    %dot_general3A_503 = arith.constant dense<0.000000e+00> : vector<128x128xf32>
    %dot_general3A_504 = tpu.matmul %get3A_176, %get3A_502, %dot_general3A_503 {dimension_numbers = #tpu.dot_dimension_numbers<[1], [1], [0], [0], [0, 0, 1, 0], [], []>, transpose_lhs_hint = false} : vector<128x128xf32>, vector<128x128xf32>, vector<128x128xf32> -> vector<128x128xf32>
    %get3A_505 = arith.index_cast %get3A_116 : i32 to index
    %get3A_506 = arith.constant 0 : index
    %get3A_507 = arith.constant 0 : index
    %get3A_508 = vector.load %arg4[%get3A_505, %get3A_506, %get3A_507] : memref<64x1x128xf32, #tpu.memory_space<vmem>>, vector<1x1x128xf32>
    %get3A_509 = vector.shape_cast %get3A_508 : vector<1x1x128xf32> to vector<1x128xf32>
    %add3A_510 = vector.broadcast %get3A_509 : vector<1x128xf32> to vector<128x128xf32>
    %add3A_511 = arith.addf %dot_general3A_504, %add3A_510 : vector<128x128xf32>
    %max3A_512 = arith.constant 0.000000e+00 : f32
    %max3A_513 = vector.broadcast %max3A_512 : f32 to vector<128x128xf32>
    %max3A_514 = arith.maximumf %add3A_511, %max3A_513 : vector<128x128xf32>
    %get3A_515 = arith.index_cast %get3A_2 : i32 to index
    %get3A_516 = arith.constant 0 : index
    %get3A_517 = arith.constant 0 : index
    %get3A_518 = vector.load %arg5[%get3A_515, %get3A_516, %get3A_517] : memref<64x128x128xf32, #tpu.memory_space<vmem>>, vector<1x128x128xf32>
    %get3A_519 = vector.shape_cast %get3A_518 : vector<1x128x128xf32> to vector<128x128xf32>
    %dot_general3A_520 = arith.constant dense<0.000000e+00> : vector<128x128xf32>
    %dot_general3A_521 = tpu.matmul %max3A_191, %get3A_519, %dot_general3A_520 {dimension_numbers = #tpu.dot_dimension_numbers<[1], [1], [0], [0], [0, 0, 1, 0], [], []>, transpose_lhs_hint = false} : vector<128x128xf32>, vector<128x128xf32>, vector<128x128xf32> -> vector<128x128xf32>
    %get3A_522 = arith.index_cast %get3A_2 : i32 to index
    %get3A_523 = arith.constant 0 : index
    %get3A_524 = arith.constant 0 : index
    %get3A_525 = vector.load %arg6[%get3A_522, %get3A_523, %get3A_524] : memref<64x1x128xf32, #tpu.memory_space<vmem>>, vector<1x1x128xf32>
    %get3A_526 = vector.shape_cast %get3A_525 : vector<1x1x128xf32> to vector<1x128xf32>
    %add3A_527 = vector.broadcast %get3A_526 : vector<1x128xf32> to vector<128x128xf32>
    %add3A_528 = arith.addf %dot_general3A_521, %add3A_527 : vector<128x128xf32>
    %max3A_529 = arith.constant 0.000000e+00 : f32
    %max3A_530 = vector.broadcast %max3A_529 : f32 to vector<128x128xf32>
    %max3A_531 = arith.maximumf %add3A_528, %max3A_530 : vector<128x128xf32>
    %get3A_532 = arith.index_cast %get3A_8 : i32 to index
    %get3A_533 = arith.constant 0 : index
    %get3A_534 = arith.constant 0 : index
    %get3A_535 = vector.load %arg5[%get3A_532, %get3A_533, %get3A_534] : memref<64x128x128xf32, #tpu.memory_space<vmem>>, vector<1x128x128xf32>
    %get3A_536 = vector.shape_cast %get3A_535 : vector<1x128x128xf32> to vector<128x128xf32>
    %dot_general3A_537 = arith.constant dense<0.000000e+00> : vector<128x128xf32>
    %dot_general3A_538 = tpu.matmul %max3A_208, %get3A_536, %dot_general3A_537 {dimension_numbers = #tpu.dot_dimension_numbers<[1], [1], [0], [0], [0, 0, 1, 0], [], []>, transpose_lhs_hint = false} : vector<128x128xf32>, vector<128x128xf32>, vector<128x128xf32> -> vector<128x128xf32>
    %get3A_539 = arith.index_cast %get3A_8 : i32 to index
    %get3A_540 = arith.constant 0 : index
    %get3A_541 = arith.constant 0 : index
    %get3A_542 = vector.load %arg6[%get3A_539, %get3A_540, %get3A_541] : memref<64x1x128xf32, #tpu.memory_space<vmem>>, vector<1x1x128xf32>
    %get3A_543 = vector.shape_cast %get3A_542 : vector<1x1x128xf32> to vector<1x128xf32>
    %add3A_544 = vector.broadcast %get3A_543 : vector<1x128xf32> to vector<128x128xf32>
    %add3A_545 = arith.addf %dot_general3A_538, %add3A_544 : vector<128x128xf32>
    %max3A_546 = arith.constant 0.000000e+00 : f32
    %max3A_547 = vector.broadcast %max3A_546 : f32 to vector<128x128xf32>
    %max3A_548 = arith.maximumf %add3A_545, %max3A_547 : vector<128x128xf32>
    %get3A_549 = arith.index_cast %get3A_14 : i32 to index
    %get3A_550 = arith.constant 0 : index
    %get3A_551 = arith.constant 0 : index
    %get3A_552 = vector.load %arg5[%get3A_549, %get3A_550, %get3A_551] : memref<64x128x128xf32, #tpu.memory_space<vmem>>, vector<1x128x128xf32>
    %get3A_553 = vector.shape_cast %get3A_552 : vector<1x128x128xf32> to vector<128x128xf32>
    %dot_general3A_554 = arith.constant dense<0.000000e+00> : vector<128x128xf32>
    %dot_general3A_555 = tpu.matmul %max3A_225, %get3A_553, %dot_general3A_554 {dimension_numbers = #tpu.dot_dimension_numbers<[1], [1], [0], [0], [0, 0, 1, 0], [], []>, transpose_lhs_hint = false} : vector<128x128xf32>, vector<128x128xf32>, vector<128x128xf32> -> vector<128x128xf32>
    %get3A_556 = arith.index_cast %get3A_14 : i32 to index
    %get3A_557 = arith.constant 0 : index
    %get3A_558 = arith.constant 0 : index
    %get3A_559 = vector.load %arg6[%get3A_556, %get3A_557, %get3A_558] : memref<64x1x128xf32, #tpu.memory_space<vmem>>, vector<1x1x128xf32>
    %get3A_560 = vector.shape_cast %get3A_559 : vector<1x1x128xf32> to vector<1x128xf32>
    %add3A_561 = vector.broadcast %get3A_560 : vector<1x128xf32> to vector<128x128xf32>
    %add3A_562 = arith.addf %dot_general3A_555, %add3A_561 : vector<128x128xf32>
    %max3A_563 = arith.constant 0.000000e+00 : f32
    %max3A_564 = vector.broadcast %max3A_563 : f32 to vector<128x128xf32>
    %max3A_565 = arith.maximumf %add3A_562, %max3A_564 : vector<128x128xf32>
    %get3A_566 = arith.index_cast %get3A_20 : i32 to index
    %get3A_567 = arith.constant 0 : index
    %get3A_568 = arith.constant 0 : index
    %get3A_569 = vector.load %arg5[%get3A_566, %get3A_567, %get3A_568] : memref<64x128x128xf32, #tpu.memory_space<vmem>>, vector<1x128x128xf32>
    %get3A_570 = vector.shape_cast %get3A_569 : vector<1x128x128xf32> to vector<128x128xf32>
    %dot_general3A_571 = arith.constant dense<0.000000e+00> : vector<128x128xf32>
    %dot_general3A_572 = tpu.matmul %max3A_242, %get3A_570, %dot_general3A_571 {dimension_numbers = #tpu.dot_dimension_numbers<[1], [1], [0], [0], [0, 0, 1, 0], [], []>, transpose_lhs_hint = false} : vector<128x128xf32>, vector<128x128xf32>, vector<128x128xf32> -> vector<128x128xf32>
    %get3A_573 = arith.index_cast %get3A_20 : i32 to index
    %get3A_574 = arith.constant 0 : index
    %get3A_575 = arith.constant 0 : index
    %get3A_576 = vector.load %arg6[%get3A_573, %get3A_574, %get3A_575] : memref<64x1x128xf32, #tpu.memory_space<vmem>>, vector<1x1x128xf32>
    %get3A_577 = vector.shape_cast %get3A_576 : vector<1x1x128xf32> to vector<1x128xf32>
    %add3A_578 = vector.broadcast %get3A_577 : vector<1x128xf32> to vector<128x128xf32>
    %add3A_579 = arith.addf %dot_general3A_572, %add3A_578 : vector<128x128xf32>
    %max3A_580 = arith.constant 0.000000e+00 : f32
    %max3A_581 = vector.broadcast %max3A_580 : f32 to vector<128x128xf32>
    %max3A_582 = arith.maximumf %add3A_579, %max3A_581 : vector<128x128xf32>
    %get3A_583 = arith.index_cast %get3A_26 : i32 to index
    %get3A_584 = arith.constant 0 : index
    %get3A_585 = arith.constant 0 : index
    %get3A_586 = vector.load %arg5[%get3A_583, %get3A_584, %get3A_585] : memref<64x128x128xf32, #tpu.memory_space<vmem>>, vector<1x128x128xf32>
    %get3A_587 = vector.shape_cast %get3A_586 : vector<1x128x128xf32> to vector<128x128xf32>
    %dot_general3A_588 = arith.constant dense<0.000000e+00> : vector<128x128xf32>
    %dot_general3A_589 = tpu.matmul %max3A_259, %get3A_587, %dot_general3A_588 {dimension_numbers = #tpu.dot_dimension_numbers<[1], [1], [0], [0], [0, 0, 1, 0], [], []>, transpose_lhs_hint = false} : vector<128x128xf32>, vector<128x128xf32>, vector<128x128xf32> -> vector<128x128xf32>
    %get3A_590 = arith.index_cast %get3A_26 : i32 to index
    %get3A_591 = arith.constant 0 : index
    %get3A_592 = arith.constant 0 : index
    %get3A_593 = vector.load %arg6[%get3A_590, %get3A_591, %get3A_592] : memref<64x1x128xf32, #tpu.memory_space<vmem>>, vector<1x1x128xf32>
    %get3A_594 = vector.shape_cast %get3A_593 : vector<1x1x128xf32> to vector<1x128xf32>
    %add3A_595 = vector.broadcast %get3A_594 : vector<1x128xf32> to vector<128x128xf32>
    %add3A_596 = arith.addf %dot_general3A_589, %add3A_595 : vector<128x128xf32>
    %max3A_597 = arith.constant 0.000000e+00 : f32
    %max3A_598 = vector.broadcast %max3A_597 : f32 to vector<128x128xf32>
    %max3A_599 = arith.maximumf %add3A_596, %max3A_598 : vector<128x128xf32>
    %get3A_600 = arith.index_cast %get3A_32 : i32 to index
    %get3A_601 = arith.constant 0 : index
    %get3A_602 = arith.constant 0 : index
    %get3A_603 = vector.load %arg5[%get3A_600, %get3A_601, %get3A_602] : memref<64x128x128xf32, #tpu.memory_space<vmem>>, vector<1x128x128xf32>
    %get3A_604 = vector.shape_cast %get3A_603 : vector<1x128x128xf32> to vector<128x128xf32>
    %dot_general3A_605 = arith.constant dense<0.000000e+00> : vector<128x128xf32>
    %dot_general3A_606 = tpu.matmul %max3A_276, %get3A_604, %dot_general3A_605 {dimension_numbers = #tpu.dot_dimension_numbers<[1], [1], [0], [0], [0, 0, 1, 0], [], []>, transpose_lhs_hint = false} : vector<128x128xf32>, vector<128x128xf32>, vector<128x128xf32> -> vector<128x128xf32>
    %get3A_607 = arith.index_cast %get3A_32 : i32 to index
    %get3A_608 = arith.constant 0 : index
    %get3A_609 = arith.constant 0 : index
    %get3A_610 = vector.load %arg6[%get3A_607, %get3A_608, %get3A_609] : memref<64x1x128xf32, #tpu.memory_space<vmem>>, vector<1x1x128xf32>
    %get3A_611 = vector.shape_cast %get3A_610 : vector<1x1x128xf32> to vector<1x128xf32>
    %add3A_612 = vector.broadcast %get3A_611 : vector<1x128xf32> to vector<128x128xf32>
    %add3A_613 = arith.addf %dot_general3A_606, %add3A_612 : vector<128x128xf32>
    %max3A_614 = arith.constant 0.000000e+00 : f32
    %max3A_615 = vector.broadcast %max3A_614 : f32 to vector<128x128xf32>
    %max3A_616 = arith.maximumf %add3A_613, %max3A_615 : vector<128x128xf32>
    %get3A_617 = arith.index_cast %get3A_38 : i32 to index
    %get3A_618 = arith.constant 0 : index
    %get3A_619 = arith.constant 0 : index
    %get3A_620 = vector.load %arg5[%get3A_617, %get3A_618, %get3A_619] : memref<64x128x128xf32, #tpu.memory_space<vmem>>, vector<1x128x128xf32>
    %get3A_621 = vector.shape_cast %get3A_620 : vector<1x128x128xf32> to vector<128x128xf32>
    %dot_general3A_622 = arith.constant dense<0.000000e+00> : vector<128x128xf32>
    %dot_general3A_623 = tpu.matmul %max3A_293, %get3A_621, %dot_general3A_622 {dimension_numbers = #tpu.dot_dimension_numbers<[1], [1], [0], [0], [0, 0, 1, 0], [], []>, transpose_lhs_hint = false} : vector<128x128xf32>, vector<128x128xf32>, vector<128x128xf32> -> vector<128x128xf32>
    %get3A_624 = arith.index_cast %get3A_38 : i32 to index
    %get3A_625 = arith.constant 0 : index
    %get3A_626 = arith.constant 0 : index
    %get3A_627 = vector.load %arg6[%get3A_624, %get3A_625, %get3A_626] : memref<64x1x128xf32, #tpu.memory_space<vmem>>, vector<1x1x128xf32>
    %get3A_628 = vector.shape_cast %get3A_627 : vector<1x1x128xf32> to vector<1x128xf32>
    %add3A_629 = vector.broadcast %get3A_628 : vector<1x128xf32> to vector<128x128xf32>
    %add3A_630 = arith.addf %dot_general3A_623, %add3A_629 : vector<128x128xf32>
    %max3A_631 = arith.constant 0.000000e+00 : f32
    %max3A_632 = vector.broadcast %max3A_631 : f32 to vector<128x128xf32>
    %max3A_633 = arith.maximumf %add3A_630, %max3A_632 : vector<128x128xf32>
    %get3A_634 = arith.index_cast %get3A_44 : i32 to index
    %get3A_635 = arith.constant 0 : index
    %get3A_636 = arith.constant 0 : index
    %get3A_637 = vector.load %arg5[%get3A_634, %get3A_635, %get3A_636] : memref<64x128x128xf32, #tpu.memory_space<vmem>>, vector<1x128x128xf32>
    %get3A_638 = vector.shape_cast %get3A_637 : vector<1x128x128xf32> to vector<128x128xf32>
    %dot_general3A_639 = arith.constant dense<0.000000e+00> : vector<128x128xf32>
    %dot_general3A_640 = tpu.matmul %max3A_310, %get3A_638, %dot_general3A_639 {dimension_numbers = #tpu.dot_dimension_numbers<[1], [1], [0], [0], [0, 0, 1, 0], [], []>, transpose_lhs_hint = false} : vector<128x128xf32>, vector<128x128xf32>, vector<128x128xf32> -> vector<128x128xf32>
    %get3A_641 = arith.index_cast %get3A_44 : i32 to index
    %get3A_642 = arith.constant 0 : index
    %get3A_643 = arith.constant 0 : index
    %get3A_644 = vector.load %arg6[%get3A_641, %get3A_642, %get3A_643] : memref<64x1x128xf32, #tpu.memory_space<vmem>>, vector<1x1x128xf32>
    %get3A_645 = vector.shape_cast %get3A_644 : vector<1x1x128xf32> to vector<1x128xf32>
    %add3A_646 = vector.broadcast %get3A_645 : vector<1x128xf32> to vector<128x128xf32>
    %add3A_647 = arith.addf %dot_general3A_640, %add3A_646 : vector<128x128xf32>
    %max3A_648 = arith.constant 0.000000e+00 : f32
    %max3A_649 = vector.broadcast %max3A_648 : f32 to vector<128x128xf32>
    %max3A_650 = arith.maximumf %add3A_647, %max3A_649 : vector<128x128xf32>
    %get3A_651 = arith.index_cast %get3A_50 : i32 to index
    %get3A_652 = arith.constant 0 : index
    %get3A_653 = arith.constant 0 : index
    %get3A_654 = vector.load %arg5[%get3A_651, %get3A_652, %get3A_653] : memref<64x128x128xf32, #tpu.memory_space<vmem>>, vector<1x128x128xf32>
    %get3A_655 = vector.shape_cast %get3A_654 : vector<1x128x128xf32> to vector<128x128xf32>
    %dot_general3A_656 = arith.constant dense<0.000000e+00> : vector<128x128xf32>
    %dot_general3A_657 = tpu.matmul %max3A_327, %get3A_655, %dot_general3A_656 {dimension_numbers = #tpu.dot_dimension_numbers<[1], [1], [0], [0], [0, 0, 1, 0], [], []>, transpose_lhs_hint = false} : vector<128x128xf32>, vector<128x128xf32>, vector<128x128xf32> -> vector<128x128xf32>
    %get3A_658 = arith.index_cast %get3A_50 : i32 to index
    %get3A_659 = arith.constant 0 : index
    %get3A_660 = arith.constant 0 : index
    %get3A_661 = vector.load %arg6[%get3A_658, %get3A_659, %get3A_660] : memref<64x1x128xf32, #tpu.memory_space<vmem>>, vector<1x1x128xf32>
    %get3A_662 = vector.shape_cast %get3A_661 : vector<1x1x128xf32> to vector<1x128xf32>
    %add3A_663 = vector.broadcast %get3A_662 : vector<1x128xf32> to vector<128x128xf32>
    %add3A_664 = arith.addf %dot_general3A_657, %add3A_663 : vector<128x128xf32>
    %max3A_665 = arith.constant 0.000000e+00 : f32
    %max3A_666 = vector.broadcast %max3A_665 : f32 to vector<128x128xf32>
    %max3A_667 = arith.maximumf %add3A_664, %max3A_666 : vector<128x128xf32>
    %get3A_668 = arith.index_cast %get3A_56 : i32 to index
    %get3A_669 = arith.constant 0 : index
    %get3A_670 = arith.constant 0 : index
    %get3A_671 = vector.load %arg5[%get3A_668, %get3A_669, %get3A_670] : memref<64x128x128xf32, #tpu.memory_space<vmem>>, vector<1x128x128xf32>
    %get3A_672 = vector.shape_cast %get3A_671 : vector<1x128x128xf32> to vector<128x128xf32>
    %dot_general3A_673 = arith.constant dense<0.000000e+00> : vector<128x128xf32>
    %dot_general3A_674 = tpu.matmul %max3A_344, %get3A_672, %dot_general3A_673 {dimension_numbers = #tpu.dot_dimension_numbers<[1], [1], [0], [0], [0, 0, 1, 0], [], []>, transpose_lhs_hint = false} : vector<128x128xf32>, vector<128x128xf32>, vector<128x128xf32> -> vector<128x128xf32>
    %get3A_675 = arith.index_cast %get3A_56 : i32 to index
    %get3A_676 = arith.constant 0 : index
    %get3A_677 = arith.constant 0 : index
    %get3A_678 = vector.load %arg6[%get3A_675, %get3A_676, %get3A_677] : memref<64x1x128xf32, #tpu.memory_space<vmem>>, vector<1x1x128xf32>
    %get3A_679 = vector.shape_cast %get3A_678 : vector<1x1x128xf32> to vector<1x128xf32>
    %add3A_680 = vector.broadcast %get3A_679 : vector<1x128xf32> to vector<128x128xf32>
    %add3A_681 = arith.addf %dot_general3A_674, %add3A_680 : vector<128x128xf32>
    %max3A_682 = arith.constant 0.000000e+00 : f32
    %max3A_683 = vector.broadcast %max3A_682 : f32 to vector<128x128xf32>
    %max3A_684 = arith.maximumf %add3A_681, %max3A_683 : vector<128x128xf32>
    %get3A_685 = arith.index_cast %get3A_62 : i32 to index
    %get3A_686 = arith.constant 0 : index
    %get3A_687 = arith.constant 0 : index
    %get3A_688 = vector.load %arg5[%get3A_685, %get3A_686, %get3A_687] : memref<64x128x128xf32, #tpu.memory_space<vmem>>, vector<1x128x128xf32>
    %get3A_689 = vector.shape_cast %get3A_688 : vector<1x128x128xf32> to vector<128x128xf32>
    %dot_general3A_690 = arith.constant dense<0.000000e+00> : vector<128x128xf32>
    %dot_general3A_691 = tpu.matmul %max3A_361, %get3A_689, %dot_general3A_690 {dimension_numbers = #tpu.dot_dimension_numbers<[1], [1], [0], [0], [0, 0, 1, 0], [], []>, transpose_lhs_hint = false} : vector<128x128xf32>, vector<128x128xf32>, vector<128x128xf32> -> vector<128x128xf32>
    %get3A_692 = arith.index_cast %get3A_62 : i32 to index
    %get3A_693 = arith.constant 0 : index
    %get3A_694 = arith.constant 0 : index
    %get3A_695 = vector.load %arg6[%get3A_692, %get3A_693, %get3A_694] : memref<64x1x128xf32, #tpu.memory_space<vmem>>, vector<1x1x128xf32>
    %get3A_696 = vector.shape_cast %get3A_695 : vector<1x1x128xf32> to vector<1x128xf32>
    %add3A_697 = vector.broadcast %get3A_696 : vector<1x128xf32> to vector<128x128xf32>
    %add3A_698 = arith.addf %dot_general3A_691, %add3A_697 : vector<128x128xf32>
    %max3A_699 = arith.constant 0.000000e+00 : f32
    %max3A_700 = vector.broadcast %max3A_699 : f32 to vector<128x128xf32>
    %max3A_701 = arith.maximumf %add3A_698, %max3A_700 : vector<128x128xf32>
    %get3A_702 = arith.index_cast %get3A_68 : i32 to index
    %get3A_703 = arith.constant 0 : index
    %get3A_704 = arith.constant 0 : index
    %get3A_705 = vector.load %arg5[%get3A_702, %get3A_703, %get3A_704] : memref<64x128x128xf32, #tpu.memory_space<vmem>>, vector<1x128x128xf32>
    %get3A_706 = vector.shape_cast %get3A_705 : vector<1x128x128xf32> to vector<128x128xf32>
    %dot_general3A_707 = arith.constant dense<0.000000e+00> : vector<128x128xf32>
    %dot_general3A_708 = tpu.matmul %max3A_378, %get3A_706, %dot_general3A_707 {dimension_numbers = #tpu.dot_dimension_numbers<[1], [1], [0], [0], [0, 0, 1, 0], [], []>, transpose_lhs_hint = false} : vector<128x128xf32>, vector<128x128xf32>, vector<128x128xf32> -> vector<128x128xf32>
    %get3A_709 = arith.index_cast %get3A_68 : i32 to index
    %get3A_710 = arith.constant 0 : index
    %get3A_711 = arith.constant 0 : index
    %get3A_712 = vector.load %arg6[%get3A_709, %get3A_710, %get3A_711] : memref<64x1x128xf32, #tpu.memory_space<vmem>>, vector<1x1x128xf32>
    %get3A_713 = vector.shape_cast %get3A_712 : vector<1x1x128xf32> to vector<1x128xf32>
    %add3A_714 = vector.broadcast %get3A_713 : vector<1x128xf32> to vector<128x128xf32>
    %add3A_715 = arith.addf %dot_general3A_708, %add3A_714 : vector<128x128xf32>
    %max3A_716 = arith.constant 0.000000e+00 : f32
    %max3A_717 = vector.broadcast %max3A_716 : f32 to vector<128x128xf32>
    %max3A_718 = arith.maximumf %add3A_715, %max3A_717 : vector<128x128xf32>
    %get3A_719 = arith.index_cast %get3A_74 : i32 to index
    %get3A_720 = arith.constant 0 : index
    %get3A_721 = arith.constant 0 : index
    %get3A_722 = vector.load %arg5[%get3A_719, %get3A_720, %get3A_721] : memref<64x128x128xf32, #tpu.memory_space<vmem>>, vector<1x128x128xf32>
    %get3A_723 = vector.shape_cast %get3A_722 : vector<1x128x128xf32> to vector<128x128xf32>
    %dot_general3A_724 = arith.constant dense<0.000000e+00> : vector<128x128xf32>
    %dot_general3A_725 = tpu.matmul %max3A_395, %get3A_723, %dot_general3A_724 {dimension_numbers = #tpu.dot_dimension_numbers<[1], [1], [0], [0], [0, 0, 1, 0], [], []>, transpose_lhs_hint = false} : vector<128x128xf32>, vector<128x128xf32>, vector<128x128xf32> -> vector<128x128xf32>
    %get3A_726 = arith.index_cast %get3A_74 : i32 to index
    %get3A_727 = arith.constant 0 : index
    %get3A_728 = arith.constant 0 : index
    %get3A_729 = vector.load %arg6[%get3A_726, %get3A_727, %get3A_728] : memref<64x1x128xf32, #tpu.memory_space<vmem>>, vector<1x1x128xf32>
    %get3A_730 = vector.shape_cast %get3A_729 : vector<1x1x128xf32> to vector<1x128xf32>
    %add3A_731 = vector.broadcast %get3A_730 : vector<1x128xf32> to vector<128x128xf32>
    %add3A_732 = arith.addf %dot_general3A_725, %add3A_731 : vector<128x128xf32>
    %max3A_733 = arith.constant 0.000000e+00 : f32
    %max3A_734 = vector.broadcast %max3A_733 : f32 to vector<128x128xf32>
    %max3A_735 = arith.maximumf %add3A_732, %max3A_734 : vector<128x128xf32>
    %get3A_736 = arith.index_cast %get3A_80 : i32 to index
    %get3A_737 = arith.constant 0 : index
    %get3A_738 = arith.constant 0 : index
    %get3A_739 = vector.load %arg5[%get3A_736, %get3A_737, %get3A_738] : memref<64x128x128xf32, #tpu.memory_space<vmem>>, vector<1x128x128xf32>
    %get3A_740 = vector.shape_cast %get3A_739 : vector<1x128x128xf32> to vector<128x128xf32>
    %dot_general3A_741 = arith.constant dense<0.000000e+00> : vector<128x128xf32>
    %dot_general3A_742 = tpu.matmul %max3A_412, %get3A_740, %dot_general3A_741 {dimension_numbers = #tpu.dot_dimension_numbers<[1], [1], [0], [0], [0, 0, 1, 0], [], []>, transpose_lhs_hint = false} : vector<128x128xf32>, vector<128x128xf32>, vector<128x128xf32> -> vector<128x128xf32>
    %get3A_743 = arith.index_cast %get3A_80 : i32 to index
    %get3A_744 = arith.constant 0 : index
    %get3A_745 = arith.constant 0 : index
    %get3A_746 = vector.load %arg6[%get3A_743, %get3A_744, %get3A_745] : memref<64x1x128xf32, #tpu.memory_space<vmem>>, vector<1x1x128xf32>
    %get3A_747 = vector.shape_cast %get3A_746 : vector<1x1x128xf32> to vector<1x128xf32>
    %add3A_748 = vector.broadcast %get3A_747 : vector<1x128xf32> to vector<128x128xf32>
    %add3A_749 = arith.addf %dot_general3A_742, %add3A_748 : vector<128x128xf32>
    %max3A_750 = arith.constant 0.000000e+00 : f32
    %max3A_751 = vector.broadcast %max3A_750 : f32 to vector<128x128xf32>
    %max3A_752 = arith.maximumf %add3A_749, %max3A_751 : vector<128x128xf32>
    %get3A_753 = arith.index_cast %get3A_86 : i32 to index
    %get3A_754 = arith.constant 0 : index
    %get3A_755 = arith.constant 0 : index
    %get3A_756 = vector.load %arg5[%get3A_753, %get3A_754, %get3A_755] : memref<64x128x128xf32, #tpu.memory_space<vmem>>, vector<1x128x128xf32>
    %get3A_757 = vector.shape_cast %get3A_756 : vector<1x128x128xf32> to vector<128x128xf32>
    %dot_general3A_758 = arith.constant dense<0.000000e+00> : vector<128x128xf32>
    %dot_general3A_759 = tpu.matmul %max3A_429, %get3A_757, %dot_general3A_758 {dimension_numbers = #tpu.dot_dimension_numbers<[1], [1], [0], [0], [0, 0, 1, 0], [], []>, transpose_lhs_hint = false} : vector<128x128xf32>, vector<128x128xf32>, vector<128x128xf32> -> vector<128x128xf32>
    %get3A_760 = arith.index_cast %get3A_86 : i32 to index
    %get3A_761 = arith.constant 0 : index
    %get3A_762 = arith.constant 0 : index
    %get3A_763 = vector.load %arg6[%get3A_760, %get3A_761, %get3A_762] : memref<64x1x128xf32, #tpu.memory_space<vmem>>, vector<1x1x128xf32>
    %get3A_764 = vector.shape_cast %get3A_763 : vector<1x1x128xf32> to vector<1x128xf32>
    %add3A_765 = vector.broadcast %get3A_764 : vector<1x128xf32> to vector<128x128xf32>
    %add3A_766 = arith.addf %dot_general3A_759, %add3A_765 : vector<128x128xf32>
    %max3A_767 = arith.constant 0.000000e+00 : f32
    %max3A_768 = vector.broadcast %max3A_767 : f32 to vector<128x128xf32>
    %max3A_769 = arith.maximumf %add3A_766, %max3A_768 : vector<128x128xf32>
    %get3A_770 = arith.index_cast %get3A_92 : i32 to index
    %get3A_771 = arith.constant 0 : index
    %get3A_772 = arith.constant 0 : index
    %get3A_773 = vector.load %arg5[%get3A_770, %get3A_771, %get3A_772] : memref<64x128x128xf32, #tpu.memory_space<vmem>>, vector<1x128x128xf32>
    %get3A_774 = vector.shape_cast %get3A_773 : vector<1x128x128xf32> to vector<128x128xf32>
    %dot_general3A_775 = arith.constant dense<0.000000e+00> : vector<128x128xf32>
    %dot_general3A_776 = tpu.matmul %max3A_446, %get3A_774, %dot_general3A_775 {dimension_numbers = #tpu.dot_dimension_numbers<[1], [1], [0], [0], [0, 0, 1, 0], [], []>, transpose_lhs_hint = false} : vector<128x128xf32>, vector<128x128xf32>, vector<128x128xf32> -> vector<128x128xf32>
    %get3A_777 = arith.index_cast %get3A_92 : i32 to index
    %get3A_778 = arith.constant 0 : index
    %get3A_779 = arith.constant 0 : index
    %get3A_780 = vector.load %arg6[%get3A_777, %get3A_778, %get3A_779] : memref<64x1x128xf32, #tpu.memory_space<vmem>>, vector<1x1x128xf32>
    %get3A_781 = vector.shape_cast %get3A_780 : vector<1x1x128xf32> to vector<1x128xf32>
    %add3A_782 = vector.broadcast %get3A_781 : vector<1x128xf32> to vector<128x128xf32>
    %add3A_783 = arith.addf %dot_general3A_776, %add3A_782 : vector<128x128xf32>
    %max3A_784 = arith.constant 0.000000e+00 : f32
    %max3A_785 = vector.broadcast %max3A_784 : f32 to vector<128x128xf32>
    %max3A_786 = arith.maximumf %add3A_783, %max3A_785 : vector<128x128xf32>
    %get3A_787 = arith.index_cast %get3A_98 : i32 to index
    %get3A_788 = arith.constant 0 : index
    %get3A_789 = arith.constant 0 : index
    %get3A_790 = vector.load %arg5[%get3A_787, %get3A_788, %get3A_789] : memref<64x128x128xf32, #tpu.memory_space<vmem>>, vector<1x128x128xf32>
    %get3A_791 = vector.shape_cast %get3A_790 : vector<1x128x128xf32> to vector<128x128xf32>
    %dot_general3A_792 = arith.constant dense<0.000000e+00> : vector<128x128xf32>
    %dot_general3A_793 = tpu.matmul %max3A_463, %get3A_791, %dot_general3A_792 {dimension_numbers = #tpu.dot_dimension_numbers<[1], [1], [0], [0], [0, 0, 1, 0], [], []>, transpose_lhs_hint = false} : vector<128x128xf32>, vector<128x128xf32>, vector<128x128xf32> -> vector<128x128xf32>
    %get3A_794 = arith.index_cast %get3A_98 : i32 to index
    %get3A_795 = arith.constant 0 : index
    %get3A_796 = arith.constant 0 : index
    %get3A_797 = vector.load %arg6[%get3A_794, %get3A_795, %get3A_796] : memref<64x1x128xf32, #tpu.memory_space<vmem>>, vector<1x1x128xf32>
    %get3A_798 = vector.shape_cast %get3A_797 : vector<1x1x128xf32> to vector<1x128xf32>
    %add3A_799 = vector.broadcast %get3A_798 : vector<1x128xf32> to vector<128x128xf32>
    %add3A_800 = arith.addf %dot_general3A_793, %add3A_799 : vector<128x128xf32>
    %max3A_801 = arith.constant 0.000000e+00 : f32
    %max3A_802 = vector.broadcast %max3A_801 : f32 to vector<128x128xf32>
    %max3A_803 = arith.maximumf %add3A_800, %max3A_802 : vector<128x128xf32>
    %get3A_804 = arith.index_cast %get3A_104 : i32 to index
    %get3A_805 = arith.constant 0 : index
    %get3A_806 = arith.constant 0 : index
    %get3A_807 = vector.load %arg5[%get3A_804, %get3A_805, %get3A_806] : memref<64x128x128xf32, #tpu.memory_space<vmem>>, vector<1x128x128xf32>
    %get3A_808 = vector.shape_cast %get3A_807 : vector<1x128x128xf32> to vector<128x128xf32>
    %dot_general3A_809 = arith.constant dense<0.000000e+00> : vector<128x128xf32>
    %dot_general3A_810 = tpu.matmul %max3A_480, %get3A_808, %dot_general3A_809 {dimension_numbers = #tpu.dot_dimension_numbers<[1], [1], [0], [0], [0, 0, 1, 0], [], []>, transpose_lhs_hint = false} : vector<128x128xf32>, vector<128x128xf32>, vector<128x128xf32> -> vector<128x128xf32>
    %get3A_811 = arith.index_cast %get3A_104 : i32 to index
    %get3A_812 = arith.constant 0 : index
    %get3A_813 = arith.constant 0 : index
    %get3A_814 = vector.load %arg6[%get3A_811, %get3A_812, %get3A_813] : memref<64x1x128xf32, #tpu.memory_space<vmem>>, vector<1x1x128xf32>
    %get3A_815 = vector.shape_cast %get3A_814 : vector<1x1x128xf32> to vector<1x128xf32>
    %add3A_816 = vector.broadcast %get3A_815 : vector<1x128xf32> to vector<128x128xf32>
    %add3A_817 = arith.addf %dot_general3A_810, %add3A_816 : vector<128x128xf32>
    %max3A_818 = arith.constant 0.000000e+00 : f32
    %max3A_819 = vector.broadcast %max3A_818 : f32 to vector<128x128xf32>
    %max3A_820 = arith.maximumf %add3A_817, %max3A_819 : vector<128x128xf32>
    %get3A_821 = arith.index_cast %get3A_110 : i32 to index
    %get3A_822 = arith.constant 0 : index
    %get3A_823 = arith.constant 0 : index
    %get3A_824 = vector.load %arg5[%get3A_821, %get3A_822, %get3A_823] : memref<64x128x128xf32, #tpu.memory_space<vmem>>, vector<1x128x128xf32>
    %get3A_825 = vector.shape_cast %get3A_824 : vector<1x128x128xf32> to vector<128x128xf32>
    %dot_general3A_826 = arith.constant dense<0.000000e+00> : vector<128x128xf32>
    %dot_general3A_827 = tpu.matmul %max3A_497, %get3A_825, %dot_general3A_826 {dimension_numbers = #tpu.dot_dimension_numbers<[1], [1], [0], [0], [0, 0, 1, 0], [], []>, transpose_lhs_hint = false} : vector<128x128xf32>, vector<128x128xf32>, vector<128x128xf32> -> vector<128x128xf32>
    %get3A_828 = arith.index_cast %get3A_110 : i32 to index
    %get3A_829 = arith.constant 0 : index
    %get3A_830 = arith.constant 0 : index
    %get3A_831 = vector.load %arg6[%get3A_828, %get3A_829, %get3A_830] : memref<64x1x128xf32, #tpu.memory_space<vmem>>, vector<1x1x128xf32>
    %get3A_832 = vector.shape_cast %get3A_831 : vector<1x1x128xf32> to vector<1x128xf32>
    %add3A_833 = vector.broadcast %get3A_832 : vector<1x128xf32> to vector<128x128xf32>
    %add3A_834 = arith.addf %dot_general3A_827, %add3A_833 : vector<128x128xf32>
    %max3A_835 = arith.constant 0.000000e+00 : f32
    %max3A_836 = vector.broadcast %max3A_835 : f32 to vector<128x128xf32>
    %max3A_837 = arith.maximumf %add3A_834, %max3A_836 : vector<128x128xf32>
    %get3A_838 = arith.index_cast %get3A_116 : i32 to index
    %get3A_839 = arith.constant 0 : index
    %get3A_840 = arith.constant 0 : index
    %get3A_841 = vector.load %arg5[%get3A_838, %get3A_839, %get3A_840] : memref<64x128x128xf32, #tpu.memory_space<vmem>>, vector<1x128x128xf32>
    %get3A_842 = vector.shape_cast %get3A_841 : vector<1x128x128xf32> to vector<128x128xf32>
    %dot_general3A_843 = arith.constant dense<0.000000e+00> : vector<128x128xf32>
    %dot_general3A_844 = tpu.matmul %max3A_514, %get3A_842, %dot_general3A_843 {dimension_numbers = #tpu.dot_dimension_numbers<[1], [1], [0], [0], [0, 0, 1, 0], [], []>, transpose_lhs_hint = false} : vector<128x128xf32>, vector<128x128xf32>, vector<128x128xf32> -> vector<128x128xf32>
    %get3A_845 = arith.index_cast %get3A_116 : i32 to index
    %get3A_846 = arith.constant 0 : index
    %get3A_847 = arith.constant 0 : index
    %get3A_848 = vector.load %arg6[%get3A_845, %get3A_846, %get3A_847] : memref<64x1x128xf32, #tpu.memory_space<vmem>>, vector<1x1x128xf32>
    %get3A_849 = vector.shape_cast %get3A_848 : vector<1x1x128xf32> to vector<1x128xf32>
    %add3A_850 = vector.broadcast %get3A_849 : vector<1x128xf32> to vector<128x128xf32>
    %add3A_851 = arith.addf %dot_general3A_844, %add3A_850 : vector<128x128xf32>
    %max3A_852 = arith.constant 0.000000e+00 : f32
    %max3A_853 = vector.broadcast %max3A_852 : f32 to vector<128x128xf32>
    %max3A_854 = arith.maximumf %add3A_851, %max3A_853 : vector<128x128xf32>
    %get3A_855 = arith.index_cast %get3A_2 : i32 to index
    %get3A_856 = arith.constant 0 : index
    %get3A_857 = arith.constant 0 : index
    %get3A_858 = vector.load %arg7[%get3A_855, %get3A_856, %get3A_857] : memref<64x128x128xf32, #tpu.memory_space<vmem>>, vector<1x128x128xf32>
    %get3A_859 = vector.shape_cast %get3A_858 : vector<1x128x128xf32> to vector<128x128xf32>
    %dot_general3A_860 = arith.constant dense<0.000000e+00> : vector<128x128xf32>
    %dot_general3A_861 = tpu.matmul %max3A_531, %get3A_859, %dot_general3A_860 {dimension_numbers = #tpu.dot_dimension_numbers<[1], [1], [0], [0], [0, 0, 1, 0], [], []>, transpose_lhs_hint = false} : vector<128x128xf32>, vector<128x128xf32>, vector<128x128xf32> -> vector<128x128xf32>
    %get3A_862 = arith.index_cast %get3A_2 : i32 to index
    %get3A_863 = arith.constant 0 : index
    %get3A_864 = arith.constant 0 : index
    %get3A_865 = vector.load %arg8[%get3A_862, %get3A_863, %get3A_864] : memref<64x1x128xf32, #tpu.memory_space<vmem>>, vector<1x1x128xf32>
    %get3A_866 = vector.shape_cast %get3A_865 : vector<1x1x128xf32> to vector<1x128xf32>
    %add3A_867 = vector.broadcast %get3A_866 : vector<1x128xf32> to vector<128x128xf32>
    %add3A_868 = arith.addf %dot_general3A_861, %add3A_867 : vector<128x128xf32>
    %get3A_869 = arith.index_cast %get3A_8 : i32 to index
    %get3A_870 = arith.constant 0 : index
    %get3A_871 = arith.constant 0 : index
    %get3A_872 = vector.load %arg7[%get3A_869, %get3A_870, %get3A_871] : memref<64x128x128xf32, #tpu.memory_space<vmem>>, vector<1x128x128xf32>
    %get3A_873 = vector.shape_cast %get3A_872 : vector<1x128x128xf32> to vector<128x128xf32>
    %dot_general3A_874 = arith.constant dense<0.000000e+00> : vector<128x128xf32>
    %dot_general3A_875 = tpu.matmul %max3A_548, %get3A_873, %dot_general3A_874 {dimension_numbers = #tpu.dot_dimension_numbers<[1], [1], [0], [0], [0, 0, 1, 0], [], []>, transpose_lhs_hint = false} : vector<128x128xf32>, vector<128x128xf32>, vector<128x128xf32> -> vector<128x128xf32>
    %get3A_876 = arith.index_cast %get3A_8 : i32 to index
    %get3A_877 = arith.constant 0 : index
    %get3A_878 = arith.constant 0 : index
    %get3A_879 = vector.load %arg8[%get3A_876, %get3A_877, %get3A_878] : memref<64x1x128xf32, #tpu.memory_space<vmem>>, vector<1x1x128xf32>
    %get3A_880 = vector.shape_cast %get3A_879 : vector<1x1x128xf32> to vector<1x128xf32>
    %add3A_881 = vector.broadcast %get3A_880 : vector<1x128xf32> to vector<128x128xf32>
    %add3A_882 = arith.addf %dot_general3A_875, %add3A_881 : vector<128x128xf32>
    %get3A_883 = arith.index_cast %get3A_14 : i32 to index
    %get3A_884 = arith.constant 0 : index
    %get3A_885 = arith.constant 0 : index
    %get3A_886 = vector.load %arg7[%get3A_883, %get3A_884, %get3A_885] : memref<64x128x128xf32, #tpu.memory_space<vmem>>, vector<1x128x128xf32>
    %get3A_887 = vector.shape_cast %get3A_886 : vector<1x128x128xf32> to vector<128x128xf32>
    %dot_general3A_888 = arith.constant dense<0.000000e+00> : vector<128x128xf32>
    %dot_general3A_889 = tpu.matmul %max3A_565, %get3A_887, %dot_general3A_888 {dimension_numbers = #tpu.dot_dimension_numbers<[1], [1], [0], [0], [0, 0, 1, 0], [], []>, transpose_lhs_hint = false} : vector<128x128xf32>, vector<128x128xf32>, vector<128x128xf32> -> vector<128x128xf32>
    %get3A_890 = arith.index_cast %get3A_14 : i32 to index
    %get3A_891 = arith.constant 0 : index
    %get3A_892 = arith.constant 0 : index
    %get3A_893 = vector.load %arg8[%get3A_890, %get3A_891, %get3A_892] : memref<64x1x128xf32, #tpu.memory_space<vmem>>, vector<1x1x128xf32>
    %get3A_894 = vector.shape_cast %get3A_893 : vector<1x1x128xf32> to vector<1x128xf32>
    %add3A_895 = vector.broadcast %get3A_894 : vector<1x128xf32> to vector<128x128xf32>
    %add3A_896 = arith.addf %dot_general3A_889, %add3A_895 : vector<128x128xf32>
    %get3A_897 = arith.index_cast %get3A_20 : i32 to index
    %get3A_898 = arith.constant 0 : index
    %get3A_899 = arith.constant 0 : index
    %get3A_900 = vector.load %arg7[%get3A_897, %get3A_898, %get3A_899] : memref<64x128x128xf32, #tpu.memory_space<vmem>>, vector<1x128x128xf32>
    %get3A_901 = vector.shape_cast %get3A_900 : vector<1x128x128xf32> to vector<128x128xf32>
    %dot_general3A_902 = arith.constant dense<0.000000e+00> : vector<128x128xf32>
    %dot_general3A_903 = tpu.matmul %max3A_582, %get3A_901, %dot_general3A_902 {dimension_numbers = #tpu.dot_dimension_numbers<[1], [1], [0], [0], [0, 0, 1, 0], [], []>, transpose_lhs_hint = false} : vector<128x128xf32>, vector<128x128xf32>, vector<128x128xf32> -> vector<128x128xf32>
    %get3A_904 = arith.index_cast %get3A_20 : i32 to index
    %get3A_905 = arith.constant 0 : index
    %get3A_906 = arith.constant 0 : index
    %get3A_907 = vector.load %arg8[%get3A_904, %get3A_905, %get3A_906] : memref<64x1x128xf32, #tpu.memory_space<vmem>>, vector<1x1x128xf32>
    %get3A_908 = vector.shape_cast %get3A_907 : vector<1x1x128xf32> to vector<1x128xf32>
    %add3A_909 = vector.broadcast %get3A_908 : vector<1x128xf32> to vector<128x128xf32>
    %add3A_910 = arith.addf %dot_general3A_903, %add3A_909 : vector<128x128xf32>
    %get3A_911 = arith.index_cast %get3A_26 : i32 to index
    %get3A_912 = arith.constant 0 : index
    %get3A_913 = arith.constant 0 : index
    %get3A_914 = vector.load %arg7[%get3A_911, %get3A_912, %get3A_913] : memref<64x128x128xf32, #tpu.memory_space<vmem>>, vector<1x128x128xf32>
    %get3A_915 = vector.shape_cast %get3A_914 : vector<1x128x128xf32> to vector<128x128xf32>
    %dot_general3A_916 = arith.constant dense<0.000000e+00> : vector<128x128xf32>
    %dot_general3A_917 = tpu.matmul %max3A_599, %get3A_915, %dot_general3A_916 {dimension_numbers = #tpu.dot_dimension_numbers<[1], [1], [0], [0], [0, 0, 1, 0], [], []>, transpose_lhs_hint = false} : vector<128x128xf32>, vector<128x128xf32>, vector<128x128xf32> -> vector<128x128xf32>
    %get3A_918 = arith.index_cast %get3A_26 : i32 to index
    %get3A_919 = arith.constant 0 : index
    %get3A_920 = arith.constant 0 : index
    %get3A_921 = vector.load %arg8[%get3A_918, %get3A_919, %get3A_920] : memref<64x1x128xf32, #tpu.memory_space<vmem>>, vector<1x1x128xf32>
    %get3A_922 = vector.shape_cast %get3A_921 : vector<1x1x128xf32> to vector<1x128xf32>
    %add3A_923 = vector.broadcast %get3A_922 : vector<1x128xf32> to vector<128x128xf32>
    %add3A_924 = arith.addf %dot_general3A_917, %add3A_923 : vector<128x128xf32>
    %get3A_925 = arith.index_cast %get3A_32 : i32 to index
    %get3A_926 = arith.constant 0 : index
    %get3A_927 = arith.constant 0 : index
    %get3A_928 = vector.load %arg7[%get3A_925, %get3A_926, %get3A_927] : memref<64x128x128xf32, #tpu.memory_space<vmem>>, vector<1x128x128xf32>
    %get3A_929 = vector.shape_cast %get3A_928 : vector<1x128x128xf32> to vector<128x128xf32>
    %dot_general3A_930 = arith.constant dense<0.000000e+00> : vector<128x128xf32>
    %dot_general3A_931 = tpu.matmul %max3A_616, %get3A_929, %dot_general3A_930 {dimension_numbers = #tpu.dot_dimension_numbers<[1], [1], [0], [0], [0, 0, 1, 0], [], []>, transpose_lhs_hint = false} : vector<128x128xf32>, vector<128x128xf32>, vector<128x128xf32> -> vector<128x128xf32>
    %get3A_932 = arith.index_cast %get3A_32 : i32 to index
    %get3A_933 = arith.constant 0 : index
    %get3A_934 = arith.constant 0 : index
    %get3A_935 = vector.load %arg8[%get3A_932, %get3A_933, %get3A_934] : memref<64x1x128xf32, #tpu.memory_space<vmem>>, vector<1x1x128xf32>
    %get3A_936 = vector.shape_cast %get3A_935 : vector<1x1x128xf32> to vector<1x128xf32>
    %add3A_937 = vector.broadcast %get3A_936 : vector<1x128xf32> to vector<128x128xf32>
    %add3A_938 = arith.addf %dot_general3A_931, %add3A_937 : vector<128x128xf32>
    %get3A_939 = arith.index_cast %get3A_38 : i32 to index
    %get3A_940 = arith.constant 0 : index
    %get3A_941 = arith.constant 0 : index
    %get3A_942 = vector.load %arg7[%get3A_939, %get3A_940, %get3A_941] : memref<64x128x128xf32, #tpu.memory_space<vmem>>, vector<1x128x128xf32>
    %get3A_943 = vector.shape_cast %get3A_942 : vector<1x128x128xf32> to vector<128x128xf32>
    %dot_general3A_944 = arith.constant dense<0.000000e+00> : vector<128x128xf32>
    %dot_general3A_945 = tpu.matmul %max3A_633, %get3A_943, %dot_general3A_944 {dimension_numbers = #tpu.dot_dimension_numbers<[1], [1], [0], [0], [0, 0, 1, 0], [], []>, transpose_lhs_hint = false} : vector<128x128xf32>, vector<128x128xf32>, vector<128x128xf32> -> vector<128x128xf32>
    %get3A_946 = arith.index_cast %get3A_38 : i32 to index
    %get3A_947 = arith.constant 0 : index
    %get3A_948 = arith.constant 0 : index
    %get3A_949 = vector.load %arg8[%get3A_946, %get3A_947, %get3A_948] : memref<64x1x128xf32, #tpu.memory_space<vmem>>, vector<1x1x128xf32>
    %get3A_950 = vector.shape_cast %get3A_949 : vector<1x1x128xf32> to vector<1x128xf32>
    %add3A_951 = vector.broadcast %get3A_950 : vector<1x128xf32> to vector<128x128xf32>
    %add3A_952 = arith.addf %dot_general3A_945, %add3A_951 : vector<128x128xf32>
    %get3A_953 = arith.index_cast %get3A_44 : i32 to index
    %get3A_954 = arith.constant 0 : index
    %get3A_955 = arith.constant 0 : index
    %get3A_956 = vector.load %arg7[%get3A_953, %get3A_954, %get3A_955] : memref<64x128x128xf32, #tpu.memory_space<vmem>>, vector<1x128x128xf32>
    %get3A_957 = vector.shape_cast %get3A_956 : vector<1x128x128xf32> to vector<128x128xf32>
    %dot_general3A_958 = arith.constant dense<0.000000e+00> : vector<128x128xf32>
    %dot_general3A_959 = tpu.matmul %max3A_650, %get3A_957, %dot_general3A_958 {dimension_numbers = #tpu.dot_dimension_numbers<[1], [1], [0], [0], [0, 0, 1, 0], [], []>, transpose_lhs_hint = false} : vector<128x128xf32>, vector<128x128xf32>, vector<128x128xf32> -> vector<128x128xf32>
    %get3A_960 = arith.index_cast %get3A_44 : i32 to index
    %get3A_961 = arith.constant 0 : index
    %get3A_962 = arith.constant 0 : index
    %get3A_963 = vector.load %arg8[%get3A_960, %get3A_961, %get3A_962] : memref<64x1x128xf32, #tpu.memory_space<vmem>>, vector<1x1x128xf32>
    %get3A_964 = vector.shape_cast %get3A_963 : vector<1x1x128xf32> to vector<1x128xf32>
    %add3A_965 = vector.broadcast %get3A_964 : vector<1x128xf32> to vector<128x128xf32>
    %add3A_966 = arith.addf %dot_general3A_959, %add3A_965 : vector<128x128xf32>
    %get3A_967 = arith.index_cast %get3A_50 : i32 to index
    %get3A_968 = arith.constant 0 : index
    %get3A_969 = arith.constant 0 : index
    %get3A_970 = vector.load %arg7[%get3A_967, %get3A_968, %get3A_969] : memref<64x128x128xf32, #tpu.memory_space<vmem>>, vector<1x128x128xf32>
    %get3A_971 = vector.shape_cast %get3A_970 : vector<1x128x128xf32> to vector<128x128xf32>
    %dot_general3A_972 = arith.constant dense<0.000000e+00> : vector<128x128xf32>
    %dot_general3A_973 = tpu.matmul %max3A_667, %get3A_971, %dot_general3A_972 {dimension_numbers = #tpu.dot_dimension_numbers<[1], [1], [0], [0], [0, 0, 1, 0], [], []>, transpose_lhs_hint = false} : vector<128x128xf32>, vector<128x128xf32>, vector<128x128xf32> -> vector<128x128xf32>
    %get3A_974 = arith.index_cast %get3A_50 : i32 to index
    %get3A_975 = arith.constant 0 : index
    %get3A_976 = arith.constant 0 : index
    %get3A_977 = vector.load %arg8[%get3A_974, %get3A_975, %get3A_976] : memref<64x1x128xf32, #tpu.memory_space<vmem>>, vector<1x1x128xf32>
    %get3A_978 = vector.shape_cast %get3A_977 : vector<1x1x128xf32> to vector<1x128xf32>
    %add3A_979 = vector.broadcast %get3A_978 : vector<1x128xf32> to vector<128x128xf32>
    %add3A_980 = arith.addf %dot_general3A_973, %add3A_979 : vector<128x128xf32>
    %get3A_981 = arith.index_cast %get3A_56 : i32 to index
    %get3A_982 = arith.constant 0 : index
    %get3A_983 = arith.constant 0 : index
    %get3A_984 = vector.load %arg7[%get3A_981, %get3A_982, %get3A_983] : memref<64x128x128xf32, #tpu.memory_space<vmem>>, vector<1x128x128xf32>
    %get3A_985 = vector.shape_cast %get3A_984 : vector<1x128x128xf32> to vector<128x128xf32>
    %dot_general3A_986 = arith.constant dense<0.000000e+00> : vector<128x128xf32>
    %dot_general3A_987 = tpu.matmul %max3A_684, %get3A_985, %dot_general3A_986 {dimension_numbers = #tpu.dot_dimension_numbers<[1], [1], [0], [0], [0, 0, 1, 0], [], []>, transpose_lhs_hint = false} : vector<128x128xf32>, vector<128x128xf32>, vector<128x128xf32> -> vector<128x128xf32>
    %get3A_988 = arith.index_cast %get3A_56 : i32 to index
    %get3A_989 = arith.constant 0 : index
    %get3A_990 = arith.constant 0 : index
    %get3A_991 = vector.load %arg8[%get3A_988, %get3A_989, %get3A_990] : memref<64x1x128xf32, #tpu.memory_space<vmem>>, vector<1x1x128xf32>
    %get3A_992 = vector.shape_cast %get3A_991 : vector<1x1x128xf32> to vector<1x128xf32>
    %add3A_993 = vector.broadcast %get3A_992 : vector<1x128xf32> to vector<128x128xf32>
    %add3A_994 = arith.addf %dot_general3A_987, %add3A_993 : vector<128x128xf32>
    %get3A_995 = arith.index_cast %get3A_62 : i32 to index
    %get3A_996 = arith.constant 0 : index
    %get3A_997 = arith.constant 0 : index
    %get3A_998 = vector.load %arg7[%get3A_995, %get3A_996, %get3A_997] : memref<64x128x128xf32, #tpu.memory_space<vmem>>, vector<1x128x128xf32>
    %get3A_999 = vector.shape_cast %get3A_998 : vector<1x128x128xf32> to vector<128x128xf32>
    %dot_general3A_1000 = arith.constant dense<0.000000e+00> : vector<128x128xf32>
    %dot_general3A_1001 = tpu.matmul %max3A_701, %get3A_999, %dot_general3A_1000 {dimension_numbers = #tpu.dot_dimension_numbers<[1], [1], [0], [0], [0, 0, 1, 0], [], []>, transpose_lhs_hint = false} : vector<128x128xf32>, vector<128x128xf32>, vector<128x128xf32> -> vector<128x128xf32>
    %get3A_1002 = arith.index_cast %get3A_62 : i32 to index
    %get3A_1003 = arith.constant 0 : index
    %get3A_1004 = arith.constant 0 : index
    %get3A_1005 = vector.load %arg8[%get3A_1002, %get3A_1003, %get3A_1004] : memref<64x1x128xf32, #tpu.memory_space<vmem>>, vector<1x1x128xf32>
    %get3A_1006 = vector.shape_cast %get3A_1005 : vector<1x1x128xf32> to vector<1x128xf32>
    %add3A_1007 = vector.broadcast %get3A_1006 : vector<1x128xf32> to vector<128x128xf32>
    %add3A_1008 = arith.addf %dot_general3A_1001, %add3A_1007 : vector<128x128xf32>
    %get3A_1009 = arith.index_cast %get3A_68 : i32 to index
    %get3A_1010 = arith.constant 0 : index
    %get3A_1011 = arith.constant 0 : index
    %get3A_1012 = vector.load %arg7[%get3A_1009, %get3A_1010, %get3A_1011] : memref<64x128x128xf32, #tpu.memory_space<vmem>>, vector<1x128x128xf32>
    %get3A_1013 = vector.shape_cast %get3A_1012 : vector<1x128x128xf32> to vector<128x128xf32>
    %dot_general3A_1014 = arith.constant dense<0.000000e+00> : vector<128x128xf32>
    %dot_general3A_1015 = tpu.matmul %max3A_718, %get3A_1013, %dot_general3A_1014 {dimension_numbers = #tpu.dot_dimension_numbers<[1], [1], [0], [0], [0, 0, 1, 0], [], []>, transpose_lhs_hint = false} : vector<128x128xf32>, vector<128x128xf32>, vector<128x128xf32> -> vector<128x128xf32>
    %get3A_1016 = arith.index_cast %get3A_68 : i32 to index
    %get3A_1017 = arith.constant 0 : index
    %get3A_1018 = arith.constant 0 : index
    %get3A_1019 = vector.load %arg8[%get3A_1016, %get3A_1017, %get3A_1018] : memref<64x1x128xf32, #tpu.memory_space<vmem>>, vector<1x1x128xf32>
    %get3A_1020 = vector.shape_cast %get3A_1019 : vector<1x1x128xf32> to vector<1x128xf32>
    %add3A_1021 = vector.broadcast %get3A_1020 : vector<1x128xf32> to vector<128x128xf32>
    %add3A_1022 = arith.addf %dot_general3A_1015, %add3A_1021 : vector<128x128xf32>
    %get3A_1023 = arith.index_cast %get3A_74 : i32 to index
    %get3A_1024 = arith.constant 0 : index
    %get3A_1025 = arith.constant 0 : index
    %get3A_1026 = vector.load %arg7[%get3A_1023, %get3A_1024, %get3A_1025] : memref<64x128x128xf32, #tpu.memory_space<vmem>>, vector<1x128x128xf32>
    %get3A_1027 = vector.shape_cast %get3A_1026 : vector<1x128x128xf32> to vector<128x128xf32>
    %dot_general3A_1028 = arith.constant dense<0.000000e+00> : vector<128x128xf32>
    %dot_general3A_1029 = tpu.matmul %max3A_735, %get3A_1027, %dot_general3A_1028 {dimension_numbers = #tpu.dot_dimension_numbers<[1], [1], [0], [0], [0, 0, 1, 0], [], []>, transpose_lhs_hint = false} : vector<128x128xf32>, vector<128x128xf32>, vector<128x128xf32> -> vector<128x128xf32>
    %get3A_1030 = arith.index_cast %get3A_74 : i32 to index
    %get3A_1031 = arith.constant 0 : index
    %get3A_1032 = arith.constant 0 : index
    %get3A_1033 = vector.load %arg8[%get3A_1030, %get3A_1031, %get3A_1032] : memref<64x1x128xf32, #tpu.memory_space<vmem>>, vector<1x1x128xf32>
    %get3A_1034 = vector.shape_cast %get3A_1033 : vector<1x1x128xf32> to vector<1x128xf32>
    %add3A_1035 = vector.broadcast %get3A_1034 : vector<1x128xf32> to vector<128x128xf32>
    %add3A_1036 = arith.addf %dot_general3A_1029, %add3A_1035 : vector<128x128xf32>
    %get3A_1037 = arith.index_cast %get3A_80 : i32 to index
    %get3A_1038 = arith.constant 0 : index
    %get3A_1039 = arith.constant 0 : index
    %get3A_1040 = vector.load %arg7[%get3A_1037, %get3A_1038, %get3A_1039] : memref<64x128x128xf32, #tpu.memory_space<vmem>>, vector<1x128x128xf32>
    %get3A_1041 = vector.shape_cast %get3A_1040 : vector<1x128x128xf32> to vector<128x128xf32>
    %dot_general3A_1042 = arith.constant dense<0.000000e+00> : vector<128x128xf32>
    %dot_general3A_1043 = tpu.matmul %max3A_752, %get3A_1041, %dot_general3A_1042 {dimension_numbers = #tpu.dot_dimension_numbers<[1], [1], [0], [0], [0, 0, 1, 0], [], []>, transpose_lhs_hint = false} : vector<128x128xf32>, vector<128x128xf32>, vector<128x128xf32> -> vector<128x128xf32>
    %get3A_1044 = arith.index_cast %get3A_80 : i32 to index
    %get3A_1045 = arith.constant 0 : index
    %get3A_1046 = arith.constant 0 : index
    %get3A_1047 = vector.load %arg8[%get3A_1044, %get3A_1045, %get3A_1046] : memref<64x1x128xf32, #tpu.memory_space<vmem>>, vector<1x1x128xf32>
    %get3A_1048 = vector.shape_cast %get3A_1047 : vector<1x1x128xf32> to vector<1x128xf32>
    %add3A_1049 = vector.broadcast %get3A_1048 : vector<1x128xf32> to vector<128x128xf32>
    %add3A_1050 = arith.addf %dot_general3A_1043, %add3A_1049 : vector<128x128xf32>
    %get3A_1051 = arith.index_cast %get3A_86 : i32 to index
    %get3A_1052 = arith.constant 0 : index
    %get3A_1053 = arith.constant 0 : index
    %get3A_1054 = vector.load %arg7[%get3A_1051, %get3A_1052, %get3A_1053] : memref<64x128x128xf32, #tpu.memory_space<vmem>>, vector<1x128x128xf32>
    %get3A_1055 = vector.shape_cast %get3A_1054 : vector<1x128x128xf32> to vector<128x128xf32>
    %dot_general3A_1056 = arith.constant dense<0.000000e+00> : vector<128x128xf32>
    %dot_general3A_1057 = tpu.matmul %max3A_769, %get3A_1055, %dot_general3A_1056 {dimension_numbers = #tpu.dot_dimension_numbers<[1], [1], [0], [0], [0, 0, 1, 0], [], []>, transpose_lhs_hint = false} : vector<128x128xf32>, vector<128x128xf32>, vector<128x128xf32> -> vector<128x128xf32>
    %get3A_1058 = arith.index_cast %get3A_86 : i32 to index
    %get3A_1059 = arith.constant 0 : index
    %get3A_1060 = arith.constant 0 : index
    %get3A_1061 = vector.load %arg8[%get3A_1058, %get3A_1059, %get3A_1060] : memref<64x1x128xf32, #tpu.memory_space<vmem>>, vector<1x1x128xf32>
    %get3A_1062 = vector.shape_cast %get3A_1061 : vector<1x1x128xf32> to vector<1x128xf32>
    %add3A_1063 = vector.broadcast %get3A_1062 : vector<1x128xf32> to vector<128x128xf32>
    %add3A_1064 = arith.addf %dot_general3A_1057, %add3A_1063 : vector<128x128xf32>
    %get3A_1065 = arith.index_cast %get3A_92 : i32 to index
    %get3A_1066 = arith.constant 0 : index
    %get3A_1067 = arith.constant 0 : index
    %get3A_1068 = vector.load %arg7[%get3A_1065, %get3A_1066, %get3A_1067] : memref<64x128x128xf32, #tpu.memory_space<vmem>>, vector<1x128x128xf32>
    %get3A_1069 = vector.shape_cast %get3A_1068 : vector<1x128x128xf32> to vector<128x128xf32>
    %dot_general3A_1070 = arith.constant dense<0.000000e+00> : vector<128x128xf32>
    %dot_general3A_1071 = tpu.matmul %max3A_786, %get3A_1069, %dot_general3A_1070 {dimension_numbers = #tpu.dot_dimension_numbers<[1], [1], [0], [0], [0, 0, 1, 0], [], []>, transpose_lhs_hint = false} : vector<128x128xf32>, vector<128x128xf32>, vector<128x128xf32> -> vector<128x128xf32>
    %get3A_1072 = arith.index_cast %get3A_92 : i32 to index
    %get3A_1073 = arith.constant 0 : index
    %get3A_1074 = arith.constant 0 : index
    %get3A_1075 = vector.load %arg8[%get3A_1072, %get3A_1073, %get3A_1074] : memref<64x1x128xf32, #tpu.memory_space<vmem>>, vector<1x1x128xf32>
    %get3A_1076 = vector.shape_cast %get3A_1075 : vector<1x1x128xf32> to vector<1x128xf32>
    %add3A_1077 = vector.broadcast %get3A_1076 : vector<1x128xf32> to vector<128x128xf32>
    %add3A_1078 = arith.addf %dot_general3A_1071, %add3A_1077 : vector<128x128xf32>
    %get3A_1079 = arith.index_cast %get3A_98 : i32 to index
    %get3A_1080 = arith.constant 0 : index
    %get3A_1081 = arith.constant 0 : index
    %get3A_1082 = vector.load %arg7[%get3A_1079, %get3A_1080, %get3A_1081] : memref<64x128x128xf32, #tpu.memory_space<vmem>>, vector<1x128x128xf32>
    %get3A_1083 = vector.shape_cast %get3A_1082 : vector<1x128x128xf32> to vector<128x128xf32>
    %dot_general3A_1084 = arith.constant dense<0.000000e+00> : vector<128x128xf32>
    %dot_general3A_1085 = tpu.matmul %max3A_803, %get3A_1083, %dot_general3A_1084 {dimension_numbers = #tpu.dot_dimension_numbers<[1], [1], [0], [0], [0, 0, 1, 0], [], []>, transpose_lhs_hint = false} : vector<128x128xf32>, vector<128x128xf32>, vector<128x128xf32> -> vector<128x128xf32>
    %get3A_1086 = arith.index_cast %get3A_98 : i32 to index
    %get3A_1087 = arith.constant 0 : index
    %get3A_1088 = arith.constant 0 : index
    %get3A_1089 = vector.load %arg8[%get3A_1086, %get3A_1087, %get3A_1088] : memref<64x1x128xf32, #tpu.memory_space<vmem>>, vector<1x1x128xf32>
    %get3A_1090 = vector.shape_cast %get3A_1089 : vector<1x1x128xf32> to vector<1x128xf32>
    %add3A_1091 = vector.broadcast %get3A_1090 : vector<1x128xf32> to vector<128x128xf32>
    %add3A_1092 = arith.addf %dot_general3A_1085, %add3A_1091 : vector<128x128xf32>
    %get3A_1093 = arith.index_cast %get3A_104 : i32 to index
    %get3A_1094 = arith.constant 0 : index
    %get3A_1095 = arith.constant 0 : index
    %get3A_1096 = vector.load %arg7[%get3A_1093, %get3A_1094, %get3A_1095] : memref<64x128x128xf32, #tpu.memory_space<vmem>>, vector<1x128x128xf32>
    %get3A_1097 = vector.shape_cast %get3A_1096 : vector<1x128x128xf32> to vector<128x128xf32>
    %dot_general3A_1098 = arith.constant dense<0.000000e+00> : vector<128x128xf32>
    %dot_general3A_1099 = tpu.matmul %max3A_820, %get3A_1097, %dot_general3A_1098 {dimension_numbers = #tpu.dot_dimension_numbers<[1], [1], [0], [0], [0, 0, 1, 0], [], []>, transpose_lhs_hint = false} : vector<128x128xf32>, vector<128x128xf32>, vector<128x128xf32> -> vector<128x128xf32>
    %get3A_1100 = arith.index_cast %get3A_104 : i32 to index
    %get3A_1101 = arith.constant 0 : index
    %get3A_1102 = arith.constant 0 : index
    %get3A_1103 = vector.load %arg8[%get3A_1100, %get3A_1101, %get3A_1102] : memref<64x1x128xf32, #tpu.memory_space<vmem>>, vector<1x1x128xf32>
    %get3A_1104 = vector.shape_cast %get3A_1103 : vector<1x1x128xf32> to vector<1x128xf32>
    %add3A_1105 = vector.broadcast %get3A_1104 : vector<1x128xf32> to vector<128x128xf32>
    %add3A_1106 = arith.addf %dot_general3A_1099, %add3A_1105 : vector<128x128xf32>
    %get3A_1107 = arith.index_cast %get3A_110 : i32 to index
    %get3A_1108 = arith.constant 0 : index
    %get3A_1109 = arith.constant 0 : index
    %get3A_1110 = vector.load %arg7[%get3A_1107, %get3A_1108, %get3A_1109] : memref<64x128x128xf32, #tpu.memory_space<vmem>>, vector<1x128x128xf32>
    %get3A_1111 = vector.shape_cast %get3A_1110 : vector<1x128x128xf32> to vector<128x128xf32>
    %dot_general3A_1112 = arith.constant dense<0.000000e+00> : vector<128x128xf32>
    %dot_general3A_1113 = tpu.matmul %max3A_837, %get3A_1111, %dot_general3A_1112 {dimension_numbers = #tpu.dot_dimension_numbers<[1], [1], [0], [0], [0, 0, 1, 0], [], []>, transpose_lhs_hint = false} : vector<128x128xf32>, vector<128x128xf32>, vector<128x128xf32> -> vector<128x128xf32>
    %get3A_1114 = arith.index_cast %get3A_110 : i32 to index
    %get3A_1115 = arith.constant 0 : index
    %get3A_1116 = arith.constant 0 : index
    %get3A_1117 = vector.load %arg8[%get3A_1114, %get3A_1115, %get3A_1116] : memref<64x1x128xf32, #tpu.memory_space<vmem>>, vector<1x1x128xf32>
    %get3A_1118 = vector.shape_cast %get3A_1117 : vector<1x1x128xf32> to vector<1x128xf32>
    %add3A_1119 = vector.broadcast %get3A_1118 : vector<1x128xf32> to vector<128x128xf32>
    %add3A_1120 = arith.addf %dot_general3A_1113, %add3A_1119 : vector<128x128xf32>
    %get3A_1121 = arith.index_cast %get3A_116 : i32 to index
    %get3A_1122 = arith.constant 0 : index
    %get3A_1123 = arith.constant 0 : index
    %get3A_1124 = vector.load %arg7[%get3A_1121, %get3A_1122, %get3A_1123] : memref<64x128x128xf32, #tpu.memory_space<vmem>>, vector<1x128x128xf32>
    %get3A_1125 = vector.shape_cast %get3A_1124 : vector<1x128x128xf32> to vector<128x128xf32>
    %dot_general3A_1126 = arith.constant dense<0.000000e+00> : vector<128x128xf32>
    %dot_general3A_1127 = tpu.matmul %max3A_854, %get3A_1125, %dot_general3A_1126 {dimension_numbers = #tpu.dot_dimension_numbers<[1], [1], [0], [0], [0, 0, 1, 0], [], []>, transpose_lhs_hint = false} : vector<128x128xf32>, vector<128x128xf32>, vector<128x128xf32> -> vector<128x128xf32>
    %get3A_1128 = arith.index_cast %get3A_116 : i32 to index
    %get3A_1129 = arith.constant 0 : index
    %get3A_1130 = arith.constant 0 : index
    %get3A_1131 = vector.load %arg8[%get3A_1128, %get3A_1129, %get3A_1130] : memref<64x1x128xf32, #tpu.memory_space<vmem>>, vector<1x1x128xf32>
    %get3A_1132 = vector.shape_cast %get3A_1131 : vector<1x1x128xf32> to vector<1x128xf32>
    %add3A_1133 = vector.broadcast %get3A_1132 : vector<1x128xf32> to vector<128x128xf32>
    %add3A_1134 = arith.addf %dot_general3A_1127, %add3A_1133 : vector<128x128xf32>
    %get3A_1135 = arith.index_cast %get3A_2 : i32 to index
    %get3A_1136 = arith.constant 0 : index
    %get3A_1137 = arith.constant 0 : index
    %get3A_1138 = vector.load %arg9[%get3A_1135, %get3A_1136, %get3A_1137] : memref<64x128x128xf32, #tpu.memory_space<vmem>>, vector<1x128x128xf32>
    %get3A_1139 = vector.shape_cast %get3A_1138 : vector<1x128x128xf32> to vector<128x128xf32>
    %dot_general3A_1140 = arith.constant dense<0.000000e+00> : vector<128x128xf32>
    %dot_general3A_1141 = tpu.matmul %add3A_868, %get3A_1139, %dot_general3A_1140 {dimension_numbers = #tpu.dot_dimension_numbers<[1], [1], [0], [0], [0, 0, 1, 0], [], []>, transpose_lhs_hint = false} : vector<128x128xf32>, vector<128x128xf32>, vector<128x128xf32> -> vector<128x128xf32>
    %get3A_1142 = arith.index_cast %get3A_2 : i32 to index
    %get3A_1143 = arith.constant 0 : index
    %get3A_1144 = arith.constant 0 : index
    %get3A_1145 = vector.load %arg10[%get3A_1142, %get3A_1143, %get3A_1144] : memref<64x1x128xf32, #tpu.memory_space<vmem>>, vector<1x1x128xf32>
    %get3A_1146 = vector.shape_cast %get3A_1145 : vector<1x1x128xf32> to vector<1x128xf32>
    %add3A_1147 = vector.broadcast %get3A_1146 : vector<1x128xf32> to vector<128x128xf32>
    %add3A_1148 = arith.addf %dot_general3A_1141, %add3A_1147 : vector<128x128xf32>
    %max3A_1149 = arith.constant 0.000000e+00 : f32
    %max3A_1150 = vector.broadcast %max3A_1149 : f32 to vector<128x128xf32>
    %max3A_1151 = arith.maximumf %add3A_1148, %max3A_1150 : vector<128x128xf32>
    %get3A_1152 = arith.index_cast %get3A_8 : i32 to index
    %get3A_1153 = arith.constant 0 : index
    %get3A_1154 = arith.constant 0 : index
    %get3A_1155 = vector.load %arg9[%get3A_1152, %get3A_1153, %get3A_1154] : memref<64x128x128xf32, #tpu.memory_space<vmem>>, vector<1x128x128xf32>
    %get3A_1156 = vector.shape_cast %get3A_1155 : vector<1x128x128xf32> to vector<128x128xf32>
    %dot_general3A_1157 = arith.constant dense<0.000000e+00> : vector<128x128xf32>
    %dot_general3A_1158 = tpu.matmul %add3A_882, %get3A_1156, %dot_general3A_1157 {dimension_numbers = #tpu.dot_dimension_numbers<[1], [1], [0], [0], [0, 0, 1, 0], [], []>, transpose_lhs_hint = false} : vector<128x128xf32>, vector<128x128xf32>, vector<128x128xf32> -> vector<128x128xf32>
    %get3A_1159 = arith.index_cast %get3A_8 : i32 to index
    %get3A_1160 = arith.constant 0 : index
    %get3A_1161 = arith.constant 0 : index
    %get3A_1162 = vector.load %arg10[%get3A_1159, %get3A_1160, %get3A_1161] : memref<64x1x128xf32, #tpu.memory_space<vmem>>, vector<1x1x128xf32>
    %get3A_1163 = vector.shape_cast %get3A_1162 : vector<1x1x128xf32> to vector<1x128xf32>
    %add3A_1164 = vector.broadcast %get3A_1163 : vector<1x128xf32> to vector<128x128xf32>
    %add3A_1165 = arith.addf %dot_general3A_1158, %add3A_1164 : vector<128x128xf32>
    %max3A_1166 = arith.constant 0.000000e+00 : f32
    %max3A_1167 = vector.broadcast %max3A_1166 : f32 to vector<128x128xf32>
    %max3A_1168 = arith.maximumf %add3A_1165, %max3A_1167 : vector<128x128xf32>
    %get3A_1169 = arith.index_cast %get3A_14 : i32 to index
    %get3A_1170 = arith.constant 0 : index
    %get3A_1171 = arith.constant 0 : index
    %get3A_1172 = vector.load %arg9[%get3A_1169, %get3A_1170, %get3A_1171] : memref<64x128x128xf32, #tpu.memory_space<vmem>>, vector<1x128x128xf32>
    %get3A_1173 = vector.shape_cast %get3A_1172 : vector<1x128x128xf32> to vector<128x128xf32>
    %dot_general3A_1174 = arith.constant dense<0.000000e+00> : vector<128x128xf32>
    %dot_general3A_1175 = tpu.matmul %add3A_896, %get3A_1173, %dot_general3A_1174 {dimension_numbers = #tpu.dot_dimension_numbers<[1], [1], [0], [0], [0, 0, 1, 0], [], []>, transpose_lhs_hint = false} : vector<128x128xf32>, vector<128x128xf32>, vector<128x128xf32> -> vector<128x128xf32>
    %get3A_1176 = arith.index_cast %get3A_14 : i32 to index
    %get3A_1177 = arith.constant 0 : index
    %get3A_1178 = arith.constant 0 : index
    %get3A_1179 = vector.load %arg10[%get3A_1176, %get3A_1177, %get3A_1178] : memref<64x1x128xf32, #tpu.memory_space<vmem>>, vector<1x1x128xf32>
    %get3A_1180 = vector.shape_cast %get3A_1179 : vector<1x1x128xf32> to vector<1x128xf32>
    %add3A_1181 = vector.broadcast %get3A_1180 : vector<1x128xf32> to vector<128x128xf32>
    %add3A_1182 = arith.addf %dot_general3A_1175, %add3A_1181 : vector<128x128xf32>
    %max3A_1183 = arith.constant 0.000000e+00 : f32
    %max3A_1184 = vector.broadcast %max3A_1183 : f32 to vector<128x128xf32>
    %max3A_1185 = arith.maximumf %add3A_1182, %max3A_1184 : vector<128x128xf32>
    %get3A_1186 = arith.index_cast %get3A_20 : i32 to index
    %get3A_1187 = arith.constant 0 : index
    %get3A_1188 = arith.constant 0 : index
    %get3A_1189 = vector.load %arg9[%get3A_1186, %get3A_1187, %get3A_1188] : memref<64x128x128xf32, #tpu.memory_space<vmem>>, vector<1x128x128xf32>
    %get3A_1190 = vector.shape_cast %get3A_1189 : vector<1x128x128xf32> to vector<128x128xf32>
    %dot_general3A_1191 = arith.constant dense<0.000000e+00> : vector<128x128xf32>
    %dot_general3A_1192 = tpu.matmul %add3A_910, %get3A_1190, %dot_general3A_1191 {dimension_numbers = #tpu.dot_dimension_numbers<[1], [1], [0], [0], [0, 0, 1, 0], [], []>, transpose_lhs_hint = false} : vector<128x128xf32>, vector<128x128xf32>, vector<128x128xf32> -> vector<128x128xf32>
    %get3A_1193 = arith.index_cast %get3A_20 : i32 to index
    %get3A_1194 = arith.constant 0 : index
    %get3A_1195 = arith.constant 0 : index
    %get3A_1196 = vector.load %arg10[%get3A_1193, %get3A_1194, %get3A_1195] : memref<64x1x128xf32, #tpu.memory_space<vmem>>, vector<1x1x128xf32>
    %get3A_1197 = vector.shape_cast %get3A_1196 : vector<1x1x128xf32> to vector<1x128xf32>
    %add3A_1198 = vector.broadcast %get3A_1197 : vector<1x128xf32> to vector<128x128xf32>
    %add3A_1199 = arith.addf %dot_general3A_1192, %add3A_1198 : vector<128x128xf32>
    %max3A_1200 = arith.constant 0.000000e+00 : f32
    %max3A_1201 = vector.broadcast %max3A_1200 : f32 to vector<128x128xf32>
    %max3A_1202 = arith.maximumf %add3A_1199, %max3A_1201 : vector<128x128xf32>
    %get3A_1203 = arith.index_cast %get3A_26 : i32 to index
    %get3A_1204 = arith.constant 0 : index
    %get3A_1205 = arith.constant 0 : index
    %get3A_1206 = vector.load %arg9[%get3A_1203, %get3A_1204, %get3A_1205] : memref<64x128x128xf32, #tpu.memory_space<vmem>>, vector<1x128x128xf32>
    %get3A_1207 = vector.shape_cast %get3A_1206 : vector<1x128x128xf32> to vector<128x128xf32>
    %dot_general3A_1208 = arith.constant dense<0.000000e+00> : vector<128x128xf32>
    %dot_general3A_1209 = tpu.matmul %add3A_924, %get3A_1207, %dot_general3A_1208 {dimension_numbers = #tpu.dot_dimension_numbers<[1], [1], [0], [0], [0, 0, 1, 0], [], []>, transpose_lhs_hint = false} : vector<128x128xf32>, vector<128x128xf32>, vector<128x128xf32> -> vector<128x128xf32>
    %get3A_1210 = arith.index_cast %get3A_26 : i32 to index
    %get3A_1211 = arith.constant 0 : index
    %get3A_1212 = arith.constant 0 : index
    %get3A_1213 = vector.load %arg10[%get3A_1210, %get3A_1211, %get3A_1212] : memref<64x1x128xf32, #tpu.memory_space<vmem>>, vector<1x1x128xf32>
    %get3A_1214 = vector.shape_cast %get3A_1213 : vector<1x1x128xf32> to vector<1x128xf32>
    %add3A_1215 = vector.broadcast %get3A_1214 : vector<1x128xf32> to vector<128x128xf32>
    %add3A_1216 = arith.addf %dot_general3A_1209, %add3A_1215 : vector<128x128xf32>
    %max3A_1217 = arith.constant 0.000000e+00 : f32
    %max3A_1218 = vector.broadcast %max3A_1217 : f32 to vector<128x128xf32>
    %max3A_1219 = arith.maximumf %add3A_1216, %max3A_1218 : vector<128x128xf32>
    %get3A_1220 = arith.index_cast %get3A_32 : i32 to index
    %get3A_1221 = arith.constant 0 : index
    %get3A_1222 = arith.constant 0 : index
    %get3A_1223 = vector.load %arg9[%get3A_1220, %get3A_1221, %get3A_1222] : memref<64x128x128xf32, #tpu.memory_space<vmem>>, vector<1x128x128xf32>
    %get3A_1224 = vector.shape_cast %get3A_1223 : vector<1x128x128xf32> to vector<128x128xf32>
    %dot_general3A_1225 = arith.constant dense<0.000000e+00> : vector<128x128xf32>
    %dot_general3A_1226 = tpu.matmul %add3A_938, %get3A_1224, %dot_general3A_1225 {dimension_numbers = #tpu.dot_dimension_numbers<[1], [1], [0], [0], [0, 0, 1, 0], [], []>, transpose_lhs_hint = false} : vector<128x128xf32>, vector<128x128xf32>, vector<128x128xf32> -> vector<128x128xf32>
    %get3A_1227 = arith.index_cast %get3A_32 : i32 to index
    %get3A_1228 = arith.constant 0 : index
    %get3A_1229 = arith.constant 0 : index
    %get3A_1230 = vector.load %arg10[%get3A_1227, %get3A_1228, %get3A_1229] : memref<64x1x128xf32, #tpu.memory_space<vmem>>, vector<1x1x128xf32>
    %get3A_1231 = vector.shape_cast %get3A_1230 : vector<1x1x128xf32> to vector<1x128xf32>
    %add3A_1232 = vector.broadcast %get3A_1231 : vector<1x128xf32> to vector<128x128xf32>
    %add3A_1233 = arith.addf %dot_general3A_1226, %add3A_1232 : vector<128x128xf32>
    %max3A_1234 = arith.constant 0.000000e+00 : f32
    %max3A_1235 = vector.broadcast %max3A_1234 : f32 to vector<128x128xf32>
    %max3A_1236 = arith.maximumf %add3A_1233, %max3A_1235 : vector<128x128xf32>
    %get3A_1237 = arith.index_cast %get3A_38 : i32 to index
    %get3A_1238 = arith.constant 0 : index
    %get3A_1239 = arith.constant 0 : index
    %get3A_1240 = vector.load %arg9[%get3A_1237, %get3A_1238, %get3A_1239] : memref<64x128x128xf32, #tpu.memory_space<vmem>>, vector<1x128x128xf32>
    %get3A_1241 = vector.shape_cast %get3A_1240 : vector<1x128x128xf32> to vector<128x128xf32>
    %dot_general3A_1242 = arith.constant dense<0.000000e+00> : vector<128x128xf32>
    %dot_general3A_1243 = tpu.matmul %add3A_952, %get3A_1241, %dot_general3A_1242 {dimension_numbers = #tpu.dot_dimension_numbers<[1], [1], [0], [0], [0, 0, 1, 0], [], []>, transpose_lhs_hint = false} : vector<128x128xf32>, vector<128x128xf32>, vector<128x128xf32> -> vector<128x128xf32>
    %get3A_1244 = arith.index_cast %get3A_38 : i32 to index
    %get3A_1245 = arith.constant 0 : index
    %get3A_1246 = arith.constant 0 : index
    %get3A_1247 = vector.load %arg10[%get3A_1244, %get3A_1245, %get3A_1246] : memref<64x1x128xf32, #tpu.memory_space<vmem>>, vector<1x1x128xf32>
    %get3A_1248 = vector.shape_cast %get3A_1247 : vector<1x1x128xf32> to vector<1x128xf32>
    %add3A_1249 = vector.broadcast %get3A_1248 : vector<1x128xf32> to vector<128x128xf32>
    %add3A_1250 = arith.addf %dot_general3A_1243, %add3A_1249 : vector<128x128xf32>
    %max3A_1251 = arith.constant 0.000000e+00 : f32
    %max3A_1252 = vector.broadcast %max3A_1251 : f32 to vector<128x128xf32>
    %max3A_1253 = arith.maximumf %add3A_1250, %max3A_1252 : vector<128x128xf32>
    %get3A_1254 = arith.index_cast %get3A_44 : i32 to index
    %get3A_1255 = arith.constant 0 : index
    %get3A_1256 = arith.constant 0 : index
    %get3A_1257 = vector.load %arg9[%get3A_1254, %get3A_1255, %get3A_1256] : memref<64x128x128xf32, #tpu.memory_space<vmem>>, vector<1x128x128xf32>
    %get3A_1258 = vector.shape_cast %get3A_1257 : vector<1x128x128xf32> to vector<128x128xf32>
    %dot_general3A_1259 = arith.constant dense<0.000000e+00> : vector<128x128xf32>
    %dot_general3A_1260 = tpu.matmul %add3A_966, %get3A_1258, %dot_general3A_1259 {dimension_numbers = #tpu.dot_dimension_numbers<[1], [1], [0], [0], [0, 0, 1, 0], [], []>, transpose_lhs_hint = false} : vector<128x128xf32>, vector<128x128xf32>, vector<128x128xf32> -> vector<128x128xf32>
    %get3A_1261 = arith.index_cast %get3A_44 : i32 to index
    %get3A_1262 = arith.constant 0 : index
    %get3A_1263 = arith.constant 0 : index
    %get3A_1264 = vector.load %arg10[%get3A_1261, %get3A_1262, %get3A_1263] : memref<64x1x128xf32, #tpu.memory_space<vmem>>, vector<1x1x128xf32>
    %get3A_1265 = vector.shape_cast %get3A_1264 : vector<1x1x128xf32> to vector<1x128xf32>
    %add3A_1266 = vector.broadcast %get3A_1265 : vector<1x128xf32> to vector<128x128xf32>
    %add3A_1267 = arith.addf %dot_general3A_1260, %add3A_1266 : vector<128x128xf32>
    %max3A_1268 = arith.constant 0.000000e+00 : f32
    %max3A_1269 = vector.broadcast %max3A_1268 : f32 to vector<128x128xf32>
    %max3A_1270 = arith.maximumf %add3A_1267, %max3A_1269 : vector<128x128xf32>
    %get3A_1271 = arith.index_cast %get3A_50 : i32 to index
    %get3A_1272 = arith.constant 0 : index
    %get3A_1273 = arith.constant 0 : index
    %get3A_1274 = vector.load %arg9[%get3A_1271, %get3A_1272, %get3A_1273] : memref<64x128x128xf32, #tpu.memory_space<vmem>>, vector<1x128x128xf32>
    %get3A_1275 = vector.shape_cast %get3A_1274 : vector<1x128x128xf32> to vector<128x128xf32>
    %dot_general3A_1276 = arith.constant dense<0.000000e+00> : vector<128x128xf32>
    %dot_general3A_1277 = tpu.matmul %add3A_980, %get3A_1275, %dot_general3A_1276 {dimension_numbers = #tpu.dot_dimension_numbers<[1], [1], [0], [0], [0, 0, 1, 0], [], []>, transpose_lhs_hint = false} : vector<128x128xf32>, vector<128x128xf32>, vector<128x128xf32> -> vector<128x128xf32>
    %get3A_1278 = arith.index_cast %get3A_50 : i32 to index
    %get3A_1279 = arith.constant 0 : index
    %get3A_1280 = arith.constant 0 : index
    %get3A_1281 = vector.load %arg10[%get3A_1278, %get3A_1279, %get3A_1280] : memref<64x1x128xf32, #tpu.memory_space<vmem>>, vector<1x1x128xf32>
    %get3A_1282 = vector.shape_cast %get3A_1281 : vector<1x1x128xf32> to vector<1x128xf32>
    %add3A_1283 = vector.broadcast %get3A_1282 : vector<1x128xf32> to vector<128x128xf32>
    %add3A_1284 = arith.addf %dot_general3A_1277, %add3A_1283 : vector<128x128xf32>
    %max3A_1285 = arith.constant 0.000000e+00 : f32
    %max3A_1286 = vector.broadcast %max3A_1285 : f32 to vector<128x128xf32>
    %max3A_1287 = arith.maximumf %add3A_1284, %max3A_1286 : vector<128x128xf32>
    %get3A_1288 = arith.index_cast %get3A_56 : i32 to index
    %get3A_1289 = arith.constant 0 : index
    %get3A_1290 = arith.constant 0 : index
    %get3A_1291 = vector.load %arg9[%get3A_1288, %get3A_1289, %get3A_1290] : memref<64x128x128xf32, #tpu.memory_space<vmem>>, vector<1x128x128xf32>
    %get3A_1292 = vector.shape_cast %get3A_1291 : vector<1x128x128xf32> to vector<128x128xf32>
    %dot_general3A_1293 = arith.constant dense<0.000000e+00> : vector<128x128xf32>
    %dot_general3A_1294 = tpu.matmul %add3A_994, %get3A_1292, %dot_general3A_1293 {dimension_numbers = #tpu.dot_dimension_numbers<[1], [1], [0], [0], [0, 0, 1, 0], [], []>, transpose_lhs_hint = false} : vector<128x128xf32>, vector<128x128xf32>, vector<128x128xf32> -> vector<128x128xf32>
    %get3A_1295 = arith.index_cast %get3A_56 : i32 to index
    %get3A_1296 = arith.constant 0 : index
    %get3A_1297 = arith.constant 0 : index
    %get3A_1298 = vector.load %arg10[%get3A_1295, %get3A_1296, %get3A_1297] : memref<64x1x128xf32, #tpu.memory_space<vmem>>, vector<1x1x128xf32>
    %get3A_1299 = vector.shape_cast %get3A_1298 : vector<1x1x128xf32> to vector<1x128xf32>
    %add3A_1300 = vector.broadcast %get3A_1299 : vector<1x128xf32> to vector<128x128xf32>
    %add3A_1301 = arith.addf %dot_general3A_1294, %add3A_1300 : vector<128x128xf32>
    %max3A_1302 = arith.constant 0.000000e+00 : f32
    %max3A_1303 = vector.broadcast %max3A_1302 : f32 to vector<128x128xf32>
    %max3A_1304 = arith.maximumf %add3A_1301, %max3A_1303 : vector<128x128xf32>
    %get3A_1305 = arith.index_cast %get3A_62 : i32 to index
    %get3A_1306 = arith.constant 0 : index
    %get3A_1307 = arith.constant 0 : index
    %get3A_1308 = vector.load %arg9[%get3A_1305, %get3A_1306, %get3A_1307] : memref<64x128x128xf32, #tpu.memory_space<vmem>>, vector<1x128x128xf32>
    %get3A_1309 = vector.shape_cast %get3A_1308 : vector<1x128x128xf32> to vector<128x128xf32>
    %dot_general3A_1310 = arith.constant dense<0.000000e+00> : vector<128x128xf32>
    %dot_general3A_1311 = tpu.matmul %add3A_1008, %get3A_1309, %dot_general3A_1310 {dimension_numbers = #tpu.dot_dimension_numbers<[1], [1], [0], [0], [0, 0, 1, 0], [], []>, transpose_lhs_hint = false} : vector<128x128xf32>, vector<128x128xf32>, vector<128x128xf32> -> vector<128x128xf32>
    %get3A_1312 = arith.index_cast %get3A_62 : i32 to index
    %get3A_1313 = arith.constant 0 : index
    %get3A_1314 = arith.constant 0 : index
    %get3A_1315 = vector.load %arg10[%get3A_1312, %get3A_1313, %get3A_1314] : memref<64x1x128xf32, #tpu.memory_space<vmem>>, vector<1x1x128xf32>
    %get3A_1316 = vector.shape_cast %get3A_1315 : vector<1x1x128xf32> to vector<1x128xf32>
    %add3A_1317 = vector.broadcast %get3A_1316 : vector<1x128xf32> to vector<128x128xf32>
    %add3A_1318 = arith.addf %dot_general3A_1311, %add3A_1317 : vector<128x128xf32>
    %max3A_1319 = arith.constant 0.000000e+00 : f32
    %max3A_1320 = vector.broadcast %max3A_1319 : f32 to vector<128x128xf32>
    %max3A_1321 = arith.maximumf %add3A_1318, %max3A_1320 : vector<128x128xf32>
    %get3A_1322 = arith.index_cast %get3A_68 : i32 to index
    %get3A_1323 = arith.constant 0 : index
    %get3A_1324 = arith.constant 0 : index
    %get3A_1325 = vector.load %arg9[%get3A_1322, %get3A_1323, %get3A_1324] : memref<64x128x128xf32, #tpu.memory_space<vmem>>, vector<1x128x128xf32>
    %get3A_1326 = vector.shape_cast %get3A_1325 : vector<1x128x128xf32> to vector<128x128xf32>
    %dot_general3A_1327 = arith.constant dense<0.000000e+00> : vector<128x128xf32>
    %dot_general3A_1328 = tpu.matmul %add3A_1022, %get3A_1326, %dot_general3A_1327 {dimension_numbers = #tpu.dot_dimension_numbers<[1], [1], [0], [0], [0, 0, 1, 0], [], []>, transpose_lhs_hint = false} : vector<128x128xf32>, vector<128x128xf32>, vector<128x128xf32> -> vector<128x128xf32>
    %get3A_1329 = arith.index_cast %get3A_68 : i32 to index
    %get3A_1330 = arith.constant 0 : index
    %get3A_1331 = arith.constant 0 : index
    %get3A_1332 = vector.load %arg10[%get3A_1329, %get3A_1330, %get3A_1331] : memref<64x1x128xf32, #tpu.memory_space<vmem>>, vector<1x1x128xf32>
    %get3A_1333 = vector.shape_cast %get3A_1332 : vector<1x1x128xf32> to vector<1x128xf32>
    %add3A_1334 = vector.broadcast %get3A_1333 : vector<1x128xf32> to vector<128x128xf32>
    %add3A_1335 = arith.addf %dot_general3A_1328, %add3A_1334 : vector<128x128xf32>
    %max3A_1336 = arith.constant 0.000000e+00 : f32
    %max3A_1337 = vector.broadcast %max3A_1336 : f32 to vector<128x128xf32>
    %max3A_1338 = arith.maximumf %add3A_1335, %max3A_1337 : vector<128x128xf32>
    %get3A_1339 = arith.index_cast %get3A_74 : i32 to index
    %get3A_1340 = arith.constant 0 : index
    %get3A_1341 = arith.constant 0 : index
    %get3A_1342 = vector.load %arg9[%get3A_1339, %get3A_1340, %get3A_1341] : memref<64x128x128xf32, #tpu.memory_space<vmem>>, vector<1x128x128xf32>
    %get3A_1343 = vector.shape_cast %get3A_1342 : vector<1x128x128xf32> to vector<128x128xf32>
    %dot_general3A_1344 = arith.constant dense<0.000000e+00> : vector<128x128xf32>
    %dot_general3A_1345 = tpu.matmul %add3A_1036, %get3A_1343, %dot_general3A_1344 {dimension_numbers = #tpu.dot_dimension_numbers<[1], [1], [0], [0], [0, 0, 1, 0], [], []>, transpose_lhs_hint = false} : vector<128x128xf32>, vector<128x128xf32>, vector<128x128xf32> -> vector<128x128xf32>
    %get3A_1346 = arith.index_cast %get3A_74 : i32 to index
    %get3A_1347 = arith.constant 0 : index
    %get3A_1348 = arith.constant 0 : index
    %get3A_1349 = vector.load %arg10[%get3A_1346, %get3A_1347, %get3A_1348] : memref<64x1x128xf32, #tpu.memory_space<vmem>>, vector<1x1x128xf32>
    %get3A_1350 = vector.shape_cast %get3A_1349 : vector<1x1x128xf32> to vector<1x128xf32>
    %add3A_1351 = vector.broadcast %get3A_1350 : vector<1x128xf32> to vector<128x128xf32>
    %add3A_1352 = arith.addf %dot_general3A_1345, %add3A_1351 : vector<128x128xf32>
    %max3A_1353 = arith.constant 0.000000e+00 : f32
    %max3A_1354 = vector.broadcast %max3A_1353 : f32 to vector<128x128xf32>
    %max3A_1355 = arith.maximumf %add3A_1352, %max3A_1354 : vector<128x128xf32>
    %get3A_1356 = arith.index_cast %get3A_80 : i32 to index
    %get3A_1357 = arith.constant 0 : index
    %get3A_1358 = arith.constant 0 : index
    %get3A_1359 = vector.load %arg9[%get3A_1356, %get3A_1357, %get3A_1358] : memref<64x128x128xf32, #tpu.memory_space<vmem>>, vector<1x128x128xf32>
    %get3A_1360 = vector.shape_cast %get3A_1359 : vector<1x128x128xf32> to vector<128x128xf32>
    %dot_general3A_1361 = arith.constant dense<0.000000e+00> : vector<128x128xf32>
    %dot_general3A_1362 = tpu.matmul %add3A_1050, %get3A_1360, %dot_general3A_1361 {dimension_numbers = #tpu.dot_dimension_numbers<[1], [1], [0], [0], [0, 0, 1, 0], [], []>, transpose_lhs_hint = false} : vector<128x128xf32>, vector<128x128xf32>, vector<128x128xf32> -> vector<128x128xf32>
    %get3A_1363 = arith.index_cast %get3A_80 : i32 to index
    %get3A_1364 = arith.constant 0 : index
    %get3A_1365 = arith.constant 0 : index
    %get3A_1366 = vector.load %arg10[%get3A_1363, %get3A_1364, %get3A_1365] : memref<64x1x128xf32, #tpu.memory_space<vmem>>, vector<1x1x128xf32>
    %get3A_1367 = vector.shape_cast %get3A_1366 : vector<1x1x128xf32> to vector<1x128xf32>
    %add3A_1368 = vector.broadcast %get3A_1367 : vector<1x128xf32> to vector<128x128xf32>
    %add3A_1369 = arith.addf %dot_general3A_1362, %add3A_1368 : vector<128x128xf32>
    %max3A_1370 = arith.constant 0.000000e+00 : f32
    %max3A_1371 = vector.broadcast %max3A_1370 : f32 to vector<128x128xf32>
    %max3A_1372 = arith.maximumf %add3A_1369, %max3A_1371 : vector<128x128xf32>
    %get3A_1373 = arith.index_cast %get3A_86 : i32 to index
    %get3A_1374 = arith.constant 0 : index
    %get3A_1375 = arith.constant 0 : index
    %get3A_1376 = vector.load %arg9[%get3A_1373, %get3A_1374, %get3A_1375] : memref<64x128x128xf32, #tpu.memory_space<vmem>>, vector<1x128x128xf32>
    %get3A_1377 = vector.shape_cast %get3A_1376 : vector<1x128x128xf32> to vector<128x128xf32>
    %dot_general3A_1378 = arith.constant dense<0.000000e+00> : vector<128x128xf32>
    %dot_general3A_1379 = tpu.matmul %add3A_1064, %get3A_1377, %dot_general3A_1378 {dimension_numbers = #tpu.dot_dimension_numbers<[1], [1], [0], [0], [0, 0, 1, 0], [], []>, transpose_lhs_hint = false} : vector<128x128xf32>, vector<128x128xf32>, vector<128x128xf32> -> vector<128x128xf32>
    %get3A_1380 = arith.index_cast %get3A_86 : i32 to index
    %get3A_1381 = arith.constant 0 : index
    %get3A_1382 = arith.constant 0 : index
    %get3A_1383 = vector.load %arg10[%get3A_1380, %get3A_1381, %get3A_1382] : memref<64x1x128xf32, #tpu.memory_space<vmem>>, vector<1x1x128xf32>
    %get3A_1384 = vector.shape_cast %get3A_1383 : vector<1x1x128xf32> to vector<1x128xf32>
    %add3A_1385 = vector.broadcast %get3A_1384 : vector<1x128xf32> to vector<128x128xf32>
    %add3A_1386 = arith.addf %dot_general3A_1379, %add3A_1385 : vector<128x128xf32>
    %max3A_1387 = arith.constant 0.000000e+00 : f32
    %max3A_1388 = vector.broadcast %max3A_1387 : f32 to vector<128x128xf32>
    %max3A_1389 = arith.maximumf %add3A_1386, %max3A_1388 : vector<128x128xf32>
    %get3A_1390 = arith.index_cast %get3A_92 : i32 to index
    %get3A_1391 = arith.constant 0 : index
    %get3A_1392 = arith.constant 0 : index
    %get3A_1393 = vector.load %arg9[%get3A_1390, %get3A_1391, %get3A_1392] : memref<64x128x128xf32, #tpu.memory_space<vmem>>, vector<1x128x128xf32>
    %get3A_1394 = vector.shape_cast %get3A_1393 : vector<1x128x128xf32> to vector<128x128xf32>
    %dot_general3A_1395 = arith.constant dense<0.000000e+00> : vector<128x128xf32>
    %dot_general3A_1396 = tpu.matmul %add3A_1078, %get3A_1394, %dot_general3A_1395 {dimension_numbers = #tpu.dot_dimension_numbers<[1], [1], [0], [0], [0, 0, 1, 0], [], []>, transpose_lhs_hint = false} : vector<128x128xf32>, vector<128x128xf32>, vector<128x128xf32> -> vector<128x128xf32>
    %get3A_1397 = arith.index_cast %get3A_92 : i32 to index
    %get3A_1398 = arith.constant 0 : index
    %get3A_1399 = arith.constant 0 : index
    %get3A_1400 = vector.load %arg10[%get3A_1397, %get3A_1398, %get3A_1399] : memref<64x1x128xf32, #tpu.memory_space<vmem>>, vector<1x1x128xf32>
    %get3A_1401 = vector.shape_cast %get3A_1400 : vector<1x1x128xf32> to vector<1x128xf32>
    %add3A_1402 = vector.broadcast %get3A_1401 : vector<1x128xf32> to vector<128x128xf32>
    %add3A_1403 = arith.addf %dot_general3A_1396, %add3A_1402 : vector<128x128xf32>
    %max3A_1404 = arith.constant 0.000000e+00 : f32
    %max3A_1405 = vector.broadcast %max3A_1404 : f32 to vector<128x128xf32>
    %max3A_1406 = arith.maximumf %add3A_1403, %max3A_1405 : vector<128x128xf32>
    %get3A_1407 = arith.index_cast %get3A_98 : i32 to index
    %get3A_1408 = arith.constant 0 : index
    %get3A_1409 = arith.constant 0 : index
    %get3A_1410 = vector.load %arg9[%get3A_1407, %get3A_1408, %get3A_1409] : memref<64x128x128xf32, #tpu.memory_space<vmem>>, vector<1x128x128xf32>
    %get3A_1411 = vector.shape_cast %get3A_1410 : vector<1x128x128xf32> to vector<128x128xf32>
    %dot_general3A_1412 = arith.constant dense<0.000000e+00> : vector<128x128xf32>
    %dot_general3A_1413 = tpu.matmul %add3A_1092, %get3A_1411, %dot_general3A_1412 {dimension_numbers = #tpu.dot_dimension_numbers<[1], [1], [0], [0], [0, 0, 1, 0], [], []>, transpose_lhs_hint = false} : vector<128x128xf32>, vector<128x128xf32>, vector<128x128xf32> -> vector<128x128xf32>
    %get3A_1414 = arith.index_cast %get3A_98 : i32 to index
    %get3A_1415 = arith.constant 0 : index
    %get3A_1416 = arith.constant 0 : index
    %get3A_1417 = vector.load %arg10[%get3A_1414, %get3A_1415, %get3A_1416] : memref<64x1x128xf32, #tpu.memory_space<vmem>>, vector<1x1x128xf32>
    %get3A_1418 = vector.shape_cast %get3A_1417 : vector<1x1x128xf32> to vector<1x128xf32>
    %add3A_1419 = vector.broadcast %get3A_1418 : vector<1x128xf32> to vector<128x128xf32>
    %add3A_1420 = arith.addf %dot_general3A_1413, %add3A_1419 : vector<128x128xf32>
    %max3A_1421 = arith.constant 0.000000e+00 : f32
    %max3A_1422 = vector.broadcast %max3A_1421 : f32 to vector<128x128xf32>
    %max3A_1423 = arith.maximumf %add3A_1420, %max3A_1422 : vector<128x128xf32>
    %get3A_1424 = arith.index_cast %get3A_104 : i32 to index
    %get3A_1425 = arith.constant 0 : index
    %get3A_1426 = arith.constant 0 : index
    %get3A_1427 = vector.load %arg9[%get3A_1424, %get3A_1425, %get3A_1426] : memref<64x128x128xf32, #tpu.memory_space<vmem>>, vector<1x128x128xf32>
    %get3A_1428 = vector.shape_cast %get3A_1427 : vector<1x128x128xf32> to vector<128x128xf32>
    %dot_general3A_1429 = arith.constant dense<0.000000e+00> : vector<128x128xf32>
    %dot_general3A_1430 = tpu.matmul %add3A_1106, %get3A_1428, %dot_general3A_1429 {dimension_numbers = #tpu.dot_dimension_numbers<[1], [1], [0], [0], [0, 0, 1, 0], [], []>, transpose_lhs_hint = false} : vector<128x128xf32>, vector<128x128xf32>, vector<128x128xf32> -> vector<128x128xf32>
    %get3A_1431 = arith.index_cast %get3A_104 : i32 to index
    %get3A_1432 = arith.constant 0 : index
    %get3A_1433 = arith.constant 0 : index
    %get3A_1434 = vector.load %arg10[%get3A_1431, %get3A_1432, %get3A_1433] : memref<64x1x128xf32, #tpu.memory_space<vmem>>, vector<1x1x128xf32>
    %get3A_1435 = vector.shape_cast %get3A_1434 : vector<1x1x128xf32> to vector<1x128xf32>
    %add3A_1436 = vector.broadcast %get3A_1435 : vector<1x128xf32> to vector<128x128xf32>
    %add3A_1437 = arith.addf %dot_general3A_1430, %add3A_1436 : vector<128x128xf32>
    %max3A_1438 = arith.constant 0.000000e+00 : f32
    %max3A_1439 = vector.broadcast %max3A_1438 : f32 to vector<128x128xf32>
    %max3A_1440 = arith.maximumf %add3A_1437, %max3A_1439 : vector<128x128xf32>
    %get3A_1441 = arith.index_cast %get3A_110 : i32 to index
    %get3A_1442 = arith.constant 0 : index
    %get3A_1443 = arith.constant 0 : index
    %get3A_1444 = vector.load %arg9[%get3A_1441, %get3A_1442, %get3A_1443] : memref<64x128x128xf32, #tpu.memory_space<vmem>>, vector<1x128x128xf32>
    %get3A_1445 = vector.shape_cast %get3A_1444 : vector<1x128x128xf32> to vector<128x128xf32>
    %dot_general3A_1446 = arith.constant dense<0.000000e+00> : vector<128x128xf32>
    %dot_general3A_1447 = tpu.matmul %add3A_1120, %get3A_1445, %dot_general3A_1446 {dimension_numbers = #tpu.dot_dimension_numbers<[1], [1], [0], [0], [0, 0, 1, 0], [], []>, transpose_lhs_hint = false} : vector<128x128xf32>, vector<128x128xf32>, vector<128x128xf32> -> vector<128x128xf32>
    %get3A_1448 = arith.index_cast %get3A_110 : i32 to index
    %get3A_1449 = arith.constant 0 : index
    %get3A_1450 = arith.constant 0 : index
    %get3A_1451 = vector.load %arg10[%get3A_1448, %get3A_1449, %get3A_1450] : memref<64x1x128xf32, #tpu.memory_space<vmem>>, vector<1x1x128xf32>
    %get3A_1452 = vector.shape_cast %get3A_1451 : vector<1x1x128xf32> to vector<1x128xf32>
    %add3A_1453 = vector.broadcast %get3A_1452 : vector<1x128xf32> to vector<128x128xf32>
    %add3A_1454 = arith.addf %dot_general3A_1447, %add3A_1453 : vector<128x128xf32>
    %max3A_1455 = arith.constant 0.000000e+00 : f32
    %max3A_1456 = vector.broadcast %max3A_1455 : f32 to vector<128x128xf32>
    %max3A_1457 = arith.maximumf %add3A_1454, %max3A_1456 : vector<128x128xf32>
    %get3A_1458 = arith.index_cast %get3A_116 : i32 to index
    %get3A_1459 = arith.constant 0 : index
    %get3A_1460 = arith.constant 0 : index
    %get3A_1461 = vector.load %arg9[%get3A_1458, %get3A_1459, %get3A_1460] : memref<64x128x128xf32, #tpu.memory_space<vmem>>, vector<1x128x128xf32>
    %get3A_1462 = vector.shape_cast %get3A_1461 : vector<1x128x128xf32> to vector<128x128xf32>
    %dot_general3A_1463 = arith.constant dense<0.000000e+00> : vector<128x128xf32>
    %dot_general3A_1464 = tpu.matmul %add3A_1134, %get3A_1462, %dot_general3A_1463 {dimension_numbers = #tpu.dot_dimension_numbers<[1], [1], [0], [0], [0, 0, 1, 0], [], []>, transpose_lhs_hint = false} : vector<128x128xf32>, vector<128x128xf32>, vector<128x128xf32> -> vector<128x128xf32>
    %get3A_1465 = arith.index_cast %get3A_116 : i32 to index
    %get3A_1466 = arith.constant 0 : index
    %get3A_1467 = arith.constant 0 : index
    %get3A_1468 = vector.load %arg10[%get3A_1465, %get3A_1466, %get3A_1467] : memref<64x1x128xf32, #tpu.memory_space<vmem>>, vector<1x1x128xf32>
    %get3A_1469 = vector.shape_cast %get3A_1468 : vector<1x1x128xf32> to vector<1x128xf32>
    %add3A_1470 = vector.broadcast %get3A_1469 : vector<1x128xf32> to vector<128x128xf32>
    %add3A_1471 = arith.addf %dot_general3A_1464, %add3A_1470 : vector<128x128xf32>
    %max3A_1472 = arith.constant 0.000000e+00 : f32
    %max3A_1473 = vector.broadcast %max3A_1472 : f32 to vector<128x128xf32>
    %max3A_1474 = arith.maximumf %add3A_1471, %max3A_1473 : vector<128x128xf32>
    %get3A_1475 = arith.index_cast %get3A_2 : i32 to index
    %get3A_1476 = arith.constant 0 : index
    %get3A_1477 = arith.constant 0 : index
    %get3A_1478 = vector.load %arg11[%get3A_1475, %get3A_1476, %get3A_1477] : memref<64x128x128xf32, #tpu.memory_space<vmem>>, vector<1x128x128xf32>
    %get3A_1479 = vector.shape_cast %get3A_1478 : vector<1x128x128xf32> to vector<128x128xf32>
    %dot_general3A_1480 = arith.constant dense<0.000000e+00> : vector<128x128xf32>
    %dot_general3A_1481 = tpu.matmul %max3A_1151, %get3A_1479, %dot_general3A_1480 {dimension_numbers = #tpu.dot_dimension_numbers<[1], [1], [0], [0], [0, 0, 1, 0], [], []>, transpose_lhs_hint = false} : vector<128x128xf32>, vector<128x128xf32>, vector<128x128xf32> -> vector<128x128xf32>
    %get3A_1482 = arith.index_cast %get3A_2 : i32 to index
    %get3A_1483 = arith.constant 0 : index
    %get3A_1484 = arith.constant 0 : index
    %get3A_1485 = vector.load %arg12[%get3A_1482, %get3A_1483, %get3A_1484] : memref<64x1x128xf32, #tpu.memory_space<vmem>>, vector<1x1x128xf32>
    %get3A_1486 = vector.shape_cast %get3A_1485 : vector<1x1x128xf32> to vector<1x128xf32>
    %add3A_1487 = vector.broadcast %get3A_1486 : vector<1x128xf32> to vector<128x128xf32>
    %add3A_1488 = arith.addf %dot_general3A_1481, %add3A_1487 : vector<128x128xf32>
    %max3A_1489 = arith.constant 0.000000e+00 : f32
    %max3A_1490 = vector.broadcast %max3A_1489 : f32 to vector<128x128xf32>
    %max3A_1491 = arith.maximumf %add3A_1488, %max3A_1490 : vector<128x128xf32>
    %get3A_1492 = arith.index_cast %get3A_8 : i32 to index
    %get3A_1493 = arith.constant 0 : index
    %get3A_1494 = arith.constant 0 : index
    %get3A_1495 = vector.load %arg11[%get3A_1492, %get3A_1493, %get3A_1494] : memref<64x128x128xf32, #tpu.memory_space<vmem>>, vector<1x128x128xf32>
    %get3A_1496 = vector.shape_cast %get3A_1495 : vector<1x128x128xf32> to vector<128x128xf32>
    %dot_general3A_1497 = arith.constant dense<0.000000e+00> : vector<128x128xf32>
    %dot_general3A_1498 = tpu.matmul %max3A_1168, %get3A_1496, %dot_general3A_1497 {dimension_numbers = #tpu.dot_dimension_numbers<[1], [1], [0], [0], [0, 0, 1, 0], [], []>, transpose_lhs_hint = false} : vector<128x128xf32>, vector<128x128xf32>, vector<128x128xf32> -> vector<128x128xf32>
    %get3A_1499 = arith.index_cast %get3A_8 : i32 to index
    %get3A_1500 = arith.constant 0 : index
    %get3A_1501 = arith.constant 0 : index
    %get3A_1502 = vector.load %arg12[%get3A_1499, %get3A_1500, %get3A_1501] : memref<64x1x128xf32, #tpu.memory_space<vmem>>, vector<1x1x128xf32>
    %get3A_1503 = vector.shape_cast %get3A_1502 : vector<1x1x128xf32> to vector<1x128xf32>
    %add3A_1504 = vector.broadcast %get3A_1503 : vector<1x128xf32> to vector<128x128xf32>
    %add3A_1505 = arith.addf %dot_general3A_1498, %add3A_1504 : vector<128x128xf32>
    %max3A_1506 = arith.constant 0.000000e+00 : f32
    %max3A_1507 = vector.broadcast %max3A_1506 : f32 to vector<128x128xf32>
    %max3A_1508 = arith.maximumf %add3A_1505, %max3A_1507 : vector<128x128xf32>
    %get3A_1509 = arith.index_cast %get3A_14 : i32 to index
    %get3A_1510 = arith.constant 0 : index
    %get3A_1511 = arith.constant 0 : index
    %get3A_1512 = vector.load %arg11[%get3A_1509, %get3A_1510, %get3A_1511] : memref<64x128x128xf32, #tpu.memory_space<vmem>>, vector<1x128x128xf32>
    %get3A_1513 = vector.shape_cast %get3A_1512 : vector<1x128x128xf32> to vector<128x128xf32>
    %dot_general3A_1514 = arith.constant dense<0.000000e+00> : vector<128x128xf32>
    %dot_general3A_1515 = tpu.matmul %max3A_1185, %get3A_1513, %dot_general3A_1514 {dimension_numbers = #tpu.dot_dimension_numbers<[1], [1], [0], [0], [0, 0, 1, 0], [], []>, transpose_lhs_hint = false} : vector<128x128xf32>, vector<128x128xf32>, vector<128x128xf32> -> vector<128x128xf32>
    %get3A_1516 = arith.index_cast %get3A_14 : i32 to index
    %get3A_1517 = arith.constant 0 : index
    %get3A_1518 = arith.constant 0 : index
    %get3A_1519 = vector.load %arg12[%get3A_1516, %get3A_1517, %get3A_1518] : memref<64x1x128xf32, #tpu.memory_space<vmem>>, vector<1x1x128xf32>
    %get3A_1520 = vector.shape_cast %get3A_1519 : vector<1x1x128xf32> to vector<1x128xf32>
    %add3A_1521 = vector.broadcast %get3A_1520 : vector<1x128xf32> to vector<128x128xf32>
    %add3A_1522 = arith.addf %dot_general3A_1515, %add3A_1521 : vector<128x128xf32>
    %max3A_1523 = arith.constant 0.000000e+00 : f32
    %max3A_1524 = vector.broadcast %max3A_1523 : f32 to vector<128x128xf32>
    %max3A_1525 = arith.maximumf %add3A_1522, %max3A_1524 : vector<128x128xf32>
    %get3A_1526 = arith.index_cast %get3A_20 : i32 to index
    %get3A_1527 = arith.constant 0 : index
    %get3A_1528 = arith.constant 0 : index
    %get3A_1529 = vector.load %arg11[%get3A_1526, %get3A_1527, %get3A_1528] : memref<64x128x128xf32, #tpu.memory_space<vmem>>, vector<1x128x128xf32>
    %get3A_1530 = vector.shape_cast %get3A_1529 : vector<1x128x128xf32> to vector<128x128xf32>
    %dot_general3A_1531 = arith.constant dense<0.000000e+00> : vector<128x128xf32>
    %dot_general3A_1532 = tpu.matmul %max3A_1202, %get3A_1530, %dot_general3A_1531 {dimension_numbers = #tpu.dot_dimension_numbers<[1], [1], [0], [0], [0, 0, 1, 0], [], []>, transpose_lhs_hint = false} : vector<128x128xf32>, vector<128x128xf32>, vector<128x128xf32> -> vector<128x128xf32>
    %get3A_1533 = arith.index_cast %get3A_20 : i32 to index
    %get3A_1534 = arith.constant 0 : index
    %get3A_1535 = arith.constant 0 : index
    %get3A_1536 = vector.load %arg12[%get3A_1533, %get3A_1534, %get3A_1535] : memref<64x1x128xf32, #tpu.memory_space<vmem>>, vector<1x1x128xf32>
    %get3A_1537 = vector.shape_cast %get3A_1536 : vector<1x1x128xf32> to vector<1x128xf32>
    %add3A_1538 = vector.broadcast %get3A_1537 : vector<1x128xf32> to vector<128x128xf32>
    %add3A_1539 = arith.addf %dot_general3A_1532, %add3A_1538 : vector<128x128xf32>
    %max3A_1540 = arith.constant 0.000000e+00 : f32
    %max3A_1541 = vector.broadcast %max3A_1540 : f32 to vector<128x128xf32>
    %max3A_1542 = arith.maximumf %add3A_1539, %max3A_1541 : vector<128x128xf32>
    %get3A_1543 = arith.index_cast %get3A_26 : i32 to index
    %get3A_1544 = arith.constant 0 : index
    %get3A_1545 = arith.constant 0 : index
    %get3A_1546 = vector.load %arg11[%get3A_1543, %get3A_1544, %get3A_1545] : memref<64x128x128xf32, #tpu.memory_space<vmem>>, vector<1x128x128xf32>
    %get3A_1547 = vector.shape_cast %get3A_1546 : vector<1x128x128xf32> to vector<128x128xf32>
    %dot_general3A_1548 = arith.constant dense<0.000000e+00> : vector<128x128xf32>
    %dot_general3A_1549 = tpu.matmul %max3A_1219, %get3A_1547, %dot_general3A_1548 {dimension_numbers = #tpu.dot_dimension_numbers<[1], [1], [0], [0], [0, 0, 1, 0], [], []>, transpose_lhs_hint = false} : vector<128x128xf32>, vector<128x128xf32>, vector<128x128xf32> -> vector<128x128xf32>
    %get3A_1550 = arith.index_cast %get3A_26 : i32 to index
    %get3A_1551 = arith.constant 0 : index
    %get3A_1552 = arith.constant 0 : index
    %get3A_1553 = vector.load %arg12[%get3A_1550, %get3A_1551, %get3A_1552] : memref<64x1x128xf32, #tpu.memory_space<vmem>>, vector<1x1x128xf32>
    %get3A_1554 = vector.shape_cast %get3A_1553 : vector<1x1x128xf32> to vector<1x128xf32>
    %add3A_1555 = vector.broadcast %get3A_1554 : vector<1x128xf32> to vector<128x128xf32>
    %add3A_1556 = arith.addf %dot_general3A_1549, %add3A_1555 : vector<128x128xf32>
    %max3A_1557 = arith.constant 0.000000e+00 : f32
    %max3A_1558 = vector.broadcast %max3A_1557 : f32 to vector<128x128xf32>
    %max3A_1559 = arith.maximumf %add3A_1556, %max3A_1558 : vector<128x128xf32>
    %get3A_1560 = arith.index_cast %get3A_32 : i32 to index
    %get3A_1561 = arith.constant 0 : index
    %get3A_1562 = arith.constant 0 : index
    %get3A_1563 = vector.load %arg11[%get3A_1560, %get3A_1561, %get3A_1562] : memref<64x128x128xf32, #tpu.memory_space<vmem>>, vector<1x128x128xf32>
    %get3A_1564 = vector.shape_cast %get3A_1563 : vector<1x128x128xf32> to vector<128x128xf32>
    %dot_general3A_1565 = arith.constant dense<0.000000e+00> : vector<128x128xf32>
    %dot_general3A_1566 = tpu.matmul %max3A_1236, %get3A_1564, %dot_general3A_1565 {dimension_numbers = #tpu.dot_dimension_numbers<[1], [1], [0], [0], [0, 0, 1, 0], [], []>, transpose_lhs_hint = false} : vector<128x128xf32>, vector<128x128xf32>, vector<128x128xf32> -> vector<128x128xf32>
    %get3A_1567 = arith.index_cast %get3A_32 : i32 to index
    %get3A_1568 = arith.constant 0 : index
    %get3A_1569 = arith.constant 0 : index
    %get3A_1570 = vector.load %arg12[%get3A_1567, %get3A_1568, %get3A_1569] : memref<64x1x128xf32, #tpu.memory_space<vmem>>, vector<1x1x128xf32>
    %get3A_1571 = vector.shape_cast %get3A_1570 : vector<1x1x128xf32> to vector<1x128xf32>
    %add3A_1572 = vector.broadcast %get3A_1571 : vector<1x128xf32> to vector<128x128xf32>
    %add3A_1573 = arith.addf %dot_general3A_1566, %add3A_1572 : vector<128x128xf32>
    %max3A_1574 = arith.constant 0.000000e+00 : f32
    %max3A_1575 = vector.broadcast %max3A_1574 : f32 to vector<128x128xf32>
    %max3A_1576 = arith.maximumf %add3A_1573, %max3A_1575 : vector<128x128xf32>
    %get3A_1577 = arith.index_cast %get3A_38 : i32 to index
    %get3A_1578 = arith.constant 0 : index
    %get3A_1579 = arith.constant 0 : index
    %get3A_1580 = vector.load %arg11[%get3A_1577, %get3A_1578, %get3A_1579] : memref<64x128x128xf32, #tpu.memory_space<vmem>>, vector<1x128x128xf32>
    %get3A_1581 = vector.shape_cast %get3A_1580 : vector<1x128x128xf32> to vector<128x128xf32>
    %dot_general3A_1582 = arith.constant dense<0.000000e+00> : vector<128x128xf32>
    %dot_general3A_1583 = tpu.matmul %max3A_1253, %get3A_1581, %dot_general3A_1582 {dimension_numbers = #tpu.dot_dimension_numbers<[1], [1], [0], [0], [0, 0, 1, 0], [], []>, transpose_lhs_hint = false} : vector<128x128xf32>, vector<128x128xf32>, vector<128x128xf32> -> vector<128x128xf32>
    %get3A_1584 = arith.index_cast %get3A_38 : i32 to index
    %get3A_1585 = arith.constant 0 : index
    %get3A_1586 = arith.constant 0 : index
    %get3A_1587 = vector.load %arg12[%get3A_1584, %get3A_1585, %get3A_1586] : memref<64x1x128xf32, #tpu.memory_space<vmem>>, vector<1x1x128xf32>
    %get3A_1588 = vector.shape_cast %get3A_1587 : vector<1x1x128xf32> to vector<1x128xf32>
    %add3A_1589 = vector.broadcast %get3A_1588 : vector<1x128xf32> to vector<128x128xf32>
    %add3A_1590 = arith.addf %dot_general3A_1583, %add3A_1589 : vector<128x128xf32>
    %max3A_1591 = arith.constant 0.000000e+00 : f32
    %max3A_1592 = vector.broadcast %max3A_1591 : f32 to vector<128x128xf32>
    %max3A_1593 = arith.maximumf %add3A_1590, %max3A_1592 : vector<128x128xf32>
    %get3A_1594 = arith.index_cast %get3A_44 : i32 to index
    %get3A_1595 = arith.constant 0 : index
    %get3A_1596 = arith.constant 0 : index
    %get3A_1597 = vector.load %arg11[%get3A_1594, %get3A_1595, %get3A_1596] : memref<64x128x128xf32, #tpu.memory_space<vmem>>, vector<1x128x128xf32>
    %get3A_1598 = vector.shape_cast %get3A_1597 : vector<1x128x128xf32> to vector<128x128xf32>
    %dot_general3A_1599 = arith.constant dense<0.000000e+00> : vector<128x128xf32>
    %dot_general3A_1600 = tpu.matmul %max3A_1270, %get3A_1598, %dot_general3A_1599 {dimension_numbers = #tpu.dot_dimension_numbers<[1], [1], [0], [0], [0, 0, 1, 0], [], []>, transpose_lhs_hint = false} : vector<128x128xf32>, vector<128x128xf32>, vector<128x128xf32> -> vector<128x128xf32>
    %get3A_1601 = arith.index_cast %get3A_44 : i32 to index
    %get3A_1602 = arith.constant 0 : index
    %get3A_1603 = arith.constant 0 : index
    %get3A_1604 = vector.load %arg12[%get3A_1601, %get3A_1602, %get3A_1603] : memref<64x1x128xf32, #tpu.memory_space<vmem>>, vector<1x1x128xf32>
    %get3A_1605 = vector.shape_cast %get3A_1604 : vector<1x1x128xf32> to vector<1x128xf32>
    %add3A_1606 = vector.broadcast %get3A_1605 : vector<1x128xf32> to vector<128x128xf32>
    %add3A_1607 = arith.addf %dot_general3A_1600, %add3A_1606 : vector<128x128xf32>
    %max3A_1608 = arith.constant 0.000000e+00 : f32
    %max3A_1609 = vector.broadcast %max3A_1608 : f32 to vector<128x128xf32>
    %max3A_1610 = arith.maximumf %add3A_1607, %max3A_1609 : vector<128x128xf32>
    %get3A_1611 = arith.index_cast %get3A_50 : i32 to index
    %get3A_1612 = arith.constant 0 : index
    %get3A_1613 = arith.constant 0 : index
    %get3A_1614 = vector.load %arg11[%get3A_1611, %get3A_1612, %get3A_1613] : memref<64x128x128xf32, #tpu.memory_space<vmem>>, vector<1x128x128xf32>
    %get3A_1615 = vector.shape_cast %get3A_1614 : vector<1x128x128xf32> to vector<128x128xf32>
    %dot_general3A_1616 = arith.constant dense<0.000000e+00> : vector<128x128xf32>
    %dot_general3A_1617 = tpu.matmul %max3A_1287, %get3A_1615, %dot_general3A_1616 {dimension_numbers = #tpu.dot_dimension_numbers<[1], [1], [0], [0], [0, 0, 1, 0], [], []>, transpose_lhs_hint = false} : vector<128x128xf32>, vector<128x128xf32>, vector<128x128xf32> -> vector<128x128xf32>
    %get3A_1618 = arith.index_cast %get3A_50 : i32 to index
    %get3A_1619 = arith.constant 0 : index
    %get3A_1620 = arith.constant 0 : index
    %get3A_1621 = vector.load %arg12[%get3A_1618, %get3A_1619, %get3A_1620] : memref<64x1x128xf32, #tpu.memory_space<vmem>>, vector<1x1x128xf32>
    %get3A_1622 = vector.shape_cast %get3A_1621 : vector<1x1x128xf32> to vector<1x128xf32>
    %add3A_1623 = vector.broadcast %get3A_1622 : vector<1x128xf32> to vector<128x128xf32>
    %add3A_1624 = arith.addf %dot_general3A_1617, %add3A_1623 : vector<128x128xf32>
    %max3A_1625 = arith.constant 0.000000e+00 : f32
    %max3A_1626 = vector.broadcast %max3A_1625 : f32 to vector<128x128xf32>
    %max3A_1627 = arith.maximumf %add3A_1624, %max3A_1626 : vector<128x128xf32>
    %get3A_1628 = arith.index_cast %get3A_56 : i32 to index
    %get3A_1629 = arith.constant 0 : index
    %get3A_1630 = arith.constant 0 : index
    %get3A_1631 = vector.load %arg11[%get3A_1628, %get3A_1629, %get3A_1630] : memref<64x128x128xf32, #tpu.memory_space<vmem>>, vector<1x128x128xf32>
    %get3A_1632 = vector.shape_cast %get3A_1631 : vector<1x128x128xf32> to vector<128x128xf32>
    %dot_general3A_1633 = arith.constant dense<0.000000e+00> : vector<128x128xf32>
    %dot_general3A_1634 = tpu.matmul %max3A_1304, %get3A_1632, %dot_general3A_1633 {dimension_numbers = #tpu.dot_dimension_numbers<[1], [1], [0], [0], [0, 0, 1, 0], [], []>, transpose_lhs_hint = false} : vector<128x128xf32>, vector<128x128xf32>, vector<128x128xf32> -> vector<128x128xf32>
    %get3A_1635 = arith.index_cast %get3A_56 : i32 to index
    %get3A_1636 = arith.constant 0 : index
    %get3A_1637 = arith.constant 0 : index
    %get3A_1638 = vector.load %arg12[%get3A_1635, %get3A_1636, %get3A_1637] : memref<64x1x128xf32, #tpu.memory_space<vmem>>, vector<1x1x128xf32>
    %get3A_1639 = vector.shape_cast %get3A_1638 : vector<1x1x128xf32> to vector<1x128xf32>
    %add3A_1640 = vector.broadcast %get3A_1639 : vector<1x128xf32> to vector<128x128xf32>
    %add3A_1641 = arith.addf %dot_general3A_1634, %add3A_1640 : vector<128x128xf32>
    %max3A_1642 = arith.constant 0.000000e+00 : f32
    %max3A_1643 = vector.broadcast %max3A_1642 : f32 to vector<128x128xf32>
    %max3A_1644 = arith.maximumf %add3A_1641, %max3A_1643 : vector<128x128xf32>
    %get3A_1645 = arith.index_cast %get3A_62 : i32 to index
    %get3A_1646 = arith.constant 0 : index
    %get3A_1647 = arith.constant 0 : index
    %get3A_1648 = vector.load %arg11[%get3A_1645, %get3A_1646, %get3A_1647] : memref<64x128x128xf32, #tpu.memory_space<vmem>>, vector<1x128x128xf32>
    %get3A_1649 = vector.shape_cast %get3A_1648 : vector<1x128x128xf32> to vector<128x128xf32>
    %dot_general3A_1650 = arith.constant dense<0.000000e+00> : vector<128x128xf32>
    %dot_general3A_1651 = tpu.matmul %max3A_1321, %get3A_1649, %dot_general3A_1650 {dimension_numbers = #tpu.dot_dimension_numbers<[1], [1], [0], [0], [0, 0, 1, 0], [], []>, transpose_lhs_hint = false} : vector<128x128xf32>, vector<128x128xf32>, vector<128x128xf32> -> vector<128x128xf32>
    %get3A_1652 = arith.index_cast %get3A_62 : i32 to index
    %get3A_1653 = arith.constant 0 : index
    %get3A_1654 = arith.constant 0 : index
    %get3A_1655 = vector.load %arg12[%get3A_1652, %get3A_1653, %get3A_1654] : memref<64x1x128xf32, #tpu.memory_space<vmem>>, vector<1x1x128xf32>
    %get3A_1656 = vector.shape_cast %get3A_1655 : vector<1x1x128xf32> to vector<1x128xf32>
    %add3A_1657 = vector.broadcast %get3A_1656 : vector<1x128xf32> to vector<128x128xf32>
    %add3A_1658 = arith.addf %dot_general3A_1651, %add3A_1657 : vector<128x128xf32>
    %max3A_1659 = arith.constant 0.000000e+00 : f32
    %max3A_1660 = vector.broadcast %max3A_1659 : f32 to vector<128x128xf32>
    %max3A_1661 = arith.maximumf %add3A_1658, %max3A_1660 : vector<128x128xf32>
    %get3A_1662 = arith.index_cast %get3A_68 : i32 to index
    %get3A_1663 = arith.constant 0 : index
    %get3A_1664 = arith.constant 0 : index
    %get3A_1665 = vector.load %arg11[%get3A_1662, %get3A_1663, %get3A_1664] : memref<64x128x128xf32, #tpu.memory_space<vmem>>, vector<1x128x128xf32>
    %get3A_1666 = vector.shape_cast %get3A_1665 : vector<1x128x128xf32> to vector<128x128xf32>
    %dot_general3A_1667 = arith.constant dense<0.000000e+00> : vector<128x128xf32>
    %dot_general3A_1668 = tpu.matmul %max3A_1338, %get3A_1666, %dot_general3A_1667 {dimension_numbers = #tpu.dot_dimension_numbers<[1], [1], [0], [0], [0, 0, 1, 0], [], []>, transpose_lhs_hint = false} : vector<128x128xf32>, vector<128x128xf32>, vector<128x128xf32> -> vector<128x128xf32>
    %get3A_1669 = arith.index_cast %get3A_68 : i32 to index
    %get3A_1670 = arith.constant 0 : index
    %get3A_1671 = arith.constant 0 : index
    %get3A_1672 = vector.load %arg12[%get3A_1669, %get3A_1670, %get3A_1671] : memref<64x1x128xf32, #tpu.memory_space<vmem>>, vector<1x1x128xf32>
    %get3A_1673 = vector.shape_cast %get3A_1672 : vector<1x1x128xf32> to vector<1x128xf32>
    %add3A_1674 = vector.broadcast %get3A_1673 : vector<1x128xf32> to vector<128x128xf32>
    %add3A_1675 = arith.addf %dot_general3A_1668, %add3A_1674 : vector<128x128xf32>
    %max3A_1676 = arith.constant 0.000000e+00 : f32
    %max3A_1677 = vector.broadcast %max3A_1676 : f32 to vector<128x128xf32>
    %max3A_1678 = arith.maximumf %add3A_1675, %max3A_1677 : vector<128x128xf32>
    %get3A_1679 = arith.index_cast %get3A_74 : i32 to index
    %get3A_1680 = arith.constant 0 : index
    %get3A_1681 = arith.constant 0 : index
    %get3A_1682 = vector.load %arg11[%get3A_1679, %get3A_1680, %get3A_1681] : memref<64x128x128xf32, #tpu.memory_space<vmem>>, vector<1x128x128xf32>
    %get3A_1683 = vector.shape_cast %get3A_1682 : vector<1x128x128xf32> to vector<128x128xf32>
    %dot_general3A_1684 = arith.constant dense<0.000000e+00> : vector<128x128xf32>
    %dot_general3A_1685 = tpu.matmul %max3A_1355, %get3A_1683, %dot_general3A_1684 {dimension_numbers = #tpu.dot_dimension_numbers<[1], [1], [0], [0], [0, 0, 1, 0], [], []>, transpose_lhs_hint = false} : vector<128x128xf32>, vector<128x128xf32>, vector<128x128xf32> -> vector<128x128xf32>
    %get3A_1686 = arith.index_cast %get3A_74 : i32 to index
    %get3A_1687 = arith.constant 0 : index
    %get3A_1688 = arith.constant 0 : index
    %get3A_1689 = vector.load %arg12[%get3A_1686, %get3A_1687, %get3A_1688] : memref<64x1x128xf32, #tpu.memory_space<vmem>>, vector<1x1x128xf32>
    %get3A_1690 = vector.shape_cast %get3A_1689 : vector<1x1x128xf32> to vector<1x128xf32>
    %add3A_1691 = vector.broadcast %get3A_1690 : vector<1x128xf32> to vector<128x128xf32>
    %add3A_1692 = arith.addf %dot_general3A_1685, %add3A_1691 : vector<128x128xf32>
    %max3A_1693 = arith.constant 0.000000e+00 : f32
    %max3A_1694 = vector.broadcast %max3A_1693 : f32 to vector<128x128xf32>
    %max3A_1695 = arith.maximumf %add3A_1692, %max3A_1694 : vector<128x128xf32>
    %get3A_1696 = arith.index_cast %get3A_80 : i32 to index
    %get3A_1697 = arith.constant 0 : index
    %get3A_1698 = arith.constant 0 : index
    %get3A_1699 = vector.load %arg11[%get3A_1696, %get3A_1697, %get3A_1698] : memref<64x128x128xf32, #tpu.memory_space<vmem>>, vector<1x128x128xf32>
    %get3A_1700 = vector.shape_cast %get3A_1699 : vector<1x128x128xf32> to vector<128x128xf32>
    %dot_general3A_1701 = arith.constant dense<0.000000e+00> : vector<128x128xf32>
    %dot_general3A_1702 = tpu.matmul %max3A_1372, %get3A_1700, %dot_general3A_1701 {dimension_numbers = #tpu.dot_dimension_numbers<[1], [1], [0], [0], [0, 0, 1, 0], [], []>, transpose_lhs_hint = false} : vector<128x128xf32>, vector<128x128xf32>, vector<128x128xf32> -> vector<128x128xf32>
    %get3A_1703 = arith.index_cast %get3A_80 : i32 to index
    %get3A_1704 = arith.constant 0 : index
    %get3A_1705 = arith.constant 0 : index
    %get3A_1706 = vector.load %arg12[%get3A_1703, %get3A_1704, %get3A_1705] : memref<64x1x128xf32, #tpu.memory_space<vmem>>, vector<1x1x128xf32>
    %get3A_1707 = vector.shape_cast %get3A_1706 : vector<1x1x128xf32> to vector<1x128xf32>
    %add3A_1708 = vector.broadcast %get3A_1707 : vector<1x128xf32> to vector<128x128xf32>
    %add3A_1709 = arith.addf %dot_general3A_1702, %add3A_1708 : vector<128x128xf32>
    %max3A_1710 = arith.constant 0.000000e+00 : f32
    %max3A_1711 = vector.broadcast %max3A_1710 : f32 to vector<128x128xf32>
    %max3A_1712 = arith.maximumf %add3A_1709, %max3A_1711 : vector<128x128xf32>
    %get3A_1713 = arith.index_cast %get3A_86 : i32 to index
    %get3A_1714 = arith.constant 0 : index
    %get3A_1715 = arith.constant 0 : index
    %get3A_1716 = vector.load %arg11[%get3A_1713, %get3A_1714, %get3A_1715] : memref<64x128x128xf32, #tpu.memory_space<vmem>>, vector<1x128x128xf32>
    %get3A_1717 = vector.shape_cast %get3A_1716 : vector<1x128x128xf32> to vector<128x128xf32>
    %dot_general3A_1718 = arith.constant dense<0.000000e+00> : vector<128x128xf32>
    %dot_general3A_1719 = tpu.matmul %max3A_1389, %get3A_1717, %dot_general3A_1718 {dimension_numbers = #tpu.dot_dimension_numbers<[1], [1], [0], [0], [0, 0, 1, 0], [], []>, transpose_lhs_hint = false} : vector<128x128xf32>, vector<128x128xf32>, vector<128x128xf32> -> vector<128x128xf32>
    %get3A_1720 = arith.index_cast %get3A_86 : i32 to index
    %get3A_1721 = arith.constant 0 : index
    %get3A_1722 = arith.constant 0 : index
    %get3A_1723 = vector.load %arg12[%get3A_1720, %get3A_1721, %get3A_1722] : memref<64x1x128xf32, #tpu.memory_space<vmem>>, vector<1x1x128xf32>
    %get3A_1724 = vector.shape_cast %get3A_1723 : vector<1x1x128xf32> to vector<1x128xf32>
    %add3A_1725 = vector.broadcast %get3A_1724 : vector<1x128xf32> to vector<128x128xf32>
    %add3A_1726 = arith.addf %dot_general3A_1719, %add3A_1725 : vector<128x128xf32>
    %max3A_1727 = arith.constant 0.000000e+00 : f32
    %max3A_1728 = vector.broadcast %max3A_1727 : f32 to vector<128x128xf32>
    %max3A_1729 = arith.maximumf %add3A_1726, %max3A_1728 : vector<128x128xf32>
    %get3A_1730 = arith.index_cast %get3A_92 : i32 to index
    %get3A_1731 = arith.constant 0 : index
    %get3A_1732 = arith.constant 0 : index
    %get3A_1733 = vector.load %arg11[%get3A_1730, %get3A_1731, %get3A_1732] : memref<64x128x128xf32, #tpu.memory_space<vmem>>, vector<1x128x128xf32>
    %get3A_1734 = vector.shape_cast %get3A_1733 : vector<1x128x128xf32> to vector<128x128xf32>
    %dot_general3A_1735 = arith.constant dense<0.000000e+00> : vector<128x128xf32>
    %dot_general3A_1736 = tpu.matmul %max3A_1406, %get3A_1734, %dot_general3A_1735 {dimension_numbers = #tpu.dot_dimension_numbers<[1], [1], [0], [0], [0, 0, 1, 0], [], []>, transpose_lhs_hint = false} : vector<128x128xf32>, vector<128x128xf32>, vector<128x128xf32> -> vector<128x128xf32>
    %get3A_1737 = arith.index_cast %get3A_92 : i32 to index
    %get3A_1738 = arith.constant 0 : index
    %get3A_1739 = arith.constant 0 : index
    %get3A_1740 = vector.load %arg12[%get3A_1737, %get3A_1738, %get3A_1739] : memref<64x1x128xf32, #tpu.memory_space<vmem>>, vector<1x1x128xf32>
    %get3A_1741 = vector.shape_cast %get3A_1740 : vector<1x1x128xf32> to vector<1x128xf32>
    %add3A_1742 = vector.broadcast %get3A_1741 : vector<1x128xf32> to vector<128x128xf32>
    %add3A_1743 = arith.addf %dot_general3A_1736, %add3A_1742 : vector<128x128xf32>
    %max3A_1744 = arith.constant 0.000000e+00 : f32
    %max3A_1745 = vector.broadcast %max3A_1744 : f32 to vector<128x128xf32>
    %max3A_1746 = arith.maximumf %add3A_1743, %max3A_1745 : vector<128x128xf32>
    %get3A_1747 = arith.index_cast %get3A_98 : i32 to index
    %get3A_1748 = arith.constant 0 : index
    %get3A_1749 = arith.constant 0 : index
    %get3A_1750 = vector.load %arg11[%get3A_1747, %get3A_1748, %get3A_1749] : memref<64x128x128xf32, #tpu.memory_space<vmem>>, vector<1x128x128xf32>
    %get3A_1751 = vector.shape_cast %get3A_1750 : vector<1x128x128xf32> to vector<128x128xf32>
    %dot_general3A_1752 = arith.constant dense<0.000000e+00> : vector<128x128xf32>
    %dot_general3A_1753 = tpu.matmul %max3A_1423, %get3A_1751, %dot_general3A_1752 {dimension_numbers = #tpu.dot_dimension_numbers<[1], [1], [0], [0], [0, 0, 1, 0], [], []>, transpose_lhs_hint = false} : vector<128x128xf32>, vector<128x128xf32>, vector<128x128xf32> -> vector<128x128xf32>
    %get3A_1754 = arith.index_cast %get3A_98 : i32 to index
    %get3A_1755 = arith.constant 0 : index
    %get3A_1756 = arith.constant 0 : index
    %get3A_1757 = vector.load %arg12[%get3A_1754, %get3A_1755, %get3A_1756] : memref<64x1x128xf32, #tpu.memory_space<vmem>>, vector<1x1x128xf32>
    %get3A_1758 = vector.shape_cast %get3A_1757 : vector<1x1x128xf32> to vector<1x128xf32>
    %add3A_1759 = vector.broadcast %get3A_1758 : vector<1x128xf32> to vector<128x128xf32>
    %add3A_1760 = arith.addf %dot_general3A_1753, %add3A_1759 : vector<128x128xf32>
    %max3A_1761 = arith.constant 0.000000e+00 : f32
    %max3A_1762 = vector.broadcast %max3A_1761 : f32 to vector<128x128xf32>
    %max3A_1763 = arith.maximumf %add3A_1760, %max3A_1762 : vector<128x128xf32>
    %get3A_1764 = arith.index_cast %get3A_104 : i32 to index
    %get3A_1765 = arith.constant 0 : index
    %get3A_1766 = arith.constant 0 : index
    %get3A_1767 = vector.load %arg11[%get3A_1764, %get3A_1765, %get3A_1766] : memref<64x128x128xf32, #tpu.memory_space<vmem>>, vector<1x128x128xf32>
    %get3A_1768 = vector.shape_cast %get3A_1767 : vector<1x128x128xf32> to vector<128x128xf32>
    %dot_general3A_1769 = arith.constant dense<0.000000e+00> : vector<128x128xf32>
    %dot_general3A_1770 = tpu.matmul %max3A_1440, %get3A_1768, %dot_general3A_1769 {dimension_numbers = #tpu.dot_dimension_numbers<[1], [1], [0], [0], [0, 0, 1, 0], [], []>, transpose_lhs_hint = false} : vector<128x128xf32>, vector<128x128xf32>, vector<128x128xf32> -> vector<128x128xf32>
    %get3A_1771 = arith.index_cast %get3A_104 : i32 to index
    %get3A_1772 = arith.constant 0 : index
    %get3A_1773 = arith.constant 0 : index
    %get3A_1774 = vector.load %arg12[%get3A_1771, %get3A_1772, %get3A_1773] : memref<64x1x128xf32, #tpu.memory_space<vmem>>, vector<1x1x128xf32>
    %get3A_1775 = vector.shape_cast %get3A_1774 : vector<1x1x128xf32> to vector<1x128xf32>
    %add3A_1776 = vector.broadcast %get3A_1775 : vector<1x128xf32> to vector<128x128xf32>
    %add3A_1777 = arith.addf %dot_general3A_1770, %add3A_1776 : vector<128x128xf32>
    %max3A_1778 = arith.constant 0.000000e+00 : f32
    %max3A_1779 = vector.broadcast %max3A_1778 : f32 to vector<128x128xf32>
    %max3A_1780 = arith.maximumf %add3A_1777, %max3A_1779 : vector<128x128xf32>
    %get3A_1781 = arith.index_cast %get3A_110 : i32 to index
    %get3A_1782 = arith.constant 0 : index
    %get3A_1783 = arith.constant 0 : index
    %get3A_1784 = vector.load %arg11[%get3A_1781, %get3A_1782, %get3A_1783] : memref<64x128x128xf32, #tpu.memory_space<vmem>>, vector<1x128x128xf32>
    %get3A_1785 = vector.shape_cast %get3A_1784 : vector<1x128x128xf32> to vector<128x128xf32>
    %dot_general3A_1786 = arith.constant dense<0.000000e+00> : vector<128x128xf32>
    %dot_general3A_1787 = tpu.matmul %max3A_1457, %get3A_1785, %dot_general3A_1786 {dimension_numbers = #tpu.dot_dimension_numbers<[1], [1], [0], [0], [0, 0, 1, 0], [], []>, transpose_lhs_hint = false} : vector<128x128xf32>, vector<128x128xf32>, vector<128x128xf32> -> vector<128x128xf32>
    %get3A_1788 = arith.index_cast %get3A_110 : i32 to index
    %get3A_1789 = arith.constant 0 : index
    %get3A_1790 = arith.constant 0 : index
    %get3A_1791 = vector.load %arg12[%get3A_1788, %get3A_1789, %get3A_1790] : memref<64x1x128xf32, #tpu.memory_space<vmem>>, vector<1x1x128xf32>
    %get3A_1792 = vector.shape_cast %get3A_1791 : vector<1x1x128xf32> to vector<1x128xf32>
    %add3A_1793 = vector.broadcast %get3A_1792 : vector<1x128xf32> to vector<128x128xf32>
    %add3A_1794 = arith.addf %dot_general3A_1787, %add3A_1793 : vector<128x128xf32>
    %max3A_1795 = arith.constant 0.000000e+00 : f32
    %max3A_1796 = vector.broadcast %max3A_1795 : f32 to vector<128x128xf32>
    %max3A_1797 = arith.maximumf %add3A_1794, %max3A_1796 : vector<128x128xf32>
    %get3A_1798 = arith.index_cast %get3A_116 : i32 to index
    %get3A_1799 = arith.constant 0 : index
    %get3A_1800 = arith.constant 0 : index
    %get3A_1801 = vector.load %arg11[%get3A_1798, %get3A_1799, %get3A_1800] : memref<64x128x128xf32, #tpu.memory_space<vmem>>, vector<1x128x128xf32>
    %get3A_1802 = vector.shape_cast %get3A_1801 : vector<1x128x128xf32> to vector<128x128xf32>
    %dot_general3A_1803 = arith.constant dense<0.000000e+00> : vector<128x128xf32>
    %dot_general3A_1804 = tpu.matmul %max3A_1474, %get3A_1802, %dot_general3A_1803 {dimension_numbers = #tpu.dot_dimension_numbers<[1], [1], [0], [0], [0, 0, 1, 0], [], []>, transpose_lhs_hint = false} : vector<128x128xf32>, vector<128x128xf32>, vector<128x128xf32> -> vector<128x128xf32>
    %get3A_1805 = arith.index_cast %get3A_116 : i32 to index
    %get3A_1806 = arith.constant 0 : index
    %get3A_1807 = arith.constant 0 : index
    %get3A_1808 = vector.load %arg12[%get3A_1805, %get3A_1806, %get3A_1807] : memref<64x1x128xf32, #tpu.memory_space<vmem>>, vector<1x1x128xf32>
    %get3A_1809 = vector.shape_cast %get3A_1808 : vector<1x1x128xf32> to vector<1x128xf32>
    %add3A_1810 = vector.broadcast %get3A_1809 : vector<1x128xf32> to vector<128x128xf32>
    %add3A_1811 = arith.addf %dot_general3A_1804, %add3A_1810 : vector<128x128xf32>
    %max3A_1812 = arith.constant 0.000000e+00 : f32
    %max3A_1813 = vector.broadcast %max3A_1812 : f32 to vector<128x128xf32>
    %max3A_1814 = arith.maximumf %add3A_1811, %max3A_1813 : vector<128x128xf32>
    %get3A_1815 = arith.index_cast %get3A_2 : i32 to index
    %get3A_1816 = arith.constant 0 : index
    %get3A_1817 = arith.constant 0 : index
    %get3A_1818 = vector.load %arg13[%get3A_1815, %get3A_1816, %get3A_1817] : memref<64x128x128xf32, #tpu.memory_space<vmem>>, vector<1x128x128xf32>
    %get3A_1819 = vector.shape_cast %get3A_1818 : vector<1x128x128xf32> to vector<128x128xf32>
    %dot_general3A_1820 = arith.constant dense<0.000000e+00> : vector<128x128xf32>
    %dot_general3A_1821 = tpu.matmul %max3A_1491, %get3A_1819, %dot_general3A_1820 {dimension_numbers = #tpu.dot_dimension_numbers<[1], [1], [0], [0], [0, 0, 1, 0], [], []>, transpose_lhs_hint = false} : vector<128x128xf32>, vector<128x128xf32>, vector<128x128xf32> -> vector<128x128xf32>
    %get3A_1822 = arith.index_cast %get3A_2 : i32 to index
    %get3A_1823 = arith.constant 0 : index
    %get3A_1824 = arith.constant 0 : index
    %get3A_1825 = vector.load %arg14[%get3A_1822, %get3A_1823, %get3A_1824] : memref<64x1x128xf32, #tpu.memory_space<vmem>>, vector<1x1x128xf32>
    %get3A_1826 = vector.shape_cast %get3A_1825 : vector<1x1x128xf32> to vector<1x128xf32>
    %add3A_1827 = vector.broadcast %get3A_1826 : vector<1x128xf32> to vector<128x128xf32>
    %add3A_1828 = arith.addf %dot_general3A_1821, %add3A_1827 : vector<128x128xf32>
    %get3A_1829 = arith.index_cast %get3A_8 : i32 to index
    %get3A_1830 = arith.constant 0 : index
    %get3A_1831 = arith.constant 0 : index
    %get3A_1832 = vector.load %arg13[%get3A_1829, %get3A_1830, %get3A_1831] : memref<64x128x128xf32, #tpu.memory_space<vmem>>, vector<1x128x128xf32>
    %get3A_1833 = vector.shape_cast %get3A_1832 : vector<1x128x128xf32> to vector<128x128xf32>
    %dot_general3A_1834 = arith.constant dense<0.000000e+00> : vector<128x128xf32>
    %dot_general3A_1835 = tpu.matmul %max3A_1508, %get3A_1833, %dot_general3A_1834 {dimension_numbers = #tpu.dot_dimension_numbers<[1], [1], [0], [0], [0, 0, 1, 0], [], []>, transpose_lhs_hint = false} : vector<128x128xf32>, vector<128x128xf32>, vector<128x128xf32> -> vector<128x128xf32>
    %get3A_1836 = arith.index_cast %get3A_8 : i32 to index
    %get3A_1837 = arith.constant 0 : index
    %get3A_1838 = arith.constant 0 : index
    %get3A_1839 = vector.load %arg14[%get3A_1836, %get3A_1837, %get3A_1838] : memref<64x1x128xf32, #tpu.memory_space<vmem>>, vector<1x1x128xf32>
    %get3A_1840 = vector.shape_cast %get3A_1839 : vector<1x1x128xf32> to vector<1x128xf32>
    %add3A_1841 = vector.broadcast %get3A_1840 : vector<1x128xf32> to vector<128x128xf32>
    %add3A_1842 = arith.addf %dot_general3A_1835, %add3A_1841 : vector<128x128xf32>
    %get3A_1843 = arith.index_cast %get3A_14 : i32 to index
    %get3A_1844 = arith.constant 0 : index
    %get3A_1845 = arith.constant 0 : index
    %get3A_1846 = vector.load %arg13[%get3A_1843, %get3A_1844, %get3A_1845] : memref<64x128x128xf32, #tpu.memory_space<vmem>>, vector<1x128x128xf32>
    %get3A_1847 = vector.shape_cast %get3A_1846 : vector<1x128x128xf32> to vector<128x128xf32>
    %dot_general3A_1848 = arith.constant dense<0.000000e+00> : vector<128x128xf32>
    %dot_general3A_1849 = tpu.matmul %max3A_1525, %get3A_1847, %dot_general3A_1848 {dimension_numbers = #tpu.dot_dimension_numbers<[1], [1], [0], [0], [0, 0, 1, 0], [], []>, transpose_lhs_hint = false} : vector<128x128xf32>, vector<128x128xf32>, vector<128x128xf32> -> vector<128x128xf32>
    %get3A_1850 = arith.index_cast %get3A_14 : i32 to index
    %get3A_1851 = arith.constant 0 : index
    %get3A_1852 = arith.constant 0 : index
    %get3A_1853 = vector.load %arg14[%get3A_1850, %get3A_1851, %get3A_1852] : memref<64x1x128xf32, #tpu.memory_space<vmem>>, vector<1x1x128xf32>
    %get3A_1854 = vector.shape_cast %get3A_1853 : vector<1x1x128xf32> to vector<1x128xf32>
    %add3A_1855 = vector.broadcast %get3A_1854 : vector<1x128xf32> to vector<128x128xf32>
    %add3A_1856 = arith.addf %dot_general3A_1849, %add3A_1855 : vector<128x128xf32>
    %get3A_1857 = arith.index_cast %get3A_20 : i32 to index
    %get3A_1858 = arith.constant 0 : index
    %get3A_1859 = arith.constant 0 : index
    %get3A_1860 = vector.load %arg13[%get3A_1857, %get3A_1858, %get3A_1859] : memref<64x128x128xf32, #tpu.memory_space<vmem>>, vector<1x128x128xf32>
    %get3A_1861 = vector.shape_cast %get3A_1860 : vector<1x128x128xf32> to vector<128x128xf32>
    %dot_general3A_1862 = arith.constant dense<0.000000e+00> : vector<128x128xf32>
    %dot_general3A_1863 = tpu.matmul %max3A_1542, %get3A_1861, %dot_general3A_1862 {dimension_numbers = #tpu.dot_dimension_numbers<[1], [1], [0], [0], [0, 0, 1, 0], [], []>, transpose_lhs_hint = false} : vector<128x128xf32>, vector<128x128xf32>, vector<128x128xf32> -> vector<128x128xf32>
    %get3A_1864 = arith.index_cast %get3A_20 : i32 to index
    %get3A_1865 = arith.constant 0 : index
    %get3A_1866 = arith.constant 0 : index
    %get3A_1867 = vector.load %arg14[%get3A_1864, %get3A_1865, %get3A_1866] : memref<64x1x128xf32, #tpu.memory_space<vmem>>, vector<1x1x128xf32>
    %get3A_1868 = vector.shape_cast %get3A_1867 : vector<1x1x128xf32> to vector<1x128xf32>
    %add3A_1869 = vector.broadcast %get3A_1868 : vector<1x128xf32> to vector<128x128xf32>
    %add3A_1870 = arith.addf %dot_general3A_1863, %add3A_1869 : vector<128x128xf32>
    %get3A_1871 = arith.index_cast %get3A_26 : i32 to index
    %get3A_1872 = arith.constant 0 : index
    %get3A_1873 = arith.constant 0 : index
    %get3A_1874 = vector.load %arg13[%get3A_1871, %get3A_1872, %get3A_1873] : memref<64x128x128xf32, #tpu.memory_space<vmem>>, vector<1x128x128xf32>
    %get3A_1875 = vector.shape_cast %get3A_1874 : vector<1x128x128xf32> to vector<128x128xf32>
    %dot_general3A_1876 = arith.constant dense<0.000000e+00> : vector<128x128xf32>
    %dot_general3A_1877 = tpu.matmul %max3A_1559, %get3A_1875, %dot_general3A_1876 {dimension_numbers = #tpu.dot_dimension_numbers<[1], [1], [0], [0], [0, 0, 1, 0], [], []>, transpose_lhs_hint = false} : vector<128x128xf32>, vector<128x128xf32>, vector<128x128xf32> -> vector<128x128xf32>
    %get3A_1878 = arith.index_cast %get3A_26 : i32 to index
    %get3A_1879 = arith.constant 0 : index
    %get3A_1880 = arith.constant 0 : index
    %get3A_1881 = vector.load %arg14[%get3A_1878, %get3A_1879, %get3A_1880] : memref<64x1x128xf32, #tpu.memory_space<vmem>>, vector<1x1x128xf32>
    %get3A_1882 = vector.shape_cast %get3A_1881 : vector<1x1x128xf32> to vector<1x128xf32>
    %add3A_1883 = vector.broadcast %get3A_1882 : vector<1x128xf32> to vector<128x128xf32>
    %add3A_1884 = arith.addf %dot_general3A_1877, %add3A_1883 : vector<128x128xf32>
    %get3A_1885 = arith.index_cast %get3A_32 : i32 to index
    %get3A_1886 = arith.constant 0 : index
    %get3A_1887 = arith.constant 0 : index
    %get3A_1888 = vector.load %arg13[%get3A_1885, %get3A_1886, %get3A_1887] : memref<64x128x128xf32, #tpu.memory_space<vmem>>, vector<1x128x128xf32>
    %get3A_1889 = vector.shape_cast %get3A_1888 : vector<1x128x128xf32> to vector<128x128xf32>
    %dot_general3A_1890 = arith.constant dense<0.000000e+00> : vector<128x128xf32>
    %dot_general3A_1891 = tpu.matmul %max3A_1576, %get3A_1889, %dot_general3A_1890 {dimension_numbers = #tpu.dot_dimension_numbers<[1], [1], [0], [0], [0, 0, 1, 0], [], []>, transpose_lhs_hint = false} : vector<128x128xf32>, vector<128x128xf32>, vector<128x128xf32> -> vector<128x128xf32>
    %get3A_1892 = arith.index_cast %get3A_32 : i32 to index
    %get3A_1893 = arith.constant 0 : index
    %get3A_1894 = arith.constant 0 : index
    %get3A_1895 = vector.load %arg14[%get3A_1892, %get3A_1893, %get3A_1894] : memref<64x1x128xf32, #tpu.memory_space<vmem>>, vector<1x1x128xf32>
    %get3A_1896 = vector.shape_cast %get3A_1895 : vector<1x1x128xf32> to vector<1x128xf32>
    %add3A_1897 = vector.broadcast %get3A_1896 : vector<1x128xf32> to vector<128x128xf32>
    %add3A_1898 = arith.addf %dot_general3A_1891, %add3A_1897 : vector<128x128xf32>
    %get3A_1899 = arith.index_cast %get3A_38 : i32 to index
    %get3A_1900 = arith.constant 0 : index
    %get3A_1901 = arith.constant 0 : index
    %get3A_1902 = vector.load %arg13[%get3A_1899, %get3A_1900, %get3A_1901] : memref<64x128x128xf32, #tpu.memory_space<vmem>>, vector<1x128x128xf32>
    %get3A_1903 = vector.shape_cast %get3A_1902 : vector<1x128x128xf32> to vector<128x128xf32>
    %dot_general3A_1904 = arith.constant dense<0.000000e+00> : vector<128x128xf32>
    %dot_general3A_1905 = tpu.matmul %max3A_1593, %get3A_1903, %dot_general3A_1904 {dimension_numbers = #tpu.dot_dimension_numbers<[1], [1], [0], [0], [0, 0, 1, 0], [], []>, transpose_lhs_hint = false} : vector<128x128xf32>, vector<128x128xf32>, vector<128x128xf32> -> vector<128x128xf32>
    %get3A_1906 = arith.index_cast %get3A_38 : i32 to index
    %get3A_1907 = arith.constant 0 : index
    %get3A_1908 = arith.constant 0 : index
    %get3A_1909 = vector.load %arg14[%get3A_1906, %get3A_1907, %get3A_1908] : memref<64x1x128xf32, #tpu.memory_space<vmem>>, vector<1x1x128xf32>
    %get3A_1910 = vector.shape_cast %get3A_1909 : vector<1x1x128xf32> to vector<1x128xf32>
    %add3A_1911 = vector.broadcast %get3A_1910 : vector<1x128xf32> to vector<128x128xf32>
    %add3A_1912 = arith.addf %dot_general3A_1905, %add3A_1911 : vector<128x128xf32>
    %get3A_1913 = arith.index_cast %get3A_44 : i32 to index
    %get3A_1914 = arith.constant 0 : index
    %get3A_1915 = arith.constant 0 : index
    %get3A_1916 = vector.load %arg13[%get3A_1913, %get3A_1914, %get3A_1915] : memref<64x128x128xf32, #tpu.memory_space<vmem>>, vector<1x128x128xf32>
    %get3A_1917 = vector.shape_cast %get3A_1916 : vector<1x128x128xf32> to vector<128x128xf32>
    %dot_general3A_1918 = arith.constant dense<0.000000e+00> : vector<128x128xf32>
    %dot_general3A_1919 = tpu.matmul %max3A_1610, %get3A_1917, %dot_general3A_1918 {dimension_numbers = #tpu.dot_dimension_numbers<[1], [1], [0], [0], [0, 0, 1, 0], [], []>, transpose_lhs_hint = false} : vector<128x128xf32>, vector<128x128xf32>, vector<128x128xf32> -> vector<128x128xf32>
    %get3A_1920 = arith.index_cast %get3A_44 : i32 to index
    %get3A_1921 = arith.constant 0 : index
    %get3A_1922 = arith.constant 0 : index
    %get3A_1923 = vector.load %arg14[%get3A_1920, %get3A_1921, %get3A_1922] : memref<64x1x128xf32, #tpu.memory_space<vmem>>, vector<1x1x128xf32>
    %get3A_1924 = vector.shape_cast %get3A_1923 : vector<1x1x128xf32> to vector<1x128xf32>
    %add3A_1925 = vector.broadcast %get3A_1924 : vector<1x128xf32> to vector<128x128xf32>
    %add3A_1926 = arith.addf %dot_general3A_1919, %add3A_1925 : vector<128x128xf32>
    %get3A_1927 = arith.index_cast %get3A_50 : i32 to index
    %get3A_1928 = arith.constant 0 : index
    %get3A_1929 = arith.constant 0 : index
    %get3A_1930 = vector.load %arg13[%get3A_1927, %get3A_1928, %get3A_1929] : memref<64x128x128xf32, #tpu.memory_space<vmem>>, vector<1x128x128xf32>
    %get3A_1931 = vector.shape_cast %get3A_1930 : vector<1x128x128xf32> to vector<128x128xf32>
    %dot_general3A_1932 = arith.constant dense<0.000000e+00> : vector<128x128xf32>
    %dot_general3A_1933 = tpu.matmul %max3A_1627, %get3A_1931, %dot_general3A_1932 {dimension_numbers = #tpu.dot_dimension_numbers<[1], [1], [0], [0], [0, 0, 1, 0], [], []>, transpose_lhs_hint = false} : vector<128x128xf32>, vector<128x128xf32>, vector<128x128xf32> -> vector<128x128xf32>
    %get3A_1934 = arith.index_cast %get3A_50 : i32 to index
    %get3A_1935 = arith.constant 0 : index
    %get3A_1936 = arith.constant 0 : index
    %get3A_1937 = vector.load %arg14[%get3A_1934, %get3A_1935, %get3A_1936] : memref<64x1x128xf32, #tpu.memory_space<vmem>>, vector<1x1x128xf32>
    %get3A_1938 = vector.shape_cast %get3A_1937 : vector<1x1x128xf32> to vector<1x128xf32>
    %add3A_1939 = vector.broadcast %get3A_1938 : vector<1x128xf32> to vector<128x128xf32>
    %add3A_1940 = arith.addf %dot_general3A_1933, %add3A_1939 : vector<128x128xf32>
    %get3A_1941 = arith.index_cast %get3A_56 : i32 to index
    %get3A_1942 = arith.constant 0 : index
    %get3A_1943 = arith.constant 0 : index
    %get3A_1944 = vector.load %arg13[%get3A_1941, %get3A_1942, %get3A_1943] : memref<64x128x128xf32, #tpu.memory_space<vmem>>, vector<1x128x128xf32>
    %get3A_1945 = vector.shape_cast %get3A_1944 : vector<1x128x128xf32> to vector<128x128xf32>
    %dot_general3A_1946 = arith.constant dense<0.000000e+00> : vector<128x128xf32>
    %dot_general3A_1947 = tpu.matmul %max3A_1644, %get3A_1945, %dot_general3A_1946 {dimension_numbers = #tpu.dot_dimension_numbers<[1], [1], [0], [0], [0, 0, 1, 0], [], []>, transpose_lhs_hint = false} : vector<128x128xf32>, vector<128x128xf32>, vector<128x128xf32> -> vector<128x128xf32>
    %get3A_1948 = arith.index_cast %get3A_56 : i32 to index
    %get3A_1949 = arith.constant 0 : index
    %get3A_1950 = arith.constant 0 : index
    %get3A_1951 = vector.load %arg14[%get3A_1948, %get3A_1949, %get3A_1950] : memref<64x1x128xf32, #tpu.memory_space<vmem>>, vector<1x1x128xf32>
    %get3A_1952 = vector.shape_cast %get3A_1951 : vector<1x1x128xf32> to vector<1x128xf32>
    %add3A_1953 = vector.broadcast %get3A_1952 : vector<1x128xf32> to vector<128x128xf32>
    %add3A_1954 = arith.addf %dot_general3A_1947, %add3A_1953 : vector<128x128xf32>
    %get3A_1955 = arith.index_cast %get3A_62 : i32 to index
    %get3A_1956 = arith.constant 0 : index
    %get3A_1957 = arith.constant 0 : index
    %get3A_1958 = vector.load %arg13[%get3A_1955, %get3A_1956, %get3A_1957] : memref<64x128x128xf32, #tpu.memory_space<vmem>>, vector<1x128x128xf32>
    %get3A_1959 = vector.shape_cast %get3A_1958 : vector<1x128x128xf32> to vector<128x128xf32>
    %dot_general3A_1960 = arith.constant dense<0.000000e+00> : vector<128x128xf32>
    %dot_general3A_1961 = tpu.matmul %max3A_1661, %get3A_1959, %dot_general3A_1960 {dimension_numbers = #tpu.dot_dimension_numbers<[1], [1], [0], [0], [0, 0, 1, 0], [], []>, transpose_lhs_hint = false} : vector<128x128xf32>, vector<128x128xf32>, vector<128x128xf32> -> vector<128x128xf32>
    %get3A_1962 = arith.index_cast %get3A_62 : i32 to index
    %get3A_1963 = arith.constant 0 : index
    %get3A_1964 = arith.constant 0 : index
    %get3A_1965 = vector.load %arg14[%get3A_1962, %get3A_1963, %get3A_1964] : memref<64x1x128xf32, #tpu.memory_space<vmem>>, vector<1x1x128xf32>
    %get3A_1966 = vector.shape_cast %get3A_1965 : vector<1x1x128xf32> to vector<1x128xf32>
    %add3A_1967 = vector.broadcast %get3A_1966 : vector<1x128xf32> to vector<128x128xf32>
    %add3A_1968 = arith.addf %dot_general3A_1961, %add3A_1967 : vector<128x128xf32>
    %get3A_1969 = arith.index_cast %get3A_68 : i32 to index
    %get3A_1970 = arith.constant 0 : index
    %get3A_1971 = arith.constant 0 : index
    %get3A_1972 = vector.load %arg13[%get3A_1969, %get3A_1970, %get3A_1971] : memref<64x128x128xf32, #tpu.memory_space<vmem>>, vector<1x128x128xf32>
    %get3A_1973 = vector.shape_cast %get3A_1972 : vector<1x128x128xf32> to vector<128x128xf32>
    %dot_general3A_1974 = arith.constant dense<0.000000e+00> : vector<128x128xf32>
    %dot_general3A_1975 = tpu.matmul %max3A_1678, %get3A_1973, %dot_general3A_1974 {dimension_numbers = #tpu.dot_dimension_numbers<[1], [1], [0], [0], [0, 0, 1, 0], [], []>, transpose_lhs_hint = false} : vector<128x128xf32>, vector<128x128xf32>, vector<128x128xf32> -> vector<128x128xf32>
    %get3A_1976 = arith.index_cast %get3A_68 : i32 to index
    %get3A_1977 = arith.constant 0 : index
    %get3A_1978 = arith.constant 0 : index
    %get3A_1979 = vector.load %arg14[%get3A_1976, %get3A_1977, %get3A_1978] : memref<64x1x128xf32, #tpu.memory_space<vmem>>, vector<1x1x128xf32>
    %get3A_1980 = vector.shape_cast %get3A_1979 : vector<1x1x128xf32> to vector<1x128xf32>
    %add3A_1981 = vector.broadcast %get3A_1980 : vector<1x128xf32> to vector<128x128xf32>
    %add3A_1982 = arith.addf %dot_general3A_1975, %add3A_1981 : vector<128x128xf32>
    %get3A_1983 = arith.index_cast %get3A_74 : i32 to index
    %get3A_1984 = arith.constant 0 : index
    %get3A_1985 = arith.constant 0 : index
    %get3A_1986 = vector.load %arg13[%get3A_1983, %get3A_1984, %get3A_1985] : memref<64x128x128xf32, #tpu.memory_space<vmem>>, vector<1x128x128xf32>
    %get3A_1987 = vector.shape_cast %get3A_1986 : vector<1x128x128xf32> to vector<128x128xf32>
    %dot_general3A_1988 = arith.constant dense<0.000000e+00> : vector<128x128xf32>
    %dot_general3A_1989 = tpu.matmul %max3A_1695, %get3A_1987, %dot_general3A_1988 {dimension_numbers = #tpu.dot_dimension_numbers<[1], [1], [0], [0], [0, 0, 1, 0], [], []>, transpose_lhs_hint = false} : vector<128x128xf32>, vector<128x128xf32>, vector<128x128xf32> -> vector<128x128xf32>
    %get3A_1990 = arith.index_cast %get3A_74 : i32 to index
    %get3A_1991 = arith.constant 0 : index
    %get3A_1992 = arith.constant 0 : index
    %get3A_1993 = vector.load %arg14[%get3A_1990, %get3A_1991, %get3A_1992] : memref<64x1x128xf32, #tpu.memory_space<vmem>>, vector<1x1x128xf32>
    %get3A_1994 = vector.shape_cast %get3A_1993 : vector<1x1x128xf32> to vector<1x128xf32>
    %add3A_1995 = vector.broadcast %get3A_1994 : vector<1x128xf32> to vector<128x128xf32>
    %add3A_1996 = arith.addf %dot_general3A_1989, %add3A_1995 : vector<128x128xf32>
    %get3A_1997 = arith.index_cast %get3A_80 : i32 to index
    %get3A_1998 = arith.constant 0 : index
    %get3A_1999 = arith.constant 0 : index
    %get3A_2000 = vector.load %arg13[%get3A_1997, %get3A_1998, %get3A_1999] : memref<64x128x128xf32, #tpu.memory_space<vmem>>, vector<1x128x128xf32>
    %get3A_2001 = vector.shape_cast %get3A_2000 : vector<1x128x128xf32> to vector<128x128xf32>
    %dot_general3A_2002 = arith.constant dense<0.000000e+00> : vector<128x128xf32>
    %dot_general3A_2003 = tpu.matmul %max3A_1712, %get3A_2001, %dot_general3A_2002 {dimension_numbers = #tpu.dot_dimension_numbers<[1], [1], [0], [0], [0, 0, 1, 0], [], []>, transpose_lhs_hint = false} : vector<128x128xf32>, vector<128x128xf32>, vector<128x128xf32> -> vector<128x128xf32>
    %get3A_2004 = arith.index_cast %get3A_80 : i32 to index
    %get3A_2005 = arith.constant 0 : index
    %get3A_2006 = arith.constant 0 : index
    %get3A_2007 = vector.load %arg14[%get3A_2004, %get3A_2005, %get3A_2006] : memref<64x1x128xf32, #tpu.memory_space<vmem>>, vector<1x1x128xf32>
    %get3A_2008 = vector.shape_cast %get3A_2007 : vector<1x1x128xf32> to vector<1x128xf32>
    %add3A_2009 = vector.broadcast %get3A_2008 : vector<1x128xf32> to vector<128x128xf32>
    %add3A_2010 = arith.addf %dot_general3A_2003, %add3A_2009 : vector<128x128xf32>
    %get3A_2011 = arith.index_cast %get3A_86 : i32 to index
    %get3A_2012 = arith.constant 0 : index
    %get3A_2013 = arith.constant 0 : index
    %get3A_2014 = vector.load %arg13[%get3A_2011, %get3A_2012, %get3A_2013] : memref<64x128x128xf32, #tpu.memory_space<vmem>>, vector<1x128x128xf32>
    %get3A_2015 = vector.shape_cast %get3A_2014 : vector<1x128x128xf32> to vector<128x128xf32>
    %dot_general3A_2016 = arith.constant dense<0.000000e+00> : vector<128x128xf32>
    %dot_general3A_2017 = tpu.matmul %max3A_1729, %get3A_2015, %dot_general3A_2016 {dimension_numbers = #tpu.dot_dimension_numbers<[1], [1], [0], [0], [0, 0, 1, 0], [], []>, transpose_lhs_hint = false} : vector<128x128xf32>, vector<128x128xf32>, vector<128x128xf32> -> vector<128x128xf32>
    %get3A_2018 = arith.index_cast %get3A_86 : i32 to index
    %get3A_2019 = arith.constant 0 : index
    %get3A_2020 = arith.constant 0 : index
    %get3A_2021 = vector.load %arg14[%get3A_2018, %get3A_2019, %get3A_2020] : memref<64x1x128xf32, #tpu.memory_space<vmem>>, vector<1x1x128xf32>
    %get3A_2022 = vector.shape_cast %get3A_2021 : vector<1x1x128xf32> to vector<1x128xf32>
    %add3A_2023 = vector.broadcast %get3A_2022 : vector<1x128xf32> to vector<128x128xf32>
    %add3A_2024 = arith.addf %dot_general3A_2017, %add3A_2023 : vector<128x128xf32>
    %get3A_2025 = arith.index_cast %get3A_92 : i32 to index
    %get3A_2026 = arith.constant 0 : index
    %get3A_2027 = arith.constant 0 : index
    %get3A_2028 = vector.load %arg13[%get3A_2025, %get3A_2026, %get3A_2027] : memref<64x128x128xf32, #tpu.memory_space<vmem>>, vector<1x128x128xf32>
    %get3A_2029 = vector.shape_cast %get3A_2028 : vector<1x128x128xf32> to vector<128x128xf32>
    %dot_general3A_2030 = arith.constant dense<0.000000e+00> : vector<128x128xf32>
    %dot_general3A_2031 = tpu.matmul %max3A_1746, %get3A_2029, %dot_general3A_2030 {dimension_numbers = #tpu.dot_dimension_numbers<[1], [1], [0], [0], [0, 0, 1, 0], [], []>, transpose_lhs_hint = false} : vector<128x128xf32>, vector<128x128xf32>, vector<128x128xf32> -> vector<128x128xf32>
    %get3A_2032 = arith.index_cast %get3A_92 : i32 to index
    %get3A_2033 = arith.constant 0 : index
    %get3A_2034 = arith.constant 0 : index
    %get3A_2035 = vector.load %arg14[%get3A_2032, %get3A_2033, %get3A_2034] : memref<64x1x128xf32, #tpu.memory_space<vmem>>, vector<1x1x128xf32>
    %get3A_2036 = vector.shape_cast %get3A_2035 : vector<1x1x128xf32> to vector<1x128xf32>
    %add3A_2037 = vector.broadcast %get3A_2036 : vector<1x128xf32> to vector<128x128xf32>
    %add3A_2038 = arith.addf %dot_general3A_2031, %add3A_2037 : vector<128x128xf32>
    %get3A_2039 = arith.index_cast %get3A_98 : i32 to index
    %get3A_2040 = arith.constant 0 : index
    %get3A_2041 = arith.constant 0 : index
    %get3A_2042 = vector.load %arg13[%get3A_2039, %get3A_2040, %get3A_2041] : memref<64x128x128xf32, #tpu.memory_space<vmem>>, vector<1x128x128xf32>
    %get3A_2043 = vector.shape_cast %get3A_2042 : vector<1x128x128xf32> to vector<128x128xf32>
    %dot_general3A_2044 = arith.constant dense<0.000000e+00> : vector<128x128xf32>
    %dot_general3A_2045 = tpu.matmul %max3A_1763, %get3A_2043, %dot_general3A_2044 {dimension_numbers = #tpu.dot_dimension_numbers<[1], [1], [0], [0], [0, 0, 1, 0], [], []>, transpose_lhs_hint = false} : vector<128x128xf32>, vector<128x128xf32>, vector<128x128xf32> -> vector<128x128xf32>
    %get3A_2046 = arith.index_cast %get3A_98 : i32 to index
    %get3A_2047 = arith.constant 0 : index
    %get3A_2048 = arith.constant 0 : index
    %get3A_2049 = vector.load %arg14[%get3A_2046, %get3A_2047, %get3A_2048] : memref<64x1x128xf32, #tpu.memory_space<vmem>>, vector<1x1x128xf32>
    %get3A_2050 = vector.shape_cast %get3A_2049 : vector<1x1x128xf32> to vector<1x128xf32>
    %add3A_2051 = vector.broadcast %get3A_2050 : vector<1x128xf32> to vector<128x128xf32>
    %add3A_2052 = arith.addf %dot_general3A_2045, %add3A_2051 : vector<128x128xf32>
    %get3A_2053 = arith.index_cast %get3A_104 : i32 to index
    %get3A_2054 = arith.constant 0 : index
    %get3A_2055 = arith.constant 0 : index
    %get3A_2056 = vector.load %arg13[%get3A_2053, %get3A_2054, %get3A_2055] : memref<64x128x128xf32, #tpu.memory_space<vmem>>, vector<1x128x128xf32>
    %get3A_2057 = vector.shape_cast %get3A_2056 : vector<1x128x128xf32> to vector<128x128xf32>
    %dot_general3A_2058 = arith.constant dense<0.000000e+00> : vector<128x128xf32>
    %dot_general3A_2059 = tpu.matmul %max3A_1780, %get3A_2057, %dot_general3A_2058 {dimension_numbers = #tpu.dot_dimension_numbers<[1], [1], [0], [0], [0, 0, 1, 0], [], []>, transpose_lhs_hint = false} : vector<128x128xf32>, vector<128x128xf32>, vector<128x128xf32> -> vector<128x128xf32>
    %get3A_2060 = arith.index_cast %get3A_104 : i32 to index
    %get3A_2061 = arith.constant 0 : index
    %get3A_2062 = arith.constant 0 : index
    %get3A_2063 = vector.load %arg14[%get3A_2060, %get3A_2061, %get3A_2062] : memref<64x1x128xf32, #tpu.memory_space<vmem>>, vector<1x1x128xf32>
    %get3A_2064 = vector.shape_cast %get3A_2063 : vector<1x1x128xf32> to vector<1x128xf32>
    %add3A_2065 = vector.broadcast %get3A_2064 : vector<1x128xf32> to vector<128x128xf32>
    %add3A_2066 = arith.addf %dot_general3A_2059, %add3A_2065 : vector<128x128xf32>
    %get3A_2067 = arith.index_cast %get3A_110 : i32 to index
    %get3A_2068 = arith.constant 0 : index
    %get3A_2069 = arith.constant 0 : index
    %get3A_2070 = vector.load %arg13[%get3A_2067, %get3A_2068, %get3A_2069] : memref<64x128x128xf32, #tpu.memory_space<vmem>>, vector<1x128x128xf32>
    %get3A_2071 = vector.shape_cast %get3A_2070 : vector<1x128x128xf32> to vector<128x128xf32>
    %dot_general3A_2072 = arith.constant dense<0.000000e+00> : vector<128x128xf32>
    %dot_general3A_2073 = tpu.matmul %max3A_1797, %get3A_2071, %dot_general3A_2072 {dimension_numbers = #tpu.dot_dimension_numbers<[1], [1], [0], [0], [0, 0, 1, 0], [], []>, transpose_lhs_hint = false} : vector<128x128xf32>, vector<128x128xf32>, vector<128x128xf32> -> vector<128x128xf32>
    %get3A_2074 = arith.index_cast %get3A_110 : i32 to index
    %get3A_2075 = arith.constant 0 : index
    %get3A_2076 = arith.constant 0 : index
    %get3A_2077 = vector.load %arg14[%get3A_2074, %get3A_2075, %get3A_2076] : memref<64x1x128xf32, #tpu.memory_space<vmem>>, vector<1x1x128xf32>
    %get3A_2078 = vector.shape_cast %get3A_2077 : vector<1x1x128xf32> to vector<1x128xf32>
    %add3A_2079 = vector.broadcast %get3A_2078 : vector<1x128xf32> to vector<128x128xf32>
    %add3A_2080 = arith.addf %dot_general3A_2073, %add3A_2079 : vector<128x128xf32>
    %get3A_2081 = arith.index_cast %get3A_116 : i32 to index
    %get3A_2082 = arith.constant 0 : index
    %get3A_2083 = arith.constant 0 : index
    %get3A_2084 = vector.load %arg13[%get3A_2081, %get3A_2082, %get3A_2083] : memref<64x128x128xf32, #tpu.memory_space<vmem>>, vector<1x128x128xf32>
    %get3A_2085 = vector.shape_cast %get3A_2084 : vector<1x128x128xf32> to vector<128x128xf32>
    %dot_general3A_2086 = arith.constant dense<0.000000e+00> : vector<128x128xf32>
    %dot_general3A_2087 = tpu.matmul %max3A_1814, %get3A_2085, %dot_general3A_2086 {dimension_numbers = #tpu.dot_dimension_numbers<[1], [1], [0], [0], [0, 0, 1, 0], [], []>, transpose_lhs_hint = false} : vector<128x128xf32>, vector<128x128xf32>, vector<128x128xf32> -> vector<128x128xf32>
    %get3A_2088 = arith.index_cast %get3A_116 : i32 to index
    %get3A_2089 = arith.constant 0 : index
    %get3A_2090 = arith.constant 0 : index
    %get3A_2091 = vector.load %arg14[%get3A_2088, %get3A_2089, %get3A_2090] : memref<64x1x128xf32, #tpu.memory_space<vmem>>, vector<1x1x128xf32>
    %get3A_2092 = vector.shape_cast %get3A_2091 : vector<1x1x128xf32> to vector<1x128xf32>
    %add3A_2093 = vector.broadcast %get3A_2092 : vector<1x128xf32> to vector<128x128xf32>
    %add3A_2094 = arith.addf %dot_general3A_2087, %add3A_2093 : vector<128x128xf32>
    %get3A_2095 = arith.index_cast %get3A_2 : i32 to index
    %get3A_2096 = arith.constant 0 : index
    %get3A_2097 = arith.constant 0 : index
    %get3A_2098 = vector.load %arg15[%get3A_2095, %get3A_2096, %get3A_2097] : memref<64x64x128xf32, #tpu.memory_space<vmem>>, vector<1x64x128xf32>
    %get3A_2099 = vector.shape_cast %get3A_2098 : vector<1x64x128xf32> to vector<64x128xf32>
    %dot_general3A_2100 = arith.constant dense<0.000000e+00> : vector<128x64xf32>
    %dot_general3A_2101 = tpu.matmul %add3A_1828, %get3A_2099, %dot_general3A_2100 {dimension_numbers = #tpu.dot_dimension_numbers<[1], [1], [0], [0], [0, 0, 1, 0], [], []>, transpose_lhs_hint = false} : vector<128x128xf32>, vector<64x128xf32>, vector<128x64xf32> -> vector<128x64xf32>
    %get3A_2102 = arith.index_cast %get3A_2 : i32 to index
    %get3A_2103 = arith.constant 0 : index
    %get3A_2104 = arith.constant 0 : index
    %get3A_2105 = vector.load %arg16[%get3A_2102, %get3A_2103, %get3A_2104] : memref<64x1x64xf32, #tpu.memory_space<vmem>>, vector<1x1x64xf32>
    %get3A_2106 = vector.shape_cast %get3A_2105 : vector<1x1x64xf32> to vector<1x64xf32>
    %add3A_2107 = vector.broadcast %get3A_2106 : vector<1x64xf32> to vector<128x64xf32>
    %add3A_2108 = arith.addf %dot_general3A_2101, %add3A_2107 : vector<128x64xf32>
    %get3A_2109 = arith.index_cast %get3A_8 : i32 to index
    %get3A_2110 = arith.constant 0 : index
    %get3A_2111 = arith.constant 0 : index
    %get3A_2112 = vector.load %arg15[%get3A_2109, %get3A_2110, %get3A_2111] : memref<64x64x128xf32, #tpu.memory_space<vmem>>, vector<1x64x128xf32>
    %get3A_2113 = vector.shape_cast %get3A_2112 : vector<1x64x128xf32> to vector<64x128xf32>
    %dot_general3A_2114 = arith.constant dense<0.000000e+00> : vector<128x64xf32>
    %dot_general3A_2115 = tpu.matmul %add3A_1842, %get3A_2113, %dot_general3A_2114 {dimension_numbers = #tpu.dot_dimension_numbers<[1], [1], [0], [0], [0, 0, 1, 0], [], []>, transpose_lhs_hint = false} : vector<128x128xf32>, vector<64x128xf32>, vector<128x64xf32> -> vector<128x64xf32>
    %get3A_2116 = arith.index_cast %get3A_8 : i32 to index
    %get3A_2117 = arith.constant 0 : index
    %get3A_2118 = arith.constant 0 : index
    %get3A_2119 = vector.load %arg16[%get3A_2116, %get3A_2117, %get3A_2118] : memref<64x1x64xf32, #tpu.memory_space<vmem>>, vector<1x1x64xf32>
    %get3A_2120 = vector.shape_cast %get3A_2119 : vector<1x1x64xf32> to vector<1x64xf32>
    %add3A_2121 = vector.broadcast %get3A_2120 : vector<1x64xf32> to vector<128x64xf32>
    %add3A_2122 = arith.addf %dot_general3A_2115, %add3A_2121 : vector<128x64xf32>
    %get3A_2123 = arith.index_cast %get3A_14 : i32 to index
    %get3A_2124 = arith.constant 0 : index
    %get3A_2125 = arith.constant 0 : index
    %get3A_2126 = vector.load %arg15[%get3A_2123, %get3A_2124, %get3A_2125] : memref<64x64x128xf32, #tpu.memory_space<vmem>>, vector<1x64x128xf32>
    %get3A_2127 = vector.shape_cast %get3A_2126 : vector<1x64x128xf32> to vector<64x128xf32>
    %dot_general3A_2128 = arith.constant dense<0.000000e+00> : vector<128x64xf32>
    %dot_general3A_2129 = tpu.matmul %add3A_1856, %get3A_2127, %dot_general3A_2128 {dimension_numbers = #tpu.dot_dimension_numbers<[1], [1], [0], [0], [0, 0, 1, 0], [], []>, transpose_lhs_hint = false} : vector<128x128xf32>, vector<64x128xf32>, vector<128x64xf32> -> vector<128x64xf32>
    %get3A_2130 = arith.index_cast %get3A_14 : i32 to index
    %get3A_2131 = arith.constant 0 : index
    %get3A_2132 = arith.constant 0 : index
    %get3A_2133 = vector.load %arg16[%get3A_2130, %get3A_2131, %get3A_2132] : memref<64x1x64xf32, #tpu.memory_space<vmem>>, vector<1x1x64xf32>
    %get3A_2134 = vector.shape_cast %get3A_2133 : vector<1x1x64xf32> to vector<1x64xf32>
    %add3A_2135 = vector.broadcast %get3A_2134 : vector<1x64xf32> to vector<128x64xf32>
    %add3A_2136 = arith.addf %dot_general3A_2129, %add3A_2135 : vector<128x64xf32>
    %get3A_2137 = arith.index_cast %get3A_20 : i32 to index
    %get3A_2138 = arith.constant 0 : index
    %get3A_2139 = arith.constant 0 : index
    %get3A_2140 = vector.load %arg15[%get3A_2137, %get3A_2138, %get3A_2139] : memref<64x64x128xf32, #tpu.memory_space<vmem>>, vector<1x64x128xf32>
    %get3A_2141 = vector.shape_cast %get3A_2140 : vector<1x64x128xf32> to vector<64x128xf32>
    %dot_general3A_2142 = arith.constant dense<0.000000e+00> : vector<128x64xf32>
    %dot_general3A_2143 = tpu.matmul %add3A_1870, %get3A_2141, %dot_general3A_2142 {dimension_numbers = #tpu.dot_dimension_numbers<[1], [1], [0], [0], [0, 0, 1, 0], [], []>, transpose_lhs_hint = false} : vector<128x128xf32>, vector<64x128xf32>, vector<128x64xf32> -> vector<128x64xf32>
    %get3A_2144 = arith.index_cast %get3A_20 : i32 to index
    %get3A_2145 = arith.constant 0 : index
    %get3A_2146 = arith.constant 0 : index
    %get3A_2147 = vector.load %arg16[%get3A_2144, %get3A_2145, %get3A_2146] : memref<64x1x64xf32, #tpu.memory_space<vmem>>, vector<1x1x64xf32>
    %get3A_2148 = vector.shape_cast %get3A_2147 : vector<1x1x64xf32> to vector<1x64xf32>
    %add3A_2149 = vector.broadcast %get3A_2148 : vector<1x64xf32> to vector<128x64xf32>
    %add3A_2150 = arith.addf %dot_general3A_2143, %add3A_2149 : vector<128x64xf32>
    %get3A_2151 = arith.index_cast %get3A_26 : i32 to index
    %get3A_2152 = arith.constant 0 : index
    %get3A_2153 = arith.constant 0 : index
    %get3A_2154 = vector.load %arg15[%get3A_2151, %get3A_2152, %get3A_2153] : memref<64x64x128xf32, #tpu.memory_space<vmem>>, vector<1x64x128xf32>
    %get3A_2155 = vector.shape_cast %get3A_2154 : vector<1x64x128xf32> to vector<64x128xf32>
    %dot_general3A_2156 = arith.constant dense<0.000000e+00> : vector<128x64xf32>
    %dot_general3A_2157 = tpu.matmul %add3A_1884, %get3A_2155, %dot_general3A_2156 {dimension_numbers = #tpu.dot_dimension_numbers<[1], [1], [0], [0], [0, 0, 1, 0], [], []>, transpose_lhs_hint = false} : vector<128x128xf32>, vector<64x128xf32>, vector<128x64xf32> -> vector<128x64xf32>
    %get3A_2158 = arith.index_cast %get3A_26 : i32 to index
    %get3A_2159 = arith.constant 0 : index
    %get3A_2160 = arith.constant 0 : index
    %get3A_2161 = vector.load %arg16[%get3A_2158, %get3A_2159, %get3A_2160] : memref<64x1x64xf32, #tpu.memory_space<vmem>>, vector<1x1x64xf32>
    %get3A_2162 = vector.shape_cast %get3A_2161 : vector<1x1x64xf32> to vector<1x64xf32>
    %add3A_2163 = vector.broadcast %get3A_2162 : vector<1x64xf32> to vector<128x64xf32>
    %add3A_2164 = arith.addf %dot_general3A_2157, %add3A_2163 : vector<128x64xf32>
    %get3A_2165 = arith.index_cast %get3A_32 : i32 to index
    %get3A_2166 = arith.constant 0 : index
    %get3A_2167 = arith.constant 0 : index
    %get3A_2168 = vector.load %arg15[%get3A_2165, %get3A_2166, %get3A_2167] : memref<64x64x128xf32, #tpu.memory_space<vmem>>, vector<1x64x128xf32>
    %get3A_2169 = vector.shape_cast %get3A_2168 : vector<1x64x128xf32> to vector<64x128xf32>
    %dot_general3A_2170 = arith.constant dense<0.000000e+00> : vector<128x64xf32>
    %dot_general3A_2171 = tpu.matmul %add3A_1898, %get3A_2169, %dot_general3A_2170 {dimension_numbers = #tpu.dot_dimension_numbers<[1], [1], [0], [0], [0, 0, 1, 0], [], []>, transpose_lhs_hint = false} : vector<128x128xf32>, vector<64x128xf32>, vector<128x64xf32> -> vector<128x64xf32>
    %get3A_2172 = arith.index_cast %get3A_32 : i32 to index
    %get3A_2173 = arith.constant 0 : index
    %get3A_2174 = arith.constant 0 : index
    %get3A_2175 = vector.load %arg16[%get3A_2172, %get3A_2173, %get3A_2174] : memref<64x1x64xf32, #tpu.memory_space<vmem>>, vector<1x1x64xf32>
    %get3A_2176 = vector.shape_cast %get3A_2175 : vector<1x1x64xf32> to vector<1x64xf32>
    %add3A_2177 = vector.broadcast %get3A_2176 : vector<1x64xf32> to vector<128x64xf32>
    %add3A_2178 = arith.addf %dot_general3A_2171, %add3A_2177 : vector<128x64xf32>
    %get3A_2179 = arith.index_cast %get3A_38 : i32 to index
    %get3A_2180 = arith.constant 0 : index
    %get3A_2181 = arith.constant 0 : index
    %get3A_2182 = vector.load %arg15[%get3A_2179, %get3A_2180, %get3A_2181] : memref<64x64x128xf32, #tpu.memory_space<vmem>>, vector<1x64x128xf32>
    %get3A_2183 = vector.shape_cast %get3A_2182 : vector<1x64x128xf32> to vector<64x128xf32>
    %dot_general3A_2184 = arith.constant dense<0.000000e+00> : vector<128x64xf32>
    %dot_general3A_2185 = tpu.matmul %add3A_1912, %get3A_2183, %dot_general3A_2184 {dimension_numbers = #tpu.dot_dimension_numbers<[1], [1], [0], [0], [0, 0, 1, 0], [], []>, transpose_lhs_hint = false} : vector<128x128xf32>, vector<64x128xf32>, vector<128x64xf32> -> vector<128x64xf32>
    %get3A_2186 = arith.index_cast %get3A_38 : i32 to index
    %get3A_2187 = arith.constant 0 : index
    %get3A_2188 = arith.constant 0 : index
    %get3A_2189 = vector.load %arg16[%get3A_2186, %get3A_2187, %get3A_2188] : memref<64x1x64xf32, #tpu.memory_space<vmem>>, vector<1x1x64xf32>
    %get3A_2190 = vector.shape_cast %get3A_2189 : vector<1x1x64xf32> to vector<1x64xf32>
    %add3A_2191 = vector.broadcast %get3A_2190 : vector<1x64xf32> to vector<128x64xf32>
    %add3A_2192 = arith.addf %dot_general3A_2185, %add3A_2191 : vector<128x64xf32>
    %get3A_2193 = arith.index_cast %get3A_44 : i32 to index
    %get3A_2194 = arith.constant 0 : index
    %get3A_2195 = arith.constant 0 : index
    %get3A_2196 = vector.load %arg15[%get3A_2193, %get3A_2194, %get3A_2195] : memref<64x64x128xf32, #tpu.memory_space<vmem>>, vector<1x64x128xf32>
    %get3A_2197 = vector.shape_cast %get3A_2196 : vector<1x64x128xf32> to vector<64x128xf32>
    %dot_general3A_2198 = arith.constant dense<0.000000e+00> : vector<128x64xf32>
    %dot_general3A_2199 = tpu.matmul %add3A_1926, %get3A_2197, %dot_general3A_2198 {dimension_numbers = #tpu.dot_dimension_numbers<[1], [1], [0], [0], [0, 0, 1, 0], [], []>, transpose_lhs_hint = false} : vector<128x128xf32>, vector<64x128xf32>, vector<128x64xf32> -> vector<128x64xf32>
    %get3A_2200 = arith.index_cast %get3A_44 : i32 to index
    %get3A_2201 = arith.constant 0 : index
    %get3A_2202 = arith.constant 0 : index
    %get3A_2203 = vector.load %arg16[%get3A_2200, %get3A_2201, %get3A_2202] : memref<64x1x64xf32, #tpu.memory_space<vmem>>, vector<1x1x64xf32>
    %get3A_2204 = vector.shape_cast %get3A_2203 : vector<1x1x64xf32> to vector<1x64xf32>
    %add3A_2205 = vector.broadcast %get3A_2204 : vector<1x64xf32> to vector<128x64xf32>
    %add3A_2206 = arith.addf %dot_general3A_2199, %add3A_2205 : vector<128x64xf32>
    %get3A_2207 = arith.index_cast %get3A_50 : i32 to index
    %get3A_2208 = arith.constant 0 : index
    %get3A_2209 = arith.constant 0 : index
    %get3A_2210 = vector.load %arg15[%get3A_2207, %get3A_2208, %get3A_2209] : memref<64x64x128xf32, #tpu.memory_space<vmem>>, vector<1x64x128xf32>
    %get3A_2211 = vector.shape_cast %get3A_2210 : vector<1x64x128xf32> to vector<64x128xf32>
    %dot_general3A_2212 = arith.constant dense<0.000000e+00> : vector<128x64xf32>
    %dot_general3A_2213 = tpu.matmul %add3A_1940, %get3A_2211, %dot_general3A_2212 {dimension_numbers = #tpu.dot_dimension_numbers<[1], [1], [0], [0], [0, 0, 1, 0], [], []>, transpose_lhs_hint = false} : vector<128x128xf32>, vector<64x128xf32>, vector<128x64xf32> -> vector<128x64xf32>
    %get3A_2214 = arith.index_cast %get3A_50 : i32 to index
    %get3A_2215 = arith.constant 0 : index
    %get3A_2216 = arith.constant 0 : index
    %get3A_2217 = vector.load %arg16[%get3A_2214, %get3A_2215, %get3A_2216] : memref<64x1x64xf32, #tpu.memory_space<vmem>>, vector<1x1x64xf32>
    %get3A_2218 = vector.shape_cast %get3A_2217 : vector<1x1x64xf32> to vector<1x64xf32>
    %add3A_2219 = vector.broadcast %get3A_2218 : vector<1x64xf32> to vector<128x64xf32>
    %add3A_2220 = arith.addf %dot_general3A_2213, %add3A_2219 : vector<128x64xf32>
    %get3A_2221 = arith.index_cast %get3A_56 : i32 to index
    %get3A_2222 = arith.constant 0 : index
    %get3A_2223 = arith.constant 0 : index
    %get3A_2224 = vector.load %arg15[%get3A_2221, %get3A_2222, %get3A_2223] : memref<64x64x128xf32, #tpu.memory_space<vmem>>, vector<1x64x128xf32>
    %get3A_2225 = vector.shape_cast %get3A_2224 : vector<1x64x128xf32> to vector<64x128xf32>
    %dot_general3A_2226 = arith.constant dense<0.000000e+00> : vector<128x64xf32>
    %dot_general3A_2227 = tpu.matmul %add3A_1954, %get3A_2225, %dot_general3A_2226 {dimension_numbers = #tpu.dot_dimension_numbers<[1], [1], [0], [0], [0, 0, 1, 0], [], []>, transpose_lhs_hint = false} : vector<128x128xf32>, vector<64x128xf32>, vector<128x64xf32> -> vector<128x64xf32>
    %get3A_2228 = arith.index_cast %get3A_56 : i32 to index
    %get3A_2229 = arith.constant 0 : index
    %get3A_2230 = arith.constant 0 : index
    %get3A_2231 = vector.load %arg16[%get3A_2228, %get3A_2229, %get3A_2230] : memref<64x1x64xf32, #tpu.memory_space<vmem>>, vector<1x1x64xf32>
    %get3A_2232 = vector.shape_cast %get3A_2231 : vector<1x1x64xf32> to vector<1x64xf32>
    %add3A_2233 = vector.broadcast %get3A_2232 : vector<1x64xf32> to vector<128x64xf32>
    %add3A_2234 = arith.addf %dot_general3A_2227, %add3A_2233 : vector<128x64xf32>
    %get3A_2235 = arith.index_cast %get3A_62 : i32 to index
    %get3A_2236 = arith.constant 0 : index
    %get3A_2237 = arith.constant 0 : index
    %get3A_2238 = vector.load %arg15[%get3A_2235, %get3A_2236, %get3A_2237] : memref<64x64x128xf32, #tpu.memory_space<vmem>>, vector<1x64x128xf32>
    %get3A_2239 = vector.shape_cast %get3A_2238 : vector<1x64x128xf32> to vector<64x128xf32>
    %dot_general3A_2240 = arith.constant dense<0.000000e+00> : vector<128x64xf32>
    %dot_general3A_2241 = tpu.matmul %add3A_1968, %get3A_2239, %dot_general3A_2240 {dimension_numbers = #tpu.dot_dimension_numbers<[1], [1], [0], [0], [0, 0, 1, 0], [], []>, transpose_lhs_hint = false} : vector<128x128xf32>, vector<64x128xf32>, vector<128x64xf32> -> vector<128x64xf32>
    %get3A_2242 = arith.index_cast %get3A_62 : i32 to index
    %get3A_2243 = arith.constant 0 : index
    %get3A_2244 = arith.constant 0 : index
    %get3A_2245 = vector.load %arg16[%get3A_2242, %get3A_2243, %get3A_2244] : memref<64x1x64xf32, #tpu.memory_space<vmem>>, vector<1x1x64xf32>
    %get3A_2246 = vector.shape_cast %get3A_2245 : vector<1x1x64xf32> to vector<1x64xf32>
    %add3A_2247 = vector.broadcast %get3A_2246 : vector<1x64xf32> to vector<128x64xf32>
    %add3A_2248 = arith.addf %dot_general3A_2241, %add3A_2247 : vector<128x64xf32>
    %get3A_2249 = arith.index_cast %get3A_68 : i32 to index
    %get3A_2250 = arith.constant 0 : index
    %get3A_2251 = arith.constant 0 : index
    %get3A_2252 = vector.load %arg15[%get3A_2249, %get3A_2250, %get3A_2251] : memref<64x64x128xf32, #tpu.memory_space<vmem>>, vector<1x64x128xf32>
    %get3A_2253 = vector.shape_cast %get3A_2252 : vector<1x64x128xf32> to vector<64x128xf32>
    %dot_general3A_2254 = arith.constant dense<0.000000e+00> : vector<128x64xf32>
    %dot_general3A_2255 = tpu.matmul %add3A_1982, %get3A_2253, %dot_general3A_2254 {dimension_numbers = #tpu.dot_dimension_numbers<[1], [1], [0], [0], [0, 0, 1, 0], [], []>, transpose_lhs_hint = false} : vector<128x128xf32>, vector<64x128xf32>, vector<128x64xf32> -> vector<128x64xf32>
    %get3A_2256 = arith.index_cast %get3A_68 : i32 to index
    %get3A_2257 = arith.constant 0 : index
    %get3A_2258 = arith.constant 0 : index
    %get3A_2259 = vector.load %arg16[%get3A_2256, %get3A_2257, %get3A_2258] : memref<64x1x64xf32, #tpu.memory_space<vmem>>, vector<1x1x64xf32>
    %get3A_2260 = vector.shape_cast %get3A_2259 : vector<1x1x64xf32> to vector<1x64xf32>
    %add3A_2261 = vector.broadcast %get3A_2260 : vector<1x64xf32> to vector<128x64xf32>
    %add3A_2262 = arith.addf %dot_general3A_2255, %add3A_2261 : vector<128x64xf32>
    %get3A_2263 = arith.index_cast %get3A_74 : i32 to index
    %get3A_2264 = arith.constant 0 : index
    %get3A_2265 = arith.constant 0 : index
    %get3A_2266 = vector.load %arg15[%get3A_2263, %get3A_2264, %get3A_2265] : memref<64x64x128xf32, #tpu.memory_space<vmem>>, vector<1x64x128xf32>
    %get3A_2267 = vector.shape_cast %get3A_2266 : vector<1x64x128xf32> to vector<64x128xf32>
    %dot_general3A_2268 = arith.constant dense<0.000000e+00> : vector<128x64xf32>
    %dot_general3A_2269 = tpu.matmul %add3A_1996, %get3A_2267, %dot_general3A_2268 {dimension_numbers = #tpu.dot_dimension_numbers<[1], [1], [0], [0], [0, 0, 1, 0], [], []>, transpose_lhs_hint = false} : vector<128x128xf32>, vector<64x128xf32>, vector<128x64xf32> -> vector<128x64xf32>
    %get3A_2270 = arith.index_cast %get3A_74 : i32 to index
    %get3A_2271 = arith.constant 0 : index
    %get3A_2272 = arith.constant 0 : index
    %get3A_2273 = vector.load %arg16[%get3A_2270, %get3A_2271, %get3A_2272] : memref<64x1x64xf32, #tpu.memory_space<vmem>>, vector<1x1x64xf32>
    %get3A_2274 = vector.shape_cast %get3A_2273 : vector<1x1x64xf32> to vector<1x64xf32>
    %add3A_2275 = vector.broadcast %get3A_2274 : vector<1x64xf32> to vector<128x64xf32>
    %add3A_2276 = arith.addf %dot_general3A_2269, %add3A_2275 : vector<128x64xf32>
    %get3A_2277 = arith.index_cast %get3A_80 : i32 to index
    %get3A_2278 = arith.constant 0 : index
    %get3A_2279 = arith.constant 0 : index
    %get3A_2280 = vector.load %arg15[%get3A_2277, %get3A_2278, %get3A_2279] : memref<64x64x128xf32, #tpu.memory_space<vmem>>, vector<1x64x128xf32>
    %get3A_2281 = vector.shape_cast %get3A_2280 : vector<1x64x128xf32> to vector<64x128xf32>
    %dot_general3A_2282 = arith.constant dense<0.000000e+00> : vector<128x64xf32>
    %dot_general3A_2283 = tpu.matmul %add3A_2010, %get3A_2281, %dot_general3A_2282 {dimension_numbers = #tpu.dot_dimension_numbers<[1], [1], [0], [0], [0, 0, 1, 0], [], []>, transpose_lhs_hint = false} : vector<128x128xf32>, vector<64x128xf32>, vector<128x64xf32> -> vector<128x64xf32>
    %get3A_2284 = arith.index_cast %get3A_80 : i32 to index
    %get3A_2285 = arith.constant 0 : index
    %get3A_2286 = arith.constant 0 : index
    %get3A_2287 = vector.load %arg16[%get3A_2284, %get3A_2285, %get3A_2286] : memref<64x1x64xf32, #tpu.memory_space<vmem>>, vector<1x1x64xf32>
    %get3A_2288 = vector.shape_cast %get3A_2287 : vector<1x1x64xf32> to vector<1x64xf32>
    %add3A_2289 = vector.broadcast %get3A_2288 : vector<1x64xf32> to vector<128x64xf32>
    %add3A_2290 = arith.addf %dot_general3A_2283, %add3A_2289 : vector<128x64xf32>
    %get3A_2291 = arith.index_cast %get3A_86 : i32 to index
    %get3A_2292 = arith.constant 0 : index
    %get3A_2293 = arith.constant 0 : index
    %get3A_2294 = vector.load %arg15[%get3A_2291, %get3A_2292, %get3A_2293] : memref<64x64x128xf32, #tpu.memory_space<vmem>>, vector<1x64x128xf32>
    %get3A_2295 = vector.shape_cast %get3A_2294 : vector<1x64x128xf32> to vector<64x128xf32>
    %dot_general3A_2296 = arith.constant dense<0.000000e+00> : vector<128x64xf32>
    %dot_general3A_2297 = tpu.matmul %add3A_2024, %get3A_2295, %dot_general3A_2296 {dimension_numbers = #tpu.dot_dimension_numbers<[1], [1], [0], [0], [0, 0, 1, 0], [], []>, transpose_lhs_hint = false} : vector<128x128xf32>, vector<64x128xf32>, vector<128x64xf32> -> vector<128x64xf32>
    %get3A_2298 = arith.index_cast %get3A_86 : i32 to index
    %get3A_2299 = arith.constant 0 : index
    %get3A_2300 = arith.constant 0 : index
    %get3A_2301 = vector.load %arg16[%get3A_2298, %get3A_2299, %get3A_2300] : memref<64x1x64xf32, #tpu.memory_space<vmem>>, vector<1x1x64xf32>
    %get3A_2302 = vector.shape_cast %get3A_2301 : vector<1x1x64xf32> to vector<1x64xf32>
    %add3A_2303 = vector.broadcast %get3A_2302 : vector<1x64xf32> to vector<128x64xf32>
    %add3A_2304 = arith.addf %dot_general3A_2297, %add3A_2303 : vector<128x64xf32>
    %get3A_2305 = arith.index_cast %get3A_92 : i32 to index
    %get3A_2306 = arith.constant 0 : index
    %get3A_2307 = arith.constant 0 : index
    %get3A_2308 = vector.load %arg15[%get3A_2305, %get3A_2306, %get3A_2307] : memref<64x64x128xf32, #tpu.memory_space<vmem>>, vector<1x64x128xf32>
    %get3A_2309 = vector.shape_cast %get3A_2308 : vector<1x64x128xf32> to vector<64x128xf32>
    %dot_general3A_2310 = arith.constant dense<0.000000e+00> : vector<128x64xf32>
    %dot_general3A_2311 = tpu.matmul %add3A_2038, %get3A_2309, %dot_general3A_2310 {dimension_numbers = #tpu.dot_dimension_numbers<[1], [1], [0], [0], [0, 0, 1, 0], [], []>, transpose_lhs_hint = false} : vector<128x128xf32>, vector<64x128xf32>, vector<128x64xf32> -> vector<128x64xf32>
    %get3A_2312 = arith.index_cast %get3A_92 : i32 to index
    %get3A_2313 = arith.constant 0 : index
    %get3A_2314 = arith.constant 0 : index
    %get3A_2315 = vector.load %arg16[%get3A_2312, %get3A_2313, %get3A_2314] : memref<64x1x64xf32, #tpu.memory_space<vmem>>, vector<1x1x64xf32>
    %get3A_2316 = vector.shape_cast %get3A_2315 : vector<1x1x64xf32> to vector<1x64xf32>
    %add3A_2317 = vector.broadcast %get3A_2316 : vector<1x64xf32> to vector<128x64xf32>
    %add3A_2318 = arith.addf %dot_general3A_2311, %add3A_2317 : vector<128x64xf32>
    %get3A_2319 = arith.index_cast %get3A_98 : i32 to index
    %get3A_2320 = arith.constant 0 : index
    %get3A_2321 = arith.constant 0 : index
    %get3A_2322 = vector.load %arg15[%get3A_2319, %get3A_2320, %get3A_2321] : memref<64x64x128xf32, #tpu.memory_space<vmem>>, vector<1x64x128xf32>
    %get3A_2323 = vector.shape_cast %get3A_2322 : vector<1x64x128xf32> to vector<64x128xf32>
    %dot_general3A_2324 = arith.constant dense<0.000000e+00> : vector<128x64xf32>
    %dot_general3A_2325 = tpu.matmul %add3A_2052, %get3A_2323, %dot_general3A_2324 {dimension_numbers = #tpu.dot_dimension_numbers<[1], [1], [0], [0], [0, 0, 1, 0], [], []>, transpose_lhs_hint = false} : vector<128x128xf32>, vector<64x128xf32>, vector<128x64xf32> -> vector<128x64xf32>
    %get3A_2326 = arith.index_cast %get3A_98 : i32 to index
    %get3A_2327 = arith.constant 0 : index
    %get3A_2328 = arith.constant 0 : index
    %get3A_2329 = vector.load %arg16[%get3A_2326, %get3A_2327, %get3A_2328] : memref<64x1x64xf32, #tpu.memory_space<vmem>>, vector<1x1x64xf32>
    %get3A_2330 = vector.shape_cast %get3A_2329 : vector<1x1x64xf32> to vector<1x64xf32>
    %add3A_2331 = vector.broadcast %get3A_2330 : vector<1x64xf32> to vector<128x64xf32>
    %add3A_2332 = arith.addf %dot_general3A_2325, %add3A_2331 : vector<128x64xf32>
    %get3A_2333 = arith.index_cast %get3A_104 : i32 to index
    %get3A_2334 = arith.constant 0 : index
    %get3A_2335 = arith.constant 0 : index
    %get3A_2336 = vector.load %arg15[%get3A_2333, %get3A_2334, %get3A_2335] : memref<64x64x128xf32, #tpu.memory_space<vmem>>, vector<1x64x128xf32>
    %get3A_2337 = vector.shape_cast %get3A_2336 : vector<1x64x128xf32> to vector<64x128xf32>
    %dot_general3A_2338 = arith.constant dense<0.000000e+00> : vector<128x64xf32>
    %dot_general3A_2339 = tpu.matmul %add3A_2066, %get3A_2337, %dot_general3A_2338 {dimension_numbers = #tpu.dot_dimension_numbers<[1], [1], [0], [0], [0, 0, 1, 0], [], []>, transpose_lhs_hint = false} : vector<128x128xf32>, vector<64x128xf32>, vector<128x64xf32> -> vector<128x64xf32>
    %get3A_2340 = arith.index_cast %get3A_104 : i32 to index
    %get3A_2341 = arith.constant 0 : index
    %get3A_2342 = arith.constant 0 : index
    %get3A_2343 = vector.load %arg16[%get3A_2340, %get3A_2341, %get3A_2342] : memref<64x1x64xf32, #tpu.memory_space<vmem>>, vector<1x1x64xf32>
    %get3A_2344 = vector.shape_cast %get3A_2343 : vector<1x1x64xf32> to vector<1x64xf32>
    %add3A_2345 = vector.broadcast %get3A_2344 : vector<1x64xf32> to vector<128x64xf32>
    %add3A_2346 = arith.addf %dot_general3A_2339, %add3A_2345 : vector<128x64xf32>
    %get3A_2347 = arith.index_cast %get3A_110 : i32 to index
    %get3A_2348 = arith.constant 0 : index
    %get3A_2349 = arith.constant 0 : index
    %get3A_2350 = vector.load %arg15[%get3A_2347, %get3A_2348, %get3A_2349] : memref<64x64x128xf32, #tpu.memory_space<vmem>>, vector<1x64x128xf32>
    %get3A_2351 = vector.shape_cast %get3A_2350 : vector<1x64x128xf32> to vector<64x128xf32>
    %dot_general3A_2352 = arith.constant dense<0.000000e+00> : vector<128x64xf32>
    %dot_general3A_2353 = tpu.matmul %add3A_2080, %get3A_2351, %dot_general3A_2352 {dimension_numbers = #tpu.dot_dimension_numbers<[1], [1], [0], [0], [0, 0, 1, 0], [], []>, transpose_lhs_hint = false} : vector<128x128xf32>, vector<64x128xf32>, vector<128x64xf32> -> vector<128x64xf32>
    %get3A_2354 = arith.index_cast %get3A_110 : i32 to index
    %get3A_2355 = arith.constant 0 : index
    %get3A_2356 = arith.constant 0 : index
    %get3A_2357 = vector.load %arg16[%get3A_2354, %get3A_2355, %get3A_2356] : memref<64x1x64xf32, #tpu.memory_space<vmem>>, vector<1x1x64xf32>
    %get3A_2358 = vector.shape_cast %get3A_2357 : vector<1x1x64xf32> to vector<1x64xf32>
    %add3A_2359 = vector.broadcast %get3A_2358 : vector<1x64xf32> to vector<128x64xf32>
    %add3A_2360 = arith.addf %dot_general3A_2353, %add3A_2359 : vector<128x64xf32>
    %get3A_2361 = arith.index_cast %get3A_116 : i32 to index
    %get3A_2362 = arith.constant 0 : index
    %get3A_2363 = arith.constant 0 : index
    %get3A_2364 = vector.load %arg15[%get3A_2361, %get3A_2362, %get3A_2363] : memref<64x64x128xf32, #tpu.memory_space<vmem>>, vector<1x64x128xf32>
    %get3A_2365 = vector.shape_cast %get3A_2364 : vector<1x64x128xf32> to vector<64x128xf32>
    %dot_general3A_2366 = arith.constant dense<0.000000e+00> : vector<128x64xf32>
    %dot_general3A_2367 = tpu.matmul %add3A_2094, %get3A_2365, %dot_general3A_2366 {dimension_numbers = #tpu.dot_dimension_numbers<[1], [1], [0], [0], [0, 0, 1, 0], [], []>, transpose_lhs_hint = false} : vector<128x128xf32>, vector<64x128xf32>, vector<128x64xf32> -> vector<128x64xf32>
    %get3A_2368 = arith.index_cast %get3A_116 : i32 to index
    %get3A_2369 = arith.constant 0 : index
    %get3A_2370 = arith.constant 0 : index
    %get3A_2371 = vector.load %arg16[%get3A_2368, %get3A_2369, %get3A_2370] : memref<64x1x64xf32, #tpu.memory_space<vmem>>, vector<1x1x64xf32>
    %get3A_2372 = vector.shape_cast %get3A_2371 : vector<1x1x64xf32> to vector<1x64xf32>
    %add3A_2373 = vector.broadcast %get3A_2372 : vector<1x64xf32> to vector<128x64xf32>
    %add3A_2374 = arith.addf %dot_general3A_2367, %add3A_2373 : vector<128x64xf32>
    %broadcast_in_dim3A = arith.constant 0.000000e+00 : f32
    %broadcast_in_dim3A_2375 = vector.broadcast %broadcast_in_dim3A : f32 to vector<128x64xf32>
    %concatenate3A = tpu.concatenate %add3A_2108, %broadcast_in_dim3A_2375 in 1 : vector<128x64xf32>, vector<128x64xf32> -> vector<128x128xf32>
    %swap3A = arith.constant 0 : index
    %swap3A_2376 = arith.constant 0 : index
    %swap3A_2377 = vector.load %arg17[%swap3A, %swap3A_2376] : memref<2560x128xf32, #tpu.memory_space<vmem>>, vector<128x128xf32>
    tpu.vector_store %arg17[%swap3A, %swap3A_2376], %concatenate3A {strides = array<i32>} : memref<2560x128xf32, #tpu.memory_space<vmem>>, vector<128x128xf32>,
    %broadcast_in_dim3A_2378 = arith.constant 0.000000e+00 : f32
    %broadcast_in_dim3A_2379 = vector.broadcast %broadcast_in_dim3A_2378 : f32 to vector<128x64xf32>
    %concatenate3A_2380 = tpu.concatenate %add3A_2122, %broadcast_in_dim3A_2379 in 1 : vector<128x64xf32>, vector<128x64xf32> -> vector<128x128xf32>
    %swap3A_2381 = arith.constant 128 : index
    %swap3A_2382 = arith.constant 0 : index
    %swap3A_2383 = vector.load %arg17[%swap3A_2381, %swap3A_2382] : memref<2560x128xf32, #tpu.memory_space<vmem>>, vector<128x128xf32>
    tpu.vector_store %arg17[%swap3A_2381, %swap3A_2382], %concatenate3A_2380 {strides = array<i32>} : memref<2560x128xf32, #tpu.memory_space<vmem>>, vector<128x128xf32>,
    %broadcast_in_dim3A_2384 = arith.constant 0.000000e+00 : f32
    %broadcast_in_dim3A_2385 = vector.broadcast %broadcast_in_dim3A_2384 : f32 to vector<128x64xf32>
    %concatenate3A_2386 = tpu.concatenate %add3A_2136, %broadcast_in_dim3A_2385 in 1 : vector<128x64xf32>, vector<128x64xf32> -> vector<128x128xf32>
    %swap3A_2387 = arith.constant 256 : index
    %swap3A_2388 = arith.constant 0 : index
    %swap3A_2389 = vector.load %arg17[%swap3A_2387, %swap3A_2388] : memref<2560x128xf32, #tpu.memory_space<vmem>>, vector<128x128xf32>
    tpu.vector_store %arg17[%swap3A_2387, %swap3A_2388], %concatenate3A_2386 {strides = array<i32>} : memref<2560x128xf32, #tpu.memory_space<vmem>>, vector<128x128xf32>,
    %broadcast_in_dim3A_2390 = arith.constant 0.000000e+00 : f32
    %broadcast_in_dim3A_2391 = vector.broadcast %broadcast_in_dim3A_2390 : f32 to vector<128x64xf32>
    %concatenate3A_2392 = tpu.concatenate %add3A_2150, %broadcast_in_dim3A_2391 in 1 : vector<128x64xf32>, vector<128x64xf32> -> vector<128x128xf32>
    %swap3A_2393 = arith.constant 384 : index
    %swap3A_2394 = arith.constant 0 : index
    %swap3A_2395 = vector.load %arg17[%swap3A_2393, %swap3A_2394] : memref<2560x128xf32, #tpu.memory_space<vmem>>, vector<128x128xf32>
    tpu.vector_store %arg17[%swap3A_2393, %swap3A_2394], %concatenate3A_2392 {strides = array<i32>} : memref<2560x128xf32, #tpu.memory_space<vmem>>, vector<128x128xf32>,
    %broadcast_in_dim3A_2396 = arith.constant 0.000000e+00 : f32
    %broadcast_in_dim3A_2397 = vector.broadcast %broadcast_in_dim3A_2396 : f32 to vector<128x64xf32>
    %concatenate3A_2398 = tpu.concatenate %add3A_2164, %broadcast_in_dim3A_2397 in 1 : vector<128x64xf32>, vector<128x64xf32> -> vector<128x128xf32>
    %swap3A_2399 = arith.constant 512 : index
    %swap3A_2400 = arith.constant 0 : index
    %swap3A_2401 = vector.load %arg17[%swap3A_2399, %swap3A_2400] : memref<2560x128xf32, #tpu.memory_space<vmem>>, vector<128x128xf32>
    tpu.vector_store %arg17[%swap3A_2399, %swap3A_2400], %concatenate3A_2398 {strides = array<i32>} : memref<2560x128xf32, #tpu.memory_space<vmem>>, vector<128x128xf32>,
    %broadcast_in_dim3A_2402 = arith.constant 0.000000e+00 : f32
    %broadcast_in_dim3A_2403 = vector.broadcast %broadcast_in_dim3A_2402 : f32 to vector<128x64xf32>
    %concatenate3A_2404 = tpu.concatenate %add3A_2178, %broadcast_in_dim3A_2403 in 1 : vector<128x64xf32>, vector<128x64xf32> -> vector<128x128xf32>
    %swap3A_2405 = arith.constant 640 : index
    %swap3A_2406 = arith.constant 0 : index
    %swap3A_2407 = vector.load %arg17[%swap3A_2405, %swap3A_2406] : memref<2560x128xf32, #tpu.memory_space<vmem>>, vector<128x128xf32>
    tpu.vector_store %arg17[%swap3A_2405, %swap3A_2406], %concatenate3A_2404 {strides = array<i32>} : memref<2560x128xf32, #tpu.memory_space<vmem>>, vector<128x128xf32>,
    %broadcast_in_dim3A_2408 = arith.constant 0.000000e+00 : f32
    %broadcast_in_dim3A_2409 = vector.broadcast %broadcast_in_dim3A_2408 : f32 to vector<128x64xf32>
    %concatenate3A_2410 = tpu.concatenate %add3A_2192, %broadcast_in_dim3A_2409 in 1 : vector<128x64xf32>, vector<128x64xf32> -> vector<128x128xf32>
    %swap3A_2411 = arith.constant 768 : index
    %swap3A_2412 = arith.constant 0 : index
    %swap3A_2413 = vector.load %arg17[%swap3A_2411, %swap3A_2412] : memref<2560x128xf32, #tpu.memory_space<vmem>>, vector<128x128xf32>
    tpu.vector_store %arg17[%swap3A_2411, %swap3A_2412], %concatenate3A_2410 {strides = array<i32>} : memref<2560x128xf32, #tpu.memory_space<vmem>>, vector<128x128xf32>,
    %broadcast_in_dim3A_2414 = arith.constant 0.000000e+00 : f32
    %broadcast_in_dim3A_2415 = vector.broadcast %broadcast_in_dim3A_2414 : f32 to vector<128x64xf32>
    %concatenate3A_2416 = tpu.concatenate %add3A_2206, %broadcast_in_dim3A_2415 in 1 : vector<128x64xf32>, vector<128x64xf32> -> vector<128x128xf32>
    %swap3A_2417 = arith.constant 896 : index
    %swap3A_2418 = arith.constant 0 : index
    %swap3A_2419 = vector.load %arg17[%swap3A_2417, %swap3A_2418] : memref<2560x128xf32, #tpu.memory_space<vmem>>, vector<128x128xf32>
    tpu.vector_store %arg17[%swap3A_2417, %swap3A_2418], %concatenate3A_2416 {strides = array<i32>} : memref<2560x128xf32, #tpu.memory_space<vmem>>, vector<128x128xf32>,
    %broadcast_in_dim3A_2420 = arith.constant 0.000000e+00 : f32
    %broadcast_in_dim3A_2421 = vector.broadcast %broadcast_in_dim3A_2420 : f32 to vector<128x64xf32>
    %concatenate3A_2422 = tpu.concatenate %add3A_2220, %broadcast_in_dim3A_2421 in 1 : vector<128x64xf32>, vector<128x64xf32> -> vector<128x128xf32>
    %swap3A_2423 = arith.constant 1024 : index
    %swap3A_2424 = arith.constant 0 : index
    %swap3A_2425 = vector.load %arg17[%swap3A_2423, %swap3A_2424] : memref<2560x128xf32, #tpu.memory_space<vmem>>, vector<128x128xf32>
    tpu.vector_store %arg17[%swap3A_2423, %swap3A_2424], %concatenate3A_2422 {strides = array<i32>} : memref<2560x128xf32, #tpu.memory_space<vmem>>, vector<128x128xf32>,
    %broadcast_in_dim3A_2426 = arith.constant 0.000000e+00 : f32
    %broadcast_in_dim3A_2427 = vector.broadcast %broadcast_in_dim3A_2426 : f32 to vector<128x64xf32>
    %concatenate3A_2428 = tpu.concatenate %add3A_2234, %broadcast_in_dim3A_2427 in 1 : vector<128x64xf32>, vector<128x64xf32> -> vector<128x128xf32>
    %swap3A_2429 = arith.constant 1152 : index
    %swap3A_2430 = arith.constant 0 : index
    %swap3A_2431 = vector.load %arg17[%swap3A_2429, %swap3A_2430] : memref<2560x128xf32, #tpu.memory_space<vmem>>, vector<128x128xf32>
    tpu.vector_store %arg17[%swap3A_2429, %swap3A_2430], %concatenate3A_2428 {strides = array<i32>} : memref<2560x128xf32, #tpu.memory_space<vmem>>, vector<128x128xf32>,
    %broadcast_in_dim3A_2432 = arith.constant 0.000000e+00 : f32
    %broadcast_in_dim3A_2433 = vector.broadcast %broadcast_in_dim3A_2432 : f32 to vector<128x64xf32>
    %concatenate3A_2434 = tpu.concatenate %add3A_2248, %broadcast_in_dim3A_2433 in 1 : vector<128x64xf32>, vector<128x64xf32> -> vector<128x128xf32>
    %swap3A_2435 = arith.constant 1280 : index
    %swap3A_2436 = arith.constant 0 : index
    %swap3A_2437 = vector.load %arg17[%swap3A_2435, %swap3A_2436] : memref<2560x128xf32, #tpu.memory_space<vmem>>, vector<128x128xf32>
    tpu.vector_store %arg17[%swap3A_2435, %swap3A_2436], %concatenate3A_2434 {strides = array<i32>} : memref<2560x128xf32, #tpu.memory_space<vmem>>, vector<128x128xf32>,
    %broadcast_in_dim3A_2438 = arith.constant 0.000000e+00 : f32
    %broadcast_in_dim3A_2439 = vector.broadcast %broadcast_in_dim3A_2438 : f32 to vector<128x64xf32>
    %concatenate3A_2440 = tpu.concatenate %add3A_2262, %broadcast_in_dim3A_2439 in 1 : vector<128x64xf32>, vector<128x64xf32> -> vector<128x128xf32>
    %swap3A_2441 = arith.constant 1408 : index
    %swap3A_2442 = arith.constant 0 : index
    %swap3A_2443 = vector.load %arg17[%swap3A_2441, %swap3A_2442] : memref<2560x128xf32, #tpu.memory_space<vmem>>, vector<128x128xf32>
    tpu.vector_store %arg17[%swap3A_2441, %swap3A_2442], %concatenate3A_2440 {strides = array<i32>} : memref<2560x128xf32, #tpu.memory_space<vmem>>, vector<128x128xf32>,
    %broadcast_in_dim3A_2444 = arith.constant 0.000000e+00 : f32
    %broadcast_in_dim3A_2445 = vector.broadcast %broadcast_in_dim3A_2444 : f32 to vector<128x64xf32>
    %concatenate3A_2446 = tpu.concatenate %add3A_2276, %broadcast_in_dim3A_2445 in 1 : vector<128x64xf32>, vector<128x64xf32> -> vector<128x128xf32>
    %swap3A_2447 = arith.constant 1536 : index
    %swap3A_2448 = arith.constant 0 : index
    %swap3A_2449 = vector.load %arg17[%swap3A_2447, %swap3A_2448] : memref<2560x128xf32, #tpu.memory_space<vmem>>, vector<128x128xf32>
    tpu.vector_store %arg17[%swap3A_2447, %swap3A_2448], %concatenate3A_2446 {strides = array<i32>} : memref<2560x128xf32, #tpu.memory_space<vmem>>, vector<128x128xf32>,
    %broadcast_in_dim3A_2450 = arith.constant 0.000000e+00 : f32
    %broadcast_in_dim3A_2451 = vector.broadcast %broadcast_in_dim3A_2450 : f32 to vector<128x64xf32>
    %concatenate3A_2452 = tpu.concatenate %add3A_2290, %broadcast_in_dim3A_2451 in 1 : vector<128x64xf32>, vector<128x64xf32> -> vector<128x128xf32>
    %swap3A_2453 = arith.constant 1664 : index
    %swap3A_2454 = arith.constant 0 : index
    %swap3A_2455 = vector.load %arg17[%swap3A_2453, %swap3A_2454] : memref<2560x128xf32, #tpu.memory_space<vmem>>, vector<128x128xf32>
    tpu.vector_store %arg17[%swap3A_2453, %swap3A_2454], %concatenate3A_2452 {strides = array<i32>} : memref<2560x128xf32, #tpu.memory_space<vmem>>, vector<128x128xf32>,
    %broadcast_in_dim3A_2456 = arith.constant 0.000000e+00 : f32
    %broadcast_in_dim3A_2457 = vector.broadcast %broadcast_in_dim3A_2456 : f32 to vector<128x64xf32>
    %concatenate3A_2458 = tpu.concatenate %add3A_2304, %broadcast_in_dim3A_2457 in 1 : vector<128x64xf32>, vector<128x64xf32> -> vector<128x128xf32>
    %swap3A_2459 = arith.constant 1792 : index
    %swap3A_2460 = arith.constant 0 : index
    %swap3A_2461 = vector.load %arg17[%swap3A_2459, %swap3A_2460] : memref<2560x128xf32, #tpu.memory_space<vmem>>, vector<128x128xf32>
    tpu.vector_store %arg17[%swap3A_2459, %swap3A_2460], %concatenate3A_2458 {strides = array<i32>} : memref<2560x128xf32, #tpu.memory_space<vmem>>, vector<128x128xf32>,
    %broadcast_in_dim3A_2462 = arith.constant 0.000000e+00 : f32
    %broadcast_in_dim3A_2463 = vector.broadcast %broadcast_in_dim3A_2462 : f32 to vector<128x64xf32>
    %concatenate3A_2464 = tpu.concatenate %add3A_2318, %broadcast_in_dim3A_2463 in 1 : vector<128x64xf32>, vector<128x64xf32> -> vector<128x128xf32>
    %swap3A_2465 = arith.constant 1920 : index
    %swap3A_2466 = arith.constant 0 : index
    %swap3A_2467 = vector.load %arg17[%swap3A_2465, %swap3A_2466] : memref<2560x128xf32, #tpu.memory_space<vmem>>, vector<128x128xf32>
    tpu.vector_store %arg17[%swap3A_2465, %swap3A_2466], %concatenate3A_2464 {strides = array<i32>} : memref<2560x128xf32, #tpu.memory_space<vmem>>, vector<128x128xf32>,
    %broadcast_in_dim3A_2468 = arith.constant 0.000000e+00 : f32
    %broadcast_in_dim3A_2469 = vector.broadcast %broadcast_in_dim3A_2468 : f32 to vector<128x64xf32>
    %concatenate3A_2470 = tpu.concatenate %add3A_2332, %broadcast_in_dim3A_2469 in 1 : vector<128x64xf32>, vector<128x64xf32> -> vector<128x128xf32>
    %swap3A_2471 = arith.constant 2048 : index
    %swap3A_2472 = arith.constant 0 : index
    %swap3A_2473 = vector.load %arg17[%swap3A_2471, %swap3A_2472] : memref<2560x128xf32, #tpu.memory_space<vmem>>, vector<128x128xf32>
    tpu.vector_store %arg17[%swap3A_2471, %swap3A_2472], %concatenate3A_2470 {strides = array<i32>} : memref<2560x128xf32, #tpu.memory_space<vmem>>, vector<128x128xf32>,
    %broadcast_in_dim3A_2474 = arith.constant 0.000000e+00 : f32
    %broadcast_in_dim3A_2475 = vector.broadcast %broadcast_in_dim3A_2474 : f32 to vector<128x64xf32>
    %concatenate3A_2476 = tpu.concatenate %add3A_2346, %broadcast_in_dim3A_2475 in 1 : vector<128x64xf32>, vector<128x64xf32> -> vector<128x128xf32>
    %swap3A_2477 = arith.constant 2176 : index
    %swap3A_2478 = arith.constant 0 : index
    %swap3A_2479 = vector.load %arg17[%swap3A_2477, %swap3A_2478] : memref<2560x128xf32, #tpu.memory_space<vmem>>, vector<128x128xf32>
    tpu.vector_store %arg17[%swap3A_2477, %swap3A_2478], %concatenate3A_2476 {strides = array<i32>} : memref<2560x128xf32, #tpu.memory_space<vmem>>, vector<128x128xf32>,
    %broadcast_in_dim3A_2480 = arith.constant 0.000000e+00 : f32
    %broadcast_in_dim3A_2481 = vector.broadcast %broadcast_in_dim3A_2480 : f32 to vector<128x64xf32>
    %concatenate3A_2482 = tpu.concatenate %add3A_2360, %broadcast_in_dim3A_2481 in 1 : vector<128x64xf32>, vector<128x64xf32> -> vector<128x128xf32>
    %swap3A_2483 = arith.constant 2304 : index
    %swap3A_2484 = arith.constant 0 : index
    %swap3A_2485 = vector.load %arg17[%swap3A_2483, %swap3A_2484] : memref<2560x128xf32, #tpu.memory_space<vmem>>, vector<128x128xf32>
    tpu.vector_store %arg17[%swap3A_2483, %swap3A_2484], %concatenate3A_2482 {strides = array<i32>} : memref<2560x128xf32, #tpu.memory_space<vmem>>, vector<128x128xf32>,
    %broadcast_in_dim3A_2486 = arith.constant 0.000000e+00 : f32
    %broadcast_in_dim3A_2487 = vector.broadcast %broadcast_in_dim3A_2486 : f32 to vector<128x64xf32>
    %concatenate3A_2488 = tpu.concatenate %add3A_2374, %broadcast_in_dim3A_2487 in 1 : vector<128x64xf32>, vector<128x64xf32> -> vector<128x128xf32>
    %swap3A_2489 = arith.constant 2432 : index
    %swap3A_2490 = arith.constant 0 : index
    %swap3A_2491 = vector.load %arg17[%swap3A_2489, %swap3A_2490] : memref<2560x128xf32, #tpu.memory_space<vmem>>, vector<128x128xf32>
    tpu.vector_store %arg17[%swap3A_2489, %swap3A_2490], %concatenate3A_2488 {strides = array<i32>} : memref<2560x128xf32, #tpu.memory_space<vmem>>, vector<128x128xf32>,
    return
  }
  func.func @transform_0(%arg0: i32, %arg1: memref<80xi32, #tpu.memory_space<smem>>) -> (i32, i32) {
    %c0_i32 = arith.constant 0 : i32
    %c0_i32_0 = arith.constant 0 : i32
    return %arg0, %c0_i32 : i32, i32
  }
  func.func @transform_1(%arg0: i32, %arg1: memref<80xi32, #tpu.memory_space<smem>>) -> (i32, i32, i32) {
    %c0_i32 = arith.constant 0 : i32
    %c0_i32_0 = arith.constant 0 : i32
    %c0_i32_1 = arith.constant 0 : i32
    %c0_i32_2 = arith.constant 0 : i32
    return %c0_i32, %c0_i32_0, %c0_i32_1 : i32, i32, i32
  }
  func.func @transform_2(%arg0: i32, %arg1: memref<80xi32, #tpu.memory_space<smem>>) -> (i32, i32, i32) {
    %c0_i32 = arith.constant 0 : i32
    %c0_i32_0 = arith.constant 0 : i32
    %c0_i32_1 = arith.constant 0 : i32
    %c0_i32_2 = arith.constant 0 : i32
    return %c0_i32, %c0_i32_0, %c0_i32_1 : i32, i32, i32
  }
  func.func @transform_3(%arg0: i32, %arg1: memref<80xi32, #tpu.memory_space<smem>>) -> (i32, i32, i32) {
    %c0_i32 = arith.constant 0 : i32
    %c0_i32_0 = arith.constant 0 : i32
    %c0_i32_1 = arith.constant 0 : i32
    %c0_i32_2 = arith.constant 0 : i32
    return %c0_i32, %c0_i32_0, %c0_i32_1 : i32, i32, i32
  }
  func.func @transform_4(%arg0: i32, %arg1: memref<80xi32, #tpu.memory_space<smem>>) -> (i32, i32, i32) {
    %c0_i32 = arith.constant 0 : i32
    %c0_i32_0 = arith.constant 0 : i32
    %c0_i32_1 = arith.constant 0 : i32
    %c0_i32_2 = arith.constant 0 : i32
    return %c0_i32, %c0_i32_0, %c0_i32_1 : i32, i32, i32
  }
  func.func @transform_5(%arg0: i32, %arg1: memref<80xi32, #tpu.memory_space<smem>>) -> (i32, i32, i32) {
    %c0_i32 = arith.constant 0 : i32
    %c0_i32_0 = arith.constant 0 : i32
    %c0_i32_1 = arith.constant 0 : i32
    %c0_i32_2 = arith.constant 0 : i32
    return %c0_i32, %c0_i32_0, %c0_i32_1 : i32, i32, i32
  }
  func.func @transform_6(%arg0: i32, %arg1: memref<80xi32, #tpu.memory_space<smem>>) -> (i32, i32, i32) {
    %c0_i32 = arith.constant 0 : i32
    %c0_i32_0 = arith.constant 0 : i32
    %c0_i32_1 = arith.constant 0 : i32
    %c0_i32_2 = arith.constant 0 : i32
    return %c0_i32, %c0_i32_0, %c0_i32_1 : i32, i32, i32
  }
  func.func @transform_7(%arg0: i32, %arg1: memref<80xi32, #tpu.memory_space<smem>>) -> (i32, i32, i32) {
    %c0_i32 = arith.constant 0 : i32
    %c0_i32_0 = arith.constant 0 : i32
    %c0_i32_1 = arith.constant 0 : i32
    %c0_i32_2 = arith.constant 0 : i32
    return %c0_i32, %c0_i32_0, %c0_i32_1 : i32, i32, i32
  }
  func.func @transform_8(%arg0: i32, %arg1: memref<80xi32, #tpu.memory_space<smem>>) -> (i32, i32, i32) {
    %c0_i32 = arith.constant 0 : i32
    %c0_i32_0 = arith.constant 0 : i32
    %c0_i32_1 = arith.constant 0 : i32
    %c0_i32_2 = arith.constant 0 : i32
    return %c0_i32, %c0_i32_0, %c0_i32_1 : i32, i32, i32
  }
  func.func @transform_9(%arg0: i32, %arg1: memref<80xi32, #tpu.memory_space<smem>>) -> (i32, i32, i32) {
    %c0_i32 = arith.constant 0 : i32
    %c0_i32_0 = arith.constant 0 : i32
    %c0_i32_1 = arith.constant 0 : i32
    %c0_i32_2 = arith.constant 0 : i32
    return %c0_i32, %c0_i32_0, %c0_i32_1 : i32, i32, i32
  }
  func.func @transform_10(%arg0: i32, %arg1: memref<80xi32, #tpu.memory_space<smem>>) -> (i32, i32, i32) {
    %c0_i32 = arith.constant 0 : i32
    %c0_i32_0 = arith.constant 0 : i32
    %c0_i32_1 = arith.constant 0 : i32
    %c0_i32_2 = arith.constant 0 : i32
    return %c0_i32, %c0_i32_0, %c0_i32_1 : i32, i32, i32
  }
  func.func @transform_11(%arg0: i32, %arg1: memref<80xi32, #tpu.memory_space<smem>>) -> (i32, i32, i32) {
    %c0_i32 = arith.constant 0 : i32
    %c0_i32_0 = arith.constant 0 : i32
    %c0_i32_1 = arith.constant 0 : i32
    %c0_i32_2 = arith.constant 0 : i32
    return %c0_i32, %c0_i32_0, %c0_i32_1 : i32, i32, i32
  }
  func.func @transform_12(%arg0: i32, %arg1: memref<80xi32, #tpu.memory_space<smem>>) -> (i32, i32, i32) {
    %c0_i32 = arith.constant 0 : i32
    %c0_i32_0 = arith.constant 0 : i32
    %c0_i32_1 = arith.constant 0 : i32
    %c0_i32_2 = arith.constant 0 : i32
    return %c0_i32, %c0_i32_0, %c0_i32_1 : i32, i32, i32
  }
  func.func @transform_13(%arg0: i32, %arg1: memref<80xi32, #tpu.memory_space<smem>>) -> (i32, i32, i32) {
    %c0_i32 = arith.constant 0 : i32
    %c0_i32_0 = arith.constant 0 : i32
    %c0_i32_1 = arith.constant 0 : i32
    %c0_i32_2 = arith.constant 0 : i32
    return %c0_i32, %c0_i32_0, %c0_i32_1 : i32, i32, i32
  }
  func.func @transform_14(%arg0: i32, %arg1: memref<80xi32, #tpu.memory_space<smem>>) -> (i32, i32, i32) {
    %c0_i32 = arith.constant 0 : i32
    %c0_i32_0 = arith.constant 0 : i32
    %c0_i32_1 = arith.constant 0 : i32
    %c0_i32_2 = arith.constant 0 : i32
    return %c0_i32, %c0_i32_0, %c0_i32_1 : i32, i32, i32
  }
  func.func @transform_15(%arg0: i32, %arg1: memref<80xi32, #tpu.memory_space<smem>>) -> (i32, i32) {
    %c0_i32 = arith.constant 0 : i32
    %c0_i32_0 = arith.constant 0 : i32
    return %arg0, %c0_i32 : i32, i32
  }
}

</mosaic_0001>

<sc_bundles>
// kernel: kernel.6.cloned.1.call-start
scs
__scs_entry_jumppad:
0x0: {  	(pc) =	sbr.rel $0x88, $3  }
0x1: {  	(tag) =	ssettag $0x0;
	lr =	simm.s32 $0x1  }
0x2: {  	[smem:$0x3F92] =	sst lr;
	_ =	strace $0xD0000000  }
0x3: {  	_ = 	snop  }
0x4: {  	_ = 	snop  }
0x5: {  	_ = 	snop  }
0x6: {  	_ = 	snop  }
0x7: {  	_ = 	snop  }
__scs_overlays_trampoline_lowered:
0x8: {  	[smem:$0x3FA1] =	sst s0  }
0x9: {  	[smem:$0x3FA2] =	sst s1  }
0xa: {  	[smem:$0x3FA3] =	sst s2  }
0xb: {  	[smem:$0x3FA4] =	sst s3  }
0xc: {  	[smem:$0x3FA5] =	sst s4  }
0xd: {  	[smem:$0x3FA6] =	sst s5  }
0xe: {  	[smem:$0x3FA7] =	sst s6  }
0xf: {  	[smem:$0x3FA8] =	sst s7  }
0x10: {  	[smem:$0x3FA9] =	sst s8  }
0x11: {  	[smem:$0x3FAA] =	sst s9;
	s0 =	simm.s32 @!p0 $0x0  }
0x12: {  	s1 =	sld [smem:$0x3F90];
	s0 =	simm.s32 @p0 $0x1  }
0x13: {  	[smem:$0x3FAB] =	sst s0;
	s0 =	simm.s32 @!p1 $0x0  }
0x14: {  	s2 =	sld [smem:$0x3F8F];
	s0 =	simm.s32 @p1 $0x1  }
0x15: {  	[smem:$0x3FAC] =	sst s0;
	s0 =	simm.s32 @!p2 $0x0  }
0x16: {  	s3 =	sld [smem:$0x3FDB];
	s0 =	simm.s32 @p2 $0x1  }
0x17: {  	s4 =	simm.s32 $0x1BF5;
	[smem:$0x3FAE] =	sst s0  }
0x18: {  	s0 =	sld [smem:$0x3F91];
	_ =	swait.ge [sflag:s4], $0x0  }
0x19: {  	s7 =	sld [smem:$0x3F92]  }
0x1a: {  	s8 =	sadd.s32 $0xFFFFE003, lr  }
0x1b: {  	s9 =	sadd.s32 $0xFFFFFEF7, lr;
	s5 =	simm.s32 $0xFFFFFFFF;
	p2 =	slt.u32 s8, $0xFFFFF086  }
0x1c: {  	p1 =	slt.u32 s9, $0xF7A;
	s5 =	simm.s32 @!p2 $0x0  }
0x1d: {  	s5 =	simm.s32 @p1 $0x1;
	p0 =	seq.s32 s7, s2  }
0x1e: {  	s7 =	smul.u32 @!p0 $0xF7A, s2;
	p2 =	seq.s32 @!p0 s5, $0x0  }
0x1f: {  	s9 =	smul.u32 $0xF7A, s1;
	s8 =	simm.s32 @!p0 $0x1BF5;
	p2 =	por !p2, p0  }
0x20: {  	[sflag:s8] =	ssyncset.s32 @!p0 $0xFFFFF086;
	s6 =	sadd.s32 @!p0 s3, s7;
	s7 =	simm.s32 @!p0 $0x108  }
0x21: {  	s3 =	sadd.s32 s3, s9;
	s6 =	sadd.s32 @!p0 $0x88, s6;
	s7 =	simm.s32 @p2 $0x1082  }
0x22: {  	[simem:s7], [sflag:s8] =	dma.local @!p0 [hbm:s6], $0xF7A  }
0x23: {  	s9 =	sor.u32 $0xD0000000, s2;
	s6 =	simm.s32 $0x108;
	_ =	swait.ge @!p0 [sflag:s8], $0x0  }
0x24: {  	s3 =	sadd.s32 $0x88, s3;
	s6 =	simm.s32 @!p1 $0x1082;
	[sflag:s4] =	ssyncset.s32 $0xFFFFF086  }
0x25: {  	[simem:s6], [sflag:s4] =	dma.local [hbm:s3], $0xF7A  }
0x26: {  	[smem:$0x3F92] =	sst s1;
	(tag) =	ssettag s2;
	_ =	strace s9  }
0x27: {  	s1 =	sld [smem:$0x3FA2]  }
0x28: {  	s2 =	sld [smem:$0x3FA3]  }
0x29: {  	s4 =	sld [smem:$0x3FA5]  }
0x2a: {  	p0 =	seq.s32 s5, $0x0;
	s5 =	sld [smem:$0x3FA6]  }
0x2b: {  	s6 =	sld [smem:$0x3FA7]  }
0x2c: {  	s7 =	sld [smem:$0x3FA8]  }
0x2d: {  	s3 =	simm.s32 $0x108;
	s8 =	sld [smem:$0x3FA9]  }
0x2e: {  	s3 =	simm.s32 @!p0 $0x1082;
	s9 =	sld [smem:$0x3FAA]  }
0x2f: {  	lr =	sadd.s32 s0, s3;
	s0 =	sld [smem:$0x3FA1]  }
0x30: {  	s3 =	sld [smem:$0x3FA4]  }
0x31: {  	[smem:$0x3FAD] =	sst s10  }
0x32: {  	s10 =	sld [smem:$0x3FAB];
	_ =	sdelay $0x3  }
0x33: {  	p0 =	seq.s32 s10, $0x1;
	s10 =	sld [smem:$0x3FAD];
	_ =	sdelay $0x3  }
0x34: {  	[smem:$0x3FAD] =	sst s10  }
0x35: {  	s10 =	sld [smem:$0x3FAC];
	_ =	sdelay $0x3  }
0x36: {  	p1 =	seq.s32 s10, $0x1;
	s10 =	sld [smem:$0x3FAD];
	_ =	sdelay $0x3  }
0x37: {  	[smem:$0x3FAD] =	sst s10  }
0x38: {  	s10 =	sld [smem:$0x3FAE]  }
0x39: {  	_ = 	snop;
	(pc) =	sbr.ind lr, $3  }
0x3a: {  	_ = 	snop  }
0x3b: {  	_ = 	snop  }
0x3c: {  	p2 =	seq.s32 s10, $0x1;
	s10 =	sld [smem:$0x3FAD]  }
0x3d: {  	_ =	shalt  }
0x3e: {  	_ =	shalt  }
0x3f: {  	_ =	shalt  }
0x40: {  	_ =	shalt  }
0x41: {  	_ =	shalt  }
0x42: {  	_ =	shalt  }
0x43: {  	_ =	shalt  }
0x44: {  	_ =	shalt  }
0x45: {  	_ =	shalt  }
0x46: {  	_ =	shalt  }
0x47: {  	_ =	shalt  }
0x48: {  	_ =	shalt  }
0x49: {  	_ =	shalt  }
0x4a: {  	_ =	shalt  }
0x4b: {  	_ =	shalt  }
0x4c: {  	_ =	shalt  }
0x4d: {  	_ =	shalt  }
0x4e: {  	_ =	shalt  }
0x4f: {  	_ =	shalt  }
0x50: {  	_ =	shalt  }
0x51: {  	_ =	shalt  }
0x52: {  	_ =	shalt  }
0x53: {  	_ =	shalt  }
0x54: {  	_ =	shalt  }
0x55: {  	_ =	shalt  }
0x56: {  	_ =	shalt  }
0x57: {  	_ =	shalt  }
0x58: {  	_ =	shalt  }
0x59: {  	_ =	shalt  }
0x5a: {  	_ =	shalt  }
0x5b: {  	_ =	shalt  }
0x5c: {  	_ =	shalt  }
0x5d: {  	_ =	shalt  }
0x5e: {  	_ =	shalt  }
0x5f: {  	_ =	shalt  }
0x60: {  	_ =	shalt  }
0x61: {  	_ =	shalt  }
0x62: {  	_ =	shalt  }
0x63: {  	_ =	shalt  }
0x64: {  	_ =	shalt  }
0x65: {  	_ =	shalt  }
0x66: {  	_ =	shalt  }
0x67: {  	_ =	shalt  }
0x68: {  	_ =	shalt  }
0x69: {  	_ =	shalt  }
0x6a: {  	_ =	shalt  }
0x6b: {  	_ =	shalt  }
0x6c: {  	_ =	shalt  }
0x6d: {  	_ =	shalt  }
0x6e: {  	_ =	shalt  }
0x6f: {  	_ =	shalt  }
0x70: {  	_ =	shalt  }
0x71: {  	_ =	shalt  }
0x72: {  	_ =	shalt  }
0x73: {  	_ =	shalt  }
0x74: {  	_ =	shalt  }
0x75: {  	_ =	shalt  }
0x76: {  	_ =	shalt  }
0x77: {  	_ =	shalt  }
0x78: {  	_ =	shalt  }
0x79: {  	_ =	shalt  }
0x7a: {  	_ =	shalt  }
0x7b: {  	_ =	shalt  }
0x7c: {  	_ =	shalt  }
0x7d: {  	_ =	shalt  }
0x7e: {  	_ =	shalt  }
0x7f: {  	_ =	shalt  }
0x80: {  	_ =	shalt  }
0x81: {  	_ =	shalt  }
0x82: {  	_ =	shalt  }
0x83: {  	_ =	shalt  }
0x84: {  	_ =	shalt  }
0x85: {  	_ =	shalt  }
0x86: {  	_ =	shalt  }
0x87: {  	_ =	shalt  }
.Lfunc_end0:
.L_simem_size_0:
called_computation_lowered:
.L_overlay_start_0:
0x88: {  	s0 =	sld [smem:$0x3FD9]  }
0x89: {  	s1 =	sld [smem:$0x3FFE];
	_ =	sdelay $0x3  }
0x8a: {  	s0 =	sadd.s32 s1, s0  }
0x8b: {  	[smem:$0x3FB9] =	sst s0  }
0x8c: {  	_ = 	snop  }
0x8d: {  	s0 =	sld [smem:$0x3FD0];
	(tm) =	ssettm $0x1  }
0x8e: {  	s16 =	sld [smem:$0x3FFB];
	_ =	sdelay $0x3  }
0x8f: {  	_ =	strace s16  }
0x90: {  	s1 =	sld [smem:$0x3FFC];
	_ =	sdelay $0x3  }
0x91: {  	_ =	strace s1  }
0x92: {  	s1 =	sld [smem:$0x3FFD];
	_ =	sdelay $0x3  }
0x93: {  	_ =	strace s1  }
0x94: {  	_ =	strace $0x8FFFFFFF  }
0x95: {  	s17 =	sld [smem:$0x3FDB];
	_ =	sdelay $0x1  }
0x96: {  	s2 =	simm.s32 $_scs_section_size  }
0x97: {  	s3 =	simm.s32 $_size__tile_overlayer_lowered;
	s4 =	simm.s32 $_tile_overlayer_lowered  }
0x98: {  	s20 =	simm.s32 $0x1BFF;
	s19 =	sshll.u32 s4, $0x1;
	s1 =	sadd.s32 s2, s17  }
0x99: {  	s5 =	simm.s32 $0x0;
	s18 =	sshll.u32 s3, $0x1;
	s3 =	sadd.s32 s19, s1  }
0x9a: {  	[timem:s5], [sflag:s20] =	dma.local [hbm:s3], s18  }
0x9b: {  	_ =	swait.ge [sflag:s20], s18  }
0x9c: {  	s2 =	ssub.s32 $0x0, s18;
	[sflag:s20] =	ssyncset.done $0x0  }
0x9d: {  	[sflag:s20] =	ssyncadd.s32 s2;
	_ =	sdelay $0x1  }
0x9e: {  	s21 =	simm.s32 $0x1B8B  }
0x9f: {  	_ =	swait.ge [sflag:s21], $0x1  }
0xa0: {  	[sflag:s21] =	ssyncset.done $0x0  }
0xa1: {  	s23 =	simm.s32 $0x1B8E;
	s22 =	sld [smem:$0x3FFE];
	[sflag:s21] =	ssyncadd.s32 $0xFFFFFFFF  }
0xa2: {  	s24 =	simm.s32 $execute0_lowered;
	[smem:$0x3FD2] =	sst s23  }
0xa3: {  	s3 =	sshll.u32 s24, $0x1;
	_ =	strace $0x80000046;
	[dreg:$0x1] =	wrdreg $0xFFFFFFFF  }
0xa4: {  	s25 =	simm.s32 $_size_execute0_lowered;
	s1 =	sadd.s32 s1, s3;
	[dreg:$0x0] =	wrdreg $0x0  }
0xa5: {  	s3 =	sshll.u32 s25, $0x1;
	[dreg:$0x2] =	wrdreg s1  }
0xa6: {  	[dreg:$0x3] =	wrdreg s3  }
0xa7: {  	[dreg:$0x4] =	wrdreg $0xC0  }
0xa8: {  	_ =	task [dreg:s5], $0x5FFFF  }
0xa9: {  	[dreg:$0x1] =	wrdreg $0xFFFFFFFF  }
0xaa: {  	[dreg:$0x0] =	wrdreg $0x60  }
0xab: {  	[dreg:$0x2] =	wrdreg s22  }
0xac: {  	[dreg:$0x3] =	wrdreg s0  }
0xad: {  	[dreg:$0x4] =	wrdreg $0x9  }
0xae: {  	_ =	task.clear_ibuf [dreg:s5], $0x5FFFF;
	_ =	strace $0x90000046  }
0xaf: {  	s26 =	simm.s32 $0x9;
	_ =	strace $0x80000048  }
0xb0: {  	_ =	swait.ge [sflag:s26], $0x1  }
0xb1: {  	[sflag:s26] =	ssyncadd.s32 $0xFFFFFFFF  }
0xb2: {  	_ =	strace $0x90000048  }
0xb3: {  	_ =	sfence  }
0xb4: {  	s28 =	sld [smem:$0x0];
	_ =	sdelay $0x1  }
0xb5: {  	s29 =	srdreg.scid  }
0xb6: {  	s30 =	sshll.u32 s29, $0xD;
	s31 =	sshrl.u32 s29, $0x2  }
0xb7: {  	s2 =	sand.u32 $0x4000, s30;
	s1 =	sand.u32 $0x1, s29;
	s0 =	sadd.s32 s31, s28  }
0xb8: {  	s1 =	sor.u32 s2, s1;
	s0 =	sshll.u32 s0, $0x11  }
0xb9: {  	s0 =	sor.u32 s0, s1  }
0xba: {  	s0 =	sadd.s32 $0x8F2B, s0  }
0xbb: {  	[sflag:s0] =	ssyncadd.remote.s32 $0x1  }
0xbc: {  	_ =	sfence.sel $0xFFFF  }
0xbd: {  	[dreg:$0x0] =	wrdreg $0xFFFFFFFF;
	(pc) =	sbr.abs _section_cstart, $3  }
0xbe: {  	[dreg:$0x1] =	wrdreg $0xFFFFFFFF  }
0xbf: {  	_ =	task.clear_ibuf [dreg:s5], $0x2FFFF;
	_ =	strace $0x9FFFFFFF  }
0xc0: {  	(tm) =	ssettm $0x7FFFFFFF  }
0xc1: {  	_ =	shalt  }
tec
execute0_lowered:
.L_overlay_start_1:
0x0: {  	(tag) =	ssettag $0x1  }
0x1: {  	s0 =	rddreg [dreg:$0x0]  }
0x2: {  	s1 =	rddreg [dreg:$0x1];
	s2 =	stileid.u32  }
0x3: {  	s3 =	rddreg [dreg:$0x2];
	s4 =	simm.s32 $0x0;
	s5 =	sshll.u32 s2, $0xB  }
0x4: {  	s6 =	simm.s32 $0x80;
	[smem:$0x7FF] =	sst s4;
	s5 =	sadd.s32 s5, s0  }
0x5: {  	s30 =	simm.s32 $0x2;
	_ =	strace $0x80000047;
	s5 =	sadd.s32 $0x2600, s5  }
0x6: {  	[tilespmem:s6], [sflag:$0x2] =	stream.linear.gather [hbm4b:s5+s4], $0x4000, $0x38;
	[tilespmem:$0x4080] =	vst v63  }
0x7: {  	_ =	swait.ge [sflag:s30], $0x4000  }
0x8: {  	s7 =	sshll.u32 s2, $0x4;
	[sflag:s30] =	ssyncset.done $0x0  }
0x9: {  	s1 =	sadd.s32 s1, s7;
	[sflag:s30] =	ssyncadd.s32 $0xFFFFC000  }
0xa: {  	[tilespmem:s4], [sflag:$0x2] =	stream.linear.gather [hbm4b:s1+s4], $0x80, $0x38;
	[tilespmem:$0x4080] =	vst v63  }
0xb: {  	_ =	swait.ge [sflag:s30], $0x80  }
0xc: {  	[sflag:s30] =	ssyncset.done $0x0  }
0xd: {  	s31 =	simm.s32 $0x1;
	s0 =	sadd.s32 $0xA600, s0;
	[sflag:s30] =	ssyncadd.s32 $0xFFFFFF80  }
0xe: {  	[hbm4b:s0+s6] =	stream.indirect.scatter [tilespmem:s6], [sflag:$0x1], $0x80, s4, s6, $0xb8;
	[tilespmem:$0x4080] =	vst v63  }
0xf: {  	_ =	swait.ge [sflag:s31], $0x4000  }
0x10: {  	[sflag:s31] =	ssyncset.done $0x0  }
0x11: {  	[sflag:s31] =	ssyncadd.s32 $0xFFFFC000  }
0x12: {  	_ =	sfence.sel $0x180000  }
0x13: {  	[bflag:$0x0] =	sbarrier.arrive $0xFFFF  }
0x14: {  	p0 =	sne.s32 s2, $0x0;
	_ =	strace $0x90000047  }
0x15: {  	s0 =	sadd.s32 @!p0 $0x100000, s3;
	[bflag:$0x2] =	sbarrier.arrive $0xFFFF  }
0x16: {  	[sflag:s0] =	ssyncadd.tile.s32 @!p0 $0x1;
	_ =	shalt  }
.Lfunc_end2:
_tile_overlayer_lowered:
.L_overlay_start_2:
0x17: {  	(tag) =	ssettag $0x2  }
0x18: {  	s0 =	rddreg [dreg:$0x0];
	s2 =	stileid.u32  }
0x19: {  	s1 =	rddreg [dreg:$0x1];
	p0 =	sne.s32 s2, $0x0  }
0x1a: {  	s3 =	rddreg [dreg:$0x2];
	[bflag:$0x3] =	sbarrier.arrive $0xFFFF;
	s2 =	simm.s32 @!p0 $0x1C02  }
0x1b: {  	[timem:s3], [sflag:s2] =	dma.local @!p0 [hbm:s0], s1  }
0x1c: {  	s0 =	simm.s32 @!p0 $0x2  }
0x1d: {  	_ =	swait.ge @!p0 [sflag:s0], s1  }
0x1e: {  	s1 =	ssub.s32 @!p0 $0x0, s1;
	[sflag:s0] =	ssyncset.done @!p0 $0x0  }
0x1f: {  	[sflag:s0] =	ssyncadd.s32 @!p0 s1  }
0x20: {  	[bflag:$0x3] =	sbarrier.arrive $0xFFFF  }
0x21: {  	_ =	shalt  }

// kernel: kernel.9.cloned.1.call-start
scs
__scs_entry_jumppad:
0x0: {  	(pc) =	sbr.rel $0x88, $3  }
0x1: {  	(tag) =	ssettag $0x0;
	lr =	simm.s32 $0x1  }
0x2: {  	[smem:$0x3F92] =	sst lr;
	_ =	strace $0xD0000000  }
0x3: {  	_ = 	snop  }
0x4: {  	_ = 	snop  }
0x5: {  	_ = 	snop  }
0x6: {  	_ = 	snop  }
0x7: {  	_ = 	snop  }
__scs_overlays_trampoline_lowered:
0x8: {  	[smem:$0x3FA1] =	sst s0  }
0x9: {  	[smem:$0x3FA2] =	sst s1  }
0xa: {  	[smem:$0x3FA3] =	sst s2  }
0xb: {  	[smem:$0x3FA4] =	sst s3  }
0xc: {  	[smem:$0x3FA5] =	sst s4  }
0xd: {  	[smem:$0x3FA6] =	sst s5  }
0xe: {  	[smem:$0x3FA7] =	sst s6  }
0xf: {  	[smem:$0x3FA8] =	sst s7  }
0x10: {  	[smem:$0x3FA9] =	sst s8  }
0x11: {  	[smem:$0x3FAA] =	sst s9;
	s0 =	simm.s32 @!p0 $0x0  }
0x12: {  	s1 =	sld [smem:$0x3F90];
	s0 =	simm.s32 @p0 $0x1  }
0x13: {  	[smem:$0x3FAB] =	sst s0;
	s0 =	simm.s32 @!p1 $0x0  }
0x14: {  	s2 =	sld [smem:$0x3F8F];
	s0 =	simm.s32 @p1 $0x1  }
0x15: {  	[smem:$0x3FAC] =	sst s0;
	s0 =	simm.s32 @!p2 $0x0  }
0x16: {  	s3 =	sld [smem:$0x3FDB];
	s0 =	simm.s32 @p2 $0x1  }
0x17: {  	s4 =	simm.s32 $0x1BF5;
	[smem:$0x3FAE] =	sst s0  }
0x18: {  	s0 =	sld [smem:$0x3F91];
	_ =	swait.ge [sflag:s4], $0x0  }
0x19: {  	s7 =	sld [smem:$0x3F92]  }
0x1a: {  	s8 =	sadd.s32 $0xFFFFE003, lr  }
0x1b: {  	s9 =	sadd.s32 $0xFFFFFEF7, lr;
	s5 =	simm.s32 $0xFFFFFFFF;
	p2 =	slt.u32 s8, $0xFFFFF086  }
0x1c: {  	p1 =	slt.u32 s9, $0xF7A;
	s5 =	simm.s32 @!p2 $0x0  }
0x1d: {  	s5 =	simm.s32 @p1 $0x1;
	p0 =	seq.s32 s7, s2  }
0x1e: {  	s7 =	smul.u32 @!p0 $0xF7A, s2;
	p2 =	seq.s32 @!p0 s5, $0x0  }
0x1f: {  	s9 =	smul.u32 $0xF7A, s1;
	s8 =	simm.s32 @!p0 $0x1BF5;
	p2 =	por !p2, p0  }
0x20: {  	[sflag:s8] =	ssyncset.s32 @!p0 $0xFFFFF086;
	s6 =	sadd.s32 @!p0 s3, s7;
	s7 =	simm.s32 @!p0 $0x108  }
0x21: {  	s3 =	sadd.s32 s3, s9;
	s6 =	sadd.s32 @!p0 $0x88, s6;
	s7 =	simm.s32 @p2 $0x1082  }
0x22: {  	[simem:s7], [sflag:s8] =	dma.local @!p0 [hbm:s6], $0xF7A  }
0x23: {  	s9 =	sor.u32 $0xD0000000, s2;
	s6 =	simm.s32 $0x108;
	_ =	swait.ge @!p0 [sflag:s8], $0x0  }
0x24: {  	s3 =	sadd.s32 $0x88, s3;
	s6 =	simm.s32 @!p1 $0x1082;
	[sflag:s4] =	ssyncset.s32 $0xFFFFF086  }
0x25: {  	[simem:s6], [sflag:s4] =	dma.local [hbm:s3], $0xF7A  }
0x26: {  	[smem:$0x3F92] =	sst s1;
	(tag) =	ssettag s2;
	_ =	strace s9  }
0x27: {  	s1 =	sld [smem:$0x3FA2]  }
0x28: {  	s2 =	sld [smem:$0x3FA3]  }
0x29: {  	s4 =	sld [smem:$0x3FA5]  }
0x2a: {  	p0 =	seq.s32 s5, $0x0;
	s5 =	sld [smem:$0x3FA6]  }
0x2b: {  	s6 =	sld [smem:$0x3FA7]  }
0x2c: {  	s7 =	sld [smem:$0x3FA8]  }
0x2d: {  	s3 =	simm.s32 $0x108;
	s8 =	sld [smem:$0x3FA9]  }
0x2e: {  	s3 =	simm.s32 @!p0 $0x1082;
	s9 =	sld [smem:$0x3FAA]  }
0x2f: {  	lr =	sadd.s32 s0, s3;
	s0 =	sld [smem:$0x3FA1]  }
0x30: {  	s3 =	sld [smem:$0x3FA4]  }
0x31: {  	[smem:$0x3FAD] =	sst s10  }
0x32: {  	s10 =	sld [smem:$0x3FAB];
	_ =	sdelay $0x3  }
0x33: {  	p0 =	seq.s32 s10, $0x1;
	s10 =	sld [smem:$0x3FAD];
	_ =	sdelay $0x3  }
0x34: {  	[smem:$0x3FAD] =	sst s10  }
0x35: {  	s10 =	sld [smem:$0x3FAC];
	_ =	sdelay $0x3  }
0x36: {  	p1 =	seq.s32 s10, $0x1;
	s10 =	sld [smem:$0x3FAD];
	_ =	sdelay $0x3  }
0x37: {  	[smem:$0x3FAD] =	sst s10  }
0x38: {  	s10 =	sld [smem:$0x3FAE]  }
0x39: {  	_ = 	snop;
	(pc) =	sbr.ind lr, $3  }
0x3a: {  	_ = 	snop  }
0x3b: {  	_ = 	snop  }
0x3c: {  	p2 =	seq.s32 s10, $0x1;
	s10 =	sld [smem:$0x3FAD]  }
0x3d: {  	_ =	shalt  }
0x3e: {  	_ =	shalt  }
0x3f: {  	_ =	shalt  }
0x40: {  	_ =	shalt  }
0x41: {  	_ =	shalt  }
0x42: {  	_ =	shalt  }
0x43: {  	_ =	shalt  }
0x44: {  	_ =	shalt  }
0x45: {  	_ =	shalt  }
0x46: {  	_ =	shalt  }
0x47: {  	_ =	shalt  }
0x48: {  	_ =	shalt  }
0x49: {  	_ =	shalt  }
0x4a: {  	_ =	shalt  }
0x4b: {  	_ =	shalt  }
0x4c: {  	_ =	shalt  }
0x4d: {  	_ =	shalt  }
0x4e: {  	_ =	shalt  }
0x4f: {  	_ =	shalt  }
0x50: {  	_ =	shalt  }
0x51: {  	_ =	shalt  }
0x52: {  	_ =	shalt  }
0x53: {  	_ =	shalt  }
0x54: {  	_ =	shalt  }
0x55: {  	_ =	shalt  }
0x56: {  	_ =	shalt  }
0x57: {  	_ =	shalt  }
0x58: {  	_ =	shalt  }
0x59: {  	_ =	shalt  }
0x5a: {  	_ =	shalt  }
0x5b: {  	_ =	shalt  }
0x5c: {  	_ =	shalt  }
0x5d: {  	_ =	shalt  }
0x5e: {  	_ =	shalt  }
0x5f: {  	_ =	shalt  }
0x60: {  	_ =	shalt  }
0x61: {  	_ =	shalt  }
0x62: {  	_ =	shalt  }
0x63: {  	_ =	shalt  }
0x64: {  	_ =	shalt  }
0x65: {  	_ =	shalt  }
0x66: {  	_ =	shalt  }
0x67: {  	_ =	shalt  }
0x68: {  	_ =	shalt  }
0x69: {  	_ =	shalt  }
0x6a: {  	_ =	shalt  }
0x6b: {  	_ =	shalt  }
0x6c: {  	_ =	shalt  }
0x6d: {  	_ =	shalt  }
0x6e: {  	_ =	shalt  }
0x6f: {  	_ =	shalt  }
0x70: {  	_ =	shalt  }
0x71: {  	_ =	shalt  }
0x72: {  	_ =	shalt  }
0x73: {  	_ =	shalt  }
0x74: {  	_ =	shalt  }
0x75: {  	_ =	shalt  }
0x76: {  	_ =	shalt  }
0x77: {  	_ =	shalt  }
0x78: {  	_ =	shalt  }
0x79: {  	_ =	shalt  }
0x7a: {  	_ =	shalt  }
0x7b: {  	_ =	shalt  }
0x7c: {  	_ =	shalt  }
0x7d: {  	_ =	shalt  }
0x7e: {  	_ =	shalt  }
0x7f: {  	_ =	shalt  }
0x80: {  	_ =	shalt  }
0x81: {  	_ =	shalt  }
0x82: {  	_ =	shalt  }
0x83: {  	_ =	shalt  }
0x84: {  	_ =	shalt  }
0x85: {  	_ =	shalt  }
0x86: {  	_ =	shalt  }
0x87: {  	_ =	shalt  }
.Lfunc_end0:
.L_simem_size_0:
called_computation.1_lowered:
.L_overlay_start_0:
0x88: {  	s0 =	sld [smem:$0x3FD9]  }
0x89: {  	s1 =	sld [smem:$0x3FFE];
	_ =	sdelay $0x3  }
0x8a: {  	s0 =	sadd.s32 s1, s0  }
0x8b: {  	[smem:$0x3FB9] =	sst s0  }
0x8c: {  	_ = 	snop  }
0x8d: {  	s0 =	sld [smem:$0x3FD0];
	(tm) =	ssettm $0x1  }
0x8e: {  	s16 =	sld [smem:$0x3FFB];
	_ =	sdelay $0x3  }
0x8f: {  	_ =	strace s16  }
0x90: {  	s1 =	sld [smem:$0x3FFC];
	_ =	sdelay $0x3  }
0x91: {  	_ =	strace s1  }
0x92: {  	s1 =	sld [smem:$0x3FFD];
	_ =	sdelay $0x3  }
0x93: {  	_ =	strace s1  }
0x94: {  	_ =	strace $0x8FFFFFFF  }
0x95: {  	s17 =	sld [smem:$0x3FDB];
	_ =	sdelay $0x1  }
0x96: {  	s2 =	simm.s32 $_scs_section_size  }
0x97: {  	s3 =	simm.s32 $_size__tile_overlayer_lowered;
	s4 =	simm.s32 $_tile_overlayer_lowered  }
0x98: {  	s20 =	simm.s32 $0x1BFF;
	s19 =	sshll.u32 s4, $0x1;
	s1 =	sadd.s32 s2, s17  }
0x99: {  	s5 =	simm.s32 $0x0;
	s18 =	sshll.u32 s3, $0x1;
	s3 =	sadd.s32 s19, s1  }
0x9a: {  	[timem:s5], [sflag:s20] =	dma.local [hbm:s3], s18  }
0x9b: {  	_ =	swait.ge [sflag:s20], s18  }
0x9c: {  	s2 =	ssub.s32 $0x0, s18;
	[sflag:s20] =	ssyncset.done $0x0  }
0x9d: {  	[sflag:s20] =	ssyncadd.s32 s2;
	_ =	sdelay $0x1  }
0x9e: {  	s21 =	simm.s32 $0x1B8B  }
0x9f: {  	_ =	swait.ge [sflag:s21], $0x1  }
0xa0: {  	[sflag:s21] =	ssyncset.done $0x0  }
0xa1: {  	s23 =	simm.s32 $0x1B8E;
	s22 =	sld [smem:$0x3FFE];
	[sflag:s21] =	ssyncadd.s32 $0xFFFFFFFF  }
0xa2: {  	s24 =	simm.s32 $execute0_lowered;
	[smem:$0x3FD2] =	sst s23  }
0xa3: {  	s3 =	sshll.u32 s24, $0x1;
	_ =	strace $0x80000049;
	[dreg:$0x1] =	wrdreg $0xFFFFFFFF  }
0xa4: {  	s25 =	simm.s32 $_size_execute0_lowered;
	s1 =	sadd.s32 s1, s3;
	[dreg:$0x0] =	wrdreg $0x0  }
0xa5: {  	s3 =	sshll.u32 s25, $0x1;
	[dreg:$0x2] =	wrdreg s1  }
0xa6: {  	[dreg:$0x3] =	wrdreg s3  }
0xa7: {  	[dreg:$0x4] =	wrdreg $0xC0  }
0xa8: {  	_ =	task [dreg:s5], $0x5FFFF  }
0xa9: {  	[dreg:$0x1] =	wrdreg $0xFFFFFFFF  }
0xaa: {  	[dreg:$0x0] =	wrdreg $0x60  }
0xab: {  	[dreg:$0x2] =	wrdreg s22  }
0xac: {  	[dreg:$0x3] =	wrdreg s0  }
0xad: {  	[dreg:$0x4] =	wrdreg $0x9  }
0xae: {  	_ =	task.clear_ibuf [dreg:s5], $0x5FFFF;
	_ =	strace $0x90000049  }
0xaf: {  	s26 =	simm.s32 $0x9;
	_ =	strace $0x8000004B  }
0xb0: {  	_ =	swait.ge [sflag:s26], $0x1  }
0xb1: {  	[sflag:s26] =	ssyncadd.s32 $0xFFFFFFFF  }
0xb2: {  	_ =	strace $0x9000004B  }
0xb3: {  	_ =	sfence  }
0xb4: {  	s28 =	sld [smem:$0x0];
	_ =	sdelay $0x1  }
0xb5: {  	s29 =	srdreg.scid  }
0xb6: {  	s30 =	sshll.u32 s29, $0xD;
	s31 =	sshrl.u32 s29, $0x2  }
0xb7: {  	s2 =	sand.u32 $0x4000, s30;
	s1 =	sand.u32 $0x1, s29;
	s0 =	sadd.s32 s31, s28  }
0xb8: {  	s1 =	sor.u32 s2, s1;
	s0 =	sshll.u32 s0, $0x11  }
0xb9: {  	s0 =	sor.u32 s0, s1  }
0xba: {  	s0 =	sadd.s32 $0x8F2B, s0  }
0xbb: {  	[sflag:s0] =	ssyncadd.remote.s32 $0x1  }
0xbc: {  	_ =	sfence.sel $0xFFFF  }
0xbd: {  	[dreg:$0x0] =	wrdreg $0xFFFFFFFF;
	(pc) =	sbr.abs _section_cstart, $3  }
0xbe: {  	[dreg:$0x1] =	wrdreg $0xFFFFFFFF  }
0xbf: {  	_ =	task.clear_ibuf [dreg:s5], $0x2FFFF;
	_ =	strace $0x9FFFFFFF  }
0xc0: {  	(tm) =	ssettm $0x7FFFFFFF  }
0xc1: {  	_ =	shalt  }
tec
execute0_lowered:
.L_overlay_start_1:
0x0: {  	(tag) =	ssettag $0x1  }
0x1: {  	s0 =	rddreg [dreg:$0x0]  }
0x2: {  	s1 =	rddreg [dreg:$0x1]  }
0x3: {  	s2 =	rddreg [dreg:$0x2];
	s3 =	simm.s32 $0x0;
	s4 =	stileid.u32  }
0x4: {  	[smem:$0x7FF] =	sst s3;
	s5 =	sshll.u32 s4, $0x4  }
0x5: {  	s29 =	simm.s32 $0x2;
	_ =	strace $0x8000004A;
	s1 =	sadd.s32 s1, s5  }
0x6: {  	[tilespmem:s3], [sflag:$0x2] =	stream.linear.gather [hbm4b:s1+s3], $0x80, $0x38;
	[tilespmem:$0x4080] =	vst v63  }
0x7: {  	_ =	swait.ge [sflag:s29], $0x80  }
0x8: {  	s6 =	simm.s32 $0x80;
	[sflag:s29] =	ssyncset.done $0x0  }
0x9: {  	s31 =	simm.s32 $0x1;
	s30 =	sadd.s32 $0x32600, s0;
	[sflag:s29] =	ssyncadd.s32 $0xFFFFFF80  }
0xa: {  	[tilespmem:s6], [sflag:$0x1] =	stream.indirect.gather [hbm4b:s30+s6], $0x80, s3, s6, $0xb8;
	[tilespmem:$0x4080] =	vst v63  }
0xb: {  	s7 =	sshll.u32 s4, $0xB;
	_ =	swait.ge [sflag:s31], $0x4000  }
0xc: {  	s0 =	sadd.s32 s7, s0;
	[sflag:s31] =	ssyncset.done $0x0  }
0xd: {  	s0 =	sadd.s32 $0x2600, s0;
	[sflag:s31] =	ssyncadd.s32 $0xFFFFC000  }
0xe: {  	[hbm4b:s0+s3] =	stream.linear.scatter [tilespmem:s6], [sflag:$0x2], $0x4000, $0x38;
	[tilespmem:$0x4080] =	vst v63  }
0xf: {  	_ =	swait.ge [sflag:s29], $0x4000  }
0x10: {  	[sflag:s29] =	ssyncset.done $0x0  }
0x11: {  	[sflag:s29] =	ssyncadd.s32 $0xFFFFC000  }
0x12: {  	_ =	sfence.sel $0x180000  }
0x13: {  	[bflag:$0x0] =	sbarrier.arrive $0xFFFF  }
0x14: {  	p0 =	sne.s32 s4, $0x0;
	_ =	strace $0x9000004A  }
0x15: {  	s0 =	sadd.s32 @!p0 $0x100000, s2;
	[bflag:$0x2] =	sbarrier.arrive $0xFFFF  }
0x16: {  	[sflag:s0] =	ssyncadd.tile.s32 @!p0 $0x1;
	_ =	shalt  }
.Lfunc_end2:
_tile_overlayer_lowered:
.L_overlay_start_2:
0x17: {  	(tag) =	ssettag $0x2  }
0x18: {  	s0 =	rddreg [dreg:$0x0];
	s2 =	stileid.u32  }
0x19: {  	s1 =	rddreg [dreg:$0x1];
	p0 =	sne.s32 s2, $0x0  }
0x1a: {  	s3 =	rddreg [dreg:$0x2];
	[bflag:$0x3] =	sbarrier.arrive $0xFFFF;
	s2 =	simm.s32 @!p0 $0x1C02  }
0x1b: {  	[timem:s3], [sflag:s2] =	dma.local @!p0 [hbm:s0], s1  }
0x1c: {  	s0 =	simm.s32 @!p0 $0x2  }
0x1d: {  	_ =	swait.ge @!p0 [sflag:s0], s1  }
0x1e: {  	s1 =	ssub.s32 @!p0 $0x0, s1;
	[sflag:s0] =	ssyncset.done @!p0 $0x0  }
0x1f: {  	[sflag:s0] =	ssyncadd.s32 @!p0 s1  }
0x20: {  	[bflag:$0x3] =	sbarrier.arrive $0xFFFF  }
0x21: {  	_ =	shalt  }

</sc_bundles>
